<compile_context>
chip_gen: v7x
topology: tpu7x:2x2x1
jax: 0.10.2.dev20260603
libtpu: 0.0.44.dev20260713+nightly
codegen_flags: <defaults>
</compile_context>

<pallas_src>
import functools

import jax
import jax.numpy as jnp
from jax import lax
from jax.experimental import pallas as pl
from jax.experimental.pallas import tpu as pltpu
from jax.experimental.pallas import tpu_sc as plsc

N = 10000
D = 128
K = 32
NW = 32
T = 4
NCHUNK = N // T
CPW = 79
NBUF = 4
EPOCHS = (CPW + NBUF - 1) // NBUF
GROUPS = D // 16
INV = 1.0 / (K + 1)
IDXW = T * K


@functools.partial(
    pl.kernel,
    out_type=jax.ShapeDtypeStruct((N, D), jnp.float32),
    mesh=plsc.VectorSubcoreMesh(core_axis_name="c", subcore_axis_name="s"),
    scratch_types=[
        pltpu.VMEM((CPW * IDXW,), jnp.int32),
        [pltpu.VMEM((IDXW, D), jnp.float32)] * NBUF,
        [pltpu.VMEM((T, D), jnp.float32)] * NBUF,
        [pltpu.VMEM((T, D), jnp.float32)] * NBUF,
        [pltpu.SemaphoreType.DMA] * NBUF,
        [pltpu.SemaphoreType.DMA] * NBUF,
        [pltpu.SemaphoreType.DMA] * NBUF,
    ],
)
def _gcn_agg(features_hbm, rowsp_hbm, out_hbm, idx_all, gath, selfb, outb,
             gsem, ssem, osem):
    wid = lax.axis_index("s") * 2 + lax.axis_index("c")
    c0 = wid * CPW

    pltpu.sync_copy(rowsp_hbm.at[pl.ds(c0 * IDXW, CPW * IDXW)], idx_all)

    def valid(j):
        return (j < CPW) & (c0 + j < NCHUNK)

    def gather_pair(j, b):
        src = features_hbm.at[idx_all.at[pl.ds(j * IDXW, IDXW)]]
        return (src, gath[b], gsem[b])

    def issue(j, b):
        @pl.when(valid(j))
        def _():
            pltpu.async_copy(*gather_pair(j, b))
            nb = (c0 + j) * T
            pltpu.async_copy(features_hbm.at[pl.ds(nb, T)], selfb[b], ssem[b])

    def process(j, b):
        @pl.when(valid(j))
        def _():
            nb = (c0 + j) * T
            pltpu.make_async_copy(*gather_pair(j, b)).wait()
            pltpu.make_async_copy(
                features_hbm.at[pl.ds(nb, T)], selfb[b], ssem[b]).wait()
            for t in range(T):
                def kbody(k, accs):
                    return tuple(
                        accs[g] + gath[b][t * K + k, pl.ds(g * 16, 16)]
                        for g in range(GROUPS))
                accs = tuple(
                    selfb[b][t, pl.ds(g * 16, 16)] for g in range(GROUPS))
                accs = lax.fori_loop(0, K, kbody, accs)
                for g in range(GROUPS):
                    outb[b][t, pl.ds(g * 16, 16)] = accs[g] * INV
            pltpu.async_copy(outb[b], out_hbm.at[pl.ds(nb, T)], osem[b])

    def wait_out(j, b):
        @pl.when((j >= 0) & valid(j))
        def _():
            nb = (c0 + j) * T
            pltpu.make_async_copy(outb[b], out_hbm.at[pl.ds(nb, T)],
                                  osem[b]).wait()

    for pj in range(NBUF - 1):
        issue(jnp.int32(pj), pj)

    def body(e, carry):
        for b in range(NBUF):
            j = e * NBUF + b
            issue(j + (NBUF - 1), (b + NBUF - 1) % NBUF)
            wait_out(j - NBUF, b)
            process(j, b)
        return carry

    lax.fori_loop(0, EPOCHS, body, 0)

    for j in range(NBUF * EPOCHS - NBUF, NBUF * EPOCHS):
        wait_out(jnp.int32(j), j % NBUF)


def kernel(features, nodes, rows, num_neighbors):
    del nodes, num_neighbors
    rows_pad = jnp.concatenate(
        [rows.reshape(-1),
         jnp.zeros((NW * CPW - NCHUNK) * IDXW, jnp.int32)])
    return _gcn_agg(features, rows_pad)

# --- scband reference (transcript-rebuilt; emitter-appended) ---
"""Pipeline reference for scband-gcnaggregator-74131135529474 (READ-ONLY COPY).

The authoritative reference and input builder live on the scoring server;
editing this copy changes nothing except your own understanding.
"""

import jax, jax.numpy as jnp
import numpy as np

N = 10000
D = 128
K = 32

def setup_inputs(seed: int = 0) -> dict:
    key = jax.random.key(seed)
    k1, k2 = jax.random.split(key)
    features = jax.random.normal(k1, (N, D), dtype=jnp.float32)
    # mapping is identity (nodes labelled 0..N-1 map to their own row in features),
    # so nodes is simply arange and rows hold direct indices into features.
    nodes = jnp.arange(N, dtype=jnp.int32)
    rows = jax.random.randint(k2, (N, K), 0, N, dtype=jnp.int32)
    num_neighbors = -1  # use all neighbors, no subsampling (deterministic path)
    return {"features": features, "nodes": nodes, "rows": rows, "num_neighbors": num_neighbors}

def reference(features, nodes, rows, num_neighbors):
    # GCN-style mean aggregation: for each node i, mean over features of its
    # neighbors (rows[i]) plus the node's own feature (self-loop append).
    # num_neighbors == -1 -> sampled_rows == mapped_rows (all neighbors kept).
    neigh = jnp.take(features, rows, axis=0)                 # [N, K, D] gather
    self_feat = jnp.take(features, nodes, axis=0)[:, None, :]  # [N, 1, D]
    all_feats = jnp.concatenate([neigh, self_feat], axis=1)  # [N, K+1, D]
    out = jnp.mean(all_feats, axis=1)                        # [N, D]
    return out

if __name__ == "__main__":
    import jax
    _d = setup_inputs()
    print(jax.jit(kernel)(*tuple(_d.values())))

</pallas_src>

<mosaic_0001>
#map = affine_map<(d0, d1) -> (0, 0)>
#map1 = affine_map<(d0, d1) -> (0)>
module attributes {stable_mosaic.version = 14 : i64} {
  func.func @_gcn_agg(%arg0: i32, %arg1: i32, %arg2: memref<10000x128xf32, #tpu.memory_space<hbm>>, %arg3: memref<323584xi32, #tpu.memory_space<hbm>>, %arg4: memref<10000x128xf32, #tpu.memory_space<hbm>>, %arg5: memref<10112xi32, #tpu.memory_space<vmem>>, %arg6: memref<128x128xf32, #tpu.memory_space<vmem>>, %arg7: memref<128x128xf32, #tpu.memory_space<vmem>>, %arg8: memref<128x128xf32, #tpu.memory_space<vmem>>, %arg9: memref<128x128xf32, #tpu.memory_space<vmem>>, %arg10: memref<4x128xf32, #tpu.memory_space<vmem>>, %arg11: memref<4x128xf32, #tpu.memory_space<vmem>>, %arg12: memref<4x128xf32, #tpu.memory_space<vmem>>, %arg13: memref<4x128xf32, #tpu.memory_space<vmem>>, %arg14: memref<4x128xf32, #tpu.memory_space<vmem>>, %arg15: memref<4x128xf32, #tpu.memory_space<vmem>>, %arg16: memref<4x128xf32, #tpu.memory_space<vmem>>, %arg17: memref<4x128xf32, #tpu.memory_space<vmem>>, %arg18: memref<!tpu.dma_semaphore, #tpu.memory_space<semaphore_mem>>, %arg19: memref<!tpu.dma_semaphore, #tpu.memory_space<semaphore_mem>>, %arg20: memref<!tpu.dma_semaphore, #tpu.memory_space<semaphore_mem>>, %arg21: memref<!tpu.dma_semaphore, #tpu.memory_space<semaphore_mem>>, %arg22: memref<!tpu.dma_semaphore, #tpu.memory_space<semaphore_mem>>, %arg23: memref<!tpu.dma_semaphore, #tpu.memory_space<semaphore_mem>>, %arg24: memref<!tpu.dma_semaphore, #tpu.memory_space<semaphore_mem>>, %arg25: memref<!tpu.dma_semaphore, #tpu.memory_space<semaphore_mem>>, %arg26: memref<!tpu.dma_semaphore, #tpu.memory_space<semaphore_mem>>, %arg27: memref<!tpu.dma_semaphore, #tpu.memory_space<semaphore_mem>>, %arg28: memref<!tpu.dma_semaphore, #tpu.memory_space<semaphore_mem>>, %arg29: memref<!tpu.dma_semaphore, #tpu.memory_space<semaphore_mem>>) attributes {dimension_semantics = [#tpu.dimension_semantics<core_parallel>, #tpu.dimension_semantics<subcore_parallel>], iteration_bounds = array<i64: 2, 16>, scalar_prefetch = 0 : i64, scratch_operands = 25 : i64, tpu.core_type = #tpu.core_type<sc_vector_subcore>, window_params = [{transform_indices = #map}, {transform_indices = #map1}, {transform_indices = #map}]} {
    %mul3A = arith.constant 2 : i32
    %mul3A_0 = arith.muli %arg1, %mul3A : i32
    %add3A = arith.addi %mul3A_0, %arg0 : i32
    %mul3A_1 = arith.constant 79 : i32
    %mul3A_2 = arith.muli %add3A, %mul3A_1 : i32
    %mul3A_3 = arith.constant 128 : i32
    %mul3A_4 = arith.muli %mul3A_2, %mul3A_3 : i32
    "tpu.region"() ({
      %run_scoped3A = tpu.sem_alloc : memref<!tpu.dma_semaphore, #tpu.memory_space<semaphore_mem>>
      %dma_start3A = tpu.memref_slice %arg3[%mul3A_4] : memref<323584xi32, #tpu.memory_space<hbm>> -> memref<10112xi32, #tpu.memory_space<hbm>>
      %dma_start3A_105 = tpu.memref_slice %arg3[%mul3A_4] : memref<323584xi32, #tpu.memory_space<hbm>> -> memref<10112xi32, #tpu.memory_space<hbm>>
      tpu.enqueue_dma source(%dma_start3A_105 : memref<10112xi32, #tpu.memory_space<hbm>>) target(%arg5 : memref<10112xi32, #tpu.memory_space<vmem>>) target_semaphore(%run_scoped3A : memref<!tpu.dma_semaphore, #tpu.memory_space<semaphore_mem>>)
      %dma_wait3A = tpu.memref_slice %arg3[%mul3A_4] : memref<323584xi32, #tpu.memory_space<hbm>> -> memref<10112xi32, #tpu.memory_space<hbm>>
      %dma_wait3A_106 = tpu.memref_slice %arg3[%mul3A_4] : memref<323584xi32, #tpu.memory_space<hbm>> -> memref<10112xi32, #tpu.memory_space<hbm>>
      tpu.wait_dma2 semaphore(%run_scoped3A : memref<!tpu.dma_semaphore, #tpu.memory_space<semaphore_mem>>) src(%dma_wait3A_106 : memref<10112xi32, #tpu.memory_space<hbm>>) dst(%arg5 : memref<10112xi32, #tpu.memory_space<vmem>>)
      tpu.yield
    }) : () -> ()
    %lt3A = arith.constant 0 : i32
    %lt3A_5 = arith.constant 79 : i32
    %lt3A_6 = arith.cmpi slt, %lt3A, %lt3A_5 : i32
    %add3A_7 = arith.constant 0 : i32
    %add3A_8 = arith.addi %mul3A_2, %add3A_7 : i32
    %lt3A_9 = arith.constant 2500 : i32
    %lt3A_10 = arith.cmpi slt, %add3A_8, %lt3A_9 : i32
    %and3A = arith.andi %lt3A_6, %lt3A_10 : i1
    %convert_element_type3A = arith.extui %and3A : i1 to i32
    %cond3A = arith.constant 0 : i32
    %cond3A_11 = arith.constant 0 : i32
    %cond3A_12 = arith.cmpi ne, %convert_element_type3A, %cond3A_11 : i32
    scf.if %cond3A_12 {
      %mul3A_105 = arith.constant 128 : i32
      %mul3A_106 = arith.muli %cond3A, %mul3A_105 : i32
      %dma_start3A = tpu.memref_slice %arg5[%mul3A_106] : memref<10112xi32, #tpu.memory_space<vmem>> -> memref<128xi32, #tpu.memory_space<vmem>>
      %dma_start3A_107 = arith.constant 0 : i32
      %dma_start3A_108 = arith.constant 0 : i32
      %dma_start3A_109 = tpu.memref_slice %arg2[%dma_start3A_107, %dma_start3A_108] : memref<10000x128xf32, #tpu.memory_space<hbm>> -> memref<10000x128xf32, #tpu.memory_space<hbm>>
      tpu.enqueue_indirect_dma source(%dma_start3A_109 : memref<10000x128xf32, #tpu.memory_space<hbm>>) target(%arg6 : memref<128x128xf32, #tpu.memory_space<vmem>>) offsets(%dma_start3A : memref<128xi32, #tpu.memory_space<vmem>>) semaphore(%arg18 : memref<!tpu.dma_semaphore, #tpu.memory_space<semaphore_mem>>)
      %add3A_110 = arith.addi %mul3A_2, %cond3A : i32
      %mul3A_111 = arith.constant 4 : i32
      %mul3A_112 = arith.muli %add3A_110, %mul3A_111 : i32
      %dma_start3A_113 = arith.constant 0 : i32
      %dma_start3A_114 = tpu.memref_slice %arg2[%mul3A_112, %dma_start3A_113] : memref<10000x128xf32, #tpu.memory_space<hbm>> -> memref<4x128xf32, #tpu.memory_space<hbm>>
      %dma_start3A_115 = arith.constant 0 : i32
      %dma_start3A_116 = tpu.memref_slice %arg2[%mul3A_112, %dma_start3A_115] : memref<10000x128xf32, #tpu.memory_space<hbm>> -> memref<4x128xf32, #tpu.memory_space<hbm>>
      tpu.enqueue_dma source(%dma_start3A_116 : memref<4x128xf32, #tpu.memory_space<hbm>>) target(%arg10 : memref<4x128xf32, #tpu.memory_space<vmem>>) target_semaphore(%arg22 : memref<!tpu.dma_semaphore, #tpu.memory_space<semaphore_mem>>)
    } else {
    }
    %lt3A_13 = arith.constant 1 : i32
    %lt3A_14 = arith.constant 79 : i32
    %lt3A_15 = arith.cmpi slt, %lt3A_13, %lt3A_14 : i32
    %add3A_16 = arith.constant 1 : i32
    %add3A_17 = arith.addi %mul3A_2, %add3A_16 : i32
    %lt3A_18 = arith.constant 2500 : i32
    %lt3A_19 = arith.cmpi slt, %add3A_17, %lt3A_18 : i32
    %and3A_20 = arith.andi %lt3A_15, %lt3A_19 : i1
    %convert_element_type3A_21 = arith.extui %and3A_20 : i1 to i32
    %cond3A_22 = arith.constant 1 : i32
    %cond3A_23 = arith.constant 0 : i32
    %cond3A_24 = arith.cmpi ne, %convert_element_type3A_21, %cond3A_23 : i32
    scf.if %cond3A_24 {
      %mul3A_105 = arith.constant 128 : i32
      %mul3A_106 = arith.muli %cond3A_22, %mul3A_105 : i32
      %dma_start3A = tpu.memref_slice %arg5[%mul3A_106] : memref<10112xi32, #tpu.memory_space<vmem>> -> memref<128xi32, #tpu.memory_space<vmem>>
      %dma_start3A_107 = arith.constant 0 : i32
      %dma_start3A_108 = arith.constant 0 : i32
      %dma_start3A_109 = tpu.memref_slice %arg2[%dma_start3A_107, %dma_start3A_108] : memref<10000x128xf32, #tpu.memory_space<hbm>> -> memref<10000x128xf32, #tpu.memory_space<hbm>>
      tpu.enqueue_indirect_dma source(%dma_start3A_109 : memref<10000x128xf32, #tpu.memory_space<hbm>>) target(%arg7 : memref<128x128xf32, #tpu.memory_space<vmem>>) offsets(%dma_start3A : memref<128xi32, #tpu.memory_space<vmem>>) semaphore(%arg19 : memref<!tpu.dma_semaphore, #tpu.memory_space<semaphore_mem>>)
      %add3A_110 = arith.addi %mul3A_2, %cond3A_22 : i32
      %mul3A_111 = arith.constant 4 : i32
      %mul3A_112 = arith.muli %add3A_110, %mul3A_111 : i32
      %dma_start3A_113 = arith.constant 0 : i32
      %dma_start3A_114 = tpu.memref_slice %arg2[%mul3A_112, %dma_start3A_113] : memref<10000x128xf32, #tpu.memory_space<hbm>> -> memref<4x128xf32, #tpu.memory_space<hbm>>
      %dma_start3A_115 = arith.constant 0 : i32
      %dma_start3A_116 = tpu.memref_slice %arg2[%mul3A_112, %dma_start3A_115] : memref<10000x128xf32, #tpu.memory_space<hbm>> -> memref<4x128xf32, #tpu.memory_space<hbm>>
      tpu.enqueue_dma source(%dma_start3A_116 : memref<4x128xf32, #tpu.memory_space<hbm>>) target(%arg11 : memref<4x128xf32, #tpu.memory_space<vmem>>) target_semaphore(%arg23 : memref<!tpu.dma_semaphore, #tpu.memory_space<semaphore_mem>>)
    } else {
    }
    %lt3A_25 = arith.constant 2 : i32
    %lt3A_26 = arith.constant 79 : i32
    %lt3A_27 = arith.cmpi slt, %lt3A_25, %lt3A_26 : i32
    %add3A_28 = arith.constant 2 : i32
    %add3A_29 = arith.addi %mul3A_2, %add3A_28 : i32
    %lt3A_30 = arith.constant 2500 : i32
    %lt3A_31 = arith.cmpi slt, %add3A_29, %lt3A_30 : i32
    %and3A_32 = arith.andi %lt3A_27, %lt3A_31 : i1
    %convert_element_type3A_33 = arith.extui %and3A_32 : i1 to i32
    %cond3A_34 = arith.constant 2 : i32
    %cond3A_35 = arith.constant 0 : i32
    %cond3A_36 = arith.cmpi ne, %convert_element_type3A_33, %cond3A_35 : i32
    scf.if %cond3A_36 {
      %mul3A_105 = arith.constant 128 : i32
      %mul3A_106 = arith.muli %cond3A_34, %mul3A_105 : i32
      %dma_start3A = tpu.memref_slice %arg5[%mul3A_106] : memref<10112xi32, #tpu.memory_space<vmem>> -> memref<128xi32, #tpu.memory_space<vmem>>
      %dma_start3A_107 = arith.constant 0 : i32
      %dma_start3A_108 = arith.constant 0 : i32
      %dma_start3A_109 = tpu.memref_slice %arg2[%dma_start3A_107, %dma_start3A_108] : memref<10000x128xf32, #tpu.memory_space<hbm>> -> memref<10000x128xf32, #tpu.memory_space<hbm>>
      tpu.enqueue_indirect_dma source(%dma_start3A_109 : memref<10000x128xf32, #tpu.memory_space<hbm>>) target(%arg8 : memref<128x128xf32, #tpu.memory_space<vmem>>) offsets(%dma_start3A : memref<128xi32, #tpu.memory_space<vmem>>) semaphore(%arg20 : memref<!tpu.dma_semaphore, #tpu.memory_space<semaphore_mem>>)
      %add3A_110 = arith.addi %mul3A_2, %cond3A_34 : i32
      %mul3A_111 = arith.constant 4 : i32
      %mul3A_112 = arith.muli %add3A_110, %mul3A_111 : i32
      %dma_start3A_113 = arith.constant 0 : i32
      %dma_start3A_114 = tpu.memref_slice %arg2[%mul3A_112, %dma_start3A_113] : memref<10000x128xf32, #tpu.memory_space<hbm>> -> memref<4x128xf32, #tpu.memory_space<hbm>>
      %dma_start3A_115 = arith.constant 0 : i32
      %dma_start3A_116 = tpu.memref_slice %arg2[%mul3A_112, %dma_start3A_115] : memref<10000x128xf32, #tpu.memory_space<hbm>> -> memref<4x128xf32, #tpu.memory_space<hbm>>
      tpu.enqueue_dma source(%dma_start3A_116 : memref<4x128xf32, #tpu.memory_space<hbm>>) target(%arg12 : memref<4x128xf32, #tpu.memory_space<vmem>>) target_semaphore(%arg24 : memref<!tpu.dma_semaphore, #tpu.memory_space<semaphore_mem>>)
    } else {
    }
    %scan3A = arith.constant 0 : i32
    %scan3A_37 = arith.constant 0 : i32
    %scan3A_38 = arith.constant 20 : i32
    %scan3A_39 = arith.addi %scan3A_37, %scan3A_38 : i32
    %scan3A_40 = arith.constant 1 : i32
    scf.for %scan3A_105 = %scan3A_37 to %scan3A_39 step %scan3A_40  : i32 {
      %mul3A_106 = arith.constant 4 : i32
      %mul3A_107 = arith.muli %scan3A_105, %mul3A_106 : i32
      %add3A_108 = arith.constant 0 : i32
      %add3A_109 = arith.addi %mul3A_107, %add3A_108 : i32
      %add3A_110 = arith.constant 3 : i32
      %add3A_111 = arith.addi %add3A_109, %add3A_110 : i32
      %lt3A_112 = arith.constant 79 : i32
      %lt3A_113 = arith.cmpi slt, %add3A_111, %lt3A_112 : i32
      %add3A_114 = arith.addi %mul3A_2, %add3A_111 : i32
      %lt3A_115 = arith.constant 2500 : i32
      %lt3A_116 = arith.cmpi slt, %add3A_114, %lt3A_115 : i32
      %and3A_117 = arith.andi %lt3A_113, %lt3A_116 : i1
      %convert_element_type3A_118 = arith.extui %and3A_117 : i1 to i32
      %cond3A_119 = arith.constant 0 : i32
      %cond3A_120 = arith.cmpi ne, %convert_element_type3A_118, %cond3A_119 : i32
      scf.if %cond3A_120 {
        %mul3A_257 = arith.constant 128 : i32
        %mul3A_258 = arith.muli %add3A_111, %mul3A_257 : i32
        %dma_start3A = tpu.memref_slice %arg5[%mul3A_258] : memref<10112xi32, #tpu.memory_space<vmem>> -> memref<128xi32, #tpu.memory_space<vmem>>
        %dma_start3A_259 = arith.constant 0 : i32
        %dma_start3A_260 = arith.constant 0 : i32
        %dma_start3A_261 = tpu.memref_slice %arg2[%dma_start3A_259, %dma_start3A_260] : memref<10000x128xf32, #tpu.memory_space<hbm>> -> memref<10000x128xf32, #tpu.memory_space<hbm>>
        tpu.enqueue_indirect_dma source(%dma_start3A_261 : memref<10000x128xf32, #tpu.memory_space<hbm>>) target(%arg9 : memref<128x128xf32, #tpu.memory_space<vmem>>) offsets(%dma_start3A : memref<128xi32, #tpu.memory_space<vmem>>) semaphore(%arg21 : memref<!tpu.dma_semaphore, #tpu.memory_space<semaphore_mem>>)
        %add3A_262 = arith.addi %mul3A_2, %add3A_111 : i32
        %mul3A_263 = arith.constant 4 : i32
        %mul3A_264 = arith.muli %add3A_262, %mul3A_263 : i32
        %dma_start3A_265 = arith.constant 0 : i32
        %dma_start3A_266 = tpu.memref_slice %arg2[%mul3A_264, %dma_start3A_265] : memref<10000x128xf32, #tpu.memory_space<hbm>> -> memref<4x128xf32, #tpu.memory_space<hbm>>
        %dma_start3A_267 = arith.constant 0 : i32
        %dma_start3A_268 = tpu.memref_slice %arg2[%mul3A_264, %dma_start3A_267] : memref<10000x128xf32, #tpu.memory_space<hbm>> -> memref<4x128xf32, #tpu.memory_space<hbm>>
        tpu.enqueue_dma source(%dma_start3A_268 : memref<4x128xf32, #tpu.memory_space<hbm>>) target(%arg13 : memref<4x128xf32, #tpu.memory_space<vmem>>) target_semaphore(%arg25 : memref<!tpu.dma_semaphore, #tpu.memory_space<semaphore_mem>>)
      } else {
      }
      %sub3A = arith.constant 4 : i32
      %sub3A_121 = arith.subi %add3A_109, %sub3A : i32
      %ge3A_122 = arith.constant 0 : i32
      %ge3A_123 = arith.cmpi sge, %sub3A_121, %ge3A_122 : i32
      %lt3A_124 = arith.constant 79 : i32
      %lt3A_125 = arith.cmpi slt, %sub3A_121, %lt3A_124 : i32
      %add3A_126 = arith.addi %mul3A_2, %sub3A_121 : i32
      %lt3A_127 = arith.constant 2500 : i32
      %lt3A_128 = arith.cmpi slt, %add3A_126, %lt3A_127 : i32
      %and3A_129 = arith.andi %lt3A_125, %lt3A_128 : i1
      %and3A_130 = arith.andi %ge3A_123, %and3A_129 : i1
      %convert_element_type3A_131 = arith.extui %and3A_130 : i1 to i32
      %cond3A_132 = arith.constant 0 : i32
      %cond3A_133 = arith.cmpi ne, %convert_element_type3A_131, %cond3A_132 : i32
      scf.if %cond3A_133 {
        %add3A_257 = arith.addi %mul3A_2, %sub3A_121 : i32
        %mul3A_258 = arith.constant 4 : i32
        %mul3A_259 = arith.muli %add3A_257, %mul3A_258 : i32
        %dma_wait3A = arith.constant 0 : i32
        %dma_wait3A_260 = tpu.memref_slice %arg4[%mul3A_259, %dma_wait3A] : memref<10000x128xf32, #tpu.memory_space<hbm>> -> memref<4x128xf32, #tpu.memory_space<hbm>>
        %dma_wait3A_261 = arith.constant 0 : i32
        %dma_wait3A_262 = tpu.memref_slice %arg4[%mul3A_259, %dma_wait3A_261] : memref<10000x128xf32, #tpu.memory_space<hbm>> -> memref<4x128xf32, #tpu.memory_space<hbm>>
        tpu.wait_dma2 semaphore(%arg26 : memref<!tpu.dma_semaphore, #tpu.memory_space<semaphore_mem>>) src(%arg14 : memref<4x128xf32, #tpu.memory_space<vmem>>) dst(%dma_wait3A_262 : memref<4x128xf32, #tpu.memory_space<hbm>>)
      } else {
      }
      %lt3A_134 = arith.constant 79 : i32
      %lt3A_135 = arith.cmpi slt, %add3A_109, %lt3A_134 : i32
      %add3A_136 = arith.addi %mul3A_2, %add3A_109 : i32
      %lt3A_137 = arith.constant 2500 : i32
      %lt3A_138 = arith.cmpi slt, %add3A_136, %lt3A_137 : i32
      %and3A_139 = arith.andi %lt3A_135, %lt3A_138 : i1
      %convert_element_type3A_140 = arith.extui %and3A_139 : i1 to i32
      %cond3A_141 = arith.constant 0 : i32
      %cond3A_142 = arith.cmpi ne, %convert_element_type3A_140, %cond3A_141 : i32
      scf.if %cond3A_142 {
        %add3A_257 = arith.addi %mul3A_2, %add3A_109 : i32
        %mul3A_258 = arith.constant 4 : i32
        %mul3A_259 = arith.muli %add3A_257, %mul3A_258 : i32
        %mul3A_260 = arith.constant 128 : i32
        %mul3A_261 = arith.muli %add3A_109, %mul3A_260 : i32
        %dma_wait3A = tpu.memref_slice %arg5[%mul3A_261] : memref<10112xi32, #tpu.memory_space<vmem>> -> memref<128xi32, #tpu.memory_space<vmem>>
        %dma_wait3A_262 = arith.constant 0 : i32
        %dma_wait3A_263 = arith.constant 0 : i32
        %dma_wait3A_264 = tpu.memref_slice %arg2[%dma_wait3A_262, %dma_wait3A_263] : memref<10000x128xf32, #tpu.memory_space<hbm>> -> memref<10000x128xf32, #tpu.memory_space<hbm>>
        tpu.wait_indirect_dma semaphore(%arg18 : memref<!tpu.dma_semaphore, #tpu.memory_space<semaphore_mem>>) src(%dma_wait3A_264 : memref<10000x128xf32, #tpu.memory_space<hbm>>) dst(%arg6 : memref<128x128xf32, #tpu.memory_space<vmem>>)
        %dma_wait3A_265 = arith.constant 0 : i32
        %dma_wait3A_266 = tpu.memref_slice %arg2[%mul3A_259, %dma_wait3A_265] : memref<10000x128xf32, #tpu.memory_space<hbm>> -> memref<4x128xf32, #tpu.memory_space<hbm>>
        %dma_wait3A_267 = arith.constant 0 : i32
        %dma_wait3A_268 = tpu.memref_slice %arg2[%mul3A_259, %dma_wait3A_267] : memref<10000x128xf32, #tpu.memory_space<hbm>> -> memref<4x128xf32, #tpu.memory_space<hbm>>
        tpu.wait_dma2 semaphore(%arg22 : memref<!tpu.dma_semaphore, #tpu.memory_space<semaphore_mem>>) src(%dma_wait3A_268 : memref<4x128xf32, #tpu.memory_space<hbm>>) dst(%arg10 : memref<4x128xf32, #tpu.memory_space<vmem>>)
        %get3A = arith.constant 0 : i32
        %get3A_269 = arith.index_cast %get3A : i32 to index
        %get3A_270 = arith.constant 0 : index
        %get3A_271 = tpu.vector_load %arg10[%get3A_269, %get3A_270] {strides = array<i32>} : memref<4x128xf32, #tpu.memory_space<vmem>>, vector<1x16xf32>,
        %get3A_272 = vector.shape_cast %get3A_271 : vector<1x16xf32> to vector<16xf32>
        %get3A_273 = arith.constant 0 : i32
        %get3A_274 = arith.index_cast %get3A_273 : i32 to index
        %get3A_275 = arith.constant 16 : index
        %get3A_276 = tpu.vector_load %arg10[%get3A_274, %get3A_275] {strides = array<i32>} : memref<4x128xf32, #tpu.memory_space<vmem>>, vector<1x16xf32>,
        %get3A_277 = vector.shape_cast %get3A_276 : vector<1x16xf32> to vector<16xf32>
        %get3A_278 = arith.constant 0 : i32
        %get3A_279 = arith.index_cast %get3A_278 : i32 to index
        %get3A_280 = arith.constant 32 : index
        %get3A_281 = tpu.vector_load %arg10[%get3A_279, %get3A_280] {strides = array<i32>} : memref<4x128xf32, #tpu.memory_space<vmem>>, vector<1x16xf32>,
        %get3A_282 = vector.shape_cast %get3A_281 : vector<1x16xf32> to vector<16xf32>
        %get3A_283 = arith.constant 0 : i32
        %get3A_284 = arith.index_cast %get3A_283 : i32 to index
        %get3A_285 = arith.constant 48 : index
        %get3A_286 = tpu.vector_load %arg10[%get3A_284, %get3A_285] {strides = array<i32>} : memref<4x128xf32, #tpu.memory_space<vmem>>, vector<1x16xf32>,
        %get3A_287 = vector.shape_cast %get3A_286 : vector<1x16xf32> to vector<16xf32>
        %get3A_288 = arith.constant 0 : i32
        %get3A_289 = arith.index_cast %get3A_288 : i32 to index
        %get3A_290 = arith.constant 64 : index
        %get3A_291 = tpu.vector_load %arg10[%get3A_289, %get3A_290] {strides = array<i32>} : memref<4x128xf32, #tpu.memory_space<vmem>>, vector<1x16xf32>,
        %get3A_292 = vector.shape_cast %get3A_291 : vector<1x16xf32> to vector<16xf32>
        %get3A_293 = arith.constant 0 : i32
        %get3A_294 = arith.index_cast %get3A_293 : i32 to index
        %get3A_295 = arith.constant 80 : index
        %get3A_296 = tpu.vector_load %arg10[%get3A_294, %get3A_295] {strides = array<i32>} : memref<4x128xf32, #tpu.memory_space<vmem>>, vector<1x16xf32>,
        %get3A_297 = vector.shape_cast %get3A_296 : vector<1x16xf32> to vector<16xf32>
        %get3A_298 = arith.constant 0 : i32
        %get3A_299 = arith.index_cast %get3A_298 : i32 to index
        %get3A_300 = arith.constant 96 : index
        %get3A_301 = tpu.vector_load %arg10[%get3A_299, %get3A_300] {strides = array<i32>} : memref<4x128xf32, #tpu.memory_space<vmem>>, vector<1x16xf32>,
        %get3A_302 = vector.shape_cast %get3A_301 : vector<1x16xf32> to vector<16xf32>
        %get3A_303 = arith.constant 0 : i32
        %get3A_304 = arith.index_cast %get3A_303 : i32 to index
        %get3A_305 = arith.constant 112 : index
        %get3A_306 = tpu.vector_load %arg10[%get3A_304, %get3A_305] {strides = array<i32>} : memref<4x128xf32, #tpu.memory_space<vmem>>, vector<1x16xf32>,
        %get3A_307 = vector.shape_cast %get3A_306 : vector<1x16xf32> to vector<16xf32>
        %scan3A_308 = arith.constant 0 : i32
        %scan3A_309 = arith.constant 32 : i32
        %scan3A_310 = arith.addi %scan3A_308, %scan3A_309 : i32
        %scan3A_311 = arith.constant 1 : i32
        %scan3A_312:8 = scf.for %scan3A_742 = %scan3A_308 to %scan3A_310 step %scan3A_311 iter_args(%scan3A_743 = %get3A_272, %scan3A_744 = %get3A_277, %scan3A_745 = %get3A_282, %scan3A_746 = %get3A_287, %scan3A_747 = %get3A_292, %scan3A_748 = %get3A_297, %scan3A_749 = %get3A_302, %scan3A_750 = %get3A_307) -> (vector<16xf32>, vector<16xf32>, vector<16xf32>, vector<16xf32>, vector<16xf32>, vector<16xf32>, vector<16xf32>, vector<16xf32>)  : i32 {
          %add3A_751 = arith.constant 0 : i32
          %add3A_752 = arith.addi %add3A_751, %scan3A_742 : i32
          %get3A_753 = arith.index_cast %add3A_752 : i32 to index
          %get3A_754 = arith.constant 0 : index
          %get3A_755 = tpu.vector_load %arg6[%get3A_753, %get3A_754] {strides = array<i32>} : memref<128x128xf32, #tpu.memory_space<vmem>>, vector<1x16xf32>,
          %get3A_756 = vector.shape_cast %get3A_755 : vector<1x16xf32> to vector<16xf32>
          %add3A_757 = arith.addf %scan3A_743, %get3A_756 : vector<16xf32>
          %add3A_758 = arith.constant 0 : i32
          %add3A_759 = arith.addi %add3A_758, %scan3A_742 : i32
          %get3A_760 = arith.index_cast %add3A_759 : i32 to index
          %get3A_761 = arith.constant 16 : index
          %get3A_762 = tpu.vector_load %arg6[%get3A_760, %get3A_761] {strides = array<i32>} : memref<128x128xf32, #tpu.memory_space<vmem>>, vector<1x16xf32>,
          %get3A_763 = vector.shape_cast %get3A_762 : vector<1x16xf32> to vector<16xf32>
          %add3A_764 = arith.addf %scan3A_744, %get3A_763 : vector<16xf32>
          %add3A_765 = arith.constant 0 : i32
          %add3A_766 = arith.addi %add3A_765, %scan3A_742 : i32
          %get3A_767 = arith.index_cast %add3A_766 : i32 to index
          %get3A_768 = arith.constant 32 : index
          %get3A_769 = tpu.vector_load %arg6[%get3A_767, %get3A_768] {strides = array<i32>} : memref<128x128xf32, #tpu.memory_space<vmem>>, vector<1x16xf32>,
          %get3A_770 = vector.shape_cast %get3A_769 : vector<1x16xf32> to vector<16xf32>
          %add3A_771 = arith.addf %scan3A_745, %get3A_770 : vector<16xf32>
          %add3A_772 = arith.constant 0 : i32
          %add3A_773 = arith.addi %add3A_772, %scan3A_742 : i32
          %get3A_774 = arith.index_cast %add3A_773 : i32 to index
          %get3A_775 = arith.constant 48 : index
          %get3A_776 = tpu.vector_load %arg6[%get3A_774, %get3A_775] {strides = array<i32>} : memref<128x128xf32, #tpu.memory_space<vmem>>, vector<1x16xf32>,
          %get3A_777 = vector.shape_cast %get3A_776 : vector<1x16xf32> to vector<16xf32>
          %add3A_778 = arith.addf %scan3A_746, %get3A_777 : vector<16xf32>
          %add3A_779 = arith.constant 0 : i32
          %add3A_780 = arith.addi %add3A_779, %scan3A_742 : i32
          %get3A_781 = arith.index_cast %add3A_780 : i32 to index
          %get3A_782 = arith.constant 64 : index
          %get3A_783 = tpu.vector_load %arg6[%get3A_781, %get3A_782] {strides = array<i32>} : memref<128x128xf32, #tpu.memory_space<vmem>>, vector<1x16xf32>,
          %get3A_784 = vector.shape_cast %get3A_783 : vector<1x16xf32> to vector<16xf32>
          %add3A_785 = arith.addf %scan3A_747, %get3A_784 : vector<16xf32>
          %add3A_786 = arith.constant 0 : i32
          %add3A_787 = arith.addi %add3A_786, %scan3A_742 : i32
          %get3A_788 = arith.index_cast %add3A_787 : i32 to index
          %get3A_789 = arith.constant 80 : index
          %get3A_790 = tpu.vector_load %arg6[%get3A_788, %get3A_789] {strides = array<i32>} : memref<128x128xf32, #tpu.memory_space<vmem>>, vector<1x16xf32>,
          %get3A_791 = vector.shape_cast %get3A_790 : vector<1x16xf32> to vector<16xf32>
          %add3A_792 = arith.addf %scan3A_748, %get3A_791 : vector<16xf32>
          %add3A_793 = arith.constant 0 : i32
          %add3A_794 = arith.addi %add3A_793, %scan3A_742 : i32
          %get3A_795 = arith.index_cast %add3A_794 : i32 to index
          %get3A_796 = arith.constant 96 : index
          %get3A_797 = tpu.vector_load %arg6[%get3A_795, %get3A_796] {strides = array<i32>} : memref<128x128xf32, #tpu.memory_space<vmem>>, vector<1x16xf32>,
          %get3A_798 = vector.shape_cast %get3A_797 : vector<1x16xf32> to vector<16xf32>
          %add3A_799 = arith.addf %scan3A_749, %get3A_798 : vector<16xf32>
          %add3A_800 = arith.constant 0 : i32
          %add3A_801 = arith.addi %add3A_800, %scan3A_742 : i32
          %get3A_802 = arith.index_cast %add3A_801 : i32 to index
          %get3A_803 = arith.constant 112 : index
          %get3A_804 = tpu.vector_load %arg6[%get3A_802, %get3A_803] {strides = array<i32>} : memref<128x128xf32, #tpu.memory_space<vmem>>, vector<1x16xf32>,
          %get3A_805 = vector.shape_cast %get3A_804 : vector<1x16xf32> to vector<16xf32>
          %add3A_806 = arith.addf %scan3A_750, %get3A_805 : vector<16xf32>
          scf.yield %add3A_757, %add3A_764, %add3A_771, %add3A_778, %add3A_785, %add3A_792, %add3A_799, %add3A_806 : vector<16xf32>, vector<16xf32>, vector<16xf32>, vector<16xf32>, vector<16xf32>, vector<16xf32>, vector<16xf32>, vector<16xf32>
        }
        %scan3A_313 = arith.constant 32 : i32
        %mul3A_314 = arith.constant 0.0303030312 : f32
        %mul3A_315 = vector.broadcast %mul3A_314 : f32 to vector<16xf32>
        %mul3A_316 = arith.mulf %scan3A_312#0, %mul3A_315 : vector<16xf32>
        %swap3A = arith.constant 0 : i32
        %swap3A_317 = arith.index_cast %swap3A : i32 to index
        %swap3A_318 = arith.constant 0 : index
        %swap3A_319 = tpu.vector_load %arg14[%swap3A_317, %swap3A_318] {strides = array<i32>} : memref<4x128xf32, #tpu.memory_space<vmem>>, vector<1x16xf32>,
        %swap3A_320 = vector.shape_cast %swap3A_319 : vector<1x16xf32> to vector<16xf32>
        %swap3A_321 = vector.shape_cast %mul3A_316 : vector<16xf32> to vector<1x16xf32>
        tpu.vector_store %arg14[%swap3A_317, %swap3A_318], %swap3A_321 {strides = array<i32>} : memref<4x128xf32, #tpu.memory_space<vmem>>, vector<1x16xf32>,
        %mul3A_322 = arith.constant 0.0303030312 : f32
        %mul3A_323 = vector.broadcast %mul3A_322 : f32 to vector<16xf32>
        %mul3A_324 = arith.mulf %scan3A_312#1, %mul3A_323 : vector<16xf32>
        %swap3A_325 = arith.constant 0 : i32
        %swap3A_326 = arith.index_cast %swap3A_325 : i32 to index
        %swap3A_327 = arith.constant 16 : index
        %swap3A_328 = tpu.vector_load %arg14[%swap3A_326, %swap3A_327] {strides = array<i32>} : memref<4x128xf32, #tpu.memory_space<vmem>>, vector<1x16xf32>,
        %swap3A_329 = vector.shape_cast %swap3A_328 : vector<1x16xf32> to vector<16xf32>
        %swap3A_330 = vector.shape_cast %mul3A_324 : vector<16xf32> to vector<1x16xf32>
        tpu.vector_store %arg14[%swap3A_326, %swap3A_327], %swap3A_330 {strides = array<i32>} : memref<4x128xf32, #tpu.memory_space<vmem>>, vector<1x16xf32>,
        %mul3A_331 = arith.constant 0.0303030312 : f32
        %mul3A_332 = vector.broadcast %mul3A_331 : f32 to vector<16xf32>
        %mul3A_333 = arith.mulf %scan3A_312#2, %mul3A_332 : vector<16xf32>
        %swap3A_334 = arith.constant 0 : i32
        %swap3A_335 = arith.index_cast %swap3A_334 : i32 to index
        %swap3A_336 = arith.constant 32 : index
        %swap3A_337 = tpu.vector_load %arg14[%swap3A_335, %swap3A_336] {strides = array<i32>} : memref<4x128xf32, #tpu.memory_space<vmem>>, vector<1x16xf32>,
        %swap3A_338 = vector.shape_cast %swap3A_337 : vector<1x16xf32> to vector<16xf32>
        %swap3A_339 = vector.shape_cast %mul3A_333 : vector<16xf32> to vector<1x16xf32>
        tpu.vector_store %arg14[%swap3A_335, %swap3A_336], %swap3A_339 {strides = array<i32>} : memref<4x128xf32, #tpu.memory_space<vmem>>, vector<1x16xf32>,
        %mul3A_340 = arith.constant 0.0303030312 : f32
        %mul3A_341 = vector.broadcast %mul3A_340 : f32 to vector<16xf32>
        %mul3A_342 = arith.mulf %scan3A_312#3, %mul3A_341 : vector<16xf32>
        %swap3A_343 = arith.constant 0 : i32
        %swap3A_344 = arith.index_cast %swap3A_343 : i32 to index
        %swap3A_345 = arith.constant 48 : index
        %swap3A_346 = tpu.vector_load %arg14[%swap3A_344, %swap3A_345] {strides = array<i32>} : memref<4x128xf32, #tpu.memory_space<vmem>>, vector<1x16xf32>,
        %swap3A_347 = vector.shape_cast %swap3A_346 : vector<1x16xf32> to vector<16xf32>
        %swap3A_348 = vector.shape_cast %mul3A_342 : vector<16xf32> to vector<1x16xf32>
        tpu.vector_store %arg14[%swap3A_344, %swap3A_345], %swap3A_348 {strides = array<i32>} : memref<4x128xf32, #tpu.memory_space<vmem>>, vector<1x16xf32>,
        %mul3A_349 = arith.constant 0.0303030312 : f32
        %mul3A_350 = vector.broadcast %mul3A_349 : f32 to vector<16xf32>
        %mul3A_351 = arith.mulf %scan3A_312#4, %mul3A_350 : vector<16xf32>
        %swap3A_352 = arith.constant 0 : i32
        %swap3A_353 = arith.index_cast %swap3A_352 : i32 to index
        %swap3A_354 = arith.constant 64 : index
        %swap3A_355 = tpu.vector_load %arg14[%swap3A_353, %swap3A_354] {strides = array<i32>} : memref<4x128xf32, #tpu.memory_space<vmem>>, vector<1x16xf32>,
        %swap3A_356 = vector.shape_cast %swap3A_355 : vector<1x16xf32> to vector<16xf32>
        %swap3A_357 = vector.shape_cast %mul3A_351 : vector<16xf32> to vector<1x16xf32>
        tpu.vector_store %arg14[%swap3A_353, %swap3A_354], %swap3A_357 {strides = array<i32>} : memref<4x128xf32, #tpu.memory_space<vmem>>, vector<1x16xf32>,
        %mul3A_358 = arith.constant 0.0303030312 : f32
        %mul3A_359 = vector.broadcast %mul3A_358 : f32 to vector<16xf32>
        %mul3A_360 = arith.mulf %scan3A_312#5, %mul3A_359 : vector<16xf32>
        %swap3A_361 = arith.constant 0 : i32
        %swap3A_362 = arith.index_cast %swap3A_361 : i32 to index
        %swap3A_363 = arith.constant 80 : index
        %swap3A_364 = tpu.vector_load %arg14[%swap3A_362, %swap3A_363] {strides = array<i32>} : memref<4x128xf32, #tpu.memory_space<vmem>>, vector<1x16xf32>,
        %swap3A_365 = vector.shape_cast %swap3A_364 : vector<1x16xf32> to vector<16xf32>
        %swap3A_366 = vector.shape_cast %mul3A_360 : vector<16xf32> to vector<1x16xf32>
        tpu.vector_store %arg14[%swap3A_362, %swap3A_363], %swap3A_366 {strides = array<i32>} : memref<4x128xf32, #tpu.memory_space<vmem>>, vector<1x16xf32>,
        %mul3A_367 = arith.constant 0.0303030312 : f32
        %mul3A_368 = vector.broadcast %mul3A_367 : f32 to vector<16xf32>
        %mul3A_369 = arith.mulf %scan3A_312#6, %mul3A_368 : vector<16xf32>
        %swap3A_370 = arith.constant 0 : i32
        %swap3A_371 = arith.index_cast %swap3A_370 : i32 to index
        %swap3A_372 = arith.constant 96 : index
        %swap3A_373 = tpu.vector_load %arg14[%swap3A_371, %swap3A_372] {strides = array<i32>} : memref<4x128xf32, #tpu.memory_space<vmem>>, vector<1x16xf32>,
        %swap3A_374 = vector.shape_cast %swap3A_373 : vector<1x16xf32> to vector<16xf32>
        %swap3A_375 = vector.shape_cast %mul3A_369 : vector<16xf32> to vector<1x16xf32>
        tpu.vector_store %arg14[%swap3A_371, %swap3A_372], %swap3A_375 {strides = array<i32>} : memref<4x128xf32, #tpu.memory_space<vmem>>, vector<1x16xf32>,
        %mul3A_376 = arith.constant 0.0303030312 : f32
        %mul3A_377 = vector.broadcast %mul3A_376 : f32 to vector<16xf32>
        %mul3A_378 = arith.mulf %scan3A_312#7, %mul3A_377 : vector<16xf32>
        %swap3A_379 = arith.constant 0 : i32
        %swap3A_380 = arith.index_cast %swap3A_379 : i32 to index
        %swap3A_381 = arith.constant 112 : index
        %swap3A_382 = tpu.vector_load %arg14[%swap3A_380, %swap3A_381] {strides = array<i32>} : memref<4x128xf32, #tpu.memory_space<vmem>>, vector<1x16xf32>,
        %swap3A_383 = vector.shape_cast %swap3A_382 : vector<1x16xf32> to vector<16xf32>
        %swap3A_384 = vector.shape_cast %mul3A_378 : vector<16xf32> to vector<1x16xf32>
        tpu.vector_store %arg14[%swap3A_380, %swap3A_381], %swap3A_384 {strides = array<i32>} : memref<4x128xf32, #tpu.memory_space<vmem>>, vector<1x16xf32>,
        %get3A_385 = arith.constant 1 : i32
        %get3A_386 = arith.index_cast %get3A_385 : i32 to index
        %get3A_387 = arith.constant 0 : index
        %get3A_388 = tpu.vector_load %arg10[%get3A_386, %get3A_387] {strides = array<i32>} : memref<4x128xf32, #tpu.memory_space<vmem>>, vector<1x16xf32>,
        %get3A_389 = vector.shape_cast %get3A_388 : vector<1x16xf32> to vector<16xf32>
        %get3A_390 = arith.constant 1 : i32
        %get3A_391 = arith.index_cast %get3A_390 : i32 to index
        %get3A_392 = arith.constant 16 : index
        %get3A_393 = tpu.vector_load %arg10[%get3A_391, %get3A_392] {strides = array<i32>} : memref<4x128xf32, #tpu.memory_space<vmem>>, vector<1x16xf32>,
        %get3A_394 = vector.shape_cast %get3A_393 : vector<1x16xf32> to vector<16xf32>
        %get3A_395 = arith.constant 1 : i32
        %get3A_396 = arith.index_cast %get3A_395 : i32 to index
        %get3A_397 = arith.constant 32 : index
        %get3A_398 = tpu.vector_load %arg10[%get3A_396, %get3A_397] {strides = array<i32>} : memref<4x128xf32, #tpu.memory_space<vmem>>, vector<1x16xf32>,
        %get3A_399 = vector.shape_cast %get3A_398 : vector<1x16xf32> to vector<16xf32>
        %get3A_400 = arith.constant 1 : i32
        %get3A_401 = arith.index_cast %get3A_400 : i32 to index
        %get3A_402 = arith.constant 48 : index
        %get3A_403 = tpu.vector_load %arg10[%get3A_401, %get3A_402] {strides = array<i32>} : memref<4x128xf32, #tpu.memory_space<vmem>>, vector<1x16xf32>,
        %get3A_404 = vector.shape_cast %get3A_403 : vector<1x16xf32> to vector<16xf32>
        %get3A_405 = arith.constant 1 : i32
        %get3A_406 = arith.index_cast %get3A_405 : i32 to index
        %get3A_407 = arith.constant 64 : index
        %get3A_408 = tpu.vector_load %arg10[%get3A_406, %get3A_407] {strides = array<i32>} : memref<4x128xf32, #tpu.memory_space<vmem>>, vector<1x16xf32>,
        %get3A_409 = vector.shape_cast %get3A_408 : vector<1x16xf32> to vector<16xf32>
        %get3A_410 = arith.constant 1 : i32
        %get3A_411 = arith.index_cast %get3A_410 : i32 to index
        %get3A_412 = arith.constant 80 : index
        %get3A_413 = tpu.vector_load %arg10[%get3A_411, %get3A_412] {strides = array<i32>} : memref<4x128xf32, #tpu.memory_space<vmem>>, vector<1x16xf32>,
        %get3A_414 = vector.shape_cast %get3A_413 : vector<1x16xf32> to vector<16xf32>
        %get3A_415 = arith.constant 1 : i32
        %get3A_416 = arith.index_cast %get3A_415 : i32 to index
        %get3A_417 = arith.constant 96 : index
        %get3A_418 = tpu.vector_load %arg10[%get3A_416, %get3A_417] {strides = array<i32>} : memref<4x128xf32, #tpu.memory_space<vmem>>, vector<1x16xf32>,
        %get3A_419 = vector.shape_cast %get3A_418 : vector<1x16xf32> to vector<16xf32>
        %get3A_420 = arith.constant 1 : i32
        %get3A_421 = arith.index_cast %get3A_420 : i32 to index
        %get3A_422 = arith.constant 112 : index
        %get3A_423 = tpu.vector_load %arg10[%get3A_421, %get3A_422] {strides = array<i32>} : memref<4x128xf32, #tpu.memory_space<vmem>>, vector<1x16xf32>,
        %get3A_424 = vector.shape_cast %get3A_423 : vector<1x16xf32> to vector<16xf32>
        %scan3A_425 = arith.constant 0 : i32
        %scan3A_426 = arith.constant 32 : i32
        %scan3A_427 = arith.addi %scan3A_425, %scan3A_426 : i32
        %scan3A_428 = arith.constant 1 : i32
        %scan3A_429:8 = scf.for %scan3A_742 = %scan3A_425 to %scan3A_427 step %scan3A_428 iter_args(%scan3A_743 = %get3A_389, %scan3A_744 = %get3A_394, %scan3A_745 = %get3A_399, %scan3A_746 = %get3A_404, %scan3A_747 = %get3A_409, %scan3A_748 = %get3A_414, %scan3A_749 = %get3A_419, %scan3A_750 = %get3A_424) -> (vector<16xf32>, vector<16xf32>, vector<16xf32>, vector<16xf32>, vector<16xf32>, vector<16xf32>, vector<16xf32>, vector<16xf32>)  : i32 {
          %add3A_751 = arith.constant 32 : i32
          %add3A_752 = arith.addi %add3A_751, %scan3A_742 : i32
          %get3A_753 = arith.index_cast %add3A_752 : i32 to index
          %get3A_754 = arith.constant 0 : index
          %get3A_755 = tpu.vector_load %arg6[%get3A_753, %get3A_754] {strides = array<i32>} : memref<128x128xf32, #tpu.memory_space<vmem>>, vector<1x16xf32>,
          %get3A_756 = vector.shape_cast %get3A_755 : vector<1x16xf32> to vector<16xf32>
          %add3A_757 = arith.addf %scan3A_743, %get3A_756 : vector<16xf32>
          %add3A_758 = arith.constant 32 : i32
          %add3A_759 = arith.addi %add3A_758, %scan3A_742 : i32
          %get3A_760 = arith.index_cast %add3A_759 : i32 to index
          %get3A_761 = arith.constant 16 : index
          %get3A_762 = tpu.vector_load %arg6[%get3A_760, %get3A_761] {strides = array<i32>} : memref<128x128xf32, #tpu.memory_space<vmem>>, vector<1x16xf32>,
          %get3A_763 = vector.shape_cast %get3A_762 : vector<1x16xf32> to vector<16xf32>
          %add3A_764 = arith.addf %scan3A_744, %get3A_763 : vector<16xf32>
          %add3A_765 = arith.constant 32 : i32
          %add3A_766 = arith.addi %add3A_765, %scan3A_742 : i32
          %get3A_767 = arith.index_cast %add3A_766 : i32 to index
          %get3A_768 = arith.constant 32 : index
          %get3A_769 = tpu.vector_load %arg6[%get3A_767, %get3A_768] {strides = array<i32>} : memref<128x128xf32, #tpu.memory_space<vmem>>, vector<1x16xf32>,
          %get3A_770 = vector.shape_cast %get3A_769 : vector<1x16xf32> to vector<16xf32>
          %add3A_771 = arith.addf %scan3A_745, %get3A_770 : vector<16xf32>
          %add3A_772 = arith.constant 32 : i32
          %add3A_773 = arith.addi %add3A_772, %scan3A_742 : i32
          %get3A_774 = arith.index_cast %add3A_773 : i32 to index
          %get3A_775 = arith.constant 48 : index
          %get3A_776 = tpu.vector_load %arg6[%get3A_774, %get3A_775] {strides = array<i32>} : memref<128x128xf32, #tpu.memory_space<vmem>>, vector<1x16xf32>,
          %get3A_777 = vector.shape_cast %get3A_776 : vector<1x16xf32> to vector<16xf32>
          %add3A_778 = arith.addf %scan3A_746, %get3A_777 : vector<16xf32>
          %add3A_779 = arith.constant 32 : i32
          %add3A_780 = arith.addi %add3A_779, %scan3A_742 : i32
          %get3A_781 = arith.index_cast %add3A_780 : i32 to index
          %get3A_782 = arith.constant 64 : index
          %get3A_783 = tpu.vector_load %arg6[%get3A_781, %get3A_782] {strides = array<i32>} : memref<128x128xf32, #tpu.memory_space<vmem>>, vector<1x16xf32>,
          %get3A_784 = vector.shape_cast %get3A_783 : vector<1x16xf32> to vector<16xf32>
          %add3A_785 = arith.addf %scan3A_747, %get3A_784 : vector<16xf32>
          %add3A_786 = arith.constant 32 : i32
          %add3A_787 = arith.addi %add3A_786, %scan3A_742 : i32
          %get3A_788 = arith.index_cast %add3A_787 : i32 to index
          %get3A_789 = arith.constant 80 : index
          %get3A_790 = tpu.vector_load %arg6[%get3A_788, %get3A_789] {strides = array<i32>} : memref<128x128xf32, #tpu.memory_space<vmem>>, vector<1x16xf32>,
          %get3A_791 = vector.shape_cast %get3A_790 : vector<1x16xf32> to vector<16xf32>
          %add3A_792 = arith.addf %scan3A_748, %get3A_791 : vector<16xf32>
          %add3A_793 = arith.constant 32 : i32
          %add3A_794 = arith.addi %add3A_793, %scan3A_742 : i32
          %get3A_795 = arith.index_cast %add3A_794 : i32 to index
          %get3A_796 = arith.constant 96 : index
          %get3A_797 = tpu.vector_load %arg6[%get3A_795, %get3A_796] {strides = array<i32>} : memref<128x128xf32, #tpu.memory_space<vmem>>, vector<1x16xf32>,
          %get3A_798 = vector.shape_cast %get3A_797 : vector<1x16xf32> to vector<16xf32>
          %add3A_799 = arith.addf %scan3A_749, %get3A_798 : vector<16xf32>
          %add3A_800 = arith.constant 32 : i32
          %add3A_801 = arith.addi %add3A_800, %scan3A_742 : i32
          %get3A_802 = arith.index_cast %add3A_801 : i32 to index
          %get3A_803 = arith.constant 112 : index
          %get3A_804 = tpu.vector_load %arg6[%get3A_802, %get3A_803] {strides = array<i32>} : memref<128x128xf32, #tpu.memory_space<vmem>>, vector<1x16xf32>,
          %get3A_805 = vector.shape_cast %get3A_804 : vector<1x16xf32> to vector<16xf32>
          %add3A_806 = arith.addf %scan3A_750, %get3A_805 : vector<16xf32>
          scf.yield %add3A_757, %add3A_764, %add3A_771, %add3A_778, %add3A_785, %add3A_792, %add3A_799, %add3A_806 : vector<16xf32>, vector<16xf32>, vector<16xf32>, vector<16xf32>, vector<16xf32>, vector<16xf32>, vector<16xf32>, vector<16xf32>
        }
        %scan3A_430 = arith.constant 32 : i32
        %mul3A_431 = arith.constant 0.0303030312 : f32
        %mul3A_432 = vector.broadcast %mul3A_431 : f32 to vector<16xf32>
        %mul3A_433 = arith.mulf %scan3A_429#0, %mul3A_432 : vector<16xf32>
        %swap3A_434 = arith.constant 1 : i32
        %swap3A_435 = arith.index_cast %swap3A_434 : i32 to index
        %swap3A_436 = arith.constant 0 : index
        %swap3A_437 = tpu.vector_load %arg14[%swap3A_435, %swap3A_436] {strides = array<i32>} : memref<4x128xf32, #tpu.memory_space<vmem>>, vector<1x16xf32>,
        %swap3A_438 = vector.shape_cast %swap3A_437 : vector<1x16xf32> to vector<16xf32>
        %swap3A_439 = vector.shape_cast %mul3A_433 : vector<16xf32> to vector<1x16xf32>
        tpu.vector_store %arg14[%swap3A_435, %swap3A_436], %swap3A_439 {strides = array<i32>} : memref<4x128xf32, #tpu.memory_space<vmem>>, vector<1x16xf32>,
        %mul3A_440 = arith.constant 0.0303030312 : f32
        %mul3A_441 = vector.broadcast %mul3A_440 : f32 to vector<16xf32>
        %mul3A_442 = arith.mulf %scan3A_429#1, %mul3A_441 : vector<16xf32>
        %swap3A_443 = arith.constant 1 : i32
        %swap3A_444 = arith.index_cast %swap3A_443 : i32 to index
        %swap3A_445 = arith.constant 16 : index
        %swap3A_446 = tpu.vector_load %arg14[%swap3A_444, %swap3A_445] {strides = array<i32>} : memref<4x128xf32, #tpu.memory_space<vmem>>, vector<1x16xf32>,
        %swap3A_447 = vector.shape_cast %swap3A_446 : vector<1x16xf32> to vector<16xf32>
        %swap3A_448 = vector.shape_cast %mul3A_442 : vector<16xf32> to vector<1x16xf32>
        tpu.vector_store %arg14[%swap3A_444, %swap3A_445], %swap3A_448 {strides = array<i32>} : memref<4x128xf32, #tpu.memory_space<vmem>>, vector<1x16xf32>,
        %mul3A_449 = arith.constant 0.0303030312 : f32
        %mul3A_450 = vector.broadcast %mul3A_449 : f32 to vector<16xf32>
        %mul3A_451 = arith.mulf %scan3A_429#2, %mul3A_450 : vector<16xf32>
        %swap3A_452 = arith.constant 1 : i32
        %swap3A_453 = arith.index_cast %swap3A_452 : i32 to index
        %swap3A_454 = arith.constant 32 : index
        %swap3A_455 = tpu.vector_load %arg14[%swap3A_453, %swap3A_454] {strides = array<i32>} : memref<4x128xf32, #tpu.memory_space<vmem>>, vector<1x16xf32>,
        %swap3A_456 = vector.shape_cast %swap3A_455 : vector<1x16xf32> to vector<16xf32>
        %swap3A_457 = vector.shape_cast %mul3A_451 : vector<16xf32> to vector<1x16xf32>
        tpu.vector_store %arg14[%swap3A_453, %swap3A_454], %swap3A_457 {strides = array<i32>} : memref<4x128xf32, #tpu.memory_space<vmem>>, vector<1x16xf32>,
        %mul3A_458 = arith.constant 0.0303030312 : f32
        %mul3A_459 = vector.broadcast %mul3A_458 : f32 to vector<16xf32>
        %mul3A_460 = arith.mulf %scan3A_429#3, %mul3A_459 : vector<16xf32>
        %swap3A_461 = arith.constant 1 : i32
        %swap3A_462 = arith.index_cast %swap3A_461 : i32 to index
        %swap3A_463 = arith.constant 48 : index
        %swap3A_464 = tpu.vector_load %arg14[%swap3A_462, %swap3A_463] {strides = array<i32>} : memref<4x128xf32, #tpu.memory_space<vmem>>, vector<1x16xf32>,
        %swap3A_465 = vector.shape_cast %swap3A_464 : vector<1x16xf32> to vector<16xf32>
        %swap3A_466 = vector.shape_cast %mul3A_460 : vector<16xf32> to vector<1x16xf32>
        tpu.vector_store %arg14[%swap3A_462, %swap3A_463], %swap3A_466 {strides = array<i32>} : memref<4x128xf32, #tpu.memory_space<vmem>>, vector<1x16xf32>,
        %mul3A_467 = arith.constant 0.0303030312 : f32
        %mul3A_468 = vector.broadcast %mul3A_467 : f32 to vector<16xf32>
        %mul3A_469 = arith.mulf %scan3A_429#4, %mul3A_468 : vector<16xf32>
        %swap3A_470 = arith.constant 1 : i32
        %swap3A_471 = arith.index_cast %swap3A_470 : i32 to index
        %swap3A_472 = arith.constant 64 : index
        %swap3A_473 = tpu.vector_load %arg14[%swap3A_471, %swap3A_472] {strides = array<i32>} : memref<4x128xf32, #tpu.memory_space<vmem>>, vector<1x16xf32>,
        %swap3A_474 = vector.shape_cast %swap3A_473 : vector<1x16xf32> to vector<16xf32>
        %swap3A_475 = vector.shape_cast %mul3A_469 : vector<16xf32> to vector<1x16xf32>
        tpu.vector_store %arg14[%swap3A_471, %swap3A_472], %swap3A_475 {strides = array<i32>} : memref<4x128xf32, #tpu.memory_space<vmem>>, vector<1x16xf32>,
        %mul3A_476 = arith.constant 0.0303030312 : f32
        %mul3A_477 = vector.broadcast %mul3A_476 : f32 to vector<16xf32>
        %mul3A_478 = arith.mulf %scan3A_429#5, %mul3A_477 : vector<16xf32>
        %swap3A_479 = arith.constant 1 : i32
        %swap3A_480 = arith.index_cast %swap3A_479 : i32 to index
        %swap3A_481 = arith.constant 80 : index
        %swap3A_482 = tpu.vector_load %arg14[%swap3A_480, %swap3A_481] {strides = array<i32>} : memref<4x128xf32, #tpu.memory_space<vmem>>, vector<1x16xf32>,
        %swap3A_483 = vector.shape_cast %swap3A_482 : vector<1x16xf32> to vector<16xf32>
        %swap3A_484 = vector.shape_cast %mul3A_478 : vector<16xf32> to vector<1x16xf32>
        tpu.vector_store %arg14[%swap3A_480, %swap3A_481], %swap3A_484 {strides = array<i32>} : memref<4x128xf32, #tpu.memory_space<vmem>>, vector<1x16xf32>,
        %mul3A_485 = arith.constant 0.0303030312 : f32
        %mul3A_486 = vector.broadcast %mul3A_485 : f32 to vector<16xf32>
        %mul3A_487 = arith.mulf %scan3A_429#6, %mul3A_486 : vector<16xf32>
        %swap3A_488 = arith.constant 1 : i32
        %swap3A_489 = arith.index_cast %swap3A_488 : i32 to index
        %swap3A_490 = arith.constant 96 : index
        %swap3A_491 = tpu.vector_load %arg14[%swap3A_489, %swap3A_490] {strides = array<i32>} : memref<4x128xf32, #tpu.memory_space<vmem>>, vector<1x16xf32>,
        %swap3A_492 = vector.shape_cast %swap3A_491 : vector<1x16xf32> to vector<16xf32>
        %swap3A_493 = vector.shape_cast %mul3A_487 : vector<16xf32> to vector<1x16xf32>
        tpu.vector_store %arg14[%swap3A_489, %swap3A_490], %swap3A_493 {strides = array<i32>} : memref<4x128xf32, #tpu.memory_space<vmem>>, vector<1x16xf32>,
        %mul3A_494 = arith.constant 0.0303030312 : f32
        %mul3A_495 = vector.broadcast %mul3A_494 : f32 to vector<16xf32>
        %mul3A_496 = arith.mulf %scan3A_429#7, %mul3A_495 : vector<16xf32>
        %swap3A_497 = arith.constant 1 : i32
        %swap3A_498 = arith.index_cast %swap3A_497 : i32 to index
        %swap3A_499 = arith.constant 112 : index
        %swap3A_500 = tpu.vector_load %arg14[%swap3A_498, %swap3A_499] {strides = array<i32>} : memref<4x128xf32, #tpu.memory_space<vmem>>, vector<1x16xf32>,
        %swap3A_501 = vector.shape_cast %swap3A_500 : vector<1x16xf32> to vector<16xf32>
        %swap3A_502 = vector.shape_cast %mul3A_496 : vector<16xf32> to vector<1x16xf32>
        tpu.vector_store %arg14[%swap3A_498, %swap3A_499], %swap3A_502 {strides = array<i32>} : memref<4x128xf32, #tpu.memory_space<vmem>>, vector<1x16xf32>,
        %get3A_503 = arith.constant 2 : i32
        %get3A_504 = arith.index_cast %get3A_503 : i32 to index
        %get3A_505 = arith.constant 0 : index
        %get3A_506 = tpu.vector_load %arg10[%get3A_504, %get3A_505] {strides = array<i32>} : memref<4x128xf32, #tpu.memory_space<vmem>>, vector<1x16xf32>,
        %get3A_507 = vector.shape_cast %get3A_506 : vector<1x16xf32> to vector<16xf32>
        %get3A_508 = arith.constant 2 : i32
        %get3A_509 = arith.index_cast %get3A_508 : i32 to index
        %get3A_510 = arith.constant 16 : index
        %get3A_511 = tpu.vector_load %arg10[%get3A_509, %get3A_510] {strides = array<i32>} : memref<4x128xf32, #tpu.memory_space<vmem>>, vector<1x16xf32>,
        %get3A_512 = vector.shape_cast %get3A_511 : vector<1x16xf32> to vector<16xf32>
        %get3A_513 = arith.constant 2 : i32
        %get3A_514 = arith.index_cast %get3A_513 : i32 to index
        %get3A_515 = arith.constant 32 : index
        %get3A_516 = tpu.vector_load %arg10[%get3A_514, %get3A_515] {strides = array<i32>} : memref<4x128xf32, #tpu.memory_space<vmem>>, vector<1x16xf32>,
        %get3A_517 = vector.shape_cast %get3A_516 : vector<1x16xf32> to vector<16xf32>
        %get3A_518 = arith.constant 2 : i32
        %get3A_519 = arith.index_cast %get3A_518 : i32 to index
        %get3A_520 = arith.constant 48 : index
        %get3A_521 = tpu.vector_load %arg10[%get3A_519, %get3A_520] {strides = array<i32>} : memref<4x128xf32, #tpu.memory_space<vmem>>, vector<1x16xf32>,
        %get3A_522 = vector.shape_cast %get3A_521 : vector<1x16xf32> to vector<16xf32>
        %get3A_523 = arith.constant 2 : i32
        %get3A_524 = arith.index_cast %get3A_523 : i32 to index
        %get3A_525 = arith.constant 64 : index
        %get3A_526 = tpu.vector_load %arg10[%get3A_524, %get3A_525] {strides = array<i32>} : memref<4x128xf32, #tpu.memory_space<vmem>>, vector<1x16xf32>,
        %get3A_527 = vector.shape_cast %get3A_526 : vector<1x16xf32> to vector<16xf32>
        %get3A_528 = arith.constant 2 : i32
        %get3A_529 = arith.index_cast %get3A_528 : i32 to index
        %get3A_530 = arith.constant 80 : index
        %get3A_531 = tpu.vector_load %arg10[%get3A_529, %get3A_530] {strides = array<i32>} : memref<4x128xf32, #tpu.memory_space<vmem>>, vector<1x16xf32>,
        %get3A_532 = vector.shape_cast %get3A_531 : vector<1x16xf32> to vector<16xf32>
        %get3A_533 = arith.constant 2 : i32
        %get3A_534 = arith.index_cast %get3A_533 : i32 to index
        %get3A_535 = arith.constant 96 : index
        %get3A_536 = tpu.vector_load %arg10[%get3A_534, %get3A_535] {strides = array<i32>} : memref<4x128xf32, #tpu.memory_space<vmem>>, vector<1x16xf32>,
        %get3A_537 = vector.shape_cast %get3A_536 : vector<1x16xf32> to vector<16xf32>
        %get3A_538 = arith.constant 2 : i32
        %get3A_539 = arith.index_cast %get3A_538 : i32 to index
        %get3A_540 = arith.constant 112 : index
        %get3A_541 = tpu.vector_load %arg10[%get3A_539, %get3A_540] {strides = array<i32>} : memref<4x128xf32, #tpu.memory_space<vmem>>, vector<1x16xf32>,
        %get3A_542 = vector.shape_cast %get3A_541 : vector<1x16xf32> to vector<16xf32>
        %scan3A_543 = arith.constant 0 : i32
        %scan3A_544 = arith.constant 32 : i32
        %scan3A_545 = arith.addi %scan3A_543, %scan3A_544 : i32
        %scan3A_546 = arith.constant 1 : i32
        %scan3A_547:8 = scf.for %scan3A_742 = %scan3A_543 to %scan3A_545 step %scan3A_546 iter_args(%scan3A_743 = %get3A_507, %scan3A_744 = %get3A_512, %scan3A_745 = %get3A_517, %scan3A_746 = %get3A_522, %scan3A_747 = %get3A_527, %scan3A_748 = %get3A_532, %scan3A_749 = %get3A_537, %scan3A_750 = %get3A_542) -> (vector<16xf32>, vector<16xf32>, vector<16xf32>, vector<16xf32>, vector<16xf32>, vector<16xf32>, vector<16xf32>, vector<16xf32>)  : i32 {
          %add3A_751 = arith.constant 64 : i32
          %add3A_752 = arith.addi %add3A_751, %scan3A_742 : i32
          %get3A_753 = arith.index_cast %add3A_752 : i32 to index
          %get3A_754 = arith.constant 0 : index
          %get3A_755 = tpu.vector_load %arg6[%get3A_753, %get3A_754] {strides = array<i32>} : memref<128x128xf32, #tpu.memory_space<vmem>>, vector<1x16xf32>,
          %get3A_756 = vector.shape_cast %get3A_755 : vector<1x16xf32> to vector<16xf32>
          %add3A_757 = arith.addf %scan3A_743, %get3A_756 : vector<16xf32>
          %add3A_758 = arith.constant 64 : i32
          %add3A_759 = arith.addi %add3A_758, %scan3A_742 : i32
          %get3A_760 = arith.index_cast %add3A_759 : i32 to index
          %get3A_761 = arith.constant 16 : index
          %get3A_762 = tpu.vector_load %arg6[%get3A_760, %get3A_761] {strides = array<i32>} : memref<128x128xf32, #tpu.memory_space<vmem>>, vector<1x16xf32>,
          %get3A_763 = vector.shape_cast %get3A_762 : vector<1x16xf32> to vector<16xf32>
          %add3A_764 = arith.addf %scan3A_744, %get3A_763 : vector<16xf32>
          %add3A_765 = arith.constant 64 : i32
          %add3A_766 = arith.addi %add3A_765, %scan3A_742 : i32
          %get3A_767 = arith.index_cast %add3A_766 : i32 to index
          %get3A_768 = arith.constant 32 : index
          %get3A_769 = tpu.vector_load %arg6[%get3A_767, %get3A_768] {strides = array<i32>} : memref<128x128xf32, #tpu.memory_space<vmem>>, vector<1x16xf32>,
          %get3A_770 = vector.shape_cast %get3A_769 : vector<1x16xf32> to vector<16xf32>
          %add3A_771 = arith.addf %scan3A_745, %get3A_770 : vector<16xf32>
          %add3A_772 = arith.constant 64 : i32
          %add3A_773 = arith.addi %add3A_772, %scan3A_742 : i32
          %get3A_774 = arith.index_cast %add3A_773 : i32 to index
          %get3A_775 = arith.constant 48 : index
          %get3A_776 = tpu.vector_load %arg6[%get3A_774, %get3A_775] {strides = array<i32>} : memref<128x128xf32, #tpu.memory_space<vmem>>, vector<1x16xf32>,
          %get3A_777 = vector.shape_cast %get3A_776 : vector<1x16xf32> to vector<16xf32>
          %add3A_778 = arith.addf %scan3A_746, %get3A_777 : vector<16xf32>
          %add3A_779 = arith.constant 64 : i32
          %add3A_780 = arith.addi %add3A_779, %scan3A_742 : i32
          %get3A_781 = arith.index_cast %add3A_780 : i32 to index
          %get3A_782 = arith.constant 64 : index
          %get3A_783 = tpu.vector_load %arg6[%get3A_781, %get3A_782] {strides = array<i32>} : memref<128x128xf32, #tpu.memory_space<vmem>>, vector<1x16xf32>,
          %get3A_784 = vector.shape_cast %get3A_783 : vector<1x16xf32> to vector<16xf32>
          %add3A_785 = arith.addf %scan3A_747, %get3A_784 : vector<16xf32>
          %add3A_786 = arith.constant 64 : i32
          %add3A_787 = arith.addi %add3A_786, %scan3A_742 : i32
          %get3A_788 = arith.index_cast %add3A_787 : i32 to index
          %get3A_789 = arith.constant 80 : index
          %get3A_790 = tpu.vector_load %arg6[%get3A_788, %get3A_789] {strides = array<i32>} : memref<128x128xf32, #tpu.memory_space<vmem>>, vector<1x16xf32>,
          %get3A_791 = vector.shape_cast %get3A_790 : vector<1x16xf32> to vector<16xf32>
          %add3A_792 = arith.addf %scan3A_748, %get3A_791 : vector<16xf32>
          %add3A_793 = arith.constant 64 : i32
          %add3A_794 = arith.addi %add3A_793, %scan3A_742 : i32
          %get3A_795 = arith.index_cast %add3A_794 : i32 to index
          %get3A_796 = arith.constant 96 : index
          %get3A_797 = tpu.vector_load %arg6[%get3A_795, %get3A_796] {strides = array<i32>} : memref<128x128xf32, #tpu.memory_space<vmem>>, vector<1x16xf32>,
          %get3A_798 = vector.shape_cast %get3A_797 : vector<1x16xf32> to vector<16xf32>
          %add3A_799 = arith.addf %scan3A_749, %get3A_798 : vector<16xf32>
          %add3A_800 = arith.constant 64 : i32
          %add3A_801 = arith.addi %add3A_800, %scan3A_742 : i32
          %get3A_802 = arith.index_cast %add3A_801 : i32 to index
          %get3A_803 = arith.constant 112 : index
          %get3A_804 = tpu.vector_load %arg6[%get3A_802, %get3A_803] {strides = array<i32>} : memref<128x128xf32, #tpu.memory_space<vmem>>, vector<1x16xf32>,
          %get3A_805 = vector.shape_cast %get3A_804 : vector<1x16xf32> to vector<16xf32>
          %add3A_806 = arith.addf %scan3A_750, %get3A_805 : vector<16xf32>
          scf.yield %add3A_757, %add3A_764, %add3A_771, %add3A_778, %add3A_785, %add3A_792, %add3A_799, %add3A_806 : vector<16xf32>, vector<16xf32>, vector<16xf32>, vector<16xf32>, vector<16xf32>, vector<16xf32>, vector<16xf32>, vector<16xf32>
        }
        %scan3A_548 = arith.constant 32 : i32
        %mul3A_549 = arith.constant 0.0303030312 : f32
        %mul3A_550 = vector.broadcast %mul3A_549 : f32 to vector<16xf32>
        %mul3A_551 = arith.mulf %scan3A_547#0, %mul3A_550 : vector<16xf32>
        %swap3A_552 = arith.constant 2 : i32
        %swap3A_553 = arith.index_cast %swap3A_552 : i32 to index
        %swap3A_554 = arith.constant 0 : index
        %swap3A_555 = tpu.vector_load %arg14[%swap3A_553, %swap3A_554] {strides = array<i32>} : memref<4x128xf32, #tpu.memory_space<vmem>>, vector<1x16xf32>,
        %swap3A_556 = vector.shape_cast %swap3A_555 : vector<1x16xf32> to vector<16xf32>
        %swap3A_557 = vector.shape_cast %mul3A_551 : vector<16xf32> to vector<1x16xf32>
        tpu.vector_store %arg14[%swap3A_553, %swap3A_554], %swap3A_557 {strides = array<i32>} : memref<4x128xf32, #tpu.memory_space<vmem>>, vector<1x16xf32>,
        %mul3A_558 = arith.constant 0.0303030312 : f32
        %mul3A_559 = vector.broadcast %mul3A_558 : f32 to vector<16xf32>
        %mul3A_560 = arith.mulf %scan3A_547#1, %mul3A_559 : vector<16xf32>
        %swap3A_561 = arith.constant 2 : i32
        %swap3A_562 = arith.index_cast %swap3A_561 : i32 to index
        %swap3A_563 = arith.constant 16 : index
        %swap3A_564 = tpu.vector_load %arg14[%swap3A_562, %swap3A_563] {strides = array<i32>} : memref<4x128xf32, #tpu.memory_space<vmem>>, vector<1x16xf32>,
        %swap3A_565 = vector.shape_cast %swap3A_564 : vector<1x16xf32> to vector<16xf32>
        %swap3A_566 = vector.shape_cast %mul3A_560 : vector<16xf32> to vector<1x16xf32>
        tpu.vector_store %arg14[%swap3A_562, %swap3A_563], %swap3A_566 {strides = array<i32>} : memref<4x128xf32, #tpu.memory_space<vmem>>, vector<1x16xf32>,
        %mul3A_567 = arith.constant 0.0303030312 : f32
        %mul3A_568 = vector.broadcast %mul3A_567 : f32 to vector<16xf32>
        %mul3A_569 = arith.mulf %scan3A_547#2, %mul3A_568 : vector<16xf32>
        %swap3A_570 = arith.constant 2 : i32
        %swap3A_571 = arith.index_cast %swap3A_570 : i32 to index
        %swap3A_572 = arith.constant 32 : index
        %swap3A_573 = tpu.vector_load %arg14[%swap3A_571, %swap3A_572] {strides = array<i32>} : memref<4x128xf32, #tpu.memory_space<vmem>>, vector<1x16xf32>,
        %swap3A_574 = vector.shape_cast %swap3A_573 : vector<1x16xf32> to vector<16xf32>
        %swap3A_575 = vector.shape_cast %mul3A_569 : vector<16xf32> to vector<1x16xf32>
        tpu.vector_store %arg14[%swap3A_571, %swap3A_572], %swap3A_575 {strides = array<i32>} : memref<4x128xf32, #tpu.memory_space<vmem>>, vector<1x16xf32>,
        %mul3A_576 = arith.constant 0.0303030312 : f32
        %mul3A_577 = vector.broadcast %mul3A_576 : f32 to vector<16xf32>
        %mul3A_578 = arith.mulf %scan3A_547#3, %mul3A_577 : vector<16xf32>
        %swap3A_579 = arith.constant 2 : i32
        %swap3A_580 = arith.index_cast %swap3A_579 : i32 to index
        %swap3A_581 = arith.constant 48 : index
        %swap3A_582 = tpu.vector_load %arg14[%swap3A_580, %swap3A_581] {strides = array<i32>} : memref<4x128xf32, #tpu.memory_space<vmem>>, vector<1x16xf32>,
        %swap3A_583 = vector.shape_cast %swap3A_582 : vector<1x16xf32> to vector<16xf32>
        %swap3A_584 = vector.shape_cast %mul3A_578 : vector<16xf32> to vector<1x16xf32>
        tpu.vector_store %arg14[%swap3A_580, %swap3A_581], %swap3A_584 {strides = array<i32>} : memref<4x128xf32, #tpu.memory_space<vmem>>, vector<1x16xf32>,
        %mul3A_585 = arith.constant 0.0303030312 : f32
        %mul3A_586 = vector.broadcast %mul3A_585 : f32 to vector<16xf32>
        %mul3A_587 = arith.mulf %scan3A_547#4, %mul3A_586 : vector<16xf32>
        %swap3A_588 = arith.constant 2 : i32
        %swap3A_589 = arith.index_cast %swap3A_588 : i32 to index
        %swap3A_590 = arith.constant 64 : index
        %swap3A_591 = tpu.vector_load %arg14[%swap3A_589, %swap3A_590] {strides = array<i32>} : memref<4x128xf32, #tpu.memory_space<vmem>>, vector<1x16xf32>,
        %swap3A_592 = vector.shape_cast %swap3A_591 : vector<1x16xf32> to vector<16xf32>
        %swap3A_593 = vector.shape_cast %mul3A_587 : vector<16xf32> to vector<1x16xf32>
        tpu.vector_store %arg14[%swap3A_589, %swap3A_590], %swap3A_593 {strides = array<i32>} : memref<4x128xf32, #tpu.memory_space<vmem>>, vector<1x16xf32>,
        %mul3A_594 = arith.constant 0.0303030312 : f32
        %mul3A_595 = vector.broadcast %mul3A_594 : f32 to vector<16xf32>
        %mul3A_596 = arith.mulf %scan3A_547#5, %mul3A_595 : vector<16xf32>
        %swap3A_597 = arith.constant 2 : i32
        %swap3A_598 = arith.index_cast %swap3A_597 : i32 to index
        %swap3A_599 = arith.constant 80 : index
        %swap3A_600 = tpu.vector_load %arg14[%swap3A_598, %swap3A_599] {strides = array<i32>} : memref<4x128xf32, #tpu.memory_space<vmem>>, vector<1x16xf32>,
        %swap3A_601 = vector.shape_cast %swap3A_600 : vector<1x16xf32> to vector<16xf32>
        %swap3A_602 = vector.shape_cast %mul3A_596 : vector<16xf32> to vector<1x16xf32>
        tpu.vector_store %arg14[%swap3A_598, %swap3A_599], %swap3A_602 {strides = array<i32>} : memref<4x128xf32, #tpu.memory_space<vmem>>, vector<1x16xf32>,
        %mul3A_603 = arith.constant 0.0303030312 : f32
        %mul3A_604 = vector.broadcast %mul3A_603 : f32 to vector<16xf32>
        %mul3A_605 = arith.mulf %scan3A_547#6, %mul3A_604 : vector<16xf32>
        %swap3A_606 = arith.constant 2 : i32
        %swap3A_607 = arith.index_cast %swap3A_606 : i32 to index
        %swap3A_608 = arith.constant 96 : index
        %swap3A_609 = tpu.vector_load %arg14[%swap3A_607, %swap3A_608] {strides = array<i32>} : memref<4x128xf32, #tpu.memory_space<vmem>>, vector<1x16xf32>,
        %swap3A_610 = vector.shape_cast %swap3A_609 : vector<1x16xf32> to vector<16xf32>
        %swap3A_611 = vector.shape_cast %mul3A_605 : vector<16xf32> to vector<1x16xf32>
        tpu.vector_store %arg14[%swap3A_607, %swap3A_608], %swap3A_611 {strides = array<i32>} : memref<4x128xf32, #tpu.memory_space<vmem>>, vector<1x16xf32>,
        %mul3A_612 = arith.constant 0.0303030312 : f32
        %mul3A_613 = vector.broadcast %mul3A_612 : f32 to vector<16xf32>
        %mul3A_614 = arith.mulf %scan3A_547#7, %mul3A_613 : vector<16xf32>
        %swap3A_615 = arith.constant 2 : i32
        %swap3A_616 = arith.index_cast %swap3A_615 : i32 to index
        %swap3A_617 = arith.constant 112 : index
        %swap3A_618 = tpu.vector_load %arg14[%swap3A_616, %swap3A_617] {strides = array<i32>} : memref<4x128xf32, #tpu.memory_space<vmem>>, vector<1x16xf32>,
        %swap3A_619 = vector.shape_cast %swap3A_618 : vector<1x16xf32> to vector<16xf32>
        %swap3A_620 = vector.shape_cast %mul3A_614 : vector<16xf32> to vector<1x16xf32>
        tpu.vector_store %arg14[%swap3A_616, %swap3A_617], %swap3A_620 {strides = array<i32>} : memref<4x128xf32, #tpu.memory_space<vmem>>, vector<1x16xf32>,
        %get3A_621 = arith.constant 3 : i32
        %get3A_622 = arith.index_cast %get3A_621 : i32 to index
        %get3A_623 = arith.constant 0 : index
        %get3A_624 = tpu.vector_load %arg10[%get3A_622, %get3A_623] {strides = array<i32>} : memref<4x128xf32, #tpu.memory_space<vmem>>, vector<1x16xf32>,
        %get3A_625 = vector.shape_cast %get3A_624 : vector<1x16xf32> to vector<16xf32>
        %get3A_626 = arith.constant 3 : i32
        %get3A_627 = arith.index_cast %get3A_626 : i32 to index
        %get3A_628 = arith.constant 16 : index
        %get3A_629 = tpu.vector_load %arg10[%get3A_627, %get3A_628] {strides = array<i32>} : memref<4x128xf32, #tpu.memory_space<vmem>>, vector<1x16xf32>,
        %get3A_630 = vector.shape_cast %get3A_629 : vector<1x16xf32> to vector<16xf32>
        %get3A_631 = arith.constant 3 : i32
        %get3A_632 = arith.index_cast %get3A_631 : i32 to index
        %get3A_633 = arith.constant 32 : index
        %get3A_634 = tpu.vector_load %arg10[%get3A_632, %get3A_633] {strides = array<i32>} : memref<4x128xf32, #tpu.memory_space<vmem>>, vector<1x16xf32>,
        %get3A_635 = vector.shape_cast %get3A_634 : vector<1x16xf32> to vector<16xf32>
        %get3A_636 = arith.constant 3 : i32
        %get3A_637 = arith.index_cast %get3A_636 : i32 to index
        %get3A_638 = arith.constant 48 : index
        %get3A_639 = tpu.vector_load %arg10[%get3A_637, %get3A_638] {strides = array<i32>} : memref<4x128xf32, #tpu.memory_space<vmem>>, vector<1x16xf32>,
        %get3A_640 = vector.shape_cast %get3A_639 : vector<1x16xf32> to vector<16xf32>
        %get3A_641 = arith.constant 3 : i32
        %get3A_642 = arith.index_cast %get3A_641 : i32 to index
        %get3A_643 = arith.constant 64 : index
        %get3A_644 = tpu.vector_load %arg10[%get3A_642, %get3A_643] {strides = array<i32>} : memref<4x128xf32, #tpu.memory_space<vmem>>, vector<1x16xf32>,
        %get3A_645 = vector.shape_cast %get3A_644 : vector<1x16xf32> to vector<16xf32>
        %get3A_646 = arith.constant 3 : i32
        %get3A_647 = arith.index_cast %get3A_646 : i32 to index
        %get3A_648 = arith.constant 80 : index
        %get3A_649 = tpu.vector_load %arg10[%get3A_647, %get3A_648] {strides = array<i32>} : memref<4x128xf32, #tpu.memory_space<vmem>>, vector<1x16xf32>,
        %get3A_650 = vector.shape_cast %get3A_649 : vector<1x16xf32> to vector<16xf32>
        %get3A_651 = arith.constant 3 : i32
        %get3A_652 = arith.index_cast %get3A_651 : i32 to index
        %get3A_653 = arith.constant 96 : index
        %get3A_654 = tpu.vector_load %arg10[%get3A_652, %get3A_653] {strides = array<i32>} : memref<4x128xf32, #tpu.memory_space<vmem>>, vector<1x16xf32>,
        %get3A_655 = vector.shape_cast %get3A_654 : vector<1x16xf32> to vector<16xf32>
        %get3A_656 = arith.constant 3 : i32
        %get3A_657 = arith.index_cast %get3A_656 : i32 to index
        %get3A_658 = arith.constant 112 : index
        %get3A_659 = tpu.vector_load %arg10[%get3A_657, %get3A_658] {strides = array<i32>} : memref<4x128xf32, #tpu.memory_space<vmem>>, vector<1x16xf32>,
        %get3A_660 = vector.shape_cast %get3A_659 : vector<1x16xf32> to vector<16xf32>
        %scan3A_661 = arith.constant 0 : i32
        %scan3A_662 = arith.constant 32 : i32
        %scan3A_663 = arith.addi %scan3A_661, %scan3A_662 : i32
        %scan3A_664 = arith.constant 1 : i32
        %scan3A_665:8 = scf.for %scan3A_742 = %scan3A_661 to %scan3A_663 step %scan3A_664 iter_args(%scan3A_743 = %get3A_625, %scan3A_744 = %get3A_630, %scan3A_745 = %get3A_635, %scan3A_746 = %get3A_640, %scan3A_747 = %get3A_645, %scan3A_748 = %get3A_650, %scan3A_749 = %get3A_655, %scan3A_750 = %get3A_660) -> (vector<16xf32>, vector<16xf32>, vector<16xf32>, vector<16xf32>, vector<16xf32>, vector<16xf32>, vector<16xf32>, vector<16xf32>)  : i32 {
          %add3A_751 = arith.constant 96 : i32
          %add3A_752 = arith.addi %add3A_751, %scan3A_742 : i32
          %get3A_753 = arith.index_cast %add3A_752 : i32 to index
          %get3A_754 = arith.constant 0 : index
          %get3A_755 = tpu.vector_load %arg6[%get3A_753, %get3A_754] {strides = array<i32>} : memref<128x128xf32, #tpu.memory_space<vmem>>, vector<1x16xf32>,
          %get3A_756 = vector.shape_cast %get3A_755 : vector<1x16xf32> to vector<16xf32>
          %add3A_757 = arith.addf %scan3A_743, %get3A_756 : vector<16xf32>
          %add3A_758 = arith.constant 96 : i32
          %add3A_759 = arith.addi %add3A_758, %scan3A_742 : i32
          %get3A_760 = arith.index_cast %add3A_759 : i32 to index
          %get3A_761 = arith.constant 16 : index
          %get3A_762 = tpu.vector_load %arg6[%get3A_760, %get3A_761] {strides = array<i32>} : memref<128x128xf32, #tpu.memory_space<vmem>>, vector<1x16xf32>,
          %get3A_763 = vector.shape_cast %get3A_762 : vector<1x16xf32> to vector<16xf32>
          %add3A_764 = arith.addf %scan3A_744, %get3A_763 : vector<16xf32>
          %add3A_765 = arith.constant 96 : i32
          %add3A_766 = arith.addi %add3A_765, %scan3A_742 : i32
          %get3A_767 = arith.index_cast %add3A_766 : i32 to index
          %get3A_768 = arith.constant 32 : index
          %get3A_769 = tpu.vector_load %arg6[%get3A_767, %get3A_768] {strides = array<i32>} : memref<128x128xf32, #tpu.memory_space<vmem>>, vector<1x16xf32>,
          %get3A_770 = vector.shape_cast %get3A_769 : vector<1x16xf32> to vector<16xf32>
          %add3A_771 = arith.addf %scan3A_745, %get3A_770 : vector<16xf32>
          %add3A_772 = arith.constant 96 : i32
          %add3A_773 = arith.addi %add3A_772, %scan3A_742 : i32
          %get3A_774 = arith.index_cast %add3A_773 : i32 to index
          %get3A_775 = arith.constant 48 : index
          %get3A_776 = tpu.vector_load %arg6[%get3A_774, %get3A_775] {strides = array<i32>} : memref<128x128xf32, #tpu.memory_space<vmem>>, vector<1x16xf32>,
          %get3A_777 = vector.shape_cast %get3A_776 : vector<1x16xf32> to vector<16xf32>
          %add3A_778 = arith.addf %scan3A_746, %get3A_777 : vector<16xf32>
          %add3A_779 = arith.constant 96 : i32
          %add3A_780 = arith.addi %add3A_779, %scan3A_742 : i32
          %get3A_781 = arith.index_cast %add3A_780 : i32 to index
          %get3A_782 = arith.constant 64 : index
          %get3A_783 = tpu.vector_load %arg6[%get3A_781, %get3A_782] {strides = array<i32>} : memref<128x128xf32, #tpu.memory_space<vmem>>, vector<1x16xf32>,
          %get3A_784 = vector.shape_cast %get3A_783 : vector<1x16xf32> to vector<16xf32>
          %add3A_785 = arith.addf %scan3A_747, %get3A_784 : vector<16xf32>
          %add3A_786 = arith.constant 96 : i32
          %add3A_787 = arith.addi %add3A_786, %scan3A_742 : i32
          %get3A_788 = arith.index_cast %add3A_787 : i32 to index
          %get3A_789 = arith.constant 80 : index
          %get3A_790 = tpu.vector_load %arg6[%get3A_788, %get3A_789] {strides = array<i32>} : memref<128x128xf32, #tpu.memory_space<vmem>>, vector<1x16xf32>,
          %get3A_791 = vector.shape_cast %get3A_790 : vector<1x16xf32> to vector<16xf32>
          %add3A_792 = arith.addf %scan3A_748, %get3A_791 : vector<16xf32>
          %add3A_793 = arith.constant 96 : i32
          %add3A_794 = arith.addi %add3A_793, %scan3A_742 : i32
          %get3A_795 = arith.index_cast %add3A_794 : i32 to index
          %get3A_796 = arith.constant 96 : index
          %get3A_797 = tpu.vector_load %arg6[%get3A_795, %get3A_796] {strides = array<i32>} : memref<128x128xf32, #tpu.memory_space<vmem>>, vector<1x16xf32>,
          %get3A_798 = vector.shape_cast %get3A_797 : vector<1x16xf32> to vector<16xf32>
          %add3A_799 = arith.addf %scan3A_749, %get3A_798 : vector<16xf32>
          %add3A_800 = arith.constant 96 : i32
          %add3A_801 = arith.addi %add3A_800, %scan3A_742 : i32
          %get3A_802 = arith.index_cast %add3A_801 : i32 to index
          %get3A_803 = arith.constant 112 : index
          %get3A_804 = tpu.vector_load %arg6[%get3A_802, %get3A_803] {strides = array<i32>} : memref<128x128xf32, #tpu.memory_space<vmem>>, vector<1x16xf32>,
          %get3A_805 = vector.shape_cast %get3A_804 : vector<1x16xf32> to vector<16xf32>
          %add3A_806 = arith.addf %scan3A_750, %get3A_805 : vector<16xf32>
          scf.yield %add3A_757, %add3A_764, %add3A_771, %add3A_778, %add3A_785, %add3A_792, %add3A_799, %add3A_806 : vector<16xf32>, vector<16xf32>, vector<16xf32>, vector<16xf32>, vector<16xf32>, vector<16xf32>, vector<16xf32>, vector<16xf32>
        }
        %scan3A_666 = arith.constant 32 : i32
        %mul3A_667 = arith.constant 0.0303030312 : f32
        %mul3A_668 = vector.broadcast %mul3A_667 : f32 to vector<16xf32>
        %mul3A_669 = arith.mulf %scan3A_665#0, %mul3A_668 : vector<16xf32>
        %swap3A_670 = arith.constant 3 : i32
        %swap3A_671 = arith.index_cast %swap3A_670 : i32 to index
        %swap3A_672 = arith.constant 0 : index
        %swap3A_673 = tpu.vector_load %arg14[%swap3A_671, %swap3A_672] {strides = array<i32>} : memref<4x128xf32, #tpu.memory_space<vmem>>, vector<1x16xf32>,
        %swap3A_674 = vector.shape_cast %swap3A_673 : vector<1x16xf32> to vector<16xf32>
        %swap3A_675 = vector.shape_cast %mul3A_669 : vector<16xf32> to vector<1x16xf32>
        tpu.vector_store %arg14[%swap3A_671, %swap3A_672], %swap3A_675 {strides = array<i32>} : memref<4x128xf32, #tpu.memory_space<vmem>>, vector<1x16xf32>,
        %mul3A_676 = arith.constant 0.0303030312 : f32
        %mul3A_677 = vector.broadcast %mul3A_676 : f32 to vector<16xf32>
        %mul3A_678 = arith.mulf %scan3A_665#1, %mul3A_677 : vector<16xf32>
        %swap3A_679 = arith.constant 3 : i32
        %swap3A_680 = arith.index_cast %swap3A_679 : i32 to index
        %swap3A_681 = arith.constant 16 : index
        %swap3A_682 = tpu.vector_load %arg14[%swap3A_680, %swap3A_681] {strides = array<i32>} : memref<4x128xf32, #tpu.memory_space<vmem>>, vector<1x16xf32>,
        %swap3A_683 = vector.shape_cast %swap3A_682 : vector<1x16xf32> to vector<16xf32>
        %swap3A_684 = vector.shape_cast %mul3A_678 : vector<16xf32> to vector<1x16xf32>
        tpu.vector_store %arg14[%swap3A_680, %swap3A_681], %swap3A_684 {strides = array<i32>} : memref<4x128xf32, #tpu.memory_space<vmem>>, vector<1x16xf32>,
        %mul3A_685 = arith.constant 0.0303030312 : f32
        %mul3A_686 = vector.broadcast %mul3A_685 : f32 to vector<16xf32>
        %mul3A_687 = arith.mulf %scan3A_665#2, %mul3A_686 : vector<16xf32>
        %swap3A_688 = arith.constant 3 : i32
        %swap3A_689 = arith.index_cast %swap3A_688 : i32 to index
        %swap3A_690 = arith.constant 32 : index
        %swap3A_691 = tpu.vector_load %arg14[%swap3A_689, %swap3A_690] {strides = array<i32>} : memref<4x128xf32, #tpu.memory_space<vmem>>, vector<1x16xf32>,
        %swap3A_692 = vector.shape_cast %swap3A_691 : vector<1x16xf32> to vector<16xf32>
        %swap3A_693 = vector.shape_cast %mul3A_687 : vector<16xf32> to vector<1x16xf32>
        tpu.vector_store %arg14[%swap3A_689, %swap3A_690], %swap3A_693 {strides = array<i32>} : memref<4x128xf32, #tpu.memory_space<vmem>>, vector<1x16xf32>,
        %mul3A_694 = arith.constant 0.0303030312 : f32
        %mul3A_695 = vector.broadcast %mul3A_694 : f32 to vector<16xf32>
        %mul3A_696 = arith.mulf %scan3A_665#3, %mul3A_695 : vector<16xf32>
        %swap3A_697 = arith.constant 3 : i32
        %swap3A_698 = arith.index_cast %swap3A_697 : i32 to index
        %swap3A_699 = arith.constant 48 : index
        %swap3A_700 = tpu.vector_load %arg14[%swap3A_698, %swap3A_699] {strides = array<i32>} : memref<4x128xf32, #tpu.memory_space<vmem>>, vector<1x16xf32>,
        %swap3A_701 = vector.shape_cast %swap3A_700 : vector<1x16xf32> to vector<16xf32>
        %swap3A_702 = vector.shape_cast %mul3A_696 : vector<16xf32> to vector<1x16xf32>
        tpu.vector_store %arg14[%swap3A_698, %swap3A_699], %swap3A_702 {strides = array<i32>} : memref<4x128xf32, #tpu.memory_space<vmem>>, vector<1x16xf32>,
        %mul3A_703 = arith.constant 0.0303030312 : f32
        %mul3A_704 = vector.broadcast %mul3A_703 : f32 to vector<16xf32>
        %mul3A_705 = arith.mulf %scan3A_665#4, %mul3A_704 : vector<16xf32>
        %swap3A_706 = arith.constant 3 : i32
        %swap3A_707 = arith.index_cast %swap3A_706 : i32 to index
        %swap3A_708 = arith.constant 64 : index
        %swap3A_709 = tpu.vector_load %arg14[%swap3A_707, %swap3A_708] {strides = array<i32>} : memref<4x128xf32, #tpu.memory_space<vmem>>, vector<1x16xf32>,
        %swap3A_710 = vector.shape_cast %swap3A_709 : vector<1x16xf32> to vector<16xf32>
        %swap3A_711 = vector.shape_cast %mul3A_705 : vector<16xf32> to vector<1x16xf32>
        tpu.vector_store %arg14[%swap3A_707, %swap3A_708], %swap3A_711 {strides = array<i32>} : memref<4x128xf32, #tpu.memory_space<vmem>>, vector<1x16xf32>,
        %mul3A_712 = arith.constant 0.0303030312 : f32
        %mul3A_713 = vector.broadcast %mul3A_712 : f32 to vector<16xf32>
        %mul3A_714 = arith.mulf %scan3A_665#5, %mul3A_713 : vector<16xf32>
        %swap3A_715 = arith.constant 3 : i32
        %swap3A_716 = arith.index_cast %swap3A_715 : i32 to index
        %swap3A_717 = arith.constant 80 : index
        %swap3A_718 = tpu.vector_load %arg14[%swap3A_716, %swap3A_717] {strides = array<i32>} : memref<4x128xf32, #tpu.memory_space<vmem>>, vector<1x16xf32>,
        %swap3A_719 = vector.shape_cast %swap3A_718 : vector<1x16xf32> to vector<16xf32>
        %swap3A_720 = vector.shape_cast %mul3A_714 : vector<16xf32> to vector<1x16xf32>
        tpu.vector_store %arg14[%swap3A_716, %swap3A_717], %swap3A_720 {strides = array<i32>} : memref<4x128xf32, #tpu.memory_space<vmem>>, vector<1x16xf32>,
        %mul3A_721 = arith.constant 0.0303030312 : f32
        %mul3A_722 = vector.broadcast %mul3A_721 : f32 to vector<16xf32>
        %mul3A_723 = arith.mulf %scan3A_665#6, %mul3A_722 : vector<16xf32>
        %swap3A_724 = arith.constant 3 : i32
        %swap3A_725 = arith.index_cast %swap3A_724 : i32 to index
        %swap3A_726 = arith.constant 96 : index
        %swap3A_727 = tpu.vector_load %arg14[%swap3A_725, %swap3A_726] {strides = array<i32>} : memref<4x128xf32, #tpu.memory_space<vmem>>, vector<1x16xf32>,
        %swap3A_728 = vector.shape_cast %swap3A_727 : vector<1x16xf32> to vector<16xf32>
        %swap3A_729 = vector.shape_cast %mul3A_723 : vector<16xf32> to vector<1x16xf32>
        tpu.vector_store %arg14[%swap3A_725, %swap3A_726], %swap3A_729 {strides = array<i32>} : memref<4x128xf32, #tpu.memory_space<vmem>>, vector<1x16xf32>,
        %mul3A_730 = arith.constant 0.0303030312 : f32
        %mul3A_731 = vector.broadcast %mul3A_730 : f32 to vector<16xf32>
        %mul3A_732 = arith.mulf %scan3A_665#7, %mul3A_731 : vector<16xf32>
        %swap3A_733 = arith.constant 3 : i32
        %swap3A_734 = arith.index_cast %swap3A_733 : i32 to index
        %swap3A_735 = arith.constant 112 : index
        %swap3A_736 = tpu.vector_load %arg14[%swap3A_734, %swap3A_735] {strides = array<i32>} : memref<4x128xf32, #tpu.memory_space<vmem>>, vector<1x16xf32>,
        %swap3A_737 = vector.shape_cast %swap3A_736 : vector<1x16xf32> to vector<16xf32>
        %swap3A_738 = vector.shape_cast %mul3A_732 : vector<16xf32> to vector<1x16xf32>
        tpu.vector_store %arg14[%swap3A_734, %swap3A_735], %swap3A_738 {strides = array<i32>} : memref<4x128xf32, #tpu.memory_space<vmem>>, vector<1x16xf32>,
        %dma_start3A = arith.constant 0 : i32
        %dma_start3A_739 = tpu.memref_slice %arg4[%mul3A_259, %dma_start3A] : memref<10000x128xf32, #tpu.memory_space<hbm>> -> memref<4x128xf32, #tpu.memory_space<hbm>>
        %dma_start3A_740 = arith.constant 0 : i32
        %dma_start3A_741 = tpu.memref_slice %arg4[%mul3A_259, %dma_start3A_740] : memref<10000x128xf32, #tpu.memory_space<hbm>> -> memref<4x128xf32, #tpu.memory_space<hbm>>
        tpu.enqueue_dma source(%arg14 : memref<4x128xf32, #tpu.memory_space<vmem>>) target(%dma_start3A_741 : memref<4x128xf32, #tpu.memory_space<hbm>>) target_semaphore(%arg26 : memref<!tpu.dma_semaphore, #tpu.memory_space<semaphore_mem>>)
      } else {
      }
      %mul3A_143 = arith.constant 4 : i32
      %mul3A_144 = arith.muli %scan3A_105, %mul3A_143 : i32
      %add3A_145 = arith.constant 1 : i32
      %add3A_146 = arith.addi %mul3A_144, %add3A_145 : i32
      %add3A_147 = arith.constant 3 : i32
      %add3A_148 = arith.addi %add3A_146, %add3A_147 : i32
      %lt3A_149 = arith.constant 79 : i32
      %lt3A_150 = arith.cmpi slt, %add3A_148, %lt3A_149 : i32
      %add3A_151 = arith.addi %mul3A_2, %add3A_148 : i32
      %lt3A_152 = arith.constant 2500 : i32
      %lt3A_153 = arith.cmpi slt, %add3A_151, %lt3A_152 : i32
      %and3A_154 = arith.andi %lt3A_150, %lt3A_153 : i1
      %convert_element_type3A_155 = arith.extui %and3A_154 : i1 to i32
      %cond3A_156 = arith.constant 0 : i32
      %cond3A_157 = arith.cmpi ne, %convert_element_type3A_155, %cond3A_156 : i32
      scf.if %cond3A_157 {
        %mul3A_257 = arith.constant 128 : i32
        %mul3A_258 = arith.muli %add3A_148, %mul3A_257 : i32
        %dma_start3A = tpu.memref_slice %arg5[%mul3A_258] : memref<10112xi32, #tpu.memory_space<vmem>> -> memref<128xi32, #tpu.memory_space<vmem>>
        %dma_start3A_259 = arith.constant 0 : i32
        %dma_start3A_260 = arith.constant 0 : i32
        %dma_start3A_261 = tpu.memref_slice %arg2[%dma_start3A_259, %dma_start3A_260] : memref<10000x128xf32, #tpu.memory_space<hbm>> -> memref<10000x128xf32, #tpu.memory_space<hbm>>
        tpu.enqueue_indirect_dma source(%dma_start3A_261 : memref<10000x128xf32, #tpu.memory_space<hbm>>) target(%arg6 : memref<128x128xf32, #tpu.memory_space<vmem>>) offsets(%dma_start3A : memref<128xi32, #tpu.memory_space<vmem>>) semaphore(%arg18 : memref<!tpu.dma_semaphore, #tpu.memory_space<semaphore_mem>>)
        %add3A_262 = arith.addi %mul3A_2, %add3A_148 : i32
        %mul3A_263 = arith.constant 4 : i32
        %mul3A_264 = arith.muli %add3A_262, %mul3A_263 : i32
        %dma_start3A_265 = arith.constant 0 : i32
        %dma_start3A_266 = tpu.memref_slice %arg2[%mul3A_264, %dma_start3A_265] : memref<10000x128xf32, #tpu.memory_space<hbm>> -> memref<4x128xf32, #tpu.memory_space<hbm>>
        %dma_start3A_267 = arith.constant 0 : i32
        %dma_start3A_268 = tpu.memref_slice %arg2[%mul3A_264, %dma_start3A_267] : memref<10000x128xf32, #tpu.memory_space<hbm>> -> memref<4x128xf32, #tpu.memory_space<hbm>>
        tpu.enqueue_dma source(%dma_start3A_268 : memref<4x128xf32, #tpu.memory_space<hbm>>) target(%arg10 : memref<4x128xf32, #tpu.memory_space<vmem>>) target_semaphore(%arg22 : memref<!tpu.dma_semaphore, #tpu.memory_space<semaphore_mem>>)
      } else {
      }
      %sub3A_158 = arith.constant 4 : i32
      %sub3A_159 = arith.subi %add3A_146, %sub3A_158 : i32
      %ge3A_160 = arith.constant 0 : i32
      %ge3A_161 = arith.cmpi sge, %sub3A_159, %ge3A_160 : i32
      %lt3A_162 = arith.constant 79 : i32
      %lt3A_163 = arith.cmpi slt, %sub3A_159, %lt3A_162 : i32
      %add3A_164 = arith.addi %mul3A_2, %sub3A_159 : i32
      %lt3A_165 = arith.constant 2500 : i32
      %lt3A_166 = arith.cmpi slt, %add3A_164, %lt3A_165 : i32
      %and3A_167 = arith.andi %lt3A_163, %lt3A_166 : i1
      %and3A_168 = arith.andi %ge3A_161, %and3A_167 : i1
      %convert_element_type3A_169 = arith.extui %and3A_168 : i1 to i32
      %cond3A_170 = arith.constant 0 : i32
      %cond3A_171 = arith.cmpi ne, %convert_element_type3A_169, %cond3A_170 : i32
      scf.if %cond3A_171 {
        %add3A_257 = arith.addi %mul3A_2, %sub3A_159 : i32
        %mul3A_258 = arith.constant 4 : i32
        %mul3A_259 = arith.muli %add3A_257, %mul3A_258 : i32
        %dma_wait3A = arith.constant 0 : i32
        %dma_wait3A_260 = tpu.memref_slice %arg4[%mul3A_259, %dma_wait3A] : memref<10000x128xf32, #tpu.memory_space<hbm>> -> memref<4x128xf32, #tpu.memory_space<hbm>>
        %dma_wait3A_261 = arith.constant 0 : i32
        %dma_wait3A_262 = tpu.memref_slice %arg4[%mul3A_259, %dma_wait3A_261] : memref<10000x128xf32, #tpu.memory_space<hbm>> -> memref<4x128xf32, #tpu.memory_space<hbm>>
        tpu.wait_dma2 semaphore(%arg27 : memref<!tpu.dma_semaphore, #tpu.memory_space<semaphore_mem>>) src(%arg15 : memref<4x128xf32, #tpu.memory_space<vmem>>) dst(%dma_wait3A_262 : memref<4x128xf32, #tpu.memory_space<hbm>>)
      } else {
      }
      %lt3A_172 = arith.constant 79 : i32
      %lt3A_173 = arith.cmpi slt, %add3A_146, %lt3A_172 : i32
      %add3A_174 = arith.addi %mul3A_2, %add3A_146 : i32
      %lt3A_175 = arith.constant 2500 : i32
      %lt3A_176 = arith.cmpi slt, %add3A_174, %lt3A_175 : i32
      %and3A_177 = arith.andi %lt3A_173, %lt3A_176 : i1
      %convert_element_type3A_178 = arith.extui %and3A_177 : i1 to i32
      %cond3A_179 = arith.constant 0 : i32
      %cond3A_180 = arith.cmpi ne, %convert_element_type3A_178, %cond3A_179 : i32
      scf.if %cond3A_180 {
        %add3A_257 = arith.addi %mul3A_2, %add3A_146 : i32
        %mul3A_258 = arith.constant 4 : i32
        %mul3A_259 = arith.muli %add3A_257, %mul3A_258 : i32
        %mul3A_260 = arith.constant 128 : i32
        %mul3A_261 = arith.muli %add3A_146, %mul3A_260 : i32
        %dma_wait3A = tpu.memref_slice %arg5[%mul3A_261] : memref<10112xi32, #tpu.memory_space<vmem>> -> memref<128xi32, #tpu.memory_space<vmem>>
        %dma_wait3A_262 = arith.constant 0 : i32
        %dma_wait3A_263 = arith.constant 0 : i32
        %dma_wait3A_264 = tpu.memref_slice %arg2[%dma_wait3A_262, %dma_wait3A_263] : memref<10000x128xf32, #tpu.memory_space<hbm>> -> memref<10000x128xf32, #tpu.memory_space<hbm>>
        tpu.wait_indirect_dma semaphore(%arg19 : memref<!tpu.dma_semaphore, #tpu.memory_space<semaphore_mem>>) src(%dma_wait3A_264 : memref<10000x128xf32, #tpu.memory_space<hbm>>) dst(%arg7 : memref<128x128xf32, #tpu.memory_space<vmem>>)
        %dma_wait3A_265 = arith.constant 0 : i32
        %dma_wait3A_266 = tpu.memref_slice %arg2[%mul3A_259, %dma_wait3A_265] : memref<10000x128xf32, #tpu.memory_space<hbm>> -> memref<4x128xf32, #tpu.memory_space<hbm>>
        %dma_wait3A_267 = arith.constant 0 : i32
        %dma_wait3A_268 = tpu.memref_slice %arg2[%mul3A_259, %dma_wait3A_267] : memref<10000x128xf32, #tpu.memory_space<hbm>> -> memref<4x128xf32, #tpu.memory_space<hbm>>
        tpu.wait_dma2 semaphore(%arg23 : memref<!tpu.dma_semaphore, #tpu.memory_space<semaphore_mem>>) src(%dma_wait3A_268 : memref<4x128xf32, #tpu.memory_space<hbm>>) dst(%arg11 : memref<4x128xf32, #tpu.memory_space<vmem>>)
        %get3A = arith.constant 0 : i32
        %get3A_269 = arith.index_cast %get3A : i32 to index
        %get3A_270 = arith.constant 0 : index
        %get3A_271 = tpu.vector_load %arg11[%get3A_269, %get3A_270] {strides = array<i32>} : memref<4x128xf32, #tpu.memory_space<vmem>>, vector<1x16xf32>,
        %get3A_272 = vector.shape_cast %get3A_271 : vector<1x16xf32> to vector<16xf32>
        %get3A_273 = arith.constant 0 : i32
        %get3A_274 = arith.index_cast %get3A_273 : i32 to index
        %get3A_275 = arith.constant 16 : index
        %get3A_276 = tpu.vector_load %arg11[%get3A_274, %get3A_275] {strides = array<i32>} : memref<4x128xf32, #tpu.memory_space<vmem>>, vector<1x16xf32>,
        %get3A_277 = vector.shape_cast %get3A_276 : vector<1x16xf32> to vector<16xf32>
        %get3A_278 = arith.constant 0 : i32
        %get3A_279 = arith.index_cast %get3A_278 : i32 to index
        %get3A_280 = arith.constant 32 : index
        %get3A_281 = tpu.vector_load %arg11[%get3A_279, %get3A_280] {strides = array<i32>} : memref<4x128xf32, #tpu.memory_space<vmem>>, vector<1x16xf32>,
        %get3A_282 = vector.shape_cast %get3A_281 : vector<1x16xf32> to vector<16xf32>
        %get3A_283 = arith.constant 0 : i32
        %get3A_284 = arith.index_cast %get3A_283 : i32 to index
        %get3A_285 = arith.constant 48 : index
        %get3A_286 = tpu.vector_load %arg11[%get3A_284, %get3A_285] {strides = array<i32>} : memref<4x128xf32, #tpu.memory_space<vmem>>, vector<1x16xf32>,
        %get3A_287 = vector.shape_cast %get3A_286 : vector<1x16xf32> to vector<16xf32>
        %get3A_288 = arith.constant 0 : i32
        %get3A_289 = arith.index_cast %get3A_288 : i32 to index
        %get3A_290 = arith.constant 64 : index
        %get3A_291 = tpu.vector_load %arg11[%get3A_289, %get3A_290] {strides = array<i32>} : memref<4x128xf32, #tpu.memory_space<vmem>>, vector<1x16xf32>,
        %get3A_292 = vector.shape_cast %get3A_291 : vector<1x16xf32> to vector<16xf32>
        %get3A_293 = arith.constant 0 : i32
        %get3A_294 = arith.index_cast %get3A_293 : i32 to index
        %get3A_295 = arith.constant 80 : index
        %get3A_296 = tpu.vector_load %arg11[%get3A_294, %get3A_295] {strides = array<i32>} : memref<4x128xf32, #tpu.memory_space<vmem>>, vector<1x16xf32>,
        %get3A_297 = vector.shape_cast %get3A_296 : vector<1x16xf32> to vector<16xf32>
        %get3A_298 = arith.constant 0 : i32
        %get3A_299 = arith.index_cast %get3A_298 : i32 to index
        %get3A_300 = arith.constant 96 : index
        %get3A_301 = tpu.vector_load %arg11[%get3A_299, %get3A_300] {strides = array<i32>} : memref<4x128xf32, #tpu.memory_space<vmem>>, vector<1x16xf32>,
        %get3A_302 = vector.shape_cast %get3A_301 : vector<1x16xf32> to vector<16xf32>
        %get3A_303 = arith.constant 0 : i32
        %get3A_304 = arith.index_cast %get3A_303 : i32 to index
        %get3A_305 = arith.constant 112 : index
        %get3A_306 = tpu.vector_load %arg11[%get3A_304, %get3A_305] {strides = array<i32>} : memref<4x128xf32, #tpu.memory_space<vmem>>, vector<1x16xf32>,
        %get3A_307 = vector.shape_cast %get3A_306 : vector<1x16xf32> to vector<16xf32>
        %scan3A_308 = arith.constant 0 : i32
        %scan3A_309 = arith.constant 32 : i32
        %scan3A_310 = arith.addi %scan3A_308, %scan3A_309 : i32
        %scan3A_311 = arith.constant 1 : i32
        %scan3A_312:8 = scf.for %scan3A_742 = %scan3A_308 to %scan3A_310 step %scan3A_311 iter_args(%scan3A_743 = %get3A_272, %scan3A_744 = %get3A_277, %scan3A_745 = %get3A_282, %scan3A_746 = %get3A_287, %scan3A_747 = %get3A_292, %scan3A_748 = %get3A_297, %scan3A_749 = %get3A_302, %scan3A_750 = %get3A_307) -> (vector<16xf32>, vector<16xf32>, vector<16xf32>, vector<16xf32>, vector<16xf32>, vector<16xf32>, vector<16xf32>, vector<16xf32>)  : i32 {
          %add3A_751 = arith.constant 0 : i32
          %add3A_752 = arith.addi %add3A_751, %scan3A_742 : i32
          %get3A_753 = arith.index_cast %add3A_752 : i32 to index
          %get3A_754 = arith.constant 0 : index
          %get3A_755 = tpu.vector_load %arg7[%get3A_753, %get3A_754] {strides = array<i32>} : memref<128x128xf32, #tpu.memory_space<vmem>>, vector<1x16xf32>,
          %get3A_756 = vector.shape_cast %get3A_755 : vector<1x16xf32> to vector<16xf32>
          %add3A_757 = arith.addf %scan3A_743, %get3A_756 : vector<16xf32>
          %add3A_758 = arith.constant 0 : i32
          %add3A_759 = arith.addi %add3A_758, %scan3A_742 : i32
          %get3A_760 = arith.index_cast %add3A_759 : i32 to index
          %get3A_761 = arith.constant 16 : index
          %get3A_762 = tpu.vector_load %arg7[%get3A_760, %get3A_761] {strides = array<i32>} : memref<128x128xf32, #tpu.memory_space<vmem>>, vector<1x16xf32>,
          %get3A_763 = vector.shape_cast %get3A_762 : vector<1x16xf32> to vector<16xf32>
          %add3A_764 = arith.addf %scan3A_744, %get3A_763 : vector<16xf32>
          %add3A_765 = arith.constant 0 : i32
          %add3A_766 = arith.addi %add3A_765, %scan3A_742 : i32
          %get3A_767 = arith.index_cast %add3A_766 : i32 to index
          %get3A_768 = arith.constant 32 : index
          %get3A_769 = tpu.vector_load %arg7[%get3A_767, %get3A_768] {strides = array<i32>} : memref<128x128xf32, #tpu.memory_space<vmem>>, vector<1x16xf32>,
          %get3A_770 = vector.shape_cast %get3A_769 : vector<1x16xf32> to vector<16xf32>
          %add3A_771 = arith.addf %scan3A_745, %get3A_770 : vector<16xf32>
          %add3A_772 = arith.constant 0 : i32
          %add3A_773 = arith.addi %add3A_772, %scan3A_742 : i32
          %get3A_774 = arith.index_cast %add3A_773 : i32 to index
          %get3A_775 = arith.constant 48 : index
          %get3A_776 = tpu.vector_load %arg7[%get3A_774, %get3A_775] {strides = array<i32>} : memref<128x128xf32, #tpu.memory_space<vmem>>, vector<1x16xf32>,
          %get3A_777 = vector.shape_cast %get3A_776 : vector<1x16xf32> to vector<16xf32>
          %add3A_778 = arith.addf %scan3A_746, %get3A_777 : vector<16xf32>
          %add3A_779 = arith.constant 0 : i32
          %add3A_780 = arith.addi %add3A_779, %scan3A_742 : i32
          %get3A_781 = arith.index_cast %add3A_780 : i32 to index
          %get3A_782 = arith.constant 64 : index
          %get3A_783 = tpu.vector_load %arg7[%get3A_781, %get3A_782] {strides = array<i32>} : memref<128x128xf32, #tpu.memory_space<vmem>>, vector<1x16xf32>,
          %get3A_784 = vector.shape_cast %get3A_783 : vector<1x16xf32> to vector<16xf32>
          %add3A_785 = arith.addf %scan3A_747, %get3A_784 : vector<16xf32>
          %add3A_786 = arith.constant 0 : i32
          %add3A_787 = arith.addi %add3A_786, %scan3A_742 : i32
          %get3A_788 = arith.index_cast %add3A_787 : i32 to index
          %get3A_789 = arith.constant 80 : index
          %get3A_790 = tpu.vector_load %arg7[%get3A_788, %get3A_789] {strides = array<i32>} : memref<128x128xf32, #tpu.memory_space<vmem>>, vector<1x16xf32>,
          %get3A_791 = vector.shape_cast %get3A_790 : vector<1x16xf32> to vector<16xf32>
          %add3A_792 = arith.addf %scan3A_748, %get3A_791 : vector<16xf32>
          %add3A_793 = arith.constant 0 : i32
          %add3A_794 = arith.addi %add3A_793, %scan3A_742 : i32
          %get3A_795 = arith.index_cast %add3A_794 : i32 to index
          %get3A_796 = arith.constant 96 : index
          %get3A_797 = tpu.vector_load %arg7[%get3A_795, %get3A_796] {strides = array<i32>} : memref<128x128xf32, #tpu.memory_space<vmem>>, vector<1x16xf32>,
          %get3A_798 = vector.shape_cast %get3A_797 : vector<1x16xf32> to vector<16xf32>
          %add3A_799 = arith.addf %scan3A_749, %get3A_798 : vector<16xf32>
          %add3A_800 = arith.constant 0 : i32
          %add3A_801 = arith.addi %add3A_800, %scan3A_742 : i32
          %get3A_802 = arith.index_cast %add3A_801 : i32 to index
          %get3A_803 = arith.constant 112 : index
          %get3A_804 = tpu.vector_load %arg7[%get3A_802, %get3A_803] {strides = array<i32>} : memref<128x128xf32, #tpu.memory_space<vmem>>, vector<1x16xf32>,
          %get3A_805 = vector.shape_cast %get3A_804 : vector<1x16xf32> to vector<16xf32>
          %add3A_806 = arith.addf %scan3A_750, %get3A_805 : vector<16xf32>
          scf.yield %add3A_757, %add3A_764, %add3A_771, %add3A_778, %add3A_785, %add3A_792, %add3A_799, %add3A_806 : vector<16xf32>, vector<16xf32>, vector<16xf32>, vector<16xf32>, vector<16xf32>, vector<16xf32>, vector<16xf32>, vector<16xf32>
        }
        %scan3A_313 = arith.constant 32 : i32
        %mul3A_314 = arith.constant 0.0303030312 : f32
        %mul3A_315 = vector.broadcast %mul3A_314 : f32 to vector<16xf32>
        %mul3A_316 = arith.mulf %scan3A_312#0, %mul3A_315 : vector<16xf32>
        %swap3A = arith.constant 0 : i32
        %swap3A_317 = arith.index_cast %swap3A : i32 to index
        %swap3A_318 = arith.constant 0 : index
        %swap3A_319 = tpu.vector_load %arg15[%swap3A_317, %swap3A_318] {strides = array<i32>} : memref<4x128xf32, #tpu.memory_space<vmem>>, vector<1x16xf32>,
        %swap3A_320 = vector.shape_cast %swap3A_319 : vector<1x16xf32> to vector<16xf32>
        %swap3A_321 = vector.shape_cast %mul3A_316 : vector<16xf32> to vector<1x16xf32>
        tpu.vector_store %arg15[%swap3A_317, %swap3A_318], %swap3A_321 {strides = array<i32>} : memref<4x128xf32, #tpu.memory_space<vmem>>, vector<1x16xf32>,
        %mul3A_322 = arith.constant 0.0303030312 : f32
        %mul3A_323 = vector.broadcast %mul3A_322 : f32 to vector<16xf32>
        %mul3A_324 = arith.mulf %scan3A_312#1, %mul3A_323 : vector<16xf32>
        %swap3A_325 = arith.constant 0 : i32
        %swap3A_326 = arith.index_cast %swap3A_325 : i32 to index
        %swap3A_327 = arith.constant 16 : index
        %swap3A_328 = tpu.vector_load %arg15[%swap3A_326, %swap3A_327] {strides = array<i32>} : memref<4x128xf32, #tpu.memory_space<vmem>>, vector<1x16xf32>,
        %swap3A_329 = vector.shape_cast %swap3A_328 : vector<1x16xf32> to vector<16xf32>
        %swap3A_330 = vector.shape_cast %mul3A_324 : vector<16xf32> to vector<1x16xf32>
        tpu.vector_store %arg15[%swap3A_326, %swap3A_327], %swap3A_330 {strides = array<i32>} : memref<4x128xf32, #tpu.memory_space<vmem>>, vector<1x16xf32>,
        %mul3A_331 = arith.constant 0.0303030312 : f32
        %mul3A_332 = vector.broadcast %mul3A_331 : f32 to vector<16xf32>
        %mul3A_333 = arith.mulf %scan3A_312#2, %mul3A_332 : vector<16xf32>
        %swap3A_334 = arith.constant 0 : i32
        %swap3A_335 = arith.index_cast %swap3A_334 : i32 to index
        %swap3A_336 = arith.constant 32 : index
        %swap3A_337 = tpu.vector_load %arg15[%swap3A_335, %swap3A_336] {strides = array<i32>} : memref<4x128xf32, #tpu.memory_space<vmem>>, vector<1x16xf32>,
        %swap3A_338 = vector.shape_cast %swap3A_337 : vector<1x16xf32> to vector<16xf32>
        %swap3A_339 = vector.shape_cast %mul3A_333 : vector<16xf32> to vector<1x16xf32>
        tpu.vector_store %arg15[%swap3A_335, %swap3A_336], %swap3A_339 {strides = array<i32>} : memref<4x128xf32, #tpu.memory_space<vmem>>, vector<1x16xf32>,
        %mul3A_340 = arith.constant 0.0303030312 : f32
        %mul3A_341 = vector.broadcast %mul3A_340 : f32 to vector<16xf32>
        %mul3A_342 = arith.mulf %scan3A_312#3, %mul3A_341 : vector<16xf32>
        %swap3A_343 = arith.constant 0 : i32
        %swap3A_344 = arith.index_cast %swap3A_343 : i32 to index
        %swap3A_345 = arith.constant 48 : index
        %swap3A_346 = tpu.vector_load %arg15[%swap3A_344, %swap3A_345] {strides = array<i32>} : memref<4x128xf32, #tpu.memory_space<vmem>>, vector<1x16xf32>,
        %swap3A_347 = vector.shape_cast %swap3A_346 : vector<1x16xf32> to vector<16xf32>
        %swap3A_348 = vector.shape_cast %mul3A_342 : vector<16xf32> to vector<1x16xf32>
        tpu.vector_store %arg15[%swap3A_344, %swap3A_345], %swap3A_348 {strides = array<i32>} : memref<4x128xf32, #tpu.memory_space<vmem>>, vector<1x16xf32>,
        %mul3A_349 = arith.constant 0.0303030312 : f32
        %mul3A_350 = vector.broadcast %mul3A_349 : f32 to vector<16xf32>
        %mul3A_351 = arith.mulf %scan3A_312#4, %mul3A_350 : vector<16xf32>
        %swap3A_352 = arith.constant 0 : i32
        %swap3A_353 = arith.index_cast %swap3A_352 : i32 to index
        %swap3A_354 = arith.constant 64 : index
        %swap3A_355 = tpu.vector_load %arg15[%swap3A_353, %swap3A_354] {strides = array<i32>} : memref<4x128xf32, #tpu.memory_space<vmem>>, vector<1x16xf32>,
        %swap3A_356 = vector.shape_cast %swap3A_355 : vector<1x16xf32> to vector<16xf32>
        %swap3A_357 = vector.shape_cast %mul3A_351 : vector<16xf32> to vector<1x16xf32>
        tpu.vector_store %arg15[%swap3A_353, %swap3A_354], %swap3A_357 {strides = array<i32>} : memref<4x128xf32, #tpu.memory_space<vmem>>, vector<1x16xf32>,
        %mul3A_358 = arith.constant 0.0303030312 : f32
        %mul3A_359 = vector.broadcast %mul3A_358 : f32 to vector<16xf32>
        %mul3A_360 = arith.mulf %scan3A_312#5, %mul3A_359 : vector<16xf32>
        %swap3A_361 = arith.constant 0 : i32
        %swap3A_362 = arith.index_cast %swap3A_361 : i32 to index
        %swap3A_363 = arith.constant 80 : index
        %swap3A_364 = tpu.vector_load %arg15[%swap3A_362, %swap3A_363] {strides = array<i32>} : memref<4x128xf32, #tpu.memory_space<vmem>>, vector<1x16xf32>,
        %swap3A_365 = vector.shape_cast %swap3A_364 : vector<1x16xf32> to vector<16xf32>
        %swap3A_366 = vector.shape_cast %mul3A_360 : vector<16xf32> to vector<1x16xf32>
        tpu.vector_store %arg15[%swap3A_362, %swap3A_363], %swap3A_366 {strides = array<i32>} : memref<4x128xf32, #tpu.memory_space<vmem>>, vector<1x16xf32>,
        %mul3A_367 = arith.constant 0.0303030312 : f32
        %mul3A_368 = vector.broadcast %mul3A_367 : f32 to vector<16xf32>
        %mul3A_369 = arith.mulf %scan3A_312#6, %mul3A_368 : vector<16xf32>
        %swap3A_370 = arith.constant 0 : i32
        %swap3A_371 = arith.index_cast %swap3A_370 : i32 to index
        %swap3A_372 = arith.constant 96 : index
        %swap3A_373 = tpu.vector_load %arg15[%swap3A_371, %swap3A_372] {strides = array<i32>} : memref<4x128xf32, #tpu.memory_space<vmem>>, vector<1x16xf32>,
        %swap3A_374 = vector.shape_cast %swap3A_373 : vector<1x16xf32> to vector<16xf32>
        %swap3A_375 = vector.shape_cast %mul3A_369 : vector<16xf32> to vector<1x16xf32>
        tpu.vector_store %arg15[%swap3A_371, %swap3A_372], %swap3A_375 {strides = array<i32>} : memref<4x128xf32, #tpu.memory_space<vmem>>, vector<1x16xf32>,
        %mul3A_376 = arith.constant 0.0303030312 : f32
        %mul3A_377 = vector.broadcast %mul3A_376 : f32 to vector<16xf32>
        %mul3A_378 = arith.mulf %scan3A_312#7, %mul3A_377 : vector<16xf32>
        %swap3A_379 = arith.constant 0 : i32
        %swap3A_380 = arith.index_cast %swap3A_379 : i32 to index
        %swap3A_381 = arith.constant 112 : index
        %swap3A_382 = tpu.vector_load %arg15[%swap3A_380, %swap3A_381] {strides = array<i32>} : memref<4x128xf32, #tpu.memory_space<vmem>>, vector<1x16xf32>,
        %swap3A_383 = vector.shape_cast %swap3A_382 : vector<1x16xf32> to vector<16xf32>
        %swap3A_384 = vector.shape_cast %mul3A_378 : vector<16xf32> to vector<1x16xf32>
        tpu.vector_store %arg15[%swap3A_380, %swap3A_381], %swap3A_384 {strides = array<i32>} : memref<4x128xf32, #tpu.memory_space<vmem>>, vector<1x16xf32>,
        %get3A_385 = arith.constant 1 : i32
        %get3A_386 = arith.index_cast %get3A_385 : i32 to index
        %get3A_387 = arith.constant 0 : index
        %get3A_388 = tpu.vector_load %arg11[%get3A_386, %get3A_387] {strides = array<i32>} : memref<4x128xf32, #tpu.memory_space<vmem>>, vector<1x16xf32>,
        %get3A_389 = vector.shape_cast %get3A_388 : vector<1x16xf32> to vector<16xf32>
        %get3A_390 = arith.constant 1 : i32
        %get3A_391 = arith.index_cast %get3A_390 : i32 to index
        %get3A_392 = arith.constant 16 : index
        %get3A_393 = tpu.vector_load %arg11[%get3A_391, %get3A_392] {strides = array<i32>} : memref<4x128xf32, #tpu.memory_space<vmem>>, vector<1x16xf32>,
        %get3A_394 = vector.shape_cast %get3A_393 : vector<1x16xf32> to vector<16xf32>
        %get3A_395 = arith.constant 1 : i32
        %get3A_396 = arith.index_cast %get3A_395 : i32 to index
        %get3A_397 = arith.constant 32 : index
        %get3A_398 = tpu.vector_load %arg11[%get3A_396, %get3A_397] {strides = array<i32>} : memref<4x128xf32, #tpu.memory_space<vmem>>, vector<1x16xf32>,
        %get3A_399 = vector.shape_cast %get3A_398 : vector<1x16xf32> to vector<16xf32>
        %get3A_400 = arith.constant 1 : i32
        %get3A_401 = arith.index_cast %get3A_400 : i32 to index
        %get3A_402 = arith.constant 48 : index
        %get3A_403 = tpu.vector_load %arg11[%get3A_401, %get3A_402] {strides = array<i32>} : memref<4x128xf32, #tpu.memory_space<vmem>>, vector<1x16xf32>,
        %get3A_404 = vector.shape_cast %get3A_403 : vector<1x16xf32> to vector<16xf32>
        %get3A_405 = arith.constant 1 : i32
        %get3A_406 = arith.index_cast %get3A_405 : i32 to index
        %get3A_407 = arith.constant 64 : index
        %get3A_408 = tpu.vector_load %arg11[%get3A_406, %get3A_407] {strides = array<i32>} : memref<4x128xf32, #tpu.memory_space<vmem>>, vector<1x16xf32>,
        %get3A_409 = vector.shape_cast %get3A_408 : vector<1x16xf32> to vector<16xf32>
        %get3A_410 = arith.constant 1 : i32
        %get3A_411 = arith.index_cast %get3A_410 : i32 to index
        %get3A_412 = arith.constant 80 : index
        %get3A_413 = tpu.vector_load %arg11[%get3A_411, %get3A_412] {strides = array<i32>} : memref<4x128xf32, #tpu.memory_space<vmem>>, vector<1x16xf32>,
        %get3A_414 = vector.shape_cast %get3A_413 : vector<1x16xf32> to vector<16xf32>
        %get3A_415 = arith.constant 1 : i32
        %get3A_416 = arith.index_cast %get3A_415 : i32 to index
        %get3A_417 = arith.constant 96 : index
        %get3A_418 = tpu.vector_load %arg11[%get3A_416, %get3A_417] {strides = array<i32>} : memref<4x128xf32, #tpu.memory_space<vmem>>, vector<1x16xf32>,
        %get3A_419 = vector.shape_cast %get3A_418 : vector<1x16xf32> to vector<16xf32>
        %get3A_420 = arith.constant 1 : i32
        %get3A_421 = arith.index_cast %get3A_420 : i32 to index
        %get3A_422 = arith.constant 112 : index
        %get3A_423 = tpu.vector_load %arg11[%get3A_421, %get3A_422] {strides = array<i32>} : memref<4x128xf32, #tpu.memory_space<vmem>>, vector<1x16xf32>,
        %get3A_424 = vector.shape_cast %get3A_423 : vector<1x16xf32> to vector<16xf32>
        %scan3A_425 = arith.constant 0 : i32
        %scan3A_426 = arith.constant 32 : i32
        %scan3A_427 = arith.addi %scan3A_425, %scan3A_426 : i32
        %scan3A_428 = arith.constant 1 : i32
        %scan3A_429:8 = scf.for %scan3A_742 = %scan3A_425 to %scan3A_427 step %scan3A_428 iter_args(%scan3A_743 = %get3A_389, %scan3A_744 = %get3A_394, %scan3A_745 = %get3A_399, %scan3A_746 = %get3A_404, %scan3A_747 = %get3A_409, %scan3A_748 = %get3A_414, %scan3A_749 = %get3A_419, %scan3A_750 = %get3A_424) -> (vector<16xf32>, vector<16xf32>, vector<16xf32>, vector<16xf32>, vector<16xf32>, vector<16xf32>, vector<16xf32>, vector<16xf32>)  : i32 {
          %add3A_751 = arith.constant 32 : i32
          %add3A_752 = arith.addi %add3A_751, %scan3A_742 : i32
          %get3A_753 = arith.index_cast %add3A_752 : i32 to index
          %get3A_754 = arith.constant 0 : index
          %get3A_755 = tpu.vector_load %arg7[%get3A_753, %get3A_754] {strides = array<i32>} : memref<128x128xf32, #tpu.memory_space<vmem>>, vector<1x16xf32>,
          %get3A_756 = vector.shape_cast %get3A_755 : vector<1x16xf32> to vector<16xf32>
          %add3A_757 = arith.addf %scan3A_743, %get3A_756 : vector<16xf32>
          %add3A_758 = arith.constant 32 : i32
          %add3A_759 = arith.addi %add3A_758, %scan3A_742 : i32
          %get3A_760 = arith.index_cast %add3A_759 : i32 to index
          %get3A_761 = arith.constant 16 : index
          %get3A_762 = tpu.vector_load %arg7[%get3A_760, %get3A_761] {strides = array<i32>} : memref<128x128xf32, #tpu.memory_space<vmem>>, vector<1x16xf32>,
          %get3A_763 = vector.shape_cast %get3A_762 : vector<1x16xf32> to vector<16xf32>
          %add3A_764 = arith.addf %scan3A_744, %get3A_763 : vector<16xf32>
          %add3A_765 = arith.constant 32 : i32
          %add3A_766 = arith.addi %add3A_765, %scan3A_742 : i32
          %get3A_767 = arith.index_cast %add3A_766 : i32 to index
          %get3A_768 = arith.constant 32 : index
          %get3A_769 = tpu.vector_load %arg7[%get3A_767, %get3A_768] {strides = array<i32>} : memref<128x128xf32, #tpu.memory_space<vmem>>, vector<1x16xf32>,
          %get3A_770 = vector.shape_cast %get3A_769 : vector<1x16xf32> to vector<16xf32>
          %add3A_771 = arith.addf %scan3A_745, %get3A_770 : vector<16xf32>
          %add3A_772 = arith.constant 32 : i32
          %add3A_773 = arith.addi %add3A_772, %scan3A_742 : i32
          %get3A_774 = arith.index_cast %add3A_773 : i32 to index
          %get3A_775 = arith.constant 48 : index
          %get3A_776 = tpu.vector_load %arg7[%get3A_774, %get3A_775] {strides = array<i32>} : memref<128x128xf32, #tpu.memory_space<vmem>>, vector<1x16xf32>,
          %get3A_777 = vector.shape_cast %get3A_776 : vector<1x16xf32> to vector<16xf32>
          %add3A_778 = arith.addf %scan3A_746, %get3A_777 : vector<16xf32>
          %add3A_779 = arith.constant 32 : i32
          %add3A_780 = arith.addi %add3A_779, %scan3A_742 : i32
          %get3A_781 = arith.index_cast %add3A_780 : i32 to index
          %get3A_782 = arith.constant 64 : index
          %get3A_783 = tpu.vector_load %arg7[%get3A_781, %get3A_782] {strides = array<i32>} : memref<128x128xf32, #tpu.memory_space<vmem>>, vector<1x16xf32>,
          %get3A_784 = vector.shape_cast %get3A_783 : vector<1x16xf32> to vector<16xf32>
          %add3A_785 = arith.addf %scan3A_747, %get3A_784 : vector<16xf32>
          %add3A_786 = arith.constant 32 : i32
          %add3A_787 = arith.addi %add3A_786, %scan3A_742 : i32
          %get3A_788 = arith.index_cast %add3A_787 : i32 to index
          %get3A_789 = arith.constant 80 : index
          %get3A_790 = tpu.vector_load %arg7[%get3A_788, %get3A_789] {strides = array<i32>} : memref<128x128xf32, #tpu.memory_space<vmem>>, vector<1x16xf32>,
          %get3A_791 = vector.shape_cast %get3A_790 : vector<1x16xf32> to vector<16xf32>
          %add3A_792 = arith.addf %scan3A_748, %get3A_791 : vector<16xf32>
          %add3A_793 = arith.constant 32 : i32
          %add3A_794 = arith.addi %add3A_793, %scan3A_742 : i32
          %get3A_795 = arith.index_cast %add3A_794 : i32 to index
          %get3A_796 = arith.constant 96 : index
          %get3A_797 = tpu.vector_load %arg7[%get3A_795, %get3A_796] {strides = array<i32>} : memref<128x128xf32, #tpu.memory_space<vmem>>, vector<1x16xf32>,
          %get3A_798 = vector.shape_cast %get3A_797 : vector<1x16xf32> to vector<16xf32>
          %add3A_799 = arith.addf %scan3A_749, %get3A_798 : vector<16xf32>
          %add3A_800 = arith.constant 32 : i32
          %add3A_801 = arith.addi %add3A_800, %scan3A_742 : i32
          %get3A_802 = arith.index_cast %add3A_801 : i32 to index
          %get3A_803 = arith.constant 112 : index
          %get3A_804 = tpu.vector_load %arg7[%get3A_802, %get3A_803] {strides = array<i32>} : memref<128x128xf32, #tpu.memory_space<vmem>>, vector<1x16xf32>,
          %get3A_805 = vector.shape_cast %get3A_804 : vector<1x16xf32> to vector<16xf32>
          %add3A_806 = arith.addf %scan3A_750, %get3A_805 : vector<16xf32>
          scf.yield %add3A_757, %add3A_764, %add3A_771, %add3A_778, %add3A_785, %add3A_792, %add3A_799, %add3A_806 : vector<16xf32>, vector<16xf32>, vector<16xf32>, vector<16xf32>, vector<16xf32>, vector<16xf32>, vector<16xf32>, vector<16xf32>
        }
        %scan3A_430 = arith.constant 32 : i32
        %mul3A_431 = arith.constant 0.0303030312 : f32
        %mul3A_432 = vector.broadcast %mul3A_431 : f32 to vector<16xf32>
        %mul3A_433 = arith.mulf %scan3A_429#0, %mul3A_432 : vector<16xf32>
        %swap3A_434 = arith.constant 1 : i32
        %swap3A_435 = arith.index_cast %swap3A_434 : i32 to index
        %swap3A_436 = arith.constant 0 : index
        %swap3A_437 = tpu.vector_load %arg15[%swap3A_435, %swap3A_436] {strides = array<i32>} : memref<4x128xf32, #tpu.memory_space<vmem>>, vector<1x16xf32>,
        %swap3A_438 = vector.shape_cast %swap3A_437 : vector<1x16xf32> to vector<16xf32>
        %swap3A_439 = vector.shape_cast %mul3A_433 : vector<16xf32> to vector<1x16xf32>
        tpu.vector_store %arg15[%swap3A_435, %swap3A_436], %swap3A_439 {strides = array<i32>} : memref<4x128xf32, #tpu.memory_space<vmem>>, vector<1x16xf32>,
        %mul3A_440 = arith.constant 0.0303030312 : f32
        %mul3A_441 = vector.broadcast %mul3A_440 : f32 to vector<16xf32>
        %mul3A_442 = arith.mulf %scan3A_429#1, %mul3A_441 : vector<16xf32>
        %swap3A_443 = arith.constant 1 : i32
        %swap3A_444 = arith.index_cast %swap3A_443 : i32 to index
        %swap3A_445 = arith.constant 16 : index
        %swap3A_446 = tpu.vector_load %arg15[%swap3A_444, %swap3A_445] {strides = array<i32>} : memref<4x128xf32, #tpu.memory_space<vmem>>, vector<1x16xf32>,
        %swap3A_447 = vector.shape_cast %swap3A_446 : vector<1x16xf32> to vector<16xf32>
        %swap3A_448 = vector.shape_cast %mul3A_442 : vector<16xf32> to vector<1x16xf32>
        tpu.vector_store %arg15[%swap3A_444, %swap3A_445], %swap3A_448 {strides = array<i32>} : memref<4x128xf32, #tpu.memory_space<vmem>>, vector<1x16xf32>,
        %mul3A_449 = arith.constant 0.0303030312 : f32
        %mul3A_450 = vector.broadcast %mul3A_449 : f32 to vector<16xf32>
        %mul3A_451 = arith.mulf %scan3A_429#2, %mul3A_450 : vector<16xf32>
        %swap3A_452 = arith.constant 1 : i32
        %swap3A_453 = arith.index_cast %swap3A_452 : i32 to index
        %swap3A_454 = arith.constant 32 : index
        %swap3A_455 = tpu.vector_load %arg15[%swap3A_453, %swap3A_454] {strides = array<i32>} : memref<4x128xf32, #tpu.memory_space<vmem>>, vector<1x16xf32>,
        %swap3A_456 = vector.shape_cast %swap3A_455 : vector<1x16xf32> to vector<16xf32>
        %swap3A_457 = vector.shape_cast %mul3A_451 : vector<16xf32> to vector<1x16xf32>
        tpu.vector_store %arg15[%swap3A_453, %swap3A_454], %swap3A_457 {strides = array<i32>} : memref<4x128xf32, #tpu.memory_space<vmem>>, vector<1x16xf32>,
        %mul3A_458 = arith.constant 0.0303030312 : f32
        %mul3A_459 = vector.broadcast %mul3A_458 : f32 to vector<16xf32>
        %mul3A_460 = arith.mulf %scan3A_429#3, %mul3A_459 : vector<16xf32>
        %swap3A_461 = arith.constant 1 : i32
        %swap3A_462 = arith.index_cast %swap3A_461 : i32 to index
        %swap3A_463 = arith.constant 48 : index
        %swap3A_464 = tpu.vector_load %arg15[%swap3A_462, %swap3A_463] {strides = array<i32>} : memref<4x128xf32, #tpu.memory_space<vmem>>, vector<1x16xf32>,
        %swap3A_465 = vector.shape_cast %swap3A_464 : vector<1x16xf32> to vector<16xf32>
        %swap3A_466 = vector.shape_cast %mul3A_460 : vector<16xf32> to vector<1x16xf32>
        tpu.vector_store %arg15[%swap3A_462, %swap3A_463], %swap3A_466 {strides = array<i32>} : memref<4x128xf32, #tpu.memory_space<vmem>>, vector<1x16xf32>,
        %mul3A_467 = arith.constant 0.0303030312 : f32
        %mul3A_468 = vector.broadcast %mul3A_467 : f32 to vector<16xf32>
        %mul3A_469 = arith.mulf %scan3A_429#4, %mul3A_468 : vector<16xf32>
        %swap3A_470 = arith.constant 1 : i32
        %swap3A_471 = arith.index_cast %swap3A_470 : i32 to index
        %swap3A_472 = arith.constant 64 : index
        %swap3A_473 = tpu.vector_load %arg15[%swap3A_471, %swap3A_472] {strides = array<i32>} : memref<4x128xf32, #tpu.memory_space<vmem>>, vector<1x16xf32>,
        %swap3A_474 = vector.shape_cast %swap3A_473 : vector<1x16xf32> to vector<16xf32>
        %swap3A_475 = vector.shape_cast %mul3A_469 : vector<16xf32> to vector<1x16xf32>
        tpu.vector_store %arg15[%swap3A_471, %swap3A_472], %swap3A_475 {strides = array<i32>} : memref<4x128xf32, #tpu.memory_space<vmem>>, vector<1x16xf32>,
        %mul3A_476 = arith.constant 0.0303030312 : f32
        %mul3A_477 = vector.broadcast %mul3A_476 : f32 to vector<16xf32>
        %mul3A_478 = arith.mulf %scan3A_429#5, %mul3A_477 : vector<16xf32>
        %swap3A_479 = arith.constant 1 : i32
        %swap3A_480 = arith.index_cast %swap3A_479 : i32 to index
        %swap3A_481 = arith.constant 80 : index
        %swap3A_482 = tpu.vector_load %arg15[%swap3A_480, %swap3A_481] {strides = array<i32>} : memref<4x128xf32, #tpu.memory_space<vmem>>, vector<1x16xf32>,
        %swap3A_483 = vector.shape_cast %swap3A_482 : vector<1x16xf32> to vector<16xf32>
        %swap3A_484 = vector.shape_cast %mul3A_478 : vector<16xf32> to vector<1x16xf32>
        tpu.vector_store %arg15[%swap3A_480, %swap3A_481], %swap3A_484 {strides = array<i32>} : memref<4x128xf32, #tpu.memory_space<vmem>>, vector<1x16xf32>,
        %mul3A_485 = arith.constant 0.0303030312 : f32
        %mul3A_486 = vector.broadcast %mul3A_485 : f32 to vector<16xf32>
        %mul3A_487 = arith.mulf %scan3A_429#6, %mul3A_486 : vector<16xf32>
        %swap3A_488 = arith.constant 1 : i32
        %swap3A_489 = arith.index_cast %swap3A_488 : i32 to index
        %swap3A_490 = arith.constant 96 : index
        %swap3A_491 = tpu.vector_load %arg15[%swap3A_489, %swap3A_490] {strides = array<i32>} : memref<4x128xf32, #tpu.memory_space<vmem>>, vector<1x16xf32>,
        %swap3A_492 = vector.shape_cast %swap3A_491 : vector<1x16xf32> to vector<16xf32>
        %swap3A_493 = vector.shape_cast %mul3A_487 : vector<16xf32> to vector<1x16xf32>
        tpu.vector_store %arg15[%swap3A_489, %swap3A_490], %swap3A_493 {strides = array<i32>} : memref<4x128xf32, #tpu.memory_space<vmem>>, vector<1x16xf32>,
        %mul3A_494 = arith.constant 0.0303030312 : f32
        %mul3A_495 = vector.broadcast %mul3A_494 : f32 to vector<16xf32>
        %mul3A_496 = arith.mulf %scan3A_429#7, %mul3A_495 : vector<16xf32>
        %swap3A_497 = arith.constant 1 : i32
        %swap3A_498 = arith.index_cast %swap3A_497 : i32 to index
        %swap3A_499 = arith.constant 112 : index
        %swap3A_500 = tpu.vector_load %arg15[%swap3A_498, %swap3A_499] {strides = array<i32>} : memref<4x128xf32, #tpu.memory_space<vmem>>, vector<1x16xf32>,
        %swap3A_501 = vector.shape_cast %swap3A_500 : vector<1x16xf32> to vector<16xf32>
        %swap3A_502 = vector.shape_cast %mul3A_496 : vector<16xf32> to vector<1x16xf32>
        tpu.vector_store %arg15[%swap3A_498, %swap3A_499], %swap3A_502 {strides = array<i32>} : memref<4x128xf32, #tpu.memory_space<vmem>>, vector<1x16xf32>,
        %get3A_503 = arith.constant 2 : i32
        %get3A_504 = arith.index_cast %get3A_503 : i32 to index
        %get3A_505 = arith.constant 0 : index
        %get3A_506 = tpu.vector_load %arg11[%get3A_504, %get3A_505] {strides = array<i32>} : memref<4x128xf32, #tpu.memory_space<vmem>>, vector<1x16xf32>,
        %get3A_507 = vector.shape_cast %get3A_506 : vector<1x16xf32> to vector<16xf32>
        %get3A_508 = arith.constant 2 : i32
        %get3A_509 = arith.index_cast %get3A_508 : i32 to index
        %get3A_510 = arith.constant 16 : index
        %get3A_511 = tpu.vector_load %arg11[%get3A_509, %get3A_510] {strides = array<i32>} : memref<4x128xf32, #tpu.memory_space<vmem>>, vector<1x16xf32>,
        %get3A_512 = vector.shape_cast %get3A_511 : vector<1x16xf32> to vector<16xf32>
        %get3A_513 = arith.constant 2 : i32
        %get3A_514 = arith.index_cast %get3A_513 : i32 to index
        %get3A_515 = arith.constant 32 : index
        %get3A_516 = tpu.vector_load %arg11[%get3A_514, %get3A_515] {strides = array<i32>} : memref<4x128xf32, #tpu.memory_space<vmem>>, vector<1x16xf32>,
        %get3A_517 = vector.shape_cast %get3A_516 : vector<1x16xf32> to vector<16xf32>
        %get3A_518 = arith.constant 2 : i32
        %get3A_519 = arith.index_cast %get3A_518 : i32 to index
        %get3A_520 = arith.constant 48 : index
        %get3A_521 = tpu.vector_load %arg11[%get3A_519, %get3A_520] {strides = array<i32>} : memref<4x128xf32, #tpu.memory_space<vmem>>, vector<1x16xf32>,
        %get3A_522 = vector.shape_cast %get3A_521 : vector<1x16xf32> to vector<16xf32>
        %get3A_523 = arith.constant 2 : i32
        %get3A_524 = arith.index_cast %get3A_523 : i32 to index
        %get3A_525 = arith.constant 64 : index
        %get3A_526 = tpu.vector_load %arg11[%get3A_524, %get3A_525] {strides = array<i32>} : memref<4x128xf32, #tpu.memory_space<vmem>>, vector<1x16xf32>,
        %get3A_527 = vector.shape_cast %get3A_526 : vector<1x16xf32> to vector<16xf32>
        %get3A_528 = arith.constant 2 : i32
        %get3A_529 = arith.index_cast %get3A_528 : i32 to index
        %get3A_530 = arith.constant 80 : index
        %get3A_531 = tpu.vector_load %arg11[%get3A_529, %get3A_530] {strides = array<i32>} : memref<4x128xf32, #tpu.memory_space<vmem>>, vector<1x16xf32>,
        %get3A_532 = vector.shape_cast %get3A_531 : vector<1x16xf32> to vector<16xf32>
        %get3A_533 = arith.constant 2 : i32
        %get3A_534 = arith.index_cast %get3A_533 : i32 to index
        %get3A_535 = arith.constant 96 : index
        %get3A_536 = tpu.vector_load %arg11[%get3A_534, %get3A_535] {strides = array<i32>} : memref<4x128xf32, #tpu.memory_space<vmem>>, vector<1x16xf32>,
        %get3A_537 = vector.shape_cast %get3A_536 : vector<1x16xf32> to vector<16xf32>
        %get3A_538 = arith.constant 2 : i32
        %get3A_539 = arith.index_cast %get3A_538 : i32 to index
        %get3A_540 = arith.constant 112 : index
        %get3A_541 = tpu.vector_load %arg11[%get3A_539, %get3A_540] {strides = array<i32>} : memref<4x128xf32, #tpu.memory_space<vmem>>, vector<1x16xf32>,
        %get3A_542 = vector.shape_cast %get3A_541 : vector<1x16xf32> to vector<16xf32>
        %scan3A_543 = arith.constant 0 : i32
        %scan3A_544 = arith.constant 32 : i32
        %scan3A_545 = arith.addi %scan3A_543, %scan3A_544 : i32
        %scan3A_546 = arith.constant 1 : i32
        %scan3A_547:8 = scf.for %scan3A_742 = %scan3A_543 to %scan3A_545 step %scan3A_546 iter_args(%scan3A_743 = %get3A_507, %scan3A_744 = %get3A_512, %scan3A_745 = %get3A_517, %scan3A_746 = %get3A_522, %scan3A_747 = %get3A_527, %scan3A_748 = %get3A_532, %scan3A_749 = %get3A_537, %scan3A_750 = %get3A_542) -> (vector<16xf32>, vector<16xf32>, vector<16xf32>, vector<16xf32>, vector<16xf32>, vector<16xf32>, vector<16xf32>, vector<16xf32>)  : i32 {
          %add3A_751 = arith.constant 64 : i32
          %add3A_752 = arith.addi %add3A_751, %scan3A_742 : i32
          %get3A_753 = arith.index_cast %add3A_752 : i32 to index
          %get3A_754 = arith.constant 0 : index
          %get3A_755 = tpu.vector_load %arg7[%get3A_753, %get3A_754] {strides = array<i32>} : memref<128x128xf32, #tpu.memory_space<vmem>>, vector<1x16xf32>,
          %get3A_756 = vector.shape_cast %get3A_755 : vector<1x16xf32> to vector<16xf32>
          %add3A_757 = arith.addf %scan3A_743, %get3A_756 : vector<16xf32>
          %add3A_758 = arith.constant 64 : i32
          %add3A_759 = arith.addi %add3A_758, %scan3A_742 : i32
          %get3A_760 = arith.index_cast %add3A_759 : i32 to index
          %get3A_761 = arith.constant 16 : index
          %get3A_762 = tpu.vector_load %arg7[%get3A_760, %get3A_761] {strides = array<i32>} : memref<128x128xf32, #tpu.memory_space<vmem>>, vector<1x16xf32>,
          %get3A_763 = vector.shape_cast %get3A_762 : vector<1x16xf32> to vector<16xf32>
          %add3A_764 = arith.addf %scan3A_744, %get3A_763 : vector<16xf32>
          %add3A_765 = arith.constant 64 : i32
          %add3A_766 = arith.addi %add3A_765, %scan3A_742 : i32
          %get3A_767 = arith.index_cast %add3A_766 : i32 to index
          %get3A_768 = arith.constant 32 : index
          %get3A_769 = tpu.vector_load %arg7[%get3A_767, %get3A_768] {strides = array<i32>} : memref<128x128xf32, #tpu.memory_space<vmem>>, vector<1x16xf32>,
          %get3A_770 = vector.shape_cast %get3A_769 : vector<1x16xf32> to vector<16xf32>
          %add3A_771 = arith.addf %scan3A_745, %get3A_770 : vector<16xf32>
          %add3A_772 = arith.constant 64 : i32
          %add3A_773 = arith.addi %add3A_772, %scan3A_742 : i32
          %get3A_774 = arith.index_cast %add3A_773 : i32 to index
          %get3A_775 = arith.constant 48 : index
          %get3A_776 = tpu.vector_load %arg7[%get3A_774, %get3A_775] {strides = array<i32>} : memref<128x128xf32, #tpu.memory_space<vmem>>, vector<1x16xf32>,
          %get3A_777 = vector.shape_cast %get3A_776 : vector<1x16xf32> to vector<16xf32>
          %add3A_778 = arith.addf %scan3A_746, %get3A_777 : vector<16xf32>
          %add3A_779 = arith.constant 64 : i32
          %add3A_780 = arith.addi %add3A_779, %scan3A_742 : i32
          %get3A_781 = arith.index_cast %add3A_780 : i32 to index
          %get3A_782 = arith.constant 64 : index
          %get3A_783 = tpu.vector_load %arg7[%get3A_781, %get3A_782] {strides = array<i32>} : memref<128x128xf32, #tpu.memory_space<vmem>>, vector<1x16xf32>,
          %get3A_784 = vector.shape_cast %get3A_783 : vector<1x16xf32> to vector<16xf32>
          %add3A_785 = arith.addf %scan3A_747, %get3A_784 : vector<16xf32>
          %add3A_786 = arith.constant 64 : i32
          %add3A_787 = arith.addi %add3A_786, %scan3A_742 : i32
          %get3A_788 = arith.index_cast %add3A_787 : i32 to index
          %get3A_789 = arith.constant 80 : index
          %get3A_790 = tpu.vector_load %arg7[%get3A_788, %get3A_789] {strides = array<i32>} : memref<128x128xf32, #tpu.memory_space<vmem>>, vector<1x16xf32>,
          %get3A_791 = vector.shape_cast %get3A_790 : vector<1x16xf32> to vector<16xf32>
          %add3A_792 = arith.addf %scan3A_748, %get3A_791 : vector<16xf32>
          %add3A_793 = arith.constant 64 : i32
          %add3A_794 = arith.addi %add3A_793, %scan3A_742 : i32
          %get3A_795 = arith.index_cast %add3A_794 : i32 to index
          %get3A_796 = arith.constant 96 : index
          %get3A_797 = tpu.vector_load %arg7[%get3A_795, %get3A_796] {strides = array<i32>} : memref<128x128xf32, #tpu.memory_space<vmem>>, vector<1x16xf32>,
          %get3A_798 = vector.shape_cast %get3A_797 : vector<1x16xf32> to vector<16xf32>
          %add3A_799 = arith.addf %scan3A_749, %get3A_798 : vector<16xf32>
          %add3A_800 = arith.constant 64 : i32
          %add3A_801 = arith.addi %add3A_800, %scan3A_742 : i32
          %get3A_802 = arith.index_cast %add3A_801 : i32 to index
          %get3A_803 = arith.constant 112 : index
          %get3A_804 = tpu.vector_load %arg7[%get3A_802, %get3A_803] {strides = array<i32>} : memref<128x128xf32, #tpu.memory_space<vmem>>, vector<1x16xf32>,
          %get3A_805 = vector.shape_cast %get3A_804 : vector<1x16xf32> to vector<16xf32>
          %add3A_806 = arith.addf %scan3A_750, %get3A_805 : vector<16xf32>
          scf.yield %add3A_757, %add3A_764, %add3A_771, %add3A_778, %add3A_785, %add3A_792, %add3A_799, %add3A_806 : vector<16xf32>, vector<16xf32>, vector<16xf32>, vector<16xf32>, vector<16xf32>, vector<16xf32>, vector<16xf32>, vector<16xf32>
        }
        %scan3A_548 = arith.constant 32 : i32
        %mul3A_549 = arith.constant 0.0303030312 : f32
        %mul3A_550 = vector.broadcast %mul3A_549 : f32 to vector<16xf32>
        %mul3A_551 = arith.mulf %scan3A_547#0, %mul3A_550 : vector<16xf32>
        %swap3A_552 = arith.constant 2 : i32
        %swap3A_553 = arith.index_cast %swap3A_552 : i32 to index
        %swap3A_554 = arith.constant 0 : index
        %swap3A_555 = tpu.vector_load %arg15[%swap3A_553, %swap3A_554] {strides = array<i32>} : memref<4x128xf32, #tpu.memory_space<vmem>>, vector<1x16xf32>,
        %swap3A_556 = vector.shape_cast %swap3A_555 : vector<1x16xf32> to vector<16xf32>
        %swap3A_557 = vector.shape_cast %mul3A_551 : vector<16xf32> to vector<1x16xf32>
        tpu.vector_store %arg15[%swap3A_553, %swap3A_554], %swap3A_557 {strides = array<i32>} : memref<4x128xf32, #tpu.memory_space<vmem>>, vector<1x16xf32>,
        %mul3A_558 = arith.constant 0.0303030312 : f32
        %mul3A_559 = vector.broadcast %mul3A_558 : f32 to vector<16xf32>
        %mul3A_560 = arith.mulf %scan3A_547#1, %mul3A_559 : vector<16xf32>
        %swap3A_561 = arith.constant 2 : i32
        %swap3A_562 = arith.index_cast %swap3A_561 : i32 to index
        %swap3A_563 = arith.constant 16 : index
        %swap3A_564 = tpu.vector_load %arg15[%swap3A_562, %swap3A_563] {strides = array<i32>} : memref<4x128xf32, #tpu.memory_space<vmem>>, vector<1x16xf32>,
        %swap3A_565 = vector.shape_cast %swap3A_564 : vector<1x16xf32> to vector<16xf32>
        %swap3A_566 = vector.shape_cast %mul3A_560 : vector<16xf32> to vector<1x16xf32>
        tpu.vector_store %arg15[%swap3A_562, %swap3A_563], %swap3A_566 {strides = array<i32>} : memref<4x128xf32, #tpu.memory_space<vmem>>, vector<1x16xf32>,
        %mul3A_567 = arith.constant 0.0303030312 : f32
        %mul3A_568 = vector.broadcast %mul3A_567 : f32 to vector<16xf32>
        %mul3A_569 = arith.mulf %scan3A_547#2, %mul3A_568 : vector<16xf32>
        %swap3A_570 = arith.constant 2 : i32
        %swap3A_571 = arith.index_cast %swap3A_570 : i32 to index
        %swap3A_572 = arith.constant 32 : index
        %swap3A_573 = tpu.vector_load %arg15[%swap3A_571, %swap3A_572] {strides = array<i32>} : memref<4x128xf32, #tpu.memory_space<vmem>>, vector<1x16xf32>,
        %swap3A_574 = vector.shape_cast %swap3A_573 : vector<1x16xf32> to vector<16xf32>
        %swap3A_575 = vector.shape_cast %mul3A_569 : vector<16xf32> to vector<1x16xf32>
        tpu.vector_store %arg15[%swap3A_571, %swap3A_572], %swap3A_575 {strides = array<i32>} : memref<4x128xf32, #tpu.memory_space<vmem>>, vector<1x16xf32>,
        %mul3A_576 = arith.constant 0.0303030312 : f32
        %mul3A_577 = vector.broadcast %mul3A_576 : f32 to vector<16xf32>
        %mul3A_578 = arith.mulf %scan3A_547#3, %mul3A_577 : vector<16xf32>
        %swap3A_579 = arith.constant 2 : i32
        %swap3A_580 = arith.index_cast %swap3A_579 : i32 to index
        %swap3A_581 = arith.constant 48 : index
        %swap3A_582 = tpu.vector_load %arg15[%swap3A_580, %swap3A_581] {strides = array<i32>} : memref<4x128xf32, #tpu.memory_space<vmem>>, vector<1x16xf32>,
        %swap3A_583 = vector.shape_cast %swap3A_582 : vector<1x16xf32> to vector<16xf32>
        %swap3A_584 = vector.shape_cast %mul3A_578 : vector<16xf32> to vector<1x16xf32>
        tpu.vector_store %arg15[%swap3A_580, %swap3A_581], %swap3A_584 {strides = array<i32>} : memref<4x128xf32, #tpu.memory_space<vmem>>, vector<1x16xf32>,
        %mul3A_585 = arith.constant 0.0303030312 : f32
        %mul3A_586 = vector.broadcast %mul3A_585 : f32 to vector<16xf32>
        %mul3A_587 = arith.mulf %scan3A_547#4, %mul3A_586 : vector<16xf32>
        %swap3A_588 = arith.constant 2 : i32
        %swap3A_589 = arith.index_cast %swap3A_588 : i32 to index
        %swap3A_590 = arith.constant 64 : index
        %swap3A_591 = tpu.vector_load %arg15[%swap3A_589, %swap3A_590] {strides = array<i32>} : memref<4x128xf32, #tpu.memory_space<vmem>>, vector<1x16xf32>,
        %swap3A_592 = vector.shape_cast %swap3A_591 : vector<1x16xf32> to vector<16xf32>
        %swap3A_593 = vector.shape_cast %mul3A_587 : vector<16xf32> to vector<1x16xf32>
        tpu.vector_store %arg15[%swap3A_589, %swap3A_590], %swap3A_593 {strides = array<i32>} : memref<4x128xf32, #tpu.memory_space<vmem>>, vector<1x16xf32>,
        %mul3A_594 = arith.constant 0.0303030312 : f32
        %mul3A_595 = vector.broadcast %mul3A_594 : f32 to vector<16xf32>
        %mul3A_596 = arith.mulf %scan3A_547#5, %mul3A_595 : vector<16xf32>
        %swap3A_597 = arith.constant 2 : i32
        %swap3A_598 = arith.index_cast %swap3A_597 : i32 to index
        %swap3A_599 = arith.constant 80 : index
        %swap3A_600 = tpu.vector_load %arg15[%swap3A_598, %swap3A_599] {strides = array<i32>} : memref<4x128xf32, #tpu.memory_space<vmem>>, vector<1x16xf32>,
        %swap3A_601 = vector.shape_cast %swap3A_600 : vector<1x16xf32> to vector<16xf32>
        %swap3A_602 = vector.shape_cast %mul3A_596 : vector<16xf32> to vector<1x16xf32>
        tpu.vector_store %arg15[%swap3A_598, %swap3A_599], %swap3A_602 {strides = array<i32>} : memref<4x128xf32, #tpu.memory_space<vmem>>, vector<1x16xf32>,
        %mul3A_603 = arith.constant 0.0303030312 : f32
        %mul3A_604 = vector.broadcast %mul3A_603 : f32 to vector<16xf32>
        %mul3A_605 = arith.mulf %scan3A_547#6, %mul3A_604 : vector<16xf32>
        %swap3A_606 = arith.constant 2 : i32
        %swap3A_607 = arith.index_cast %swap3A_606 : i32 to index
        %swap3A_608 = arith.constant 96 : index
        %swap3A_609 = tpu.vector_load %arg15[%swap3A_607, %swap3A_608] {strides = array<i32>} : memref<4x128xf32, #tpu.memory_space<vmem>>, vector<1x16xf32>,
        %swap3A_610 = vector.shape_cast %swap3A_609 : vector<1x16xf32> to vector<16xf32>
        %swap3A_611 = vector.shape_cast %mul3A_605 : vector<16xf32> to vector<1x16xf32>
        tpu.vector_store %arg15[%swap3A_607, %swap3A_608], %swap3A_611 {strides = array<i32>} : memref<4x128xf32, #tpu.memory_space<vmem>>, vector<1x16xf32>,
        %mul3A_612 = arith.constant 0.0303030312 : f32
        %mul3A_613 = vector.broadcast %mul3A_612 : f32 to vector<16xf32>
        %mul3A_614 = arith.mulf %scan3A_547#7, %mul3A_613 : vector<16xf32>
        %swap3A_615 = arith.constant 2 : i32
        %swap3A_616 = arith.index_cast %swap3A_615 : i32 to index
        %swap3A_617 = arith.constant 112 : index
        %swap3A_618 = tpu.vector_load %arg15[%swap3A_616, %swap3A_617] {strides = array<i32>} : memref<4x128xf32, #tpu.memory_space<vmem>>, vector<1x16xf32>,
        %swap3A_619 = vector.shape_cast %swap3A_618 : vector<1x16xf32> to vector<16xf32>
        %swap3A_620 = vector.shape_cast %mul3A_614 : vector<16xf32> to vector<1x16xf32>
        tpu.vector_store %arg15[%swap3A_616, %swap3A_617], %swap3A_620 {strides = array<i32>} : memref<4x128xf32, #tpu.memory_space<vmem>>, vector<1x16xf32>,
        %get3A_621 = arith.constant 3 : i32
        %get3A_622 = arith.index_cast %get3A_621 : i32 to index
        %get3A_623 = arith.constant 0 : index
        %get3A_624 = tpu.vector_load %arg11[%get3A_622, %get3A_623] {strides = array<i32>} : memref<4x128xf32, #tpu.memory_space<vmem>>, vector<1x16xf32>,
        %get3A_625 = vector.shape_cast %get3A_624 : vector<1x16xf32> to vector<16xf32>
        %get3A_626 = arith.constant 3 : i32
        %get3A_627 = arith.index_cast %get3A_626 : i32 to index
        %get3A_628 = arith.constant 16 : index
        %get3A_629 = tpu.vector_load %arg11[%get3A_627, %get3A_628] {strides = array<i32>} : memref<4x128xf32, #tpu.memory_space<vmem>>, vector<1x16xf32>,
        %get3A_630 = vector.shape_cast %get3A_629 : vector<1x16xf32> to vector<16xf32>
        %get3A_631 = arith.constant 3 : i32
        %get3A_632 = arith.index_cast %get3A_631 : i32 to index
        %get3A_633 = arith.constant 32 : index
        %get3A_634 = tpu.vector_load %arg11[%get3A_632, %get3A_633] {strides = array<i32>} : memref<4x128xf32, #tpu.memory_space<vmem>>, vector<1x16xf32>,
        %get3A_635 = vector.shape_cast %get3A_634 : vector<1x16xf32> to vector<16xf32>
        %get3A_636 = arith.constant 3 : i32
        %get3A_637 = arith.index_cast %get3A_636 : i32 to index
        %get3A_638 = arith.constant 48 : index
        %get3A_639 = tpu.vector_load %arg11[%get3A_637, %get3A_638] {strides = array<i32>} : memref<4x128xf32, #tpu.memory_space<vmem>>, vector<1x16xf32>,
        %get3A_640 = vector.shape_cast %get3A_639 : vector<1x16xf32> to vector<16xf32>
        %get3A_641 = arith.constant 3 : i32
        %get3A_642 = arith.index_cast %get3A_641 : i32 to index
        %get3A_643 = arith.constant 64 : index
        %get3A_644 = tpu.vector_load %arg11[%get3A_642, %get3A_643] {strides = array<i32>} : memref<4x128xf32, #tpu.memory_space<vmem>>, vector<1x16xf32>,
        %get3A_645 = vector.shape_cast %get3A_644 : vector<1x16xf32> to vector<16xf32>
        %get3A_646 = arith.constant 3 : i32
        %get3A_647 = arith.index_cast %get3A_646 : i32 to index
        %get3A_648 = arith.constant 80 : index
        %get3A_649 = tpu.vector_load %arg11[%get3A_647, %get3A_648] {strides = array<i32>} : memref<4x128xf32, #tpu.memory_space<vmem>>, vector<1x16xf32>,
        %get3A_650 = vector.shape_cast %get3A_649 : vector<1x16xf32> to vector<16xf32>
        %get3A_651 = arith.constant 3 : i32
        %get3A_652 = arith.index_cast %get3A_651 : i32 to index
        %get3A_653 = arith.constant 96 : index
        %get3A_654 = tpu.vector_load %arg11[%get3A_652, %get3A_653] {strides = array<i32>} : memref<4x128xf32, #tpu.memory_space<vmem>>, vector<1x16xf32>,
        %get3A_655 = vector.shape_cast %get3A_654 : vector<1x16xf32> to vector<16xf32>
        %get3A_656 = arith.constant 3 : i32
        %get3A_657 = arith.index_cast %get3A_656 : i32 to index
        %get3A_658 = arith.constant 112 : index
        %get3A_659 = tpu.vector_load %arg11[%get3A_657, %get3A_658] {strides = array<i32>} : memref<4x128xf32, #tpu.memory_space<vmem>>, vector<1x16xf32>,
        %get3A_660 = vector.shape_cast %get3A_659 : vector<1x16xf32> to vector<16xf32>
        %scan3A_661 = arith.constant 0 : i32
        %scan3A_662 = arith.constant 32 : i32
        %scan3A_663 = arith.addi %scan3A_661, %scan3A_662 : i32
        %scan3A_664 = arith.constant 1 : i32
        %scan3A_665:8 = scf.for %scan3A_742 = %scan3A_661 to %scan3A_663 step %scan3A_664 iter_args(%scan3A_743 = %get3A_625, %scan3A_744 = %get3A_630, %scan3A_745 = %get3A_635, %scan3A_746 = %get3A_640, %scan3A_747 = %get3A_645, %scan3A_748 = %get3A_650, %scan3A_749 = %get3A_655, %scan3A_750 = %get3A_660) -> (vector<16xf32>, vector<16xf32>, vector<16xf32>, vector<16xf32>, vector<16xf32>, vector<16xf32>, vector<16xf32>, vector<16xf32>)  : i32 {
          %add3A_751 = arith.constant 96 : i32
          %add3A_752 = arith.addi %add3A_751, %scan3A_742 : i32
          %get3A_753 = arith.index_cast %add3A_752 : i32 to index
          %get3A_754 = arith.constant 0 : index
          %get3A_755 = tpu.vector_load %arg7[%get3A_753, %get3A_754] {strides = array<i32>} : memref<128x128xf32, #tpu.memory_space<vmem>>, vector<1x16xf32>,
          %get3A_756 = vector.shape_cast %get3A_755 : vector<1x16xf32> to vector<16xf32>
          %add3A_757 = arith.addf %scan3A_743, %get3A_756 : vector<16xf32>
          %add3A_758 = arith.constant 96 : i32
          %add3A_759 = arith.addi %add3A_758, %scan3A_742 : i32
          %get3A_760 = arith.index_cast %add3A_759 : i32 to index
          %get3A_761 = arith.constant 16 : index
          %get3A_762 = tpu.vector_load %arg7[%get3A_760, %get3A_761] {strides = array<i32>} : memref<128x128xf32, #tpu.memory_space<vmem>>, vector<1x16xf32>,
          %get3A_763 = vector.shape_cast %get3A_762 : vector<1x16xf32> to vector<16xf32>
          %add3A_764 = arith.addf %scan3A_744, %get3A_763 : vector<16xf32>
          %add3A_765 = arith.constant 96 : i32
          %add3A_766 = arith.addi %add3A_765, %scan3A_742 : i32
          %get3A_767 = arith.index_cast %add3A_766 : i32 to index
          %get3A_768 = arith.constant 32 : index
          %get3A_769 = tpu.vector_load %arg7[%get3A_767, %get3A_768] {strides = array<i32>} : memref<128x128xf32, #tpu.memory_space<vmem>>, vector<1x16xf32>,
          %get3A_770 = vector.shape_cast %get3A_769 : vector<1x16xf32> to vector<16xf32>
          %add3A_771 = arith.addf %scan3A_745, %get3A_770 : vector<16xf32>
          %add3A_772 = arith.constant 96 : i32
          %add3A_773 = arith.addi %add3A_772, %scan3A_742 : i32
          %get3A_774 = arith.index_cast %add3A_773 : i32 to index
          %get3A_775 = arith.constant 48 : index
          %get3A_776 = tpu.vector_load %arg7[%get3A_774, %get3A_775] {strides = array<i32>} : memref<128x128xf32, #tpu.memory_space<vmem>>, vector<1x16xf32>,
          %get3A_777 = vector.shape_cast %get3A_776 : vector<1x16xf32> to vector<16xf32>
          %add3A_778 = arith.addf %scan3A_746, %get3A_777 : vector<16xf32>
          %add3A_779 = arith.constant 96 : i32
          %add3A_780 = arith.addi %add3A_779, %scan3A_742 : i32
          %get3A_781 = arith.index_cast %add3A_780 : i32 to index
          %get3A_782 = arith.constant 64 : index
          %get3A_783 = tpu.vector_load %arg7[%get3A_781, %get3A_782] {strides = array<i32>} : memref<128x128xf32, #tpu.memory_space<vmem>>, vector<1x16xf32>,
          %get3A_784 = vector.shape_cast %get3A_783 : vector<1x16xf32> to vector<16xf32>
          %add3A_785 = arith.addf %scan3A_747, %get3A_784 : vector<16xf32>
          %add3A_786 = arith.constant 96 : i32
          %add3A_787 = arith.addi %add3A_786, %scan3A_742 : i32
          %get3A_788 = arith.index_cast %add3A_787 : i32 to index
          %get3A_789 = arith.constant 80 : index
          %get3A_790 = tpu.vector_load %arg7[%get3A_788, %get3A_789] {strides = array<i32>} : memref<128x128xf32, #tpu.memory_space<vmem>>, vector<1x16xf32>,
          %get3A_791 = vector.shape_cast %get3A_790 : vector<1x16xf32> to vector<16xf32>
          %add3A_792 = arith.addf %scan3A_748, %get3A_791 : vector<16xf32>
          %add3A_793 = arith.constant 96 : i32
          %add3A_794 = arith.addi %add3A_793, %scan3A_742 : i32
          %get3A_795 = arith.index_cast %add3A_794 : i32 to index
          %get3A_796 = arith.constant 96 : index
          %get3A_797 = tpu.vector_load %arg7[%get3A_795, %get3A_796] {strides = array<i32>} : memref<128x128xf32, #tpu.memory_space<vmem>>, vector<1x16xf32>,
          %get3A_798 = vector.shape_cast %get3A_797 : vector<1x16xf32> to vector<16xf32>
          %add3A_799 = arith.addf %scan3A_749, %get3A_798 : vector<16xf32>
          %add3A_800 = arith.constant 96 : i32
          %add3A_801 = arith.addi %add3A_800, %scan3A_742 : i32
          %get3A_802 = arith.index_cast %add3A_801 : i32 to index
          %get3A_803 = arith.constant 112 : index
          %get3A_804 = tpu.vector_load %arg7[%get3A_802, %get3A_803] {strides = array<i32>} : memref<128x128xf32, #tpu.memory_space<vmem>>, vector<1x16xf32>,
          %get3A_805 = vector.shape_cast %get3A_804 : vector<1x16xf32> to vector<16xf32>
          %add3A_806 = arith.addf %scan3A_750, %get3A_805 : vector<16xf32>
          scf.yield %add3A_757, %add3A_764, %add3A_771, %add3A_778, %add3A_785, %add3A_792, %add3A_799, %add3A_806 : vector<16xf32>, vector<16xf32>, vector<16xf32>, vector<16xf32>, vector<16xf32>, vector<16xf32>, vector<16xf32>, vector<16xf32>
        }
        %scan3A_666 = arith.constant 32 : i32
        %mul3A_667 = arith.constant 0.0303030312 : f32
        %mul3A_668 = vector.broadcast %mul3A_667 : f32 to vector<16xf32>
        %mul3A_669 = arith.mulf %scan3A_665#0, %mul3A_668 : vector<16xf32>
        %swap3A_670 = arith.constant 3 : i32
        %swap3A_671 = arith.index_cast %swap3A_670 : i32 to index
        %swap3A_672 = arith.constant 0 : index
        %swap3A_673 = tpu.vector_load %arg15[%swap3A_671, %swap3A_672] {strides = array<i32>} : memref<4x128xf32, #tpu.memory_space<vmem>>, vector<1x16xf32>,
        %swap3A_674 = vector.shape_cast %swap3A_673 : vector<1x16xf32> to vector<16xf32>
        %swap3A_675 = vector.shape_cast %mul3A_669 : vector<16xf32> to vector<1x16xf32>
        tpu.vector_store %arg15[%swap3A_671, %swap3A_672], %swap3A_675 {strides = array<i32>} : memref<4x128xf32, #tpu.memory_space<vmem>>, vector<1x16xf32>,
        %mul3A_676 = arith.constant 0.0303030312 : f32
        %mul3A_677 = vector.broadcast %mul3A_676 : f32 to vector<16xf32>
        %mul3A_678 = arith.mulf %scan3A_665#1, %mul3A_677 : vector<16xf32>
        %swap3A_679 = arith.constant 3 : i32
        %swap3A_680 = arith.index_cast %swap3A_679 : i32 to index
        %swap3A_681 = arith.constant 16 : index
        %swap3A_682 = tpu.vector_load %arg15[%swap3A_680, %swap3A_681] {strides = array<i32>} : memref<4x128xf32, #tpu.memory_space<vmem>>, vector<1x16xf32>,
        %swap3A_683 = vector.shape_cast %swap3A_682 : vector<1x16xf32> to vector<16xf32>
        %swap3A_684 = vector.shape_cast %mul3A_678 : vector<16xf32> to vector<1x16xf32>
        tpu.vector_store %arg15[%swap3A_680, %swap3A_681], %swap3A_684 {strides = array<i32>} : memref<4x128xf32, #tpu.memory_space<vmem>>, vector<1x16xf32>,
        %mul3A_685 = arith.constant 0.0303030312 : f32
        %mul3A_686 = vector.broadcast %mul3A_685 : f32 to vector<16xf32>
        %mul3A_687 = arith.mulf %scan3A_665#2, %mul3A_686 : vector<16xf32>
        %swap3A_688 = arith.constant 3 : i32
        %swap3A_689 = arith.index_cast %swap3A_688 : i32 to index
        %swap3A_690 = arith.constant 32 : index
        %swap3A_691 = tpu.vector_load %arg15[%swap3A_689, %swap3A_690] {strides = array<i32>} : memref<4x128xf32, #tpu.memory_space<vmem>>, vector<1x16xf32>,
        %swap3A_692 = vector.shape_cast %swap3A_691 : vector<1x16xf32> to vector<16xf32>
        %swap3A_693 = vector.shape_cast %mul3A_687 : vector<16xf32> to vector<1x16xf32>
        tpu.vector_store %arg15[%swap3A_689, %swap3A_690], %swap3A_693 {strides = array<i32>} : memref<4x128xf32, #tpu.memory_space<vmem>>, vector<1x16xf32>,
        %mul3A_694 = arith.constant 0.0303030312 : f32
        %mul3A_695 = vector.broadcast %mul3A_694 : f32 to vector<16xf32>
        %mul3A_696 = arith.mulf %scan3A_665#3, %mul3A_695 : vector<16xf32>
        %swap3A_697 = arith.constant 3 : i32
        %swap3A_698 = arith.index_cast %swap3A_697 : i32 to index
        %swap3A_699 = arith.constant 48 : index
        %swap3A_700 = tpu.vector_load %arg15[%swap3A_698, %swap3A_699] {strides = array<i32>} : memref<4x128xf32, #tpu.memory_space<vmem>>, vector<1x16xf32>,
        %swap3A_701 = vector.shape_cast %swap3A_700 : vector<1x16xf32> to vector<16xf32>
        %swap3A_702 = vector.shape_cast %mul3A_696 : vector<16xf32> to vector<1x16xf32>
        tpu.vector_store %arg15[%swap3A_698, %swap3A_699], %swap3A_702 {strides = array<i32>} : memref<4x128xf32, #tpu.memory_space<vmem>>, vector<1x16xf32>,
        %mul3A_703 = arith.constant 0.0303030312 : f32
        %mul3A_704 = vector.broadcast %mul3A_703 : f32 to vector<16xf32>
        %mul3A_705 = arith.mulf %scan3A_665#4, %mul3A_704 : vector<16xf32>
        %swap3A_706 = arith.constant 3 : i32
        %swap3A_707 = arith.index_cast %swap3A_706 : i32 to index
        %swap3A_708 = arith.constant 64 : index
        %swap3A_709 = tpu.vector_load %arg15[%swap3A_707, %swap3A_708] {strides = array<i32>} : memref<4x128xf32, #tpu.memory_space<vmem>>, vector<1x16xf32>,
        %swap3A_710 = vector.shape_cast %swap3A_709 : vector<1x16xf32> to vector<16xf32>
        %swap3A_711 = vector.shape_cast %mul3A_705 : vector<16xf32> to vector<1x16xf32>
        tpu.vector_store %arg15[%swap3A_707, %swap3A_708], %swap3A_711 {strides = array<i32>} : memref<4x128xf32, #tpu.memory_space<vmem>>, vector<1x16xf32>,
        %mul3A_712 = arith.constant 0.0303030312 : f32
        %mul3A_713 = vector.broadcast %mul3A_712 : f32 to vector<16xf32>
        %mul3A_714 = arith.mulf %scan3A_665#5, %mul3A_713 : vector<16xf32>
        %swap3A_715 = arith.constant 3 : i32
        %swap3A_716 = arith.index_cast %swap3A_715 : i32 to index
        %swap3A_717 = arith.constant 80 : index
        %swap3A_718 = tpu.vector_load %arg15[%swap3A_716, %swap3A_717] {strides = array<i32>} : memref<4x128xf32, #tpu.memory_space<vmem>>, vector<1x16xf32>,
        %swap3A_719 = vector.shape_cast %swap3A_718 : vector<1x16xf32> to vector<16xf32>
        %swap3A_720 = vector.shape_cast %mul3A_714 : vector<16xf32> to vector<1x16xf32>
        tpu.vector_store %arg15[%swap3A_716, %swap3A_717], %swap3A_720 {strides = array<i32>} : memref<4x128xf32, #tpu.memory_space<vmem>>, vector<1x16xf32>,
        %mul3A_721 = arith.constant 0.0303030312 : f32
        %mul3A_722 = vector.broadcast %mul3A_721 : f32 to vector<16xf32>
        %mul3A_723 = arith.mulf %scan3A_665#6, %mul3A_722 : vector<16xf32>
        %swap3A_724 = arith.constant 3 : i32
        %swap3A_725 = arith.index_cast %swap3A_724 : i32 to index
        %swap3A_726 = arith.constant 96 : index
        %swap3A_727 = tpu.vector_load %arg15[%swap3A_725, %swap3A_726] {strides = array<i32>} : memref<4x128xf32, #tpu.memory_space<vmem>>, vector<1x16xf32>,
        %swap3A_728 = vector.shape_cast %swap3A_727 : vector<1x16xf32> to vector<16xf32>
        %swap3A_729 = vector.shape_cast %mul3A_723 : vector<16xf32> to vector<1x16xf32>
        tpu.vector_store %arg15[%swap3A_725, %swap3A_726], %swap3A_729 {strides = array<i32>} : memref<4x128xf32, #tpu.memory_space<vmem>>, vector<1x16xf32>,
        %mul3A_730 = arith.constant 0.0303030312 : f32
        %mul3A_731 = vector.broadcast %mul3A_730 : f32 to vector<16xf32>
        %mul3A_732 = arith.mulf %scan3A_665#7, %mul3A_731 : vector<16xf32>
        %swap3A_733 = arith.constant 3 : i32
        %swap3A_734 = arith.index_cast %swap3A_733 : i32 to index
        %swap3A_735 = arith.constant 112 : index
        %swap3A_736 = tpu.vector_load %arg15[%swap3A_734, %swap3A_735] {strides = array<i32>} : memref<4x128xf32, #tpu.memory_space<vmem>>, vector<1x16xf32>,
        %swap3A_737 = vector.shape_cast %swap3A_736 : vector<1x16xf32> to vector<16xf32>
        %swap3A_738 = vector.shape_cast %mul3A_732 : vector<16xf32> to vector<1x16xf32>
        tpu.vector_store %arg15[%swap3A_734, %swap3A_735], %swap3A_738 {strides = array<i32>} : memref<4x128xf32, #tpu.memory_space<vmem>>, vector<1x16xf32>,
        %dma_start3A = arith.constant 0 : i32
        %dma_start3A_739 = tpu.memref_slice %arg4[%mul3A_259, %dma_start3A] : memref<10000x128xf32, #tpu.memory_space<hbm>> -> memref<4x128xf32, #tpu.memory_space<hbm>>
        %dma_start3A_740 = arith.constant 0 : i32
        %dma_start3A_741 = tpu.memref_slice %arg4[%mul3A_259, %dma_start3A_740] : memref<10000x128xf32, #tpu.memory_space<hbm>> -> memref<4x128xf32, #tpu.memory_space<hbm>>
        tpu.enqueue_dma source(%arg15 : memref<4x128xf32, #tpu.memory_space<vmem>>) target(%dma_start3A_741 : memref<4x128xf32, #tpu.memory_space<hbm>>) target_semaphore(%arg27 : memref<!tpu.dma_semaphore, #tpu.memory_space<semaphore_mem>>)
      } else {
      }
      %mul3A_181 = arith.constant 4 : i32
      %mul3A_182 = arith.muli %scan3A_105, %mul3A_181 : i32
      %add3A_183 = arith.constant 2 : i32
      %add3A_184 = arith.addi %mul3A_182, %add3A_183 : i32
      %add3A_185 = arith.constant 3 : i32
      %add3A_186 = arith.addi %add3A_184, %add3A_185 : i32
      %lt3A_187 = arith.constant 79 : i32
      %lt3A_188 = arith.cmpi slt, %add3A_186, %lt3A_187 : i32
      %add3A_189 = arith.addi %mul3A_2, %add3A_186 : i32
      %lt3A_190 = arith.constant 2500 : i32
      %lt3A_191 = arith.cmpi slt, %add3A_189, %lt3A_190 : i32
      %and3A_192 = arith.andi %lt3A_188, %lt3A_191 : i1
      %convert_element_type3A_193 = arith.extui %and3A_192 : i1 to i32
      %cond3A_194 = arith.constant 0 : i32
      %cond3A_195 = arith.cmpi ne, %convert_element_type3A_193, %cond3A_194 : i32
      scf.if %cond3A_195 {
        %mul3A_257 = arith.constant 128 : i32
        %mul3A_258 = arith.muli %add3A_186, %mul3A_257 : i32
        %dma_start3A = tpu.memref_slice %arg5[%mul3A_258] : memref<10112xi32, #tpu.memory_space<vmem>> -> memref<128xi32, #tpu.memory_space<vmem>>
        %dma_start3A_259 = arith.constant 0 : i32
        %dma_start3A_260 = arith.constant 0 : i32
        %dma_start3A_261 = tpu.memref_slice %arg2[%dma_start3A_259, %dma_start3A_260] : memref<10000x128xf32, #tpu.memory_space<hbm>> -> memref<10000x128xf32, #tpu.memory_space<hbm>>
        tpu.enqueue_indirect_dma source(%dma_start3A_261 : memref<10000x128xf32, #tpu.memory_space<hbm>>) target(%arg7 : memref<128x128xf32, #tpu.memory_space<vmem>>) offsets(%dma_start3A : memref<128xi32, #tpu.memory_space<vmem>>) semaphore(%arg19 : memref<!tpu.dma_semaphore, #tpu.memory_space<semaphore_mem>>)
        %add3A_262 = arith.addi %mul3A_2, %add3A_186 : i32
        %mul3A_263 = arith.constant 4 : i32
        %mul3A_264 = arith.muli %add3A_262, %mul3A_263 : i32
        %dma_start3A_265 = arith.constant 0 : i32
        %dma_start3A_266 = tpu.memref_slice %arg2[%mul3A_264, %dma_start3A_265] : memref<10000x128xf32, #tpu.memory_space<hbm>> -> memref<4x128xf32, #tpu.memory_space<hbm>>
        %dma_start3A_267 = arith.constant 0 : i32
        %dma_start3A_268 = tpu.memref_slice %arg2[%mul3A_264, %dma_start3A_267] : memref<10000x128xf32, #tpu.memory_space<hbm>> -> memref<4x128xf32, #tpu.memory_space<hbm>>
        tpu.enqueue_dma source(%dma_start3A_268 : memref<4x128xf32, #tpu.memory_space<hbm>>) target(%arg11 : memref<4x128xf32, #tpu.memory_space<vmem>>) target_semaphore(%arg23 : memref<!tpu.dma_semaphore, #tpu.memory_space<semaphore_mem>>)
      } else {
      }
      %sub3A_196 = arith.constant 4 : i32
      %sub3A_197 = arith.subi %add3A_184, %sub3A_196 : i32
      %ge3A_198 = arith.constant 0 : i32
      %ge3A_199 = arith.cmpi sge, %sub3A_197, %ge3A_198 : i32
      %lt3A_200 = arith.constant 79 : i32
      %lt3A_201 = arith.cmpi slt, %sub3A_197, %lt3A_200 : i32
      %add3A_202 = arith.addi %mul3A_2, %sub3A_197 : i32
      %lt3A_203 = arith.constant 2500 : i32
      %lt3A_204 = arith.cmpi slt, %add3A_202, %lt3A_203 : i32
      %and3A_205 = arith.andi %lt3A_201, %lt3A_204 : i1
      %and3A_206 = arith.andi %ge3A_199, %and3A_205 : i1
      %convert_element_type3A_207 = arith.extui %and3A_206 : i1 to i32
      %cond3A_208 = arith.constant 0 : i32
      %cond3A_209 = arith.cmpi ne, %convert_element_type3A_207, %cond3A_208 : i32
      scf.if %cond3A_209 {
        %add3A_257 = arith.addi %mul3A_2, %sub3A_197 : i32
        %mul3A_258 = arith.constant 4 : i32
        %mul3A_259 = arith.muli %add3A_257, %mul3A_258 : i32
        %dma_wait3A = arith.constant 0 : i32
        %dma_wait3A_260 = tpu.memref_slice %arg4[%mul3A_259, %dma_wait3A] : memref<10000x128xf32, #tpu.memory_space<hbm>> -> memref<4x128xf32, #tpu.memory_space<hbm>>
        %dma_wait3A_261 = arith.constant 0 : i32
        %dma_wait3A_262 = tpu.memref_slice %arg4[%mul3A_259, %dma_wait3A_261] : memref<10000x128xf32, #tpu.memory_space<hbm>> -> memref<4x128xf32, #tpu.memory_space<hbm>>
        tpu.wait_dma2 semaphore(%arg28 : memref<!tpu.dma_semaphore, #tpu.memory_space<semaphore_mem>>) src(%arg16 : memref<4x128xf32, #tpu.memory_space<vmem>>) dst(%dma_wait3A_262 : memref<4x128xf32, #tpu.memory_space<hbm>>)
      } else {
      }
      %lt3A_210 = arith.constant 79 : i32
      %lt3A_211 = arith.cmpi slt, %add3A_184, %lt3A_210 : i32
      %add3A_212 = arith.addi %mul3A_2, %add3A_184 : i32
      %lt3A_213 = arith.constant 2500 : i32
      %lt3A_214 = arith.cmpi slt, %add3A_212, %lt3A_213 : i32
      %and3A_215 = arith.andi %lt3A_211, %lt3A_214 : i1
      %convert_element_type3A_216 = arith.extui %and3A_215 : i1 to i32
      %cond3A_217 = arith.constant 0 : i32
      %cond3A_218 = arith.cmpi ne, %convert_element_type3A_216, %cond3A_217 : i32
      scf.if %cond3A_218 {
        %add3A_257 = arith.addi %mul3A_2, %add3A_184 : i32
        %mul3A_258 = arith.constant 4 : i32
        %mul3A_259 = arith.muli %add3A_257, %mul3A_258 : i32
        %mul3A_260 = arith.constant 128 : i32
        %mul3A_261 = arith.muli %add3A_184, %mul3A_260 : i32
        %dma_wait3A = tpu.memref_slice %arg5[%mul3A_261] : memref<10112xi32, #tpu.memory_space<vmem>> -> memref<128xi32, #tpu.memory_space<vmem>>
        %dma_wait3A_262 = arith.constant 0 : i32
        %dma_wait3A_263 = arith.constant 0 : i32
        %dma_wait3A_264 = tpu.memref_slice %arg2[%dma_wait3A_262, %dma_wait3A_263] : memref<10000x128xf32, #tpu.memory_space<hbm>> -> memref<10000x128xf32, #tpu.memory_space<hbm>>
        tpu.wait_indirect_dma semaphore(%arg20 : memref<!tpu.dma_semaphore, #tpu.memory_space<semaphore_mem>>) src(%dma_wait3A_264 : memref<10000x128xf32, #tpu.memory_space<hbm>>) dst(%arg8 : memref<128x128xf32, #tpu.memory_space<vmem>>)
        %dma_wait3A_265 = arith.constant 0 : i32
        %dma_wait3A_266 = tpu.memref_slice %arg2[%mul3A_259, %dma_wait3A_265] : memref<10000x128xf32, #tpu.memory_space<hbm>> -> memref<4x128xf32, #tpu.memory_space<hbm>>
        %dma_wait3A_267 = arith.constant 0 : i32
        %dma_wait3A_268 = tpu.memref_slice %arg2[%mul3A_259, %dma_wait3A_267] : memref<10000x128xf32, #tpu.memory_space<hbm>> -> memref<4x128xf32, #tpu.memory_space<hbm>>
        tpu.wait_dma2 semaphore(%arg24 : memref<!tpu.dma_semaphore, #tpu.memory_space<semaphore_mem>>) src(%dma_wait3A_268 : memref<4x128xf32, #tpu.memory_space<hbm>>) dst(%arg12 : memref<4x128xf32, #tpu.memory_space<vmem>>)
        %get3A = arith.constant 0 : i32
        %get3A_269 = arith.index_cast %get3A : i32 to index
        %get3A_270 = arith.constant 0 : index
        %get3A_271 = tpu.vector_load %arg12[%get3A_269, %get3A_270] {strides = array<i32>} : memref<4x128xf32, #tpu.memory_space<vmem>>, vector<1x16xf32>,
        %get3A_272 = vector.shape_cast %get3A_271 : vector<1x16xf32> to vector<16xf32>
        %get3A_273 = arith.constant 0 : i32
        %get3A_274 = arith.index_cast %get3A_273 : i32 to index
        %get3A_275 = arith.constant 16 : index
        %get3A_276 = tpu.vector_load %arg12[%get3A_274, %get3A_275] {strides = array<i32>} : memref<4x128xf32, #tpu.memory_space<vmem>>, vector<1x16xf32>,
        %get3A_277 = vector.shape_cast %get3A_276 : vector<1x16xf32> to vector<16xf32>
        %get3A_278 = arith.constant 0 : i32
        %get3A_279 = arith.index_cast %get3A_278 : i32 to index
        %get3A_280 = arith.constant 32 : index
        %get3A_281 = tpu.vector_load %arg12[%get3A_279, %get3A_280] {strides = array<i32>} : memref<4x128xf32, #tpu.memory_space<vmem>>, vector<1x16xf32>,
        %get3A_282 = vector.shape_cast %get3A_281 : vector<1x16xf32> to vector<16xf32>
        %get3A_283 = arith.constant 0 : i32
        %get3A_284 = arith.index_cast %get3A_283 : i32 to index
        %get3A_285 = arith.constant 48 : index
        %get3A_286 = tpu.vector_load %arg12[%get3A_284, %get3A_285] {strides = array<i32>} : memref<4x128xf32, #tpu.memory_space<vmem>>, vector<1x16xf32>,
        %get3A_287 = vector.shape_cast %get3A_286 : vector<1x16xf32> to vector<16xf32>
        %get3A_288 = arith.constant 0 : i32
        %get3A_289 = arith.index_cast %get3A_288 : i32 to index
        %get3A_290 = arith.constant 64 : index
        %get3A_291 = tpu.vector_load %arg12[%get3A_289, %get3A_290] {strides = array<i32>} : memref<4x128xf32, #tpu.memory_space<vmem>>, vector<1x16xf32>,
        %get3A_292 = vector.shape_cast %get3A_291 : vector<1x16xf32> to vector<16xf32>
        %get3A_293 = arith.constant 0 : i32
        %get3A_294 = arith.index_cast %get3A_293 : i32 to index
        %get3A_295 = arith.constant 80 : index
        %get3A_296 = tpu.vector_load %arg12[%get3A_294, %get3A_295] {strides = array<i32>} : memref<4x128xf32, #tpu.memory_space<vmem>>, vector<1x16xf32>,
        %get3A_297 = vector.shape_cast %get3A_296 : vector<1x16xf32> to vector<16xf32>
        %get3A_298 = arith.constant 0 : i32
        %get3A_299 = arith.index_cast %get3A_298 : i32 to index
        %get3A_300 = arith.constant 96 : index
        %get3A_301 = tpu.vector_load %arg12[%get3A_299, %get3A_300] {strides = array<i32>} : memref<4x128xf32, #tpu.memory_space<vmem>>, vector<1x16xf32>,
        %get3A_302 = vector.shape_cast %get3A_301 : vector<1x16xf32> to vector<16xf32>
        %get3A_303 = arith.constant 0 : i32
        %get3A_304 = arith.index_cast %get3A_303 : i32 to index
        %get3A_305 = arith.constant 112 : index
        %get3A_306 = tpu.vector_load %arg12[%get3A_304, %get3A_305] {strides = array<i32>} : memref<4x128xf32, #tpu.memory_space<vmem>>, vector<1x16xf32>,
        %get3A_307 = vector.shape_cast %get3A_306 : vector<1x16xf32> to vector<16xf32>
        %scan3A_308 = arith.constant 0 : i32
        %scan3A_309 = arith.constant 32 : i32
        %scan3A_310 = arith.addi %scan3A_308, %scan3A_309 : i32
        %scan3A_311 = arith.constant 1 : i32
        %scan3A_312:8 = scf.for %scan3A_742 = %scan3A_308 to %scan3A_310 step %scan3A_311 iter_args(%scan3A_743 = %get3A_272, %scan3A_744 = %get3A_277, %scan3A_745 = %get3A_282, %scan3A_746 = %get3A_287, %scan3A_747 = %get3A_292, %scan3A_748 = %get3A_297, %scan3A_749 = %get3A_302, %scan3A_750 = %get3A_307) -> (vector<16xf32>, vector<16xf32>, vector<16xf32>, vector<16xf32>, vector<16xf32>, vector<16xf32>, vector<16xf32>, vector<16xf32>)  : i32 {
          %add3A_751 = arith.constant 0 : i32
          %add3A_752 = arith.addi %add3A_751, %scan3A_742 : i32
          %get3A_753 = arith.index_cast %add3A_752 : i32 to index
          %get3A_754 = arith.constant 0 : index
          %get3A_755 = tpu.vector_load %arg8[%get3A_753, %get3A_754] {strides = array<i32>} : memref<128x128xf32, #tpu.memory_space<vmem>>, vector<1x16xf32>,
          %get3A_756 = vector.shape_cast %get3A_755 : vector<1x16xf32> to vector<16xf32>
          %add3A_757 = arith.addf %scan3A_743, %get3A_756 : vector<16xf32>
          %add3A_758 = arith.constant 0 : i32
          %add3A_759 = arith.addi %add3A_758, %scan3A_742 : i32
          %get3A_760 = arith.index_cast %add3A_759 : i32 to index
          %get3A_761 = arith.constant 16 : index
          %get3A_762 = tpu.vector_load %arg8[%get3A_760, %get3A_761] {strides = array<i32>} : memref<128x128xf32, #tpu.memory_space<vmem>>, vector<1x16xf32>,
          %get3A_763 = vector.shape_cast %get3A_762 : vector<1x16xf32> to vector<16xf32>
          %add3A_764 = arith.addf %scan3A_744, %get3A_763 : vector<16xf32>
          %add3A_765 = arith.constant 0 : i32
          %add3A_766 = arith.addi %add3A_765, %scan3A_742 : i32
          %get3A_767 = arith.index_cast %add3A_766 : i32 to index
          %get3A_768 = arith.constant 32 : index
          %get3A_769 = tpu.vector_load %arg8[%get3A_767, %get3A_768] {strides = array<i32>} : memref<128x128xf32, #tpu.memory_space<vmem>>, vector<1x16xf32>,
          %get3A_770 = vector.shape_cast %get3A_769 : vector<1x16xf32> to vector<16xf32>
          %add3A_771 = arith.addf %scan3A_745, %get3A_770 : vector<16xf32>
          %add3A_772 = arith.constant 0 : i32
          %add3A_773 = arith.addi %add3A_772, %scan3A_742 : i32
          %get3A_774 = arith.index_cast %add3A_773 : i32 to index
          %get3A_775 = arith.constant 48 : index
          %get3A_776 = tpu.vector_load %arg8[%get3A_774, %get3A_775] {strides = array<i32>} : memref<128x128xf32, #tpu.memory_space<vmem>>, vector<1x16xf32>,
          %get3A_777 = vector.shape_cast %get3A_776 : vector<1x16xf32> to vector<16xf32>
          %add3A_778 = arith.addf %scan3A_746, %get3A_777 : vector<16xf32>
          %add3A_779 = arith.constant 0 : i32
          %add3A_780 = arith.addi %add3A_779, %scan3A_742 : i32
          %get3A_781 = arith.index_cast %add3A_780 : i32 to index
          %get3A_782 = arith.constant 64 : index
          %get3A_783 = tpu.vector_load %arg8[%get3A_781, %get3A_782] {strides = array<i32>} : memref<128x128xf32, #tpu.memory_space<vmem>>, vector<1x16xf32>,
          %get3A_784 = vector.shape_cast %get3A_783 : vector<1x16xf32> to vector<16xf32>
          %add3A_785 = arith.addf %scan3A_747, %get3A_784 : vector<16xf32>
          %add3A_786 = arith.constant 0 : i32
          %add3A_787 = arith.addi %add3A_786, %scan3A_742 : i32
          %get3A_788 = arith.index_cast %add3A_787 : i32 to index
          %get3A_789 = arith.constant 80 : index
          %get3A_790 = tpu.vector_load %arg8[%get3A_788, %get3A_789] {strides = array<i32>} : memref<128x128xf32, #tpu.memory_space<vmem>>, vector<1x16xf32>,
          %get3A_791 = vector.shape_cast %get3A_790 : vector<1x16xf32> to vector<16xf32>
          %add3A_792 = arith.addf %scan3A_748, %get3A_791 : vector<16xf32>
          %add3A_793 = arith.constant 0 : i32
          %add3A_794 = arith.addi %add3A_793, %scan3A_742 : i32
          %get3A_795 = arith.index_cast %add3A_794 : i32 to index
          %get3A_796 = arith.constant 96 : index
          %get3A_797 = tpu.vector_load %arg8[%get3A_795, %get3A_796] {strides = array<i32>} : memref<128x128xf32, #tpu.memory_space<vmem>>, vector<1x16xf32>,
          %get3A_798 = vector.shape_cast %get3A_797 : vector<1x16xf32> to vector<16xf32>
          %add3A_799 = arith.addf %scan3A_749, %get3A_798 : vector<16xf32>
          %add3A_800 = arith.constant 0 : i32
          %add3A_801 = arith.addi %add3A_800, %scan3A_742 : i32
          %get3A_802 = arith.index_cast %add3A_801 : i32 to index
          %get3A_803 = arith.constant 112 : index
          %get3A_804 = tpu.vector_load %arg8[%get3A_802, %get3A_803] {strides = array<i32>} : memref<128x128xf32, #tpu.memory_space<vmem>>, vector<1x16xf32>,
          %get3A_805 = vector.shape_cast %get3A_804 : vector<1x16xf32> to vector<16xf32>
          %add3A_806 = arith.addf %scan3A_750, %get3A_805 : vector<16xf32>
          scf.yield %add3A_757, %add3A_764, %add3A_771, %add3A_778, %add3A_785, %add3A_792, %add3A_799, %add3A_806 : vector<16xf32>, vector<16xf32>, vector<16xf32>, vector<16xf32>, vector<16xf32>, vector<16xf32>, vector<16xf32>, vector<16xf32>
        }
        %scan3A_313 = arith.constant 32 : i32
        %mul3A_314 = arith.constant 0.0303030312 : f32
        %mul3A_315 = vector.broadcast %mul3A_314 : f32 to vector<16xf32>
        %mul3A_316 = arith.mulf %scan3A_312#0, %mul3A_315 : vector<16xf32>
        %swap3A = arith.constant 0 : i32
        %swap3A_317 = arith.index_cast %swap3A : i32 to index
        %swap3A_318 = arith.constant 0 : index
        %swap3A_319 = tpu.vector_load %arg16[%swap3A_317, %swap3A_318] {strides = array<i32>} : memref<4x128xf32, #tpu.memory_space<vmem>>, vector<1x16xf32>,
        %swap3A_320 = vector.shape_cast %swap3A_319 : vector<1x16xf32> to vector<16xf32>
        %swap3A_321 = vector.shape_cast %mul3A_316 : vector<16xf32> to vector<1x16xf32>
        tpu.vector_store %arg16[%swap3A_317, %swap3A_318], %swap3A_321 {strides = array<i32>} : memref<4x128xf32, #tpu.memory_space<vmem>>, vector<1x16xf32>,
        %mul3A_322 = arith.constant 0.0303030312 : f32
        %mul3A_323 = vector.broadcast %mul3A_322 : f32 to vector<16xf32>
        %mul3A_324 = arith.mulf %scan3A_312#1, %mul3A_323 : vector<16xf32>
        %swap3A_325 = arith.constant 0 : i32
        %swap3A_326 = arith.index_cast %swap3A_325 : i32 to index
        %swap3A_327 = arith.constant 16 : index
        %swap3A_328 = tpu.vector_load %arg16[%swap3A_326, %swap3A_327] {strides = array<i32>} : memref<4x128xf32, #tpu.memory_space<vmem>>, vector<1x16xf32>,
        %swap3A_329 = vector.shape_cast %swap3A_328 : vector<1x16xf32> to vector<16xf32>
        %swap3A_330 = vector.shape_cast %mul3A_324 : vector<16xf32> to vector<1x16xf32>
        tpu.vector_store %arg16[%swap3A_326, %swap3A_327], %swap3A_330 {strides = array<i32>} : memref<4x128xf32, #tpu.memory_space<vmem>>, vector<1x16xf32>,
        %mul3A_331 = arith.constant 0.0303030312 : f32
        %mul3A_332 = vector.broadcast %mul3A_331 : f32 to vector<16xf32>
        %mul3A_333 = arith.mulf %scan3A_312#2, %mul3A_332 : vector<16xf32>
        %swap3A_334 = arith.constant 0 : i32
        %swap3A_335 = arith.index_cast %swap3A_334 : i32 to index
        %swap3A_336 = arith.constant 32 : index
        %swap3A_337 = tpu.vector_load %arg16[%swap3A_335, %swap3A_336] {strides = array<i32>} : memref<4x128xf32, #tpu.memory_space<vmem>>, vector<1x16xf32>,
        %swap3A_338 = vector.shape_cast %swap3A_337 : vector<1x16xf32> to vector<16xf32>
        %swap3A_339 = vector.shape_cast %mul3A_333 : vector<16xf32> to vector<1x16xf32>
        tpu.vector_store %arg16[%swap3A_335, %swap3A_336], %swap3A_339 {strides = array<i32>} : memref<4x128xf32, #tpu.memory_space<vmem>>, vector<1x16xf32>,
        %mul3A_340 = arith.constant 0.0303030312 : f32
        %mul3A_341 = vector.broadcast %mul3A_340 : f32 to vector<16xf32>
        %mul3A_342 = arith.mulf %scan3A_312#3, %mul3A_341 : vector<16xf32>
        %swap3A_343 = arith.constant 0 : i32
        %swap3A_344 = arith.index_cast %swap3A_343 : i32 to index
        %swap3A_345 = arith.constant 48 : index
        %swap3A_346 = tpu.vector_load %arg16[%swap3A_344, %swap3A_345] {strides = array<i32>} : memref<4x128xf32, #tpu.memory_space<vmem>>, vector<1x16xf32>,
        %swap3A_347 = vector.shape_cast %swap3A_346 : vector<1x16xf32> to vector<16xf32>
        %swap3A_348 = vector.shape_cast %mul3A_342 : vector<16xf32> to vector<1x16xf32>
        tpu.vector_store %arg16[%swap3A_344, %swap3A_345], %swap3A_348 {strides = array<i32>} : memref<4x128xf32, #tpu.memory_space<vmem>>, vector<1x16xf32>,
        %mul3A_349 = arith.constant 0.0303030312 : f32
        %mul3A_350 = vector.broadcast %mul3A_349 : f32 to vector<16xf32>
        %mul3A_351 = arith.mulf %scan3A_312#4, %mul3A_350 : vector<16xf32>
        %swap3A_352 = arith.constant 0 : i32
        %swap3A_353 = arith.index_cast %swap3A_352 : i32 to index
        %swap3A_354 = arith.constant 64 : index
        %swap3A_355 = tpu.vector_load %arg16[%swap3A_353, %swap3A_354] {strides = array<i32>} : memref<4x128xf32, #tpu.memory_space<vmem>>, vector<1x16xf32>,
        %swap3A_356 = vector.shape_cast %swap3A_355 : vector<1x16xf32> to vector<16xf32>
        %swap3A_357 = vector.shape_cast %mul3A_351 : vector<16xf32> to vector<1x16xf32>
        tpu.vector_store %arg16[%swap3A_353, %swap3A_354], %swap3A_357 {strides = array<i32>} : memref<4x128xf32, #tpu.memory_space<vmem>>, vector<1x16xf32>,
        %mul3A_358 = arith.constant 0.0303030312 : f32
        %mul3A_359 = vector.broadcast %mul3A_358 : f32 to vector<16xf32>
        %mul3A_360 = arith.mulf %scan3A_312#5, %mul3A_359 : vector<16xf32>
        %swap3A_361 = arith.constant 0 : i32
        %swap3A_362 = arith.index_cast %swap3A_361 : i32 to index
        %swap3A_363 = arith.constant 80 : index
        %swap3A_364 = tpu.vector_load %arg16[%swap3A_362, %swap3A_363] {strides = array<i32>} : memref<4x128xf32, #tpu.memory_space<vmem>>, vector<1x16xf32>,
        %swap3A_365 = vector.shape_cast %swap3A_364 : vector<1x16xf32> to vector<16xf32>
        %swap3A_366 = vector.shape_cast %mul3A_360 : vector<16xf32> to vector<1x16xf32>
        tpu.vector_store %arg16[%swap3A_362, %swap3A_363], %swap3A_366 {strides = array<i32>} : memref<4x128xf32, #tpu.memory_space<vmem>>, vector<1x16xf32>,
        %mul3A_367 = arith.constant 0.0303030312 : f32
        %mul3A_368 = vector.broadcast %mul3A_367 : f32 to vector<16xf32>
        %mul3A_369 = arith.mulf %scan3A_312#6, %mul3A_368 : vector<16xf32>
        %swap3A_370 = arith.constant 0 : i32
        %swap3A_371 = arith.index_cast %swap3A_370 : i32 to index
        %swap3A_372 = arith.constant 96 : index
        %swap3A_373 = tpu.vector_load %arg16[%swap3A_371, %swap3A_372] {strides = array<i32>} : memref<4x128xf32, #tpu.memory_space<vmem>>, vector<1x16xf32>,
        %swap3A_374 = vector.shape_cast %swap3A_373 : vector<1x16xf32> to vector<16xf32>
        %swap3A_375 = vector.shape_cast %mul3A_369 : vector<16xf32> to vector<1x16xf32>
        tpu.vector_store %arg16[%swap3A_371, %swap3A_372], %swap3A_375 {strides = array<i32>} : memref<4x128xf32, #tpu.memory_space<vmem>>, vector<1x16xf32>,
        %mul3A_376 = arith.constant 0.0303030312 : f32
        %mul3A_377 = vector.broadcast %mul3A_376 : f32 to vector<16xf32>
        %mul3A_378 = arith.mulf %scan3A_312#7, %mul3A_377 : vector<16xf32>
        %swap3A_379 = arith.constant 0 : i32
        %swap3A_380 = arith.index_cast %swap3A_379 : i32 to index
        %swap3A_381 = arith.constant 112 : index
        %swap3A_382 = tpu.vector_load %arg16[%swap3A_380, %swap3A_381] {strides = array<i32>} : memref<4x128xf32, #tpu.memory_space<vmem>>, vector<1x16xf32>,
        %swap3A_383 = vector.shape_cast %swap3A_382 : vector<1x16xf32> to vector<16xf32>
        %swap3A_384 = vector.shape_cast %mul3A_378 : vector<16xf32> to vector<1x16xf32>
        tpu.vector_store %arg16[%swap3A_380, %swap3A_381], %swap3A_384 {strides = array<i32>} : memref<4x128xf32, #tpu.memory_space<vmem>>, vector<1x16xf32>,
        %get3A_385 = arith.constant 1 : i32
        %get3A_386 = arith.index_cast %get3A_385 : i32 to index
        %get3A_387 = arith.constant 0 : index
        %get3A_388 = tpu.vector_load %arg12[%get3A_386, %get3A_387] {strides = array<i32>} : memref<4x128xf32, #tpu.memory_space<vmem>>, vector<1x16xf32>,
        %get3A_389 = vector.shape_cast %get3A_388 : vector<1x16xf32> to vector<16xf32>
        %get3A_390 = arith.constant 1 : i32
        %get3A_391 = arith.index_cast %get3A_390 : i32 to index
        %get3A_392 = arith.constant 16 : index
        %get3A_393 = tpu.vector_load %arg12[%get3A_391, %get3A_392] {strides = array<i32>} : memref<4x128xf32, #tpu.memory_space<vmem>>, vector<1x16xf32>,
        %get3A_394 = vector.shape_cast %get3A_393 : vector<1x16xf32> to vector<16xf32>
        %get3A_395 = arith.constant 1 : i32
        %get3A_396 = arith.index_cast %get3A_395 : i32 to index
        %get3A_397 = arith.constant 32 : index
        %get3A_398 = tpu.vector_load %arg12[%get3A_396, %get3A_397] {strides = array<i32>} : memref<4x128xf32, #tpu.memory_space<vmem>>, vector<1x16xf32>,
        %get3A_399 = vector.shape_cast %get3A_398 : vector<1x16xf32> to vector<16xf32>
        %get3A_400 = arith.constant 1 : i32
        %get3A_401 = arith.index_cast %get3A_400 : i32 to index
        %get3A_402 = arith.constant 48 : index
        %get3A_403 = tpu.vector_load %arg12[%get3A_401, %get3A_402] {strides = array<i32>} : memref<4x128xf32, #tpu.memory_space<vmem>>, vector<1x16xf32>,
        %get3A_404 = vector.shape_cast %get3A_403 : vector<1x16xf32> to vector<16xf32>
        %get3A_405 = arith.constant 1 : i32
        %get3A_406 = arith.index_cast %get3A_405 : i32 to index
        %get3A_407 = arith.constant 64 : index
        %get3A_408 = tpu.vector_load %arg12[%get3A_406, %get3A_407] {strides = array<i32>} : memref<4x128xf32, #tpu.memory_space<vmem>>, vector<1x16xf32>,
        %get3A_409 = vector.shape_cast %get3A_408 : vector<1x16xf32> to vector<16xf32>
        %get3A_410 = arith.constant 1 : i32
        %get3A_411 = arith.index_cast %get3A_410 : i32 to index
        %get3A_412 = arith.constant 80 : index
        %get3A_413 = tpu.vector_load %arg12[%get3A_411, %get3A_412] {strides = array<i32>} : memref<4x128xf32, #tpu.memory_space<vmem>>, vector<1x16xf32>,
        %get3A_414 = vector.shape_cast %get3A_413 : vector<1x16xf32> to vector<16xf32>
        %get3A_415 = arith.constant 1 : i32
        %get3A_416 = arith.index_cast %get3A_415 : i32 to index
        %get3A_417 = arith.constant 96 : index
        %get3A_418 = tpu.vector_load %arg12[%get3A_416, %get3A_417] {strides = array<i32>} : memref<4x128xf32, #tpu.memory_space<vmem>>, vector<1x16xf32>,
        %get3A_419 = vector.shape_cast %get3A_418 : vector<1x16xf32> to vector<16xf32>
        %get3A_420 = arith.constant 1 : i32
        %get3A_421 = arith.index_cast %get3A_420 : i32 to index
        %get3A_422 = arith.constant 112 : index
        %get3A_423 = tpu.vector_load %arg12[%get3A_421, %get3A_422] {strides = array<i32>} : memref<4x128xf32, #tpu.memory_space<vmem>>, vector<1x16xf32>,
        %get3A_424 = vector.shape_cast %get3A_423 : vector<1x16xf32> to vector<16xf32>
        %scan3A_425 = arith.constant 0 : i32
        %scan3A_426 = arith.constant 32 : i32
        %scan3A_427 = arith.addi %scan3A_425, %scan3A_426 : i32
        %scan3A_428 = arith.constant 1 : i32
        %scan3A_429:8 = scf.for %scan3A_742 = %scan3A_425 to %scan3A_427 step %scan3A_428 iter_args(%scan3A_743 = %get3A_389, %scan3A_744 = %get3A_394, %scan3A_745 = %get3A_399, %scan3A_746 = %get3A_404, %scan3A_747 = %get3A_409, %scan3A_748 = %get3A_414, %scan3A_749 = %get3A_419, %scan3A_750 = %get3A_424) -> (vector<16xf32>, vector<16xf32>, vector<16xf32>, vector<16xf32>, vector<16xf32>, vector<16xf32>, vector<16xf32>, vector<16xf32>)  : i32 {
          %add3A_751 = arith.constant 32 : i32
          %add3A_752 = arith.addi %add3A_751, %scan3A_742 : i32
          %get3A_753 = arith.index_cast %add3A_752 : i32 to index
          %get3A_754 = arith.constant 0 : index
          %get3A_755 = tpu.vector_load %arg8[%get3A_753, %get3A_754] {strides = array<i32>} : memref<128x128xf32, #tpu.memory_space<vmem>>, vector<1x16xf32>,
          %get3A_756 = vector.shape_cast %get3A_755 : vector<1x16xf32> to vector<16xf32>
          %add3A_757 = arith.addf %scan3A_743, %get3A_756 : vector<16xf32>
          %add3A_758 = arith.constant 32 : i32
          %add3A_759 = arith.addi %add3A_758, %scan3A_742 : i32
          %get3A_760 = arith.index_cast %add3A_759 : i32 to index
          %get3A_761 = arith.constant 16 : index
          %get3A_762 = tpu.vector_load %arg8[%get3A_760, %get3A_761] {strides = array<i32>} : memref<128x128xf32, #tpu.memory_space<vmem>>, vector<1x16xf32>,
          %get3A_763 = vector.shape_cast %get3A_762 : vector<1x16xf32> to vector<16xf32>
          %add3A_764 = arith.addf %scan3A_744, %get3A_763 : vector<16xf32>
          %add3A_765 = arith.constant 32 : i32
          %add3A_766 = arith.addi %add3A_765, %scan3A_742 : i32
          %get3A_767 = arith.index_cast %add3A_766 : i32 to index
          %get3A_768 = arith.constant 32 : index
          %get3A_769 = tpu.vector_load %arg8[%get3A_767, %get3A_768] {strides = array<i32>} : memref<128x128xf32, #tpu.memory_space<vmem>>, vector<1x16xf32>,
          %get3A_770 = vector.shape_cast %get3A_769 : vector<1x16xf32> to vector<16xf32>
          %add3A_771 = arith.addf %scan3A_745, %get3A_770 : vector<16xf32>
          %add3A_772 = arith.constant 32 : i32
          %add3A_773 = arith.addi %add3A_772, %scan3A_742 : i32
          %get3A_774 = arith.index_cast %add3A_773 : i32 to index
          %get3A_775 = arith.constant 48 : index
          %get3A_776 = tpu.vector_load %arg8[%get3A_774, %get3A_775] {strides = array<i32>} : memref<128x128xf32, #tpu.memory_space<vmem>>, vector<1x16xf32>,
          %get3A_777 = vector.shape_cast %get3A_776 : vector<1x16xf32> to vector<16xf32>
          %add3A_778 = arith.addf %scan3A_746, %get3A_777 : vector<16xf32>
          %add3A_779 = arith.constant 32 : i32
          %add3A_780 = arith.addi %add3A_779, %scan3A_742 : i32
          %get3A_781 = arith.index_cast %add3A_780 : i32 to index
          %get3A_782 = arith.constant 64 : index
          %get3A_783 = tpu.vector_load %arg8[%get3A_781, %get3A_782] {strides = array<i32>} : memref<128x128xf32, #tpu.memory_space<vmem>>, vector<1x16xf32>,
          %get3A_784 = vector.shape_cast %get3A_783 : vector<1x16xf32> to vector<16xf32>
          %add3A_785 = arith.addf %scan3A_747, %get3A_784 : vector<16xf32>
          %add3A_786 = arith.constant 32 : i32
          %add3A_787 = arith.addi %add3A_786, %scan3A_742 : i32
          %get3A_788 = arith.index_cast %add3A_787 : i32 to index
          %get3A_789 = arith.constant 80 : index
          %get3A_790 = tpu.vector_load %arg8[%get3A_788, %get3A_789] {strides = array<i32>} : memref<128x128xf32, #tpu.memory_space<vmem>>, vector<1x16xf32>,
          %get3A_791 = vector.shape_cast %get3A_790 : vector<1x16xf32> to vector<16xf32>
          %add3A_792 = arith.addf %scan3A_748, %get3A_791 : vector<16xf32>
          %add3A_793 = arith.constant 32 : i32
          %add3A_794 = arith.addi %add3A_793, %scan3A_742 : i32
          %get3A_795 = arith.index_cast %add3A_794 : i32 to index
          %get3A_796 = arith.constant 96 : index
          %get3A_797 = tpu.vector_load %arg8[%get3A_795, %get3A_796] {strides = array<i32>} : memref<128x128xf32, #tpu.memory_space<vmem>>, vector<1x16xf32>,
          %get3A_798 = vector.shape_cast %get3A_797 : vector<1x16xf32> to vector<16xf32>
          %add3A_799 = arith.addf %scan3A_749, %get3A_798 : vector<16xf32>
          %add3A_800 = arith.constant 32 : i32
          %add3A_801 = arith.addi %add3A_800, %scan3A_742 : i32
          %get3A_802 = arith.index_cast %add3A_801 : i32 to index
          %get3A_803 = arith.constant 112 : index
          %get3A_804 = tpu.vector_load %arg8[%get3A_802, %get3A_803] {strides = array<i32>} : memref<128x128xf32, #tpu.memory_space<vmem>>, vector<1x16xf32>,
          %get3A_805 = vector.shape_cast %get3A_804 : vector<1x16xf32> to vector<16xf32>
          %add3A_806 = arith.addf %scan3A_750, %get3A_805 : vector<16xf32>
          scf.yield %add3A_757, %add3A_764, %add3A_771, %add3A_778, %add3A_785, %add3A_792, %add3A_799, %add3A_806 : vector<16xf32>, vector<16xf32>, vector<16xf32>, vector<16xf32>, vector<16xf32>, vector<16xf32>, vector<16xf32>, vector<16xf32>
        }
        %scan3A_430 = arith.constant 32 : i32
        %mul3A_431 = arith.constant 0.0303030312 : f32
        %mul3A_432 = vector.broadcast %mul3A_431 : f32 to vector<16xf32>
        %mul3A_433 = arith.mulf %scan3A_429#0, %mul3A_432 : vector<16xf32>
        %swap3A_434 = arith.constant 1 : i32
        %swap3A_435 = arith.index_cast %swap3A_434 : i32 to index
        %swap3A_436 = arith.constant 0 : index
        %swap3A_437 = tpu.vector_load %arg16[%swap3A_435, %swap3A_436] {strides = array<i32>} : memref<4x128xf32, #tpu.memory_space<vmem>>, vector<1x16xf32>,
        %swap3A_438 = vector.shape_cast %swap3A_437 : vector<1x16xf32> to vector<16xf32>
        %swap3A_439 = vector.shape_cast %mul3A_433 : vector<16xf32> to vector<1x16xf32>
        tpu.vector_store %arg16[%swap3A_435, %swap3A_436], %swap3A_439 {strides = array<i32>} : memref<4x128xf32, #tpu.memory_space<vmem>>, vector<1x16xf32>,
        %mul3A_440 = arith.constant 0.0303030312 : f32
        %mul3A_441 = vector.broadcast %mul3A_440 : f32 to vector<16xf32>
        %mul3A_442 = arith.mulf %scan3A_429#1, %mul3A_441 : vector<16xf32>
        %swap3A_443 = arith.constant 1 : i32
        %swap3A_444 = arith.index_cast %swap3A_443 : i32 to index
        %swap3A_445 = arith.constant 16 : index
        %swap3A_446 = tpu.vector_load %arg16[%swap3A_444, %swap3A_445] {strides = array<i32>} : memref<4x128xf32, #tpu.memory_space<vmem>>, vector<1x16xf32>,
        %swap3A_447 = vector.shape_cast %swap3A_446 : vector<1x16xf32> to vector<16xf32>
        %swap3A_448 = vector.shape_cast %mul3A_442 : vector<16xf32> to vector<1x16xf32>
        tpu.vector_store %arg16[%swap3A_444, %swap3A_445], %swap3A_448 {strides = array<i32>} : memref<4x128xf32, #tpu.memory_space<vmem>>, vector<1x16xf32>,
        %mul3A_449 = arith.constant 0.0303030312 : f32
        %mul3A_450 = vector.broadcast %mul3A_449 : f32 to vector<16xf32>
        %mul3A_451 = arith.mulf %scan3A_429#2, %mul3A_450 : vector<16xf32>
        %swap3A_452 = arith.constant 1 : i32
        %swap3A_453 = arith.index_cast %swap3A_452 : i32 to index
        %swap3A_454 = arith.constant 32 : index
        %swap3A_455 = tpu.vector_load %arg16[%swap3A_453, %swap3A_454] {strides = array<i32>} : memref<4x128xf32, #tpu.memory_space<vmem>>, vector<1x16xf32>,
        %swap3A_456 = vector.shape_cast %swap3A_455 : vector<1x16xf32> to vector<16xf32>
        %swap3A_457 = vector.shape_cast %mul3A_451 : vector<16xf32> to vector<1x16xf32>
        tpu.vector_store %arg16[%swap3A_453, %swap3A_454], %swap3A_457 {strides = array<i32>} : memref<4x128xf32, #tpu.memory_space<vmem>>, vector<1x16xf32>,
        %mul3A_458 = arith.constant 0.0303030312 : f32
        %mul3A_459 = vector.broadcast %mul3A_458 : f32 to vector<16xf32>
        %mul3A_460 = arith.mulf %scan3A_429#3, %mul3A_459 : vector<16xf32>
        %swap3A_461 = arith.constant 1 : i32
        %swap3A_462 = arith.index_cast %swap3A_461 : i32 to index
        %swap3A_463 = arith.constant 48 : index
        %swap3A_464 = tpu.vector_load %arg16[%swap3A_462, %swap3A_463] {strides = array<i32>} : memref<4x128xf32, #tpu.memory_space<vmem>>, vector<1x16xf32>,
        %swap3A_465 = vector.shape_cast %swap3A_464 : vector<1x16xf32> to vector<16xf32>
        %swap3A_466 = vector.shape_cast %mul3A_460 : vector<16xf32> to vector<1x16xf32>
        tpu.vector_store %arg16[%swap3A_462, %swap3A_463], %swap3A_466 {strides = array<i32>} : memref<4x128xf32, #tpu.memory_space<vmem>>, vector<1x16xf32>,
        %mul3A_467 = arith.constant 0.0303030312 : f32
        %mul3A_468 = vector.broadcast %mul3A_467 : f32 to vector<16xf32>
        %mul3A_469 = arith.mulf %scan3A_429#4, %mul3A_468 : vector<16xf32>
        %swap3A_470 = arith.constant 1 : i32
        %swap3A_471 = arith.index_cast %swap3A_470 : i32 to index
        %swap3A_472 = arith.constant 64 : index
        %swap3A_473 = tpu.vector_load %arg16[%swap3A_471, %swap3A_472] {strides = array<i32>} : memref<4x128xf32, #tpu.memory_space<vmem>>, vector<1x16xf32>,
        %swap3A_474 = vector.shape_cast %swap3A_473 : vector<1x16xf32> to vector<16xf32>
        %swap3A_475 = vector.shape_cast %mul3A_469 : vector<16xf32> to vector<1x16xf32>
        tpu.vector_store %arg16[%swap3A_471, %swap3A_472], %swap3A_475 {strides = array<i32>} : memref<4x128xf32, #tpu.memory_space<vmem>>, vector<1x16xf32>,
        %mul3A_476 = arith.constant 0.0303030312 : f32
        %mul3A_477 = vector.broadcast %mul3A_476 : f32 to vector<16xf32>
        %mul3A_478 = arith.mulf %scan3A_429#5, %mul3A_477 : vector<16xf32>
        %swap3A_479 = arith.constant 1 : i32
        %swap3A_480 = arith.index_cast %swap3A_479 : i32 to index
        %swap3A_481 = arith.constant 80 : index
        %swap3A_482 = tpu.vector_load %arg16[%swap3A_480, %swap3A_481] {strides = array<i32>} : memref<4x128xf32, #tpu.memory_space<vmem>>, vector<1x16xf32>,
        %swap3A_483 = vector.shape_cast %swap3A_482 : vector<1x16xf32> to vector<16xf32>
        %swap3A_484 = vector.shape_cast %mul3A_478 : vector<16xf32> to vector<1x16xf32>
        tpu.vector_store %arg16[%swap3A_480, %swap3A_481], %swap3A_484 {strides = array<i32>} : memref<4x128xf32, #tpu.memory_space<vmem>>, vector<1x16xf32>,
        %mul3A_485 = arith.constant 0.0303030312 : f32
        %mul3A_486 = vector.broadcast %mul3A_485 : f32 to vector<16xf32>
        %mul3A_487 = arith.mulf %scan3A_429#6, %mul3A_486 : vector<16xf32>
        %swap3A_488 = arith.constant 1 : i32
        %swap3A_489 = arith.index_cast %swap3A_488 : i32 to index
        %swap3A_490 = arith.constant 96 : index
        %swap3A_491 = tpu.vector_load %arg16[%swap3A_489, %swap3A_490] {strides = array<i32>} : memref<4x128xf32, #tpu.memory_space<vmem>>, vector<1x16xf32>,
        %swap3A_492 = vector.shape_cast %swap3A_491 : vector<1x16xf32> to vector<16xf32>
        %swap3A_493 = vector.shape_cast %mul3A_487 : vector<16xf32> to vector<1x16xf32>
        tpu.vector_store %arg16[%swap3A_489, %swap3A_490], %swap3A_493 {strides = array<i32>} : memref<4x128xf32, #tpu.memory_space<vmem>>, vector<1x16xf32>,
        %mul3A_494 = arith.constant 0.0303030312 : f32
        %mul3A_495 = vector.broadcast %mul3A_494 : f32 to vector<16xf32>
        %mul3A_496 = arith.mulf %scan3A_429#7, %mul3A_495 : vector<16xf32>
        %swap3A_497 = arith.constant 1 : i32
        %swap3A_498 = arith.index_cast %swap3A_497 : i32 to index
        %swap3A_499 = arith.constant 112 : index
        %swap3A_500 = tpu.vector_load %arg16[%swap3A_498, %swap3A_499] {strides = array<i32>} : memref<4x128xf32, #tpu.memory_space<vmem>>, vector<1x16xf32>,
        %swap3A_501 = vector.shape_cast %swap3A_500 : vector<1x16xf32> to vector<16xf32>
        %swap3A_502 = vector.shape_cast %mul3A_496 : vector<16xf32> to vector<1x16xf32>
        tpu.vector_store %arg16[%swap3A_498, %swap3A_499], %swap3A_502 {strides = array<i32>} : memref<4x128xf32, #tpu.memory_space<vmem>>, vector<1x16xf32>,
        %get3A_503 = arith.constant 2 : i32
        %get3A_504 = arith.index_cast %get3A_503 : i32 to index
        %get3A_505 = arith.constant 0 : index
        %get3A_506 = tpu.vector_load %arg12[%get3A_504, %get3A_505] {strides = array<i32>} : memref<4x128xf32, #tpu.memory_space<vmem>>, vector<1x16xf32>,
        %get3A_507 = vector.shape_cast %get3A_506 : vector<1x16xf32> to vector<16xf32>
        %get3A_508 = arith.constant 2 : i32
        %get3A_509 = arith.index_cast %get3A_508 : i32 to index
        %get3A_510 = arith.constant 16 : index
        %get3A_511 = tpu.vector_load %arg12[%get3A_509, %get3A_510] {strides = array<i32>} : memref<4x128xf32, #tpu.memory_space<vmem>>, vector<1x16xf32>,
        %get3A_512 = vector.shape_cast %get3A_511 : vector<1x16xf32> to vector<16xf32>
        %get3A_513 = arith.constant 2 : i32
        %get3A_514 = arith.index_cast %get3A_513 : i32 to index
        %get3A_515 = arith.constant 32 : index
        %get3A_516 = tpu.vector_load %arg12[%get3A_514, %get3A_515] {strides = array<i32>} : memref<4x128xf32, #tpu.memory_space<vmem>>, vector<1x16xf32>,
        %get3A_517 = vector.shape_cast %get3A_516 : vector<1x16xf32> to vector<16xf32>
        %get3A_518 = arith.constant 2 : i32
        %get3A_519 = arith.index_cast %get3A_518 : i32 to index
        %get3A_520 = arith.constant 48 : index
        %get3A_521 = tpu.vector_load %arg12[%get3A_519, %get3A_520] {strides = array<i32>} : memref<4x128xf32, #tpu.memory_space<vmem>>, vector<1x16xf32>,
        %get3A_522 = vector.shape_cast %get3A_521 : vector<1x16xf32> to vector<16xf32>
        %get3A_523 = arith.constant 2 : i32
        %get3A_524 = arith.index_cast %get3A_523 : i32 to index
        %get3A_525 = arith.constant 64 : index
        %get3A_526 = tpu.vector_load %arg12[%get3A_524, %get3A_525] {strides = array<i32>} : memref<4x128xf32, #tpu.memory_space<vmem>>, vector<1x16xf32>,
        %get3A_527 = vector.shape_cast %get3A_526 : vector<1x16xf32> to vector<16xf32>
        %get3A_528 = arith.constant 2 : i32
        %get3A_529 = arith.index_cast %get3A_528 : i32 to index
        %get3A_530 = arith.constant 80 : index
        %get3A_531 = tpu.vector_load %arg12[%get3A_529, %get3A_530] {strides = array<i32>} : memref<4x128xf32, #tpu.memory_space<vmem>>, vector<1x16xf32>,
        %get3A_532 = vector.shape_cast %get3A_531 : vector<1x16xf32> to vector<16xf32>
        %get3A_533 = arith.constant 2 : i32
        %get3A_534 = arith.index_cast %get3A_533 : i32 to index
        %get3A_535 = arith.constant 96 : index
        %get3A_536 = tpu.vector_load %arg12[%get3A_534, %get3A_535] {strides = array<i32>} : memref<4x128xf32, #tpu.memory_space<vmem>>, vector<1x16xf32>,
        %get3A_537 = vector.shape_cast %get3A_536 : vector<1x16xf32> to vector<16xf32>
        %get3A_538 = arith.constant 2 : i32
        %get3A_539 = arith.index_cast %get3A_538 : i32 to index
        %get3A_540 = arith.constant 112 : index
        %get3A_541 = tpu.vector_load %arg12[%get3A_539, %get3A_540] {strides = array<i32>} : memref<4x128xf32, #tpu.memory_space<vmem>>, vector<1x16xf32>,
        %get3A_542 = vector.shape_cast %get3A_541 : vector<1x16xf32> to vector<16xf32>
        %scan3A_543 = arith.constant 0 : i32
        %scan3A_544 = arith.constant 32 : i32
        %scan3A_545 = arith.addi %scan3A_543, %scan3A_544 : i32
        %scan3A_546 = arith.constant 1 : i32
        %scan3A_547:8 = scf.for %scan3A_742 = %scan3A_543 to %scan3A_545 step %scan3A_546 iter_args(%scan3A_743 = %get3A_507, %scan3A_744 = %get3A_512, %scan3A_745 = %get3A_517, %scan3A_746 = %get3A_522, %scan3A_747 = %get3A_527, %scan3A_748 = %get3A_532, %scan3A_749 = %get3A_537, %scan3A_750 = %get3A_542) -> (vector<16xf32>, vector<16xf32>, vector<16xf32>, vector<16xf32>, vector<16xf32>, vector<16xf32>, vector<16xf32>, vector<16xf32>)  : i32 {
          %add3A_751 = arith.constant 64 : i32
          %add3A_752 = arith.addi %add3A_751, %scan3A_742 : i32
          %get3A_753 = arith.index_cast %add3A_752 : i32 to index
          %get3A_754 = arith.constant 0 : index
          %get3A_755 = tpu.vector_load %arg8[%get3A_753, %get3A_754] {strides = array<i32>} : memref<128x128xf32, #tpu.memory_space<vmem>>, vector<1x16xf32>,
          %get3A_756 = vector.shape_cast %get3A_755 : vector<1x16xf32> to vector<16xf32>
          %add3A_757 = arith.addf %scan3A_743, %get3A_756 : vector<16xf32>
          %add3A_758 = arith.constant 64 : i32
          %add3A_759 = arith.addi %add3A_758, %scan3A_742 : i32
          %get3A_760 = arith.index_cast %add3A_759 : i32 to index
          %get3A_761 = arith.constant 16 : index
          %get3A_762 = tpu.vector_load %arg8[%get3A_760, %get3A_761] {strides = array<i32>} : memref<128x128xf32, #tpu.memory_space<vmem>>, vector<1x16xf32>,
          %get3A_763 = vector.shape_cast %get3A_762 : vector<1x16xf32> to vector<16xf32>
          %add3A_764 = arith.addf %scan3A_744, %get3A_763 : vector<16xf32>
          %add3A_765 = arith.constant 64 : i32
          %add3A_766 = arith.addi %add3A_765, %scan3A_742 : i32
          %get3A_767 = arith.index_cast %add3A_766 : i32 to index
          %get3A_768 = arith.constant 32 : index
          %get3A_769 = tpu.vector_load %arg8[%get3A_767, %get3A_768] {strides = array<i32>} : memref<128x128xf32, #tpu.memory_space<vmem>>, vector<1x16xf32>,
          %get3A_770 = vector.shape_cast %get3A_769 : vector<1x16xf32> to vector<16xf32>
          %add3A_771 = arith.addf %scan3A_745, %get3A_770 : vector<16xf32>
          %add3A_772 = arith.constant 64 : i32
          %add3A_773 = arith.addi %add3A_772, %scan3A_742 : i32
          %get3A_774 = arith.index_cast %add3A_773 : i32 to index
          %get3A_775 = arith.constant 48 : index
          %get3A_776 = tpu.vector_load %arg8[%get3A_774, %get3A_775] {strides = array<i32>} : memref<128x128xf32, #tpu.memory_space<vmem>>, vector<1x16xf32>,
          %get3A_777 = vector.shape_cast %get3A_776 : vector<1x16xf32> to vector<16xf32>
          %add3A_778 = arith.addf %scan3A_746, %get3A_777 : vector<16xf32>
          %add3A_779 = arith.constant 64 : i32
          %add3A_780 = arith.addi %add3A_779, %scan3A_742 : i32
          %get3A_781 = arith.index_cast %add3A_780 : i32 to index
          %get3A_782 = arith.constant 64 : index
          %get3A_783 = tpu.vector_load %arg8[%get3A_781, %get3A_782] {strides = array<i32>} : memref<128x128xf32, #tpu.memory_space<vmem>>, vector<1x16xf32>,
          %get3A_784 = vector.shape_cast %get3A_783 : vector<1x16xf32> to vector<16xf32>
          %add3A_785 = arith.addf %scan3A_747, %get3A_784 : vector<16xf32>
          %add3A_786 = arith.constant 64 : i32
          %add3A_787 = arith.addi %add3A_786, %scan3A_742 : i32
          %get3A_788 = arith.index_cast %add3A_787 : i32 to index
          %get3A_789 = arith.constant 80 : index
          %get3A_790 = tpu.vector_load %arg8[%get3A_788, %get3A_789] {strides = array<i32>} : memref<128x128xf32, #tpu.memory_space<vmem>>, vector<1x16xf32>,
          %get3A_791 = vector.shape_cast %get3A_790 : vector<1x16xf32> to vector<16xf32>
          %add3A_792 = arith.addf %scan3A_748, %get3A_791 : vector<16xf32>
          %add3A_793 = arith.constant 64 : i32
          %add3A_794 = arith.addi %add3A_793, %scan3A_742 : i32
          %get3A_795 = arith.index_cast %add3A_794 : i32 to index
          %get3A_796 = arith.constant 96 : index
          %get3A_797 = tpu.vector_load %arg8[%get3A_795, %get3A_796] {strides = array<i32>} : memref<128x128xf32, #tpu.memory_space<vmem>>, vector<1x16xf32>,
          %get3A_798 = vector.shape_cast %get3A_797 : vector<1x16xf32> to vector<16xf32>
          %add3A_799 = arith.addf %scan3A_749, %get3A_798 : vector<16xf32>
          %add3A_800 = arith.constant 64 : i32
          %add3A_801 = arith.addi %add3A_800, %scan3A_742 : i32
          %get3A_802 = arith.index_cast %add3A_801 : i32 to index
          %get3A_803 = arith.constant 112 : index
          %get3A_804 = tpu.vector_load %arg8[%get3A_802, %get3A_803] {strides = array<i32>} : memref<128x128xf32, #tpu.memory_space<vmem>>, vector<1x16xf32>,
          %get3A_805 = vector.shape_cast %get3A_804 : vector<1x16xf32> to vector<16xf32>
          %add3A_806 = arith.addf %scan3A_750, %get3A_805 : vector<16xf32>
          scf.yield %add3A_757, %add3A_764, %add3A_771, %add3A_778, %add3A_785, %add3A_792, %add3A_799, %add3A_806 : vector<16xf32>, vector<16xf32>, vector<16xf32>, vector<16xf32>, vector<16xf32>, vector<16xf32>, vector<16xf32>, vector<16xf32>
        }
        %scan3A_548 = arith.constant 32 : i32
        %mul3A_549 = arith.constant 0.0303030312 : f32
        %mul3A_550 = vector.broadcast %mul3A_549 : f32 to vector<16xf32>
        %mul3A_551 = arith.mulf %scan3A_547#0, %mul3A_550 : vector<16xf32>
        %swap3A_552 = arith.constant 2 : i32
        %swap3A_553 = arith.index_cast %swap3A_552 : i32 to index
        %swap3A_554 = arith.constant 0 : index
        %swap3A_555 = tpu.vector_load %arg16[%swap3A_553, %swap3A_554] {strides = array<i32>} : memref<4x128xf32, #tpu.memory_space<vmem>>, vector<1x16xf32>,
        %swap3A_556 = vector.shape_cast %swap3A_555 : vector<1x16xf32> to vector<16xf32>
        %swap3A_557 = vector.shape_cast %mul3A_551 : vector<16xf32> to vector<1x16xf32>
        tpu.vector_store %arg16[%swap3A_553, %swap3A_554], %swap3A_557 {strides = array<i32>} : memref<4x128xf32, #tpu.memory_space<vmem>>, vector<1x16xf32>,
        %mul3A_558 = arith.constant 0.0303030312 : f32
        %mul3A_559 = vector.broadcast %mul3A_558 : f32 to vector<16xf32>
        %mul3A_560 = arith.mulf %scan3A_547#1, %mul3A_559 : vector<16xf32>
        %swap3A_561 = arith.constant 2 : i32
        %swap3A_562 = arith.index_cast %swap3A_561 : i32 to index
        %swap3A_563 = arith.constant 16 : index
        %swap3A_564 = tpu.vector_load %arg16[%swap3A_562, %swap3A_563] {strides = array<i32>} : memref<4x128xf32, #tpu.memory_space<vmem>>, vector<1x16xf32>,
        %swap3A_565 = vector.shape_cast %swap3A_564 : vector<1x16xf32> to vector<16xf32>
        %swap3A_566 = vector.shape_cast %mul3A_560 : vector<16xf32> to vector<1x16xf32>
        tpu.vector_store %arg16[%swap3A_562, %swap3A_563], %swap3A_566 {strides = array<i32>} : memref<4x128xf32, #tpu.memory_space<vmem>>, vector<1x16xf32>,
        %mul3A_567 = arith.constant 0.0303030312 : f32
        %mul3A_568 = vector.broadcast %mul3A_567 : f32 to vector<16xf32>
        %mul3A_569 = arith.mulf %scan3A_547#2, %mul3A_568 : vector<16xf32>
        %swap3A_570 = arith.constant 2 : i32
        %swap3A_571 = arith.index_cast %swap3A_570 : i32 to index
        %swap3A_572 = arith.constant 32 : index
        %swap3A_573 = tpu.vector_load %arg16[%swap3A_571, %swap3A_572] {strides = array<i32>} : memref<4x128xf32, #tpu.memory_space<vmem>>, vector<1x16xf32>,
        %swap3A_574 = vector.shape_cast %swap3A_573 : vector<1x16xf32> to vector<16xf32>
        %swap3A_575 = vector.shape_cast %mul3A_569 : vector<16xf32> to vector<1x16xf32>
        tpu.vector_store %arg16[%swap3A_571, %swap3A_572], %swap3A_575 {strides = array<i32>} : memref<4x128xf32, #tpu.memory_space<vmem>>, vector<1x16xf32>,
        %mul3A_576 = arith.constant 0.0303030312 : f32
        %mul3A_577 = vector.broadcast %mul3A_576 : f32 to vector<16xf32>
        %mul3A_578 = arith.mulf %scan3A_547#3, %mul3A_577 : vector<16xf32>
        %swap3A_579 = arith.constant 2 : i32
        %swap3A_580 = arith.index_cast %swap3A_579 : i32 to index
        %swap3A_581 = arith.constant 48 : index
        %swap3A_582 = tpu.vector_load %arg16[%swap3A_580, %swap3A_581] {strides = array<i32>} : memref<4x128xf32, #tpu.memory_space<vmem>>, vector<1x16xf32>,
        %swap3A_583 = vector.shape_cast %swap3A_582 : vector<1x16xf32> to vector<16xf32>
        %swap3A_584 = vector.shape_cast %mul3A_578 : vector<16xf32> to vector<1x16xf32>
        tpu.vector_store %arg16[%swap3A_580, %swap3A_581], %swap3A_584 {strides = array<i32>} : memref<4x128xf32, #tpu.memory_space<vmem>>, vector<1x16xf32>,
        %mul3A_585 = arith.constant 0.0303030312 : f32
        %mul3A_586 = vector.broadcast %mul3A_585 : f32 to vector<16xf32>
        %mul3A_587 = arith.mulf %scan3A_547#4, %mul3A_586 : vector<16xf32>
        %swap3A_588 = arith.constant 2 : i32
        %swap3A_589 = arith.index_cast %swap3A_588 : i32 to index
        %swap3A_590 = arith.constant 64 : index
        %swap3A_591 = tpu.vector_load %arg16[%swap3A_589, %swap3A_590] {strides = array<i32>} : memref<4x128xf32, #tpu.memory_space<vmem>>, vector<1x16xf32>,
        %swap3A_592 = vector.shape_cast %swap3A_591 : vector<1x16xf32> to vector<16xf32>
        %swap3A_593 = vector.shape_cast %mul3A_587 : vector<16xf32> to vector<1x16xf32>
        tpu.vector_store %arg16[%swap3A_589, %swap3A_590], %swap3A_593 {strides = array<i32>} : memref<4x128xf32, #tpu.memory_space<vmem>>, vector<1x16xf32>,
        %mul3A_594 = arith.constant 0.0303030312 : f32
        %mul3A_595 = vector.broadcast %mul3A_594 : f32 to vector<16xf32>
        %mul3A_596 = arith.mulf %scan3A_547#5, %mul3A_595 : vector<16xf32>
        %swap3A_597 = arith.constant 2 : i32
        %swap3A_598 = arith.index_cast %swap3A_597 : i32 to index
        %swap3A_599 = arith.constant 80 : index
        %swap3A_600 = tpu.vector_load %arg16[%swap3A_598, %swap3A_599] {strides = array<i32>} : memref<4x128xf32, #tpu.memory_space<vmem>>, vector<1x16xf32>,
        %swap3A_601 = vector.shape_cast %swap3A_600 : vector<1x16xf32> to vector<16xf32>
        %swap3A_602 = vector.shape_cast %mul3A_596 : vector<16xf32> to vector<1x16xf32>
        tpu.vector_store %arg16[%swap3A_598, %swap3A_599], %swap3A_602 {strides = array<i32>} : memref<4x128xf32, #tpu.memory_space<vmem>>, vector<1x16xf32>,
        %mul3A_603 = arith.constant 0.0303030312 : f32
        %mul3A_604 = vector.broadcast %mul3A_603 : f32 to vector<16xf32>
        %mul3A_605 = arith.mulf %scan3A_547#6, %mul3A_604 : vector<16xf32>
        %swap3A_606 = arith.constant 2 : i32
        %swap3A_607 = arith.index_cast %swap3A_606 : i32 to index
        %swap3A_608 = arith.constant 96 : index
        %swap3A_609 = tpu.vector_load %arg16[%swap3A_607, %swap3A_608] {strides = array<i32>} : memref<4x128xf32, #tpu.memory_space<vmem>>, vector<1x16xf32>,
        %swap3A_610 = vector.shape_cast %swap3A_609 : vector<1x16xf32> to vector<16xf32>
        %swap3A_611 = vector.shape_cast %mul3A_605 : vector<16xf32> to vector<1x16xf32>
        tpu.vector_store %arg16[%swap3A_607, %swap3A_608], %swap3A_611 {strides = array<i32>} : memref<4x128xf32, #tpu.memory_space<vmem>>, vector<1x16xf32>,
        %mul3A_612 = arith.constant 0.0303030312 : f32
        %mul3A_613 = vector.broadcast %mul3A_612 : f32 to vector<16xf32>
        %mul3A_614 = arith.mulf %scan3A_547#7, %mul3A_613 : vector<16xf32>
        %swap3A_615 = arith.constant 2 : i32
        %swap3A_616 = arith.index_cast %swap3A_615 : i32 to index
        %swap3A_617 = arith.constant 112 : index
        %swap3A_618 = tpu.vector_load %arg16[%swap3A_616, %swap3A_617] {strides = array<i32>} : memref<4x128xf32, #tpu.memory_space<vmem>>, vector<1x16xf32>,
        %swap3A_619 = vector.shape_cast %swap3A_618 : vector<1x16xf32> to vector<16xf32>
        %swap3A_620 = vector.shape_cast %mul3A_614 : vector<16xf32> to vector<1x16xf32>
        tpu.vector_store %arg16[%swap3A_616, %swap3A_617], %swap3A_620 {strides = array<i32>} : memref<4x128xf32, #tpu.memory_space<vmem>>, vector<1x16xf32>,
        %get3A_621 = arith.constant 3 : i32
        %get3A_622 = arith.index_cast %get3A_621 : i32 to index
        %get3A_623 = arith.constant 0 : index
        %get3A_624 = tpu.vector_load %arg12[%get3A_622, %get3A_623] {strides = array<i32>} : memref<4x128xf32, #tpu.memory_space<vmem>>, vector<1x16xf32>,
        %get3A_625 = vector.shape_cast %get3A_624 : vector<1x16xf32> to vector<16xf32>
        %get3A_626 = arith.constant 3 : i32
        %get3A_627 = arith.index_cast %get3A_626 : i32 to index
        %get3A_628 = arith.constant 16 : index
        %get3A_629 = tpu.vector_load %arg12[%get3A_627, %get3A_628] {strides = array<i32>} : memref<4x128xf32, #tpu.memory_space<vmem>>, vector<1x16xf32>,
        %get3A_630 = vector.shape_cast %get3A_629 : vector<1x16xf32> to vector<16xf32>
        %get3A_631 = arith.constant 3 : i32
        %get3A_632 = arith.index_cast %get3A_631 : i32 to index
        %get3A_633 = arith.constant 32 : index
        %get3A_634 = tpu.vector_load %arg12[%get3A_632, %get3A_633] {strides = array<i32>} : memref<4x128xf32, #tpu.memory_space<vmem>>, vector<1x16xf32>,
        %get3A_635 = vector.shape_cast %get3A_634 : vector<1x16xf32> to vector<16xf32>
        %get3A_636 = arith.constant 3 : i32
        %get3A_637 = arith.index_cast %get3A_636 : i32 to index
        %get3A_638 = arith.constant 48 : index
        %get3A_639 = tpu.vector_load %arg12[%get3A_637, %get3A_638] {strides = array<i32>} : memref<4x128xf32, #tpu.memory_space<vmem>>, vector<1x16xf32>,
        %get3A_640 = vector.shape_cast %get3A_639 : vector<1x16xf32> to vector<16xf32>
        %get3A_641 = arith.constant 3 : i32
        %get3A_642 = arith.index_cast %get3A_641 : i32 to index
        %get3A_643 = arith.constant 64 : index
        %get3A_644 = tpu.vector_load %arg12[%get3A_642, %get3A_643] {strides = array<i32>} : memref<4x128xf32, #tpu.memory_space<vmem>>, vector<1x16xf32>,
        %get3A_645 = vector.shape_cast %get3A_644 : vector<1x16xf32> to vector<16xf32>
        %get3A_646 = arith.constant 3 : i32
        %get3A_647 = arith.index_cast %get3A_646 : i32 to index
        %get3A_648 = arith.constant 80 : index
        %get3A_649 = tpu.vector_load %arg12[%get3A_647, %get3A_648] {strides = array<i32>} : memref<4x128xf32, #tpu.memory_space<vmem>>, vector<1x16xf32>,
        %get3A_650 = vector.shape_cast %get3A_649 : vector<1x16xf32> to vector<16xf32>
        %get3A_651 = arith.constant 3 : i32
        %get3A_652 = arith.index_cast %get3A_651 : i32 to index
        %get3A_653 = arith.constant 96 : index
        %get3A_654 = tpu.vector_load %arg12[%get3A_652, %get3A_653] {strides = array<i32>} : memref<4x128xf32, #tpu.memory_space<vmem>>, vector<1x16xf32>,
        %get3A_655 = vector.shape_cast %get3A_654 : vector<1x16xf32> to vector<16xf32>
        %get3A_656 = arith.constant 3 : i32
        %get3A_657 = arith.index_cast %get3A_656 : i32 to index
        %get3A_658 = arith.constant 112 : index
        %get3A_659 = tpu.vector_load %arg12[%get3A_657, %get3A_658] {strides = array<i32>} : memref<4x128xf32, #tpu.memory_space<vmem>>, vector<1x16xf32>,
        %get3A_660 = vector.shape_cast %get3A_659 : vector<1x16xf32> to vector<16xf32>
        %scan3A_661 = arith.constant 0 : i32
        %scan3A_662 = arith.constant 32 : i32
        %scan3A_663 = arith.addi %scan3A_661, %scan3A_662 : i32
        %scan3A_664 = arith.constant 1 : i32
        %scan3A_665:8 = scf.for %scan3A_742 = %scan3A_661 to %scan3A_663 step %scan3A_664 iter_args(%scan3A_743 = %get3A_625, %scan3A_744 = %get3A_630, %scan3A_745 = %get3A_635, %scan3A_746 = %get3A_640, %scan3A_747 = %get3A_645, %scan3A_748 = %get3A_650, %scan3A_749 = %get3A_655, %scan3A_750 = %get3A_660) -> (vector<16xf32>, vector<16xf32>, vector<16xf32>, vector<16xf32>, vector<16xf32>, vector<16xf32>, vector<16xf32>, vector<16xf32>)  : i32 {
          %add3A_751 = arith.constant 96 : i32
          %add3A_752 = arith.addi %add3A_751, %scan3A_742 : i32
          %get3A_753 = arith.index_cast %add3A_752 : i32 to index
          %get3A_754 = arith.constant 0 : index
          %get3A_755 = tpu.vector_load %arg8[%get3A_753, %get3A_754] {strides = array<i32>} : memref<128x128xf32, #tpu.memory_space<vmem>>, vector<1x16xf32>,
          %get3A_756 = vector.shape_cast %get3A_755 : vector<1x16xf32> to vector<16xf32>
          %add3A_757 = arith.addf %scan3A_743, %get3A_756 : vector<16xf32>
          %add3A_758 = arith.constant 96 : i32
          %add3A_759 = arith.addi %add3A_758, %scan3A_742 : i32
          %get3A_760 = arith.index_cast %add3A_759 : i32 to index
          %get3A_761 = arith.constant 16 : index
          %get3A_762 = tpu.vector_load %arg8[%get3A_760, %get3A_761] {strides = array<i32>} : memref<128x128xf32, #tpu.memory_space<vmem>>, vector<1x16xf32>,
          %get3A_763 = vector.shape_cast %get3A_762 : vector<1x16xf32> to vector<16xf32>
          %add3A_764 = arith.addf %scan3A_744, %get3A_763 : vector<16xf32>
          %add3A_765 = arith.constant 96 : i32
          %add3A_766 = arith.addi %add3A_765, %scan3A_742 : i32
          %get3A_767 = arith.index_cast %add3A_766 : i32 to index
          %get3A_768 = arith.constant 32 : index
          %get3A_769 = tpu.vector_load %arg8[%get3A_767, %get3A_768] {strides = array<i32>} : memref<128x128xf32, #tpu.memory_space<vmem>>, vector<1x16xf32>,
          %get3A_770 = vector.shape_cast %get3A_769 : vector<1x16xf32> to vector<16xf32>
          %add3A_771 = arith.addf %scan3A_745, %get3A_770 : vector<16xf32>
          %add3A_772 = arith.constant 96 : i32
          %add3A_773 = arith.addi %add3A_772, %scan3A_742 : i32
          %get3A_774 = arith.index_cast %add3A_773 : i32 to index
          %get3A_775 = arith.constant 48 : index
          %get3A_776 = tpu.vector_load %arg8[%get3A_774, %get3A_775] {strides = array<i32>} : memref<128x128xf32, #tpu.memory_space<vmem>>, vector<1x16xf32>,
          %get3A_777 = vector.shape_cast %get3A_776 : vector<1x16xf32> to vector<16xf32>
          %add3A_778 = arith.addf %scan3A_746, %get3A_777 : vector<16xf32>
          %add3A_779 = arith.constant 96 : i32
          %add3A_780 = arith.addi %add3A_779, %scan3A_742 : i32
          %get3A_781 = arith.index_cast %add3A_780 : i32 to index
          %get3A_782 = arith.constant 64 : index
          %get3A_783 = tpu.vector_load %arg8[%get3A_781, %get3A_782] {strides = array<i32>} : memref<128x128xf32, #tpu.memory_space<vmem>>, vector<1x16xf32>,
          %get3A_784 = vector.shape_cast %get3A_783 : vector<1x16xf32> to vector<16xf32>
          %add3A_785 = arith.addf %scan3A_747, %get3A_784 : vector<16xf32>
          %add3A_786 = arith.constant 96 : i32
          %add3A_787 = arith.addi %add3A_786, %scan3A_742 : i32
          %get3A_788 = arith.index_cast %add3A_787 : i32 to index
          %get3A_789 = arith.constant 80 : index
          %get3A_790 = tpu.vector_load %arg8[%get3A_788, %get3A_789] {strides = array<i32>} : memref<128x128xf32, #tpu.memory_space<vmem>>, vector<1x16xf32>,
          %get3A_791 = vector.shape_cast %get3A_790 : vector<1x16xf32> to vector<16xf32>
          %add3A_792 = arith.addf %scan3A_748, %get3A_791 : vector<16xf32>
          %add3A_793 = arith.constant 96 : i32
          %add3A_794 = arith.addi %add3A_793, %scan3A_742 : i32
          %get3A_795 = arith.index_cast %add3A_794 : i32 to index
          %get3A_796 = arith.constant 96 : index
          %get3A_797 = tpu.vector_load %arg8[%get3A_795, %get3A_796] {strides = array<i32>} : memref<128x128xf32, #tpu.memory_space<vmem>>, vector<1x16xf32>,
          %get3A_798 = vector.shape_cast %get3A_797 : vector<1x16xf32> to vector<16xf32>
          %add3A_799 = arith.addf %scan3A_749, %get3A_798 : vector<16xf32>
          %add3A_800 = arith.constant 96 : i32
          %add3A_801 = arith.addi %add3A_800, %scan3A_742 : i32
          %get3A_802 = arith.index_cast %add3A_801 : i32 to index
          %get3A_803 = arith.constant 112 : index
          %get3A_804 = tpu.vector_load %arg8[%get3A_802, %get3A_803] {strides = array<i32>} : memref<128x128xf32, #tpu.memory_space<vmem>>, vector<1x16xf32>,
          %get3A_805 = vector.shape_cast %get3A_804 : vector<1x16xf32> to vector<16xf32>
          %add3A_806 = arith.addf %scan3A_750, %get3A_805 : vector<16xf32>
          scf.yield %add3A_757, %add3A_764, %add3A_771, %add3A_778, %add3A_785, %add3A_792, %add3A_799, %add3A_806 : vector<16xf32>, vector<16xf32>, vector<16xf32>, vector<16xf32>, vector<16xf32>, vector<16xf32>, vector<16xf32>, vector<16xf32>
        }
        %scan3A_666 = arith.constant 32 : i32
        %mul3A_667 = arith.constant 0.0303030312 : f32
        %mul3A_668 = vector.broadcast %mul3A_667 : f32 to vector<16xf32>
        %mul3A_669 = arith.mulf %scan3A_665#0, %mul3A_668 : vector<16xf32>
        %swap3A_670 = arith.constant 3 : i32
        %swap3A_671 = arith.index_cast %swap3A_670 : i32 to index
        %swap3A_672 = arith.constant 0 : index
        %swap3A_673 = tpu.vector_load %arg16[%swap3A_671, %swap3A_672] {strides = array<i32>} : memref<4x128xf32, #tpu.memory_space<vmem>>, vector<1x16xf32>,
        %swap3A_674 = vector.shape_cast %swap3A_673 : vector<1x16xf32> to vector<16xf32>
        %swap3A_675 = vector.shape_cast %mul3A_669 : vector<16xf32> to vector<1x16xf32>
        tpu.vector_store %arg16[%swap3A_671, %swap3A_672], %swap3A_675 {strides = array<i32>} : memref<4x128xf32, #tpu.memory_space<vmem>>, vector<1x16xf32>,
        %mul3A_676 = arith.constant 0.0303030312 : f32
        %mul3A_677 = vector.broadcast %mul3A_676 : f32 to vector<16xf32>
        %mul3A_678 = arith.mulf %scan3A_665#1, %mul3A_677 : vector<16xf32>
        %swap3A_679 = arith.constant 3 : i32
        %swap3A_680 = arith.index_cast %swap3A_679 : i32 to index
        %swap3A_681 = arith.constant 16 : index
        %swap3A_682 = tpu.vector_load %arg16[%swap3A_680, %swap3A_681] {strides = array<i32>} : memref<4x128xf32, #tpu.memory_space<vmem>>, vector<1x16xf32>,
        %swap3A_683 = vector.shape_cast %swap3A_682 : vector<1x16xf32> to vector<16xf32>
        %swap3A_684 = vector.shape_cast %mul3A_678 : vector<16xf32> to vector<1x16xf32>
        tpu.vector_store %arg16[%swap3A_680, %swap3A_681], %swap3A_684 {strides = array<i32>} : memref<4x128xf32, #tpu.memory_space<vmem>>, vector<1x16xf32>,
        %mul3A_685 = arith.constant 0.0303030312 : f32
        %mul3A_686 = vector.broadcast %mul3A_685 : f32 to vector<16xf32>
        %mul3A_687 = arith.mulf %scan3A_665#2, %mul3A_686 : vector<16xf32>
        %swap3A_688 = arith.constant 3 : i32
        %swap3A_689 = arith.index_cast %swap3A_688 : i32 to index
        %swap3A_690 = arith.constant 32 : index
        %swap3A_691 = tpu.vector_load %arg16[%swap3A_689, %swap3A_690] {strides = array<i32>} : memref<4x128xf32, #tpu.memory_space<vmem>>, vector<1x16xf32>,
        %swap3A_692 = vector.shape_cast %swap3A_691 : vector<1x16xf32> to vector<16xf32>
        %swap3A_693 = vector.shape_cast %mul3A_687 : vector<16xf32> to vector<1x16xf32>
        tpu.vector_store %arg16[%swap3A_689, %swap3A_690], %swap3A_693 {strides = array<i32>} : memref<4x128xf32, #tpu.memory_space<vmem>>, vector<1x16xf32>,
        %mul3A_694 = arith.constant 0.0303030312 : f32
        %mul3A_695 = vector.broadcast %mul3A_694 : f32 to vector<16xf32>
        %mul3A_696 = arith.mulf %scan3A_665#3, %mul3A_695 : vector<16xf32>
        %swap3A_697 = arith.constant 3 : i32
        %swap3A_698 = arith.index_cast %swap3A_697 : i32 to index
        %swap3A_699 = arith.constant 48 : index
        %swap3A_700 = tpu.vector_load %arg16[%swap3A_698, %swap3A_699] {strides = array<i32>} : memref<4x128xf32, #tpu.memory_space<vmem>>, vector<1x16xf32>,
        %swap3A_701 = vector.shape_cast %swap3A_700 : vector<1x16xf32> to vector<16xf32>
        %swap3A_702 = vector.shape_cast %mul3A_696 : vector<16xf32> to vector<1x16xf32>
        tpu.vector_store %arg16[%swap3A_698, %swap3A_699], %swap3A_702 {strides = array<i32>} : memref<4x128xf32, #tpu.memory_space<vmem>>, vector<1x16xf32>,
        %mul3A_703 = arith.constant 0.0303030312 : f32
        %mul3A_704 = vector.broadcast %mul3A_703 : f32 to vector<16xf32>
        %mul3A_705 = arith.mulf %scan3A_665#4, %mul3A_704 : vector<16xf32>
        %swap3A_706 = arith.constant 3 : i32
        %swap3A_707 = arith.index_cast %swap3A_706 : i32 to index
        %swap3A_708 = arith.constant 64 : index
        %swap3A_709 = tpu.vector_load %arg16[%swap3A_707, %swap3A_708] {strides = array<i32>} : memref<4x128xf32, #tpu.memory_space<vmem>>, vector<1x16xf32>,
        %swap3A_710 = vector.shape_cast %swap3A_709 : vector<1x16xf32> to vector<16xf32>
        %swap3A_711 = vector.shape_cast %mul3A_705 : vector<16xf32> to vector<1x16xf32>
        tpu.vector_store %arg16[%swap3A_707, %swap3A_708], %swap3A_711 {strides = array<i32>} : memref<4x128xf32, #tpu.memory_space<vmem>>, vector<1x16xf32>,
        %mul3A_712 = arith.constant 0.0303030312 : f32
        %mul3A_713 = vector.broadcast %mul3A_712 : f32 to vector<16xf32>
        %mul3A_714 = arith.mulf %scan3A_665#5, %mul3A_713 : vector<16xf32>
        %swap3A_715 = arith.constant 3 : i32
        %swap3A_716 = arith.index_cast %swap3A_715 : i32 to index
        %swap3A_717 = arith.constant 80 : index
        %swap3A_718 = tpu.vector_load %arg16[%swap3A_716, %swap3A_717] {strides = array<i32>} : memref<4x128xf32, #tpu.memory_space<vmem>>, vector<1x16xf32>,
        %swap3A_719 = vector.shape_cast %swap3A_718 : vector<1x16xf32> to vector<16xf32>
        %swap3A_720 = vector.shape_cast %mul3A_714 : vector<16xf32> to vector<1x16xf32>
        tpu.vector_store %arg16[%swap3A_716, %swap3A_717], %swap3A_720 {strides = array<i32>} : memref<4x128xf32, #tpu.memory_space<vmem>>, vector<1x16xf32>,
        %mul3A_721 = arith.constant 0.0303030312 : f32
        %mul3A_722 = vector.broadcast %mul3A_721 : f32 to vector<16xf32>
        %mul3A_723 = arith.mulf %scan3A_665#6, %mul3A_722 : vector<16xf32>
        %swap3A_724 = arith.constant 3 : i32
        %swap3A_725 = arith.index_cast %swap3A_724 : i32 to index
        %swap3A_726 = arith.constant 96 : index
        %swap3A_727 = tpu.vector_load %arg16[%swap3A_725, %swap3A_726] {strides = array<i32>} : memref<4x128xf32, #tpu.memory_space<vmem>>, vector<1x16xf32>,
        %swap3A_728 = vector.shape_cast %swap3A_727 : vector<1x16xf32> to vector<16xf32>
        %swap3A_729 = vector.shape_cast %mul3A_723 : vector<16xf32> to vector<1x16xf32>
        tpu.vector_store %arg16[%swap3A_725, %swap3A_726], %swap3A_729 {strides = array<i32>} : memref<4x128xf32, #tpu.memory_space<vmem>>, vector<1x16xf32>,
        %mul3A_730 = arith.constant 0.0303030312 : f32
        %mul3A_731 = vector.broadcast %mul3A_730 : f32 to vector<16xf32>
        %mul3A_732 = arith.mulf %scan3A_665#7, %mul3A_731 : vector<16xf32>
        %swap3A_733 = arith.constant 3 : i32
        %swap3A_734 = arith.index_cast %swap3A_733 : i32 to index
        %swap3A_735 = arith.constant 112 : index
        %swap3A_736 = tpu.vector_load %arg16[%swap3A_734, %swap3A_735] {strides = array<i32>} : memref<4x128xf32, #tpu.memory_space<vmem>>, vector<1x16xf32>,
        %swap3A_737 = vector.shape_cast %swap3A_736 : vector<1x16xf32> to vector<16xf32>
        %swap3A_738 = vector.shape_cast %mul3A_732 : vector<16xf32> to vector<1x16xf32>
        tpu.vector_store %arg16[%swap3A_734, %swap3A_735], %swap3A_738 {strides = array<i32>} : memref<4x128xf32, #tpu.memory_space<vmem>>, vector<1x16xf32>,
        %dma_start3A = arith.constant 0 : i32
        %dma_start3A_739 = tpu.memref_slice %arg4[%mul3A_259, %dma_start3A] : memref<10000x128xf32, #tpu.memory_space<hbm>> -> memref<4x128xf32, #tpu.memory_space<hbm>>
        %dma_start3A_740 = arith.constant 0 : i32
        %dma_start3A_741 = tpu.memref_slice %arg4[%mul3A_259, %dma_start3A_740] : memref<10000x128xf32, #tpu.memory_space<hbm>> -> memref<4x128xf32, #tpu.memory_space<hbm>>
        tpu.enqueue_dma source(%arg16 : memref<4x128xf32, #tpu.memory_space<vmem>>) target(%dma_start3A_741 : memref<4x128xf32, #tpu.memory_space<hbm>>) target_semaphore(%arg28 : memref<!tpu.dma_semaphore, #tpu.memory_space<semaphore_mem>>)
      } else {
      }
      %mul3A_219 = arith.constant 4 : i32
      %mul3A_220 = arith.muli %scan3A_105, %mul3A_219 : i32
      %add3A_221 = arith.constant 3 : i32
      %add3A_222 = arith.addi %mul3A_220, %add3A_221 : i32
      %add3A_223 = arith.constant 3 : i32
      %add3A_224 = arith.addi %add3A_222, %add3A_223 : i32
      %lt3A_225 = arith.constant 79 : i32
      %lt3A_226 = arith.cmpi slt, %add3A_224, %lt3A_225 : i32
      %add3A_227 = arith.addi %mul3A_2, %add3A_224 : i32
      %lt3A_228 = arith.constant 2500 : i32
      %lt3A_229 = arith.cmpi slt, %add3A_227, %lt3A_228 : i32
      %and3A_230 = arith.andi %lt3A_226, %lt3A_229 : i1
      %convert_element_type3A_231 = arith.extui %and3A_230 : i1 to i32
      %cond3A_232 = arith.constant 0 : i32
      %cond3A_233 = arith.cmpi ne, %convert_element_type3A_231, %cond3A_232 : i32
      scf.if %cond3A_233 {
        %mul3A_257 = arith.constant 128 : i32
        %mul3A_258 = arith.muli %add3A_224, %mul3A_257 : i32
        %dma_start3A = tpu.memref_slice %arg5[%mul3A_258] : memref<10112xi32, #tpu.memory_space<vmem>> -> memref<128xi32, #tpu.memory_space<vmem>>
        %dma_start3A_259 = arith.constant 0 : i32
        %dma_start3A_260 = arith.constant 0 : i32
        %dma_start3A_261 = tpu.memref_slice %arg2[%dma_start3A_259, %dma_start3A_260] : memref<10000x128xf32, #tpu.memory_space<hbm>> -> memref<10000x128xf32, #tpu.memory_space<hbm>>
        tpu.enqueue_indirect_dma source(%dma_start3A_261 : memref<10000x128xf32, #tpu.memory_space<hbm>>) target(%arg8 : memref<128x128xf32, #tpu.memory_space<vmem>>) offsets(%dma_start3A : memref<128xi32, #tpu.memory_space<vmem>>) semaphore(%arg20 : memref<!tpu.dma_semaphore, #tpu.memory_space<semaphore_mem>>)
        %add3A_262 = arith.addi %mul3A_2, %add3A_224 : i32
        %mul3A_263 = arith.constant 4 : i32
        %mul3A_264 = arith.muli %add3A_262, %mul3A_263 : i32
        %dma_start3A_265 = arith.constant 0 : i32
        %dma_start3A_266 = tpu.memref_slice %arg2[%mul3A_264, %dma_start3A_265] : memref<10000x128xf32, #tpu.memory_space<hbm>> -> memref<4x128xf32, #tpu.memory_space<hbm>>
        %dma_start3A_267 = arith.constant 0 : i32
        %dma_start3A_268 = tpu.memref_slice %arg2[%mul3A_264, %dma_start3A_267] : memref<10000x128xf32, #tpu.memory_space<hbm>> -> memref<4x128xf32, #tpu.memory_space<hbm>>
        tpu.enqueue_dma source(%dma_start3A_268 : memref<4x128xf32, #tpu.memory_space<hbm>>) target(%arg12 : memref<4x128xf32, #tpu.memory_space<vmem>>) target_semaphore(%arg24 : memref<!tpu.dma_semaphore, #tpu.memory_space<semaphore_mem>>)
      } else {
      }
      %sub3A_234 = arith.constant 4 : i32
      %sub3A_235 = arith.subi %add3A_222, %sub3A_234 : i32
      %ge3A_236 = arith.constant 0 : i32
      %ge3A_237 = arith.cmpi sge, %sub3A_235, %ge3A_236 : i32
      %lt3A_238 = arith.constant 79 : i32
      %lt3A_239 = arith.cmpi slt, %sub3A_235, %lt3A_238 : i32
      %add3A_240 = arith.addi %mul3A_2, %sub3A_235 : i32
      %lt3A_241 = arith.constant 2500 : i32
      %lt3A_242 = arith.cmpi slt, %add3A_240, %lt3A_241 : i32
      %and3A_243 = arith.andi %lt3A_239, %lt3A_242 : i1
      %and3A_244 = arith.andi %ge3A_237, %and3A_243 : i1
      %convert_element_type3A_245 = arith.extui %and3A_244 : i1 to i32
      %cond3A_246 = arith.constant 0 : i32
      %cond3A_247 = arith.cmpi ne, %convert_element_type3A_245, %cond3A_246 : i32
      scf.if %cond3A_247 {
        %add3A_257 = arith.addi %mul3A_2, %sub3A_235 : i32
        %mul3A_258 = arith.constant 4 : i32
        %mul3A_259 = arith.muli %add3A_257, %mul3A_258 : i32
        %dma_wait3A = arith.constant 0 : i32
        %dma_wait3A_260 = tpu.memref_slice %arg4[%mul3A_259, %dma_wait3A] : memref<10000x128xf32, #tpu.memory_space<hbm>> -> memref<4x128xf32, #tpu.memory_space<hbm>>
        %dma_wait3A_261 = arith.constant 0 : i32
        %dma_wait3A_262 = tpu.memref_slice %arg4[%mul3A_259, %dma_wait3A_261] : memref<10000x128xf32, #tpu.memory_space<hbm>> -> memref<4x128xf32, #tpu.memory_space<hbm>>
        tpu.wait_dma2 semaphore(%arg29 : memref<!tpu.dma_semaphore, #tpu.memory_space<semaphore_mem>>) src(%arg17 : memref<4x128xf32, #tpu.memory_space<vmem>>) dst(%dma_wait3A_262 : memref<4x128xf32, #tpu.memory_space<hbm>>)
      } else {
      }
      %lt3A_248 = arith.constant 79 : i32
      %lt3A_249 = arith.cmpi slt, %add3A_222, %lt3A_248 : i32
      %add3A_250 = arith.addi %mul3A_2, %add3A_222 : i32
      %lt3A_251 = arith.constant 2500 : i32
      %lt3A_252 = arith.cmpi slt, %add3A_250, %lt3A_251 : i32
      %and3A_253 = arith.andi %lt3A_249, %lt3A_252 : i1
      %convert_element_type3A_254 = arith.extui %and3A_253 : i1 to i32
      %cond3A_255 = arith.constant 0 : i32
      %cond3A_256 = arith.cmpi ne, %convert_element_type3A_254, %cond3A_255 : i32
      scf.if %cond3A_256 {
        %add3A_257 = arith.addi %mul3A_2, %add3A_222 : i32
        %mul3A_258 = arith.constant 4 : i32
        %mul3A_259 = arith.muli %add3A_257, %mul3A_258 : i32
        %mul3A_260 = arith.constant 128 : i32
        %mul3A_261 = arith.muli %add3A_222, %mul3A_260 : i32
        %dma_wait3A = tpu.memref_slice %arg5[%mul3A_261] : memref<10112xi32, #tpu.memory_space<vmem>> -> memref<128xi32, #tpu.memory_space<vmem>>
        %dma_wait3A_262 = arith.constant 0 : i32
        %dma_wait3A_263 = arith.constant 0 : i32
        %dma_wait3A_264 = tpu.memref_slice %arg2[%dma_wait3A_262, %dma_wait3A_263] : memref<10000x128xf32, #tpu.memory_space<hbm>> -> memref<10000x128xf32, #tpu.memory_space<hbm>>
        tpu.wait_indirect_dma semaphore(%arg21 : memref<!tpu.dma_semaphore, #tpu.memory_space<semaphore_mem>>) src(%dma_wait3A_264 : memref<10000x128xf32, #tpu.memory_space<hbm>>) dst(%arg9 : memref<128x128xf32, #tpu.memory_space<vmem>>)
        %dma_wait3A_265 = arith.constant 0 : i32
        %dma_wait3A_266 = tpu.memref_slice %arg2[%mul3A_259, %dma_wait3A_265] : memref<10000x128xf32, #tpu.memory_space<hbm>> -> memref<4x128xf32, #tpu.memory_space<hbm>>
        %dma_wait3A_267 = arith.constant 0 : i32
        %dma_wait3A_268 = tpu.memref_slice %arg2[%mul3A_259, %dma_wait3A_267] : memref<10000x128xf32, #tpu.memory_space<hbm>> -> memref<4x128xf32, #tpu.memory_space<hbm>>
        tpu.wait_dma2 semaphore(%arg25 : memref<!tpu.dma_semaphore, #tpu.memory_space<semaphore_mem>>) src(%dma_wait3A_268 : memref<4x128xf32, #tpu.memory_space<hbm>>) dst(%arg13 : memref<4x128xf32, #tpu.memory_space<vmem>>)
        %get3A = arith.constant 0 : i32
        %get3A_269 = arith.index_cast %get3A : i32 to index
        %get3A_270 = arith.constant 0 : index
        %get3A_271 = tpu.vector_load %arg13[%get3A_269, %get3A_270] {strides = array<i32>} : memref<4x128xf32, #tpu.memory_space<vmem>>, vector<1x16xf32>,
        %get3A_272 = vector.shape_cast %get3A_271 : vector<1x16xf32> to vector<16xf32>
        %get3A_273 = arith.constant 0 : i32
        %get3A_274 = arith.index_cast %get3A_273 : i32 to index
        %get3A_275 = arith.constant 16 : index
        %get3A_276 = tpu.vector_load %arg13[%get3A_274, %get3A_275] {strides = array<i32>} : memref<4x128xf32, #tpu.memory_space<vmem>>, vector<1x16xf32>,
        %get3A_277 = vector.shape_cast %get3A_276 : vector<1x16xf32> to vector<16xf32>
        %get3A_278 = arith.constant 0 : i32
        %get3A_279 = arith.index_cast %get3A_278 : i32 to index
        %get3A_280 = arith.constant 32 : index
        %get3A_281 = tpu.vector_load %arg13[%get3A_279, %get3A_280] {strides = array<i32>} : memref<4x128xf32, #tpu.memory_space<vmem>>, vector<1x16xf32>,
        %get3A_282 = vector.shape_cast %get3A_281 : vector<1x16xf32> to vector<16xf32>
        %get3A_283 = arith.constant 0 : i32
        %get3A_284 = arith.index_cast %get3A_283 : i32 to index
        %get3A_285 = arith.constant 48 : index
        %get3A_286 = tpu.vector_load %arg13[%get3A_284, %get3A_285] {strides = array<i32>} : memref<4x128xf32, #tpu.memory_space<vmem>>, vector<1x16xf32>,
        %get3A_287 = vector.shape_cast %get3A_286 : vector<1x16xf32> to vector<16xf32>
        %get3A_288 = arith.constant 0 : i32
        %get3A_289 = arith.index_cast %get3A_288 : i32 to index
        %get3A_290 = arith.constant 64 : index
        %get3A_291 = tpu.vector_load %arg13[%get3A_289, %get3A_290] {strides = array<i32>} : memref<4x128xf32, #tpu.memory_space<vmem>>, vector<1x16xf32>,
        %get3A_292 = vector.shape_cast %get3A_291 : vector<1x16xf32> to vector<16xf32>
        %get3A_293 = arith.constant 0 : i32
        %get3A_294 = arith.index_cast %get3A_293 : i32 to index
        %get3A_295 = arith.constant 80 : index
        %get3A_296 = tpu.vector_load %arg13[%get3A_294, %get3A_295] {strides = array<i32>} : memref<4x128xf32, #tpu.memory_space<vmem>>, vector<1x16xf32>,
        %get3A_297 = vector.shape_cast %get3A_296 : vector<1x16xf32> to vector<16xf32>
        %get3A_298 = arith.constant 0 : i32
        %get3A_299 = arith.index_cast %get3A_298 : i32 to index
        %get3A_300 = arith.constant 96 : index
        %get3A_301 = tpu.vector_load %arg13[%get3A_299, %get3A_300] {strides = array<i32>} : memref<4x128xf32, #tpu.memory_space<vmem>>, vector<1x16xf32>,
        %get3A_302 = vector.shape_cast %get3A_301 : vector<1x16xf32> to vector<16xf32>
        %get3A_303 = arith.constant 0 : i32
        %get3A_304 = arith.index_cast %get3A_303 : i32 to index
        %get3A_305 = arith.constant 112 : index
        %get3A_306 = tpu.vector_load %arg13[%get3A_304, %get3A_305] {strides = array<i32>} : memref<4x128xf32, #tpu.memory_space<vmem>>, vector<1x16xf32>,
        %get3A_307 = vector.shape_cast %get3A_306 : vector<1x16xf32> to vector<16xf32>
        %scan3A_308 = arith.constant 0 : i32
        %scan3A_309 = arith.constant 32 : i32
        %scan3A_310 = arith.addi %scan3A_308, %scan3A_309 : i32
        %scan3A_311 = arith.constant 1 : i32
        %scan3A_312:8 = scf.for %scan3A_742 = %scan3A_308 to %scan3A_310 step %scan3A_311 iter_args(%scan3A_743 = %get3A_272, %scan3A_744 = %get3A_277, %scan3A_745 = %get3A_282, %scan3A_746 = %get3A_287, %scan3A_747 = %get3A_292, %scan3A_748 = %get3A_297, %scan3A_749 = %get3A_302, %scan3A_750 = %get3A_307) -> (vector<16xf32>, vector<16xf32>, vector<16xf32>, vector<16xf32>, vector<16xf32>, vector<16xf32>, vector<16xf32>, vector<16xf32>)  : i32 {
          %add3A_751 = arith.constant 0 : i32
          %add3A_752 = arith.addi %add3A_751, %scan3A_742 : i32
          %get3A_753 = arith.index_cast %add3A_752 : i32 to index
          %get3A_754 = arith.constant 0 : index
          %get3A_755 = tpu.vector_load %arg9[%get3A_753, %get3A_754] {strides = array<i32>} : memref<128x128xf32, #tpu.memory_space<vmem>>, vector<1x16xf32>,
          %get3A_756 = vector.shape_cast %get3A_755 : vector<1x16xf32> to vector<16xf32>
          %add3A_757 = arith.addf %scan3A_743, %get3A_756 : vector<16xf32>
          %add3A_758 = arith.constant 0 : i32
          %add3A_759 = arith.addi %add3A_758, %scan3A_742 : i32
          %get3A_760 = arith.index_cast %add3A_759 : i32 to index
          %get3A_761 = arith.constant 16 : index
          %get3A_762 = tpu.vector_load %arg9[%get3A_760, %get3A_761] {strides = array<i32>} : memref<128x128xf32, #tpu.memory_space<vmem>>, vector<1x16xf32>,
          %get3A_763 = vector.shape_cast %get3A_762 : vector<1x16xf32> to vector<16xf32>
          %add3A_764 = arith.addf %scan3A_744, %get3A_763 : vector<16xf32>
          %add3A_765 = arith.constant 0 : i32
          %add3A_766 = arith.addi %add3A_765, %scan3A_742 : i32
          %get3A_767 = arith.index_cast %add3A_766 : i32 to index
          %get3A_768 = arith.constant 32 : index
          %get3A_769 = tpu.vector_load %arg9[%get3A_767, %get3A_768] {strides = array<i32>} : memref<128x128xf32, #tpu.memory_space<vmem>>, vector<1x16xf32>,
          %get3A_770 = vector.shape_cast %get3A_769 : vector<1x16xf32> to vector<16xf32>
          %add3A_771 = arith.addf %scan3A_745, %get3A_770 : vector<16xf32>
          %add3A_772 = arith.constant 0 : i32
          %add3A_773 = arith.addi %add3A_772, %scan3A_742 : i32
          %get3A_774 = arith.index_cast %add3A_773 : i32 to index
          %get3A_775 = arith.constant 48 : index
          %get3A_776 = tpu.vector_load %arg9[%get3A_774, %get3A_775] {strides = array<i32>} : memref<128x128xf32, #tpu.memory_space<vmem>>, vector<1x16xf32>,
          %get3A_777 = vector.shape_cast %get3A_776 : vector<1x16xf32> to vector<16xf32>
          %add3A_778 = arith.addf %scan3A_746, %get3A_777 : vector<16xf32>
          %add3A_779 = arith.constant 0 : i32
          %add3A_780 = arith.addi %add3A_779, %scan3A_742 : i32
          %get3A_781 = arith.index_cast %add3A_780 : i32 to index
          %get3A_782 = arith.constant 64 : index
          %get3A_783 = tpu.vector_load %arg9[%get3A_781, %get3A_782] {strides = array<i32>} : memref<128x128xf32, #tpu.memory_space<vmem>>, vector<1x16xf32>,
          %get3A_784 = vector.shape_cast %get3A_783 : vector<1x16xf32> to vector<16xf32>
          %add3A_785 = arith.addf %scan3A_747, %get3A_784 : vector<16xf32>
          %add3A_786 = arith.constant 0 : i32
          %add3A_787 = arith.addi %add3A_786, %scan3A_742 : i32
          %get3A_788 = arith.index_cast %add3A_787 : i32 to index
          %get3A_789 = arith.constant 80 : index
          %get3A_790 = tpu.vector_load %arg9[%get3A_788, %get3A_789] {strides = array<i32>} : memref<128x128xf32, #tpu.memory_space<vmem>>, vector<1x16xf32>,
          %get3A_791 = vector.shape_cast %get3A_790 : vector<1x16xf32> to vector<16xf32>
          %add3A_792 = arith.addf %scan3A_748, %get3A_791 : vector<16xf32>
          %add3A_793 = arith.constant 0 : i32
          %add3A_794 = arith.addi %add3A_793, %scan3A_742 : i32
          %get3A_795 = arith.index_cast %add3A_794 : i32 to index
          %get3A_796 = arith.constant 96 : index
          %get3A_797 = tpu.vector_load %arg9[%get3A_795, %get3A_796] {strides = array<i32>} : memref<128x128xf32, #tpu.memory_space<vmem>>, vector<1x16xf32>,
          %get3A_798 = vector.shape_cast %get3A_797 : vector<1x16xf32> to vector<16xf32>
          %add3A_799 = arith.addf %scan3A_749, %get3A_798 : vector<16xf32>
          %add3A_800 = arith.constant 0 : i32
          %add3A_801 = arith.addi %add3A_800, %scan3A_742 : i32
          %get3A_802 = arith.index_cast %add3A_801 : i32 to index
          %get3A_803 = arith.constant 112 : index
          %get3A_804 = tpu.vector_load %arg9[%get3A_802, %get3A_803] {strides = array<i32>} : memref<128x128xf32, #tpu.memory_space<vmem>>, vector<1x16xf32>,
          %get3A_805 = vector.shape_cast %get3A_804 : vector<1x16xf32> to vector<16xf32>
          %add3A_806 = arith.addf %scan3A_750, %get3A_805 : vector<16xf32>
          scf.yield %add3A_757, %add3A_764, %add3A_771, %add3A_778, %add3A_785, %add3A_792, %add3A_799, %add3A_806 : vector<16xf32>, vector<16xf32>, vector<16xf32>, vector<16xf32>, vector<16xf32>, vector<16xf32>, vector<16xf32>, vector<16xf32>
        }
        %scan3A_313 = arith.constant 32 : i32
        %mul3A_314 = arith.constant 0.0303030312 : f32
        %mul3A_315 = vector.broadcast %mul3A_314 : f32 to vector<16xf32>
        %mul3A_316 = arith.mulf %scan3A_312#0, %mul3A_315 : vector<16xf32>
        %swap3A = arith.constant 0 : i32
        %swap3A_317 = arith.index_cast %swap3A : i32 to index
        %swap3A_318 = arith.constant 0 : index
        %swap3A_319 = tpu.vector_load %arg17[%swap3A_317, %swap3A_318] {strides = array<i32>} : memref<4x128xf32, #tpu.memory_space<vmem>>, vector<1x16xf32>,
        %swap3A_320 = vector.shape_cast %swap3A_319 : vector<1x16xf32> to vector<16xf32>
        %swap3A_321 = vector.shape_cast %mul3A_316 : vector<16xf32> to vector<1x16xf32>
        tpu.vector_store %arg17[%swap3A_317, %swap3A_318], %swap3A_321 {strides = array<i32>} : memref<4x128xf32, #tpu.memory_space<vmem>>, vector<1x16xf32>,
        %mul3A_322 = arith.constant 0.0303030312 : f32
        %mul3A_323 = vector.broadcast %mul3A_322 : f32 to vector<16xf32>
        %mul3A_324 = arith.mulf %scan3A_312#1, %mul3A_323 : vector<16xf32>
        %swap3A_325 = arith.constant 0 : i32
        %swap3A_326 = arith.index_cast %swap3A_325 : i32 to index
        %swap3A_327 = arith.constant 16 : index
        %swap3A_328 = tpu.vector_load %arg17[%swap3A_326, %swap3A_327] {strides = array<i32>} : memref<4x128xf32, #tpu.memory_space<vmem>>, vector<1x16xf32>,
        %swap3A_329 = vector.shape_cast %swap3A_328 : vector<1x16xf32> to vector<16xf32>
        %swap3A_330 = vector.shape_cast %mul3A_324 : vector<16xf32> to vector<1x16xf32>
        tpu.vector_store %arg17[%swap3A_326, %swap3A_327], %swap3A_330 {strides = array<i32>} : memref<4x128xf32, #tpu.memory_space<vmem>>, vector<1x16xf32>,
        %mul3A_331 = arith.constant 0.0303030312 : f32
        %mul3A_332 = vector.broadcast %mul3A_331 : f32 to vector<16xf32>
        %mul3A_333 = arith.mulf %scan3A_312#2, %mul3A_332 : vector<16xf32>
        %swap3A_334 = arith.constant 0 : i32
        %swap3A_335 = arith.index_cast %swap3A_334 : i32 to index
        %swap3A_336 = arith.constant 32 : index
        %swap3A_337 = tpu.vector_load %arg17[%swap3A_335, %swap3A_336] {strides = array<i32>} : memref<4x128xf32, #tpu.memory_space<vmem>>, vector<1x16xf32>,
        %swap3A_338 = vector.shape_cast %swap3A_337 : vector<1x16xf32> to vector<16xf32>
        %swap3A_339 = vector.shape_cast %mul3A_333 : vector<16xf32> to vector<1x16xf32>
        tpu.vector_store %arg17[%swap3A_335, %swap3A_336], %swap3A_339 {strides = array<i32>} : memref<4x128xf32, #tpu.memory_space<vmem>>, vector<1x16xf32>,
        %mul3A_340 = arith.constant 0.0303030312 : f32
        %mul3A_341 = vector.broadcast %mul3A_340 : f32 to vector<16xf32>
        %mul3A_342 = arith.mulf %scan3A_312#3, %mul3A_341 : vector<16xf32>
        %swap3A_343 = arith.constant 0 : i32
        %swap3A_344 = arith.index_cast %swap3A_343 : i32 to index
        %swap3A_345 = arith.constant 48 : index
        %swap3A_346 = tpu.vector_load %arg17[%swap3A_344, %swap3A_345] {strides = array<i32>} : memref<4x128xf32, #tpu.memory_space<vmem>>, vector<1x16xf32>,
        %swap3A_347 = vector.shape_cast %swap3A_346 : vector<1x16xf32> to vector<16xf32>
        %swap3A_348 = vector.shape_cast %mul3A_342 : vector<16xf32> to vector<1x16xf32>
        tpu.vector_store %arg17[%swap3A_344, %swap3A_345], %swap3A_348 {strides = array<i32>} : memref<4x128xf32, #tpu.memory_space<vmem>>, vector<1x16xf32>,
        %mul3A_349 = arith.constant 0.0303030312 : f32
        %mul3A_350 = vector.broadcast %mul3A_349 : f32 to vector<16xf32>
        %mul3A_351 = arith.mulf %scan3A_312#4, %mul3A_350 : vector<16xf32>
        %swap3A_352 = arith.constant 0 : i32
        %swap3A_353 = arith.index_cast %swap3A_352 : i32 to index
        %swap3A_354 = arith.constant 64 : index
        %swap3A_355 = tpu.vector_load %arg17[%swap3A_353, %swap3A_354] {strides = array<i32>} : memref<4x128xf32, #tpu.memory_space<vmem>>, vector<1x16xf32>,
        %swap3A_356 = vector.shape_cast %swap3A_355 : vector<1x16xf32> to vector<16xf32>
        %swap3A_357 = vector.shape_cast %mul3A_351 : vector<16xf32> to vector<1x16xf32>
        tpu.vector_store %arg17[%swap3A_353, %swap3A_354], %swap3A_357 {strides = array<i32>} : memref<4x128xf32, #tpu.memory_space<vmem>>, vector<1x16xf32>,
        %mul3A_358 = arith.constant 0.0303030312 : f32
        %mul3A_359 = vector.broadcast %mul3A_358 : f32 to vector<16xf32>
        %mul3A_360 = arith.mulf %scan3A_312#5, %mul3A_359 : vector<16xf32>
        %swap3A_361 = arith.constant 0 : i32
        %swap3A_362 = arith.index_cast %swap3A_361 : i32 to index
        %swap3A_363 = arith.constant 80 : index
        %swap3A_364 = tpu.vector_load %arg17[%swap3A_362, %swap3A_363] {strides = array<i32>} : memref<4x128xf32, #tpu.memory_space<vmem>>, vector<1x16xf32>,
        %swap3A_365 = vector.shape_cast %swap3A_364 : vector<1x16xf32> to vector<16xf32>
        %swap3A_366 = vector.shape_cast %mul3A_360 : vector<16xf32> to vector<1x16xf32>
        tpu.vector_store %arg17[%swap3A_362, %swap3A_363], %swap3A_366 {strides = array<i32>} : memref<4x128xf32, #tpu.memory_space<vmem>>, vector<1x16xf32>,
        %mul3A_367 = arith.constant 0.0303030312 : f32
        %mul3A_368 = vector.broadcast %mul3A_367 : f32 to vector<16xf32>
        %mul3A_369 = arith.mulf %scan3A_312#6, %mul3A_368 : vector<16xf32>
        %swap3A_370 = arith.constant 0 : i32
        %swap3A_371 = arith.index_cast %swap3A_370 : i32 to index
        %swap3A_372 = arith.constant 96 : index
        %swap3A_373 = tpu.vector_load %arg17[%swap3A_371, %swap3A_372] {strides = array<i32>} : memref<4x128xf32, #tpu.memory_space<vmem>>, vector<1x16xf32>,
        %swap3A_374 = vector.shape_cast %swap3A_373 : vector<1x16xf32> to vector<16xf32>
        %swap3A_375 = vector.shape_cast %mul3A_369 : vector<16xf32> to vector<1x16xf32>
        tpu.vector_store %arg17[%swap3A_371, %swap3A_372], %swap3A_375 {strides = array<i32>} : memref<4x128xf32, #tpu.memory_space<vmem>>, vector<1x16xf32>,
        %mul3A_376 = arith.constant 0.0303030312 : f32
        %mul3A_377 = vector.broadcast %mul3A_376 : f32 to vector<16xf32>
        %mul3A_378 = arith.mulf %scan3A_312#7, %mul3A_377 : vector<16xf32>
        %swap3A_379 = arith.constant 0 : i32
        %swap3A_380 = arith.index_cast %swap3A_379 : i32 to index
        %swap3A_381 = arith.constant 112 : index
        %swap3A_382 = tpu.vector_load %arg17[%swap3A_380, %swap3A_381] {strides = array<i32>} : memref<4x128xf32, #tpu.memory_space<vmem>>, vector<1x16xf32>,
        %swap3A_383 = vector.shape_cast %swap3A_382 : vector<1x16xf32> to vector<16xf32>
        %swap3A_384 = vector.shape_cast %mul3A_378 : vector<16xf32> to vector<1x16xf32>
        tpu.vector_store %arg17[%swap3A_380, %swap3A_381], %swap3A_384 {strides = array<i32>} : memref<4x128xf32, #tpu.memory_space<vmem>>, vector<1x16xf32>,
        %get3A_385 = arith.constant 1 : i32
        %get3A_386 = arith.index_cast %get3A_385 : i32 to index
        %get3A_387 = arith.constant 0 : index
        %get3A_388 = tpu.vector_load %arg13[%get3A_386, %get3A_387] {strides = array<i32>} : memref<4x128xf32, #tpu.memory_space<vmem>>, vector<1x16xf32>,
        %get3A_389 = vector.shape_cast %get3A_388 : vector<1x16xf32> to vector<16xf32>
        %get3A_390 = arith.constant 1 : i32
        %get3A_391 = arith.index_cast %get3A_390 : i32 to index
        %get3A_392 = arith.constant 16 : index
        %get3A_393 = tpu.vector_load %arg13[%get3A_391, %get3A_392] {strides = array<i32>} : memref<4x128xf32, #tpu.memory_space<vmem>>, vector<1x16xf32>,
        %get3A_394 = vector.shape_cast %get3A_393 : vector<1x16xf32> to vector<16xf32>
        %get3A_395 = arith.constant 1 : i32
        %get3A_396 = arith.index_cast %get3A_395 : i32 to index
        %get3A_397 = arith.constant 32 : index
        %get3A_398 = tpu.vector_load %arg13[%get3A_396, %get3A_397] {strides = array<i32>} : memref<4x128xf32, #tpu.memory_space<vmem>>, vector<1x16xf32>,
        %get3A_399 = vector.shape_cast %get3A_398 : vector<1x16xf32> to vector<16xf32>
        %get3A_400 = arith.constant 1 : i32
        %get3A_401 = arith.index_cast %get3A_400 : i32 to index
        %get3A_402 = arith.constant 48 : index
        %get3A_403 = tpu.vector_load %arg13[%get3A_401, %get3A_402] {strides = array<i32>} : memref<4x128xf32, #tpu.memory_space<vmem>>, vector<1x16xf32>,
        %get3A_404 = vector.shape_cast %get3A_403 : vector<1x16xf32> to vector<16xf32>
        %get3A_405 = arith.constant 1 : i32
        %get3A_406 = arith.index_cast %get3A_405 : i32 to index
        %get3A_407 = arith.constant 64 : index
        %get3A_408 = tpu.vector_load %arg13[%get3A_406, %get3A_407] {strides = array<i32>} : memref<4x128xf32, #tpu.memory_space<vmem>>, vector<1x16xf32>,
        %get3A_409 = vector.shape_cast %get3A_408 : vector<1x16xf32> to vector<16xf32>
        %get3A_410 = arith.constant 1 : i32
        %get3A_411 = arith.index_cast %get3A_410 : i32 to index
        %get3A_412 = arith.constant 80 : index
        %get3A_413 = tpu.vector_load %arg13[%get3A_411, %get3A_412] {strides = array<i32>} : memref<4x128xf32, #tpu.memory_space<vmem>>, vector<1x16xf32>,
        %get3A_414 = vector.shape_cast %get3A_413 : vector<1x16xf32> to vector<16xf32>
        %get3A_415 = arith.constant 1 : i32
        %get3A_416 = arith.index_cast %get3A_415 : i32 to index
        %get3A_417 = arith.constant 96 : index
        %get3A_418 = tpu.vector_load %arg13[%get3A_416, %get3A_417] {strides = array<i32>} : memref<4x128xf32, #tpu.memory_space<vmem>>, vector<1x16xf32>,
        %get3A_419 = vector.shape_cast %get3A_418 : vector<1x16xf32> to vector<16xf32>
        %get3A_420 = arith.constant 1 : i32
        %get3A_421 = arith.index_cast %get3A_420 : i32 to index
        %get3A_422 = arith.constant 112 : index
        %get3A_423 = tpu.vector_load %arg13[%get3A_421, %get3A_422] {strides = array<i32>} : memref<4x128xf32, #tpu.memory_space<vmem>>, vector<1x16xf32>,
        %get3A_424 = vector.shape_cast %get3A_423 : vector<1x16xf32> to vector<16xf32>
        %scan3A_425 = arith.constant 0 : i32
        %scan3A_426 = arith.constant 32 : i32
        %scan3A_427 = arith.addi %scan3A_425, %scan3A_426 : i32
        %scan3A_428 = arith.constant 1 : i32
        %scan3A_429:8 = scf.for %scan3A_742 = %scan3A_425 to %scan3A_427 step %scan3A_428 iter_args(%scan3A_743 = %get3A_389, %scan3A_744 = %get3A_394, %scan3A_745 = %get3A_399, %scan3A_746 = %get3A_404, %scan3A_747 = %get3A_409, %scan3A_748 = %get3A_414, %scan3A_749 = %get3A_419, %scan3A_750 = %get3A_424) -> (vector<16xf32>, vector<16xf32>, vector<16xf32>, vector<16xf32>, vector<16xf32>, vector<16xf32>, vector<16xf32>, vector<16xf32>)  : i32 {
          %add3A_751 = arith.constant 32 : i32
          %add3A_752 = arith.addi %add3A_751, %scan3A_742 : i32
          %get3A_753 = arith.index_cast %add3A_752 : i32 to index
          %get3A_754 = arith.constant 0 : index
          %get3A_755 = tpu.vector_load %arg9[%get3A_753, %get3A_754] {strides = array<i32>} : memref<128x128xf32, #tpu.memory_space<vmem>>, vector<1x16xf32>,
          %get3A_756 = vector.shape_cast %get3A_755 : vector<1x16xf32> to vector<16xf32>
          %add3A_757 = arith.addf %scan3A_743, %get3A_756 : vector<16xf32>
          %add3A_758 = arith.constant 32 : i32
          %add3A_759 = arith.addi %add3A_758, %scan3A_742 : i32
          %get3A_760 = arith.index_cast %add3A_759 : i32 to index
          %get3A_761 = arith.constant 16 : index
          %get3A_762 = tpu.vector_load %arg9[%get3A_760, %get3A_761] {strides = array<i32>} : memref<128x128xf32, #tpu.memory_space<vmem>>, vector<1x16xf32>,
          %get3A_763 = vector.shape_cast %get3A_762 : vector<1x16xf32> to vector<16xf32>
          %add3A_764 = arith.addf %scan3A_744, %get3A_763 : vector<16xf32>
          %add3A_765 = arith.constant 32 : i32
          %add3A_766 = arith.addi %add3A_765, %scan3A_742 : i32
          %get3A_767 = arith.index_cast %add3A_766 : i32 to index
          %get3A_768 = arith.constant 32 : index
          %get3A_769 = tpu.vector_load %arg9[%get3A_767, %get3A_768] {strides = array<i32>} : memref<128x128xf32, #tpu.memory_space<vmem>>, vector<1x16xf32>,
          %get3A_770 = vector.shape_cast %get3A_769 : vector<1x16xf32> to vector<16xf32>
          %add3A_771 = arith.addf %scan3A_745, %get3A_770 : vector<16xf32>
          %add3A_772 = arith.constant 32 : i32
          %add3A_773 = arith.addi %add3A_772, %scan3A_742 : i32
          %get3A_774 = arith.index_cast %add3A_773 : i32 to index
          %get3A_775 = arith.constant 48 : index
          %get3A_776 = tpu.vector_load %arg9[%get3A_774, %get3A_775] {strides = array<i32>} : memref<128x128xf32, #tpu.memory_space<vmem>>, vector<1x16xf32>,
          %get3A_777 = vector.shape_cast %get3A_776 : vector<1x16xf32> to vector<16xf32>
          %add3A_778 = arith.addf %scan3A_746, %get3A_777 : vector<16xf32>
          %add3A_779 = arith.constant 32 : i32
          %add3A_780 = arith.addi %add3A_779, %scan3A_742 : i32
          %get3A_781 = arith.index_cast %add3A_780 : i32 to index
          %get3A_782 = arith.constant 64 : index
          %get3A_783 = tpu.vector_load %arg9[%get3A_781, %get3A_782] {strides = array<i32>} : memref<128x128xf32, #tpu.memory_space<vmem>>, vector<1x16xf32>,
          %get3A_784 = vector.shape_cast %get3A_783 : vector<1x16xf32> to vector<16xf32>
          %add3A_785 = arith.addf %scan3A_747, %get3A_784 : vector<16xf32>
          %add3A_786 = arith.constant 32 : i32
          %add3A_787 = arith.addi %add3A_786, %scan3A_742 : i32
          %get3A_788 = arith.index_cast %add3A_787 : i32 to index
          %get3A_789 = arith.constant 80 : index
          %get3A_790 = tpu.vector_load %arg9[%get3A_788, %get3A_789] {strides = array<i32>} : memref<128x128xf32, #tpu.memory_space<vmem>>, vector<1x16xf32>,
          %get3A_791 = vector.shape_cast %get3A_790 : vector<1x16xf32> to vector<16xf32>
          %add3A_792 = arith.addf %scan3A_748, %get3A_791 : vector<16xf32>
          %add3A_793 = arith.constant 32 : i32
          %add3A_794 = arith.addi %add3A_793, %scan3A_742 : i32
          %get3A_795 = arith.index_cast %add3A_794 : i32 to index
          %get3A_796 = arith.constant 96 : index
          %get3A_797 = tpu.vector_load %arg9[%get3A_795, %get3A_796] {strides = array<i32>} : memref<128x128xf32, #tpu.memory_space<vmem>>, vector<1x16xf32>,
          %get3A_798 = vector.shape_cast %get3A_797 : vector<1x16xf32> to vector<16xf32>
          %add3A_799 = arith.addf %scan3A_749, %get3A_798 : vector<16xf32>
          %add3A_800 = arith.constant 32 : i32
          %add3A_801 = arith.addi %add3A_800, %scan3A_742 : i32
          %get3A_802 = arith.index_cast %add3A_801 : i32 to index
          %get3A_803 = arith.constant 112 : index
          %get3A_804 = tpu.vector_load %arg9[%get3A_802, %get3A_803] {strides = array<i32>} : memref<128x128xf32, #tpu.memory_space<vmem>>, vector<1x16xf32>,
          %get3A_805 = vector.shape_cast %get3A_804 : vector<1x16xf32> to vector<16xf32>
          %add3A_806 = arith.addf %scan3A_750, %get3A_805 : vector<16xf32>
          scf.yield %add3A_757, %add3A_764, %add3A_771, %add3A_778, %add3A_785, %add3A_792, %add3A_799, %add3A_806 : vector<16xf32>, vector<16xf32>, vector<16xf32>, vector<16xf32>, vector<16xf32>, vector<16xf32>, vector<16xf32>, vector<16xf32>
        }
        %scan3A_430 = arith.constant 32 : i32
        %mul3A_431 = arith.constant 0.0303030312 : f32
        %mul3A_432 = vector.broadcast %mul3A_431 : f32 to vector<16xf32>
        %mul3A_433 = arith.mulf %scan3A_429#0, %mul3A_432 : vector<16xf32>
        %swap3A_434 = arith.constant 1 : i32
        %swap3A_435 = arith.index_cast %swap3A_434 : i32 to index
        %swap3A_436 = arith.constant 0 : index
        %swap3A_437 = tpu.vector_load %arg17[%swap3A_435, %swap3A_436] {strides = array<i32>} : memref<4x128xf32, #tpu.memory_space<vmem>>, vector<1x16xf32>,
        %swap3A_438 = vector.shape_cast %swap3A_437 : vector<1x16xf32> to vector<16xf32>
        %swap3A_439 = vector.shape_cast %mul3A_433 : vector<16xf32> to vector<1x16xf32>
        tpu.vector_store %arg17[%swap3A_435, %swap3A_436], %swap3A_439 {strides = array<i32>} : memref<4x128xf32, #tpu.memory_space<vmem>>, vector<1x16xf32>,
        %mul3A_440 = arith.constant 0.0303030312 : f32
        %mul3A_441 = vector.broadcast %mul3A_440 : f32 to vector<16xf32>
        %mul3A_442 = arith.mulf %scan3A_429#1, %mul3A_441 : vector<16xf32>
        %swap3A_443 = arith.constant 1 : i32
        %swap3A_444 = arith.index_cast %swap3A_443 : i32 to index
        %swap3A_445 = arith.constant 16 : index
        %swap3A_446 = tpu.vector_load %arg17[%swap3A_444, %swap3A_445] {strides = array<i32>} : memref<4x128xf32, #tpu.memory_space<vmem>>, vector<1x16xf32>,
        %swap3A_447 = vector.shape_cast %swap3A_446 : vector<1x16xf32> to vector<16xf32>
        %swap3A_448 = vector.shape_cast %mul3A_442 : vector<16xf32> to vector<1x16xf32>
        tpu.vector_store %arg17[%swap3A_444, %swap3A_445], %swap3A_448 {strides = array<i32>} : memref<4x128xf32, #tpu.memory_space<vmem>>, vector<1x16xf32>,
        %mul3A_449 = arith.constant 0.0303030312 : f32
        %mul3A_450 = vector.broadcast %mul3A_449 : f32 to vector<16xf32>
        %mul3A_451 = arith.mulf %scan3A_429#2, %mul3A_450 : vector<16xf32>
        %swap3A_452 = arith.constant 1 : i32
        %swap3A_453 = arith.index_cast %swap3A_452 : i32 to index
        %swap3A_454 = arith.constant 32 : index
        %swap3A_455 = tpu.vector_load %arg17[%swap3A_453, %swap3A_454] {strides = array<i32>} : memref<4x128xf32, #tpu.memory_space<vmem>>, vector<1x16xf32>,
        %swap3A_456 = vector.shape_cast %swap3A_455 : vector<1x16xf32> to vector<16xf32>
        %swap3A_457 = vector.shape_cast %mul3A_451 : vector<16xf32> to vector<1x16xf32>
        tpu.vector_store %arg17[%swap3A_453, %swap3A_454], %swap3A_457 {strides = array<i32>} : memref<4x128xf32, #tpu.memory_space<vmem>>, vector<1x16xf32>,
        %mul3A_458 = arith.constant 0.0303030312 : f32
        %mul3A_459 = vector.broadcast %mul3A_458 : f32 to vector<16xf32>
        %mul3A_460 = arith.mulf %scan3A_429#3, %mul3A_459 : vector<16xf32>
        %swap3A_461 = arith.constant 1 : i32
        %swap3A_462 = arith.index_cast %swap3A_461 : i32 to index
        %swap3A_463 = arith.constant 48 : index
        %swap3A_464 = tpu.vector_load %arg17[%swap3A_462, %swap3A_463] {strides = array<i32>} : memref<4x128xf32, #tpu.memory_space<vmem>>, vector<1x16xf32>,
        %swap3A_465 = vector.shape_cast %swap3A_464 : vector<1x16xf32> to vector<16xf32>
        %swap3A_466 = vector.shape_cast %mul3A_460 : vector<16xf32> to vector<1x16xf32>
        tpu.vector_store %arg17[%swap3A_462, %swap3A_463], %swap3A_466 {strides = array<i32>} : memref<4x128xf32, #tpu.memory_space<vmem>>, vector<1x16xf32>,
        %mul3A_467 = arith.constant 0.0303030312 : f32
        %mul3A_468 = vector.broadcast %mul3A_467 : f32 to vector<16xf32>
        %mul3A_469 = arith.mulf %scan3A_429#4, %mul3A_468 : vector<16xf32>
        %swap3A_470 = arith.constant 1 : i32
        %swap3A_471 = arith.index_cast %swap3A_470 : i32 to index
        %swap3A_472 = arith.constant 64 : index
        %swap3A_473 = tpu.vector_load %arg17[%swap3A_471, %swap3A_472] {strides = array<i32>} : memref<4x128xf32, #tpu.memory_space<vmem>>, vector<1x16xf32>,
        %swap3A_474 = vector.shape_cast %swap3A_473 : vector<1x16xf32> to vector<16xf32>
        %swap3A_475 = vector.shape_cast %mul3A_469 : vector<16xf32> to vector<1x16xf32>
        tpu.vector_store %arg17[%swap3A_471, %swap3A_472], %swap3A_475 {strides = array<i32>} : memref<4x128xf32, #tpu.memory_space<vmem>>, vector<1x16xf32>,
        %mul3A_476 = arith.constant 0.0303030312 : f32
        %mul3A_477 = vector.broadcast %mul3A_476 : f32 to vector<16xf32>
        %mul3A_478 = arith.mulf %scan3A_429#5, %mul3A_477 : vector<16xf32>
        %swap3A_479 = arith.constant 1 : i32
        %swap3A_480 = arith.index_cast %swap3A_479 : i32 to index
        %swap3A_481 = arith.constant 80 : index
        %swap3A_482 = tpu.vector_load %arg17[%swap3A_480, %swap3A_481] {strides = array<i32>} : memref<4x128xf32, #tpu.memory_space<vmem>>, vector<1x16xf32>,
        %swap3A_483 = vector.shape_cast %swap3A_482 : vector<1x16xf32> to vector<16xf32>
        %swap3A_484 = vector.shape_cast %mul3A_478 : vector<16xf32> to vector<1x16xf32>
        tpu.vector_store %arg17[%swap3A_480, %swap3A_481], %swap3A_484 {strides = array<i32>} : memref<4x128xf32, #tpu.memory_space<vmem>>, vector<1x16xf32>,
        %mul3A_485 = arith.constant 0.0303030312 : f32
        %mul3A_486 = vector.broadcast %mul3A_485 : f32 to vector<16xf32>
        %mul3A_487 = arith.mulf %scan3A_429#6, %mul3A_486 : vector<16xf32>
        %swap3A_488 = arith.constant 1 : i32
        %swap3A_489 = arith.index_cast %swap3A_488 : i32 to index
        %swap3A_490 = arith.constant 96 : index
        %swap3A_491 = tpu.vector_load %arg17[%swap3A_489, %swap3A_490] {strides = array<i32>} : memref<4x128xf32, #tpu.memory_space<vmem>>, vector<1x16xf32>,
        %swap3A_492 = vector.shape_cast %swap3A_491 : vector<1x16xf32> to vector<16xf32>
        %swap3A_493 = vector.shape_cast %mul3A_487 : vector<16xf32> to vector<1x16xf32>
        tpu.vector_store %arg17[%swap3A_489, %swap3A_490], %swap3A_493 {strides = array<i32>} : memref<4x128xf32, #tpu.memory_space<vmem>>, vector<1x16xf32>,
        %mul3A_494 = arith.constant 0.0303030312 : f32
        %mul3A_495 = vector.broadcast %mul3A_494 : f32 to vector<16xf32>
        %mul3A_496 = arith.mulf %scan3A_429#7, %mul3A_495 : vector<16xf32>
        %swap3A_497 = arith.constant 1 : i32
        %swap3A_498 = arith.index_cast %swap3A_497 : i32 to index
        %swap3A_499 = arith.constant 112 : index
        %swap3A_500 = tpu.vector_load %arg17[%swap3A_498, %swap3A_499] {strides = array<i32>} : memref<4x128xf32, #tpu.memory_space<vmem>>, vector<1x16xf32>,
        %swap3A_501 = vector.shape_cast %swap3A_500 : vector<1x16xf32> to vector<16xf32>
        %swap3A_502 = vector.shape_cast %mul3A_496 : vector<16xf32> to vector<1x16xf32>
        tpu.vector_store %arg17[%swap3A_498, %swap3A_499], %swap3A_502 {strides = array<i32>} : memref<4x128xf32, #tpu.memory_space<vmem>>, vector<1x16xf32>,
        %get3A_503 = arith.constant 2 : i32
        %get3A_504 = arith.index_cast %get3A_503 : i32 to index
        %get3A_505 = arith.constant 0 : index
        %get3A_506 = tpu.vector_load %arg13[%get3A_504, %get3A_505] {strides = array<i32>} : memref<4x128xf32, #tpu.memory_space<vmem>>, vector<1x16xf32>,
        %get3A_507 = vector.shape_cast %get3A_506 : vector<1x16xf32> to vector<16xf32>
        %get3A_508 = arith.constant 2 : i32
        %get3A_509 = arith.index_cast %get3A_508 : i32 to index
        %get3A_510 = arith.constant 16 : index
        %get3A_511 = tpu.vector_load %arg13[%get3A_509, %get3A_510] {strides = array<i32>} : memref<4x128xf32, #tpu.memory_space<vmem>>, vector<1x16xf32>,
        %get3A_512 = vector.shape_cast %get3A_511 : vector<1x16xf32> to vector<16xf32>
        %get3A_513 = arith.constant 2 : i32
        %get3A_514 = arith.index_cast %get3A_513 : i32 to index
        %get3A_515 = arith.constant 32 : index
        %get3A_516 = tpu.vector_load %arg13[%get3A_514, %get3A_515] {strides = array<i32>} : memref<4x128xf32, #tpu.memory_space<vmem>>, vector<1x16xf32>,
        %get3A_517 = vector.shape_cast %get3A_516 : vector<1x16xf32> to vector<16xf32>
        %get3A_518 = arith.constant 2 : i32
        %get3A_519 = arith.index_cast %get3A_518 : i32 to index
        %get3A_520 = arith.constant 48 : index
        %get3A_521 = tpu.vector_load %arg13[%get3A_519, %get3A_520] {strides = array<i32>} : memref<4x128xf32, #tpu.memory_space<vmem>>, vector<1x16xf32>,
        %get3A_522 = vector.shape_cast %get3A_521 : vector<1x16xf32> to vector<16xf32>
        %get3A_523 = arith.constant 2 : i32
        %get3A_524 = arith.index_cast %get3A_523 : i32 to index
        %get3A_525 = arith.constant 64 : index
        %get3A_526 = tpu.vector_load %arg13[%get3A_524, %get3A_525] {strides = array<i32>} : memref<4x128xf32, #tpu.memory_space<vmem>>, vector<1x16xf32>,
        %get3A_527 = vector.shape_cast %get3A_526 : vector<1x16xf32> to vector<16xf32>
        %get3A_528 = arith.constant 2 : i32
        %get3A_529 = arith.index_cast %get3A_528 : i32 to index
        %get3A_530 = arith.constant 80 : index
        %get3A_531 = tpu.vector_load %arg13[%get3A_529, %get3A_530] {strides = array<i32>} : memref<4x128xf32, #tpu.memory_space<vmem>>, vector<1x16xf32>,
        %get3A_532 = vector.shape_cast %get3A_531 : vector<1x16xf32> to vector<16xf32>
        %get3A_533 = arith.constant 2 : i32
        %get3A_534 = arith.index_cast %get3A_533 : i32 to index
        %get3A_535 = arith.constant 96 : index
        %get3A_536 = tpu.vector_load %arg13[%get3A_534, %get3A_535] {strides = array<i32>} : memref<4x128xf32, #tpu.memory_space<vmem>>, vector<1x16xf32>,
        %get3A_537 = vector.shape_cast %get3A_536 : vector<1x16xf32> to vector<16xf32>
        %get3A_538 = arith.constant 2 : i32
        %get3A_539 = arith.index_cast %get3A_538 : i32 to index
        %get3A_540 = arith.constant 112 : index
        %get3A_541 = tpu.vector_load %arg13[%get3A_539, %get3A_540] {strides = array<i32>} : memref<4x128xf32, #tpu.memory_space<vmem>>, vector<1x16xf32>,
        %get3A_542 = vector.shape_cast %get3A_541 : vector<1x16xf32> to vector<16xf32>
        %scan3A_543 = arith.constant 0 : i32
        %scan3A_544 = arith.constant 32 : i32
        %scan3A_545 = arith.addi %scan3A_543, %scan3A_544 : i32
        %scan3A_546 = arith.constant 1 : i32
        %scan3A_547:8 = scf.for %scan3A_742 = %scan3A_543 to %scan3A_545 step %scan3A_546 iter_args(%scan3A_743 = %get3A_507, %scan3A_744 = %get3A_512, %scan3A_745 = %get3A_517, %scan3A_746 = %get3A_522, %scan3A_747 = %get3A_527, %scan3A_748 = %get3A_532, %scan3A_749 = %get3A_537, %scan3A_750 = %get3A_542) -> (vector<16xf32>, vector<16xf32>, vector<16xf32>, vector<16xf32>, vector<16xf32>, vector<16xf32>, vector<16xf32>, vector<16xf32>)  : i32 {
          %add3A_751 = arith.constant 64 : i32
          %add3A_752 = arith.addi %add3A_751, %scan3A_742 : i32
          %get3A_753 = arith.index_cast %add3A_752 : i32 to index
          %get3A_754 = arith.constant 0 : index
          %get3A_755 = tpu.vector_load %arg9[%get3A_753, %get3A_754] {strides = array<i32>} : memref<128x128xf32, #tpu.memory_space<vmem>>, vector<1x16xf32>,
          %get3A_756 = vector.shape_cast %get3A_755 : vector<1x16xf32> to vector<16xf32>
          %add3A_757 = arith.addf %scan3A_743, %get3A_756 : vector<16xf32>
          %add3A_758 = arith.constant 64 : i32
          %add3A_759 = arith.addi %add3A_758, %scan3A_742 : i32
          %get3A_760 = arith.index_cast %add3A_759 : i32 to index
          %get3A_761 = arith.constant 16 : index
          %get3A_762 = tpu.vector_load %arg9[%get3A_760, %get3A_761] {strides = array<i32>} : memref<128x128xf32, #tpu.memory_space<vmem>>, vector<1x16xf32>,
          %get3A_763 = vector.shape_cast %get3A_762 : vector<1x16xf32> to vector<16xf32>
          %add3A_764 = arith.addf %scan3A_744, %get3A_763 : vector<16xf32>
          %add3A_765 = arith.constant 64 : i32
          %add3A_766 = arith.addi %add3A_765, %scan3A_742 : i32
          %get3A_767 = arith.index_cast %add3A_766 : i32 to index
          %get3A_768 = arith.constant 32 : index
          %get3A_769 = tpu.vector_load %arg9[%get3A_767, %get3A_768] {strides = array<i32>} : memref<128x128xf32, #tpu.memory_space<vmem>>, vector<1x16xf32>,
          %get3A_770 = vector.shape_cast %get3A_769 : vector<1x16xf32> to vector<16xf32>
          %add3A_771 = arith.addf %scan3A_745, %get3A_770 : vector<16xf32>
          %add3A_772 = arith.constant 64 : i32
          %add3A_773 = arith.addi %add3A_772, %scan3A_742 : i32
          %get3A_774 = arith.index_cast %add3A_773 : i32 to index
          %get3A_775 = arith.constant 48 : index
          %get3A_776 = tpu.vector_load %arg9[%get3A_774, %get3A_775] {strides = array<i32>} : memref<128x128xf32, #tpu.memory_space<vmem>>, vector<1x16xf32>,
          %get3A_777 = vector.shape_cast %get3A_776 : vector<1x16xf32> to vector<16xf32>
          %add3A_778 = arith.addf %scan3A_746, %get3A_777 : vector<16xf32>
          %add3A_779 = arith.constant 64 : i32
          %add3A_780 = arith.addi %add3A_779, %scan3A_742 : i32
          %get3A_781 = arith.index_cast %add3A_780 : i32 to index
          %get3A_782 = arith.constant 64 : index
          %get3A_783 = tpu.vector_load %arg9[%get3A_781, %get3A_782] {strides = array<i32>} : memref<128x128xf32, #tpu.memory_space<vmem>>, vector<1x16xf32>,
          %get3A_784 = vector.shape_cast %get3A_783 : vector<1x16xf32> to vector<16xf32>
          %add3A_785 = arith.addf %scan3A_747, %get3A_784 : vector<16xf32>
          %add3A_786 = arith.constant 64 : i32
          %add3A_787 = arith.addi %add3A_786, %scan3A_742 : i32
          %get3A_788 = arith.index_cast %add3A_787 : i32 to index
          %get3A_789 = arith.constant 80 : index
          %get3A_790 = tpu.vector_load %arg9[%get3A_788, %get3A_789] {strides = array<i32>} : memref<128x128xf32, #tpu.memory_space<vmem>>, vector<1x16xf32>,
          %get3A_791 = vector.shape_cast %get3A_790 : vector<1x16xf32> to vector<16xf32>
          %add3A_792 = arith.addf %scan3A_748, %get3A_791 : vector<16xf32>
          %add3A_793 = arith.constant 64 : i32
          %add3A_794 = arith.addi %add3A_793, %scan3A_742 : i32
          %get3A_795 = arith.index_cast %add3A_794 : i32 to index
          %get3A_796 = arith.constant 96 : index
          %get3A_797 = tpu.vector_load %arg9[%get3A_795, %get3A_796] {strides = array<i32>} : memref<128x128xf32, #tpu.memory_space<vmem>>, vector<1x16xf32>,
          %get3A_798 = vector.shape_cast %get3A_797 : vector<1x16xf32> to vector<16xf32>
          %add3A_799 = arith.addf %scan3A_749, %get3A_798 : vector<16xf32>
          %add3A_800 = arith.constant 64 : i32
          %add3A_801 = arith.addi %add3A_800, %scan3A_742 : i32
          %get3A_802 = arith.index_cast %add3A_801 : i32 to index
          %get3A_803 = arith.constant 112 : index
          %get3A_804 = tpu.vector_load %arg9[%get3A_802, %get3A_803] {strides = array<i32>} : memref<128x128xf32, #tpu.memory_space<vmem>>, vector<1x16xf32>,
          %get3A_805 = vector.shape_cast %get3A_804 : vector<1x16xf32> to vector<16xf32>
          %add3A_806 = arith.addf %scan3A_750, %get3A_805 : vector<16xf32>
          scf.yield %add3A_757, %add3A_764, %add3A_771, %add3A_778, %add3A_785, %add3A_792, %add3A_799, %add3A_806 : vector<16xf32>, vector<16xf32>, vector<16xf32>, vector<16xf32>, vector<16xf32>, vector<16xf32>, vector<16xf32>, vector<16xf32>
        }
        %scan3A_548 = arith.constant 32 : i32
        %mul3A_549 = arith.constant 0.0303030312 : f32
        %mul3A_550 = vector.broadcast %mul3A_549 : f32 to vector<16xf32>
        %mul3A_551 = arith.mulf %scan3A_547#0, %mul3A_550 : vector<16xf32>
        %swap3A_552 = arith.constant 2 : i32
        %swap3A_553 = arith.index_cast %swap3A_552 : i32 to index
        %swap3A_554 = arith.constant 0 : index
        %swap3A_555 = tpu.vector_load %arg17[%swap3A_553, %swap3A_554] {strides = array<i32>} : memref<4x128xf32, #tpu.memory_space<vmem>>, vector<1x16xf32>,
        %swap3A_556 = vector.shape_cast %swap3A_555 : vector<1x16xf32> to vector<16xf32>
        %swap3A_557 = vector.shape_cast %mul3A_551 : vector<16xf32> to vector<1x16xf32>
        tpu.vector_store %arg17[%swap3A_553, %swap3A_554], %swap3A_557 {strides = array<i32>} : memref<4x128xf32, #tpu.memory_space<vmem>>, vector<1x16xf32>,
        %mul3A_558 = arith.constant 0.0303030312 : f32
        %mul3A_559 = vector.broadcast %mul3A_558 : f32 to vector<16xf32>
        %mul3A_560 = arith.mulf %scan3A_547#1, %mul3A_559 : vector<16xf32>
        %swap3A_561 = arith.constant 2 : i32
        %swap3A_562 = arith.index_cast %swap3A_561 : i32 to index
        %swap3A_563 = arith.constant 16 : index
        %swap3A_564 = tpu.vector_load %arg17[%swap3A_562, %swap3A_563] {strides = array<i32>} : memref<4x128xf32, #tpu.memory_space<vmem>>, vector<1x16xf32>,
        %swap3A_565 = vector.shape_cast %swap3A_564 : vector<1x16xf32> to vector<16xf32>
        %swap3A_566 = vector.shape_cast %mul3A_560 : vector<16xf32> to vector<1x16xf32>
        tpu.vector_store %arg17[%swap3A_562, %swap3A_563], %swap3A_566 {strides = array<i32>} : memref<4x128xf32, #tpu.memory_space<vmem>>, vector<1x16xf32>,
        %mul3A_567 = arith.constant 0.0303030312 : f32
        %mul3A_568 = vector.broadcast %mul3A_567 : f32 to vector<16xf32>
        %mul3A_569 = arith.mulf %scan3A_547#2, %mul3A_568 : vector<16xf32>
        %swap3A_570 = arith.constant 2 : i32
        %swap3A_571 = arith.index_cast %swap3A_570 : i32 to index
        %swap3A_572 = arith.constant 32 : index
        %swap3A_573 = tpu.vector_load %arg17[%swap3A_571, %swap3A_572] {strides = array<i32>} : memref<4x128xf32, #tpu.memory_space<vmem>>, vector<1x16xf32>,
        %swap3A_574 = vector.shape_cast %swap3A_573 : vector<1x16xf32> to vector<16xf32>
        %swap3A_575 = vector.shape_cast %mul3A_569 : vector<16xf32> to vector<1x16xf32>
        tpu.vector_store %arg17[%swap3A_571, %swap3A_572], %swap3A_575 {strides = array<i32>} : memref<4x128xf32, #tpu.memory_space<vmem>>, vector<1x16xf32>,
        %mul3A_576 = arith.constant 0.0303030312 : f32
        %mul3A_577 = vector.broadcast %mul3A_576 : f32 to vector<16xf32>
        %mul3A_578 = arith.mulf %scan3A_547#3, %mul3A_577 : vector<16xf32>
        %swap3A_579 = arith.constant 2 : i32
        %swap3A_580 = arith.index_cast %swap3A_579 : i32 to index
        %swap3A_581 = arith.constant 48 : index
        %swap3A_582 = tpu.vector_load %arg17[%swap3A_580, %swap3A_581] {strides = array<i32>} : memref<4x128xf32, #tpu.memory_space<vmem>>, vector<1x16xf32>,
        %swap3A_583 = vector.shape_cast %swap3A_582 : vector<1x16xf32> to vector<16xf32>
        %swap3A_584 = vector.shape_cast %mul3A_578 : vector<16xf32> to vector<1x16xf32>
        tpu.vector_store %arg17[%swap3A_580, %swap3A_581], %swap3A_584 {strides = array<i32>} : memref<4x128xf32, #tpu.memory_space<vmem>>, vector<1x16xf32>,
        %mul3A_585 = arith.constant 0.0303030312 : f32
        %mul3A_586 = vector.broadcast %mul3A_585 : f32 to vector<16xf32>
        %mul3A_587 = arith.mulf %scan3A_547#4, %mul3A_586 : vector<16xf32>
        %swap3A_588 = arith.constant 2 : i32
        %swap3A_589 = arith.index_cast %swap3A_588 : i32 to index
        %swap3A_590 = arith.constant 64 : index
        %swap3A_591 = tpu.vector_load %arg17[%swap3A_589, %swap3A_590] {strides = array<i32>} : memref<4x128xf32, #tpu.memory_space<vmem>>, vector<1x16xf32>,
        %swap3A_592 = vector.shape_cast %swap3A_591 : vector<1x16xf32> to vector<16xf32>
        %swap3A_593 = vector.shape_cast %mul3A_587 : vector<16xf32> to vector<1x16xf32>
        tpu.vector_store %arg17[%swap3A_589, %swap3A_590], %swap3A_593 {strides = array<i32>} : memref<4x128xf32, #tpu.memory_space<vmem>>, vector<1x16xf32>,
        %mul3A_594 = arith.constant 0.0303030312 : f32
        %mul3A_595 = vector.broadcast %mul3A_594 : f32 to vector<16xf32>
        %mul3A_596 = arith.mulf %scan3A_547#5, %mul3A_595 : vector<16xf32>
        %swap3A_597 = arith.constant 2 : i32
        %swap3A_598 = arith.index_cast %swap3A_597 : i32 to index
        %swap3A_599 = arith.constant 80 : index
        %swap3A_600 = tpu.vector_load %arg17[%swap3A_598, %swap3A_599] {strides = array<i32>} : memref<4x128xf32, #tpu.memory_space<vmem>>, vector<1x16xf32>,
        %swap3A_601 = vector.shape_cast %swap3A_600 : vector<1x16xf32> to vector<16xf32>
        %swap3A_602 = vector.shape_cast %mul3A_596 : vector<16xf32> to vector<1x16xf32>
        tpu.vector_store %arg17[%swap3A_598, %swap3A_599], %swap3A_602 {strides = array<i32>} : memref<4x128xf32, #tpu.memory_space<vmem>>, vector<1x16xf32>,
        %mul3A_603 = arith.constant 0.0303030312 : f32
        %mul3A_604 = vector.broadcast %mul3A_603 : f32 to vector<16xf32>
        %mul3A_605 = arith.mulf %scan3A_547#6, %mul3A_604 : vector<16xf32>
        %swap3A_606 = arith.constant 2 : i32
        %swap3A_607 = arith.index_cast %swap3A_606 : i32 to index
        %swap3A_608 = arith.constant 96 : index
        %swap3A_609 = tpu.vector_load %arg17[%swap3A_607, %swap3A_608] {strides = array<i32>} : memref<4x128xf32, #tpu.memory_space<vmem>>, vector<1x16xf32>,
        %swap3A_610 = vector.shape_cast %swap3A_609 : vector<1x16xf32> to vector<16xf32>
        %swap3A_611 = vector.shape_cast %mul3A_605 : vector<16xf32> to vector<1x16xf32>
        tpu.vector_store %arg17[%swap3A_607, %swap3A_608], %swap3A_611 {strides = array<i32>} : memref<4x128xf32, #tpu.memory_space<vmem>>, vector<1x16xf32>,
        %mul3A_612 = arith.constant 0.0303030312 : f32
        %mul3A_613 = vector.broadcast %mul3A_612 : f32 to vector<16xf32>
        %mul3A_614 = arith.mulf %scan3A_547#7, %mul3A_613 : vector<16xf32>
        %swap3A_615 = arith.constant 2 : i32
        %swap3A_616 = arith.index_cast %swap3A_615 : i32 to index
        %swap3A_617 = arith.constant 112 : index
        %swap3A_618 = tpu.vector_load %arg17[%swap3A_616, %swap3A_617] {strides = array<i32>} : memref<4x128xf32, #tpu.memory_space<vmem>>, vector<1x16xf32>,
        %swap3A_619 = vector.shape_cast %swap3A_618 : vector<1x16xf32> to vector<16xf32>
        %swap3A_620 = vector.shape_cast %mul3A_614 : vector<16xf32> to vector<1x16xf32>
        tpu.vector_store %arg17[%swap3A_616, %swap3A_617], %swap3A_620 {strides = array<i32>} : memref<4x128xf32, #tpu.memory_space<vmem>>, vector<1x16xf32>,
        %get3A_621 = arith.constant 3 : i32
        %get3A_622 = arith.index_cast %get3A_621 : i32 to index
        %get3A_623 = arith.constant 0 : index
        %get3A_624 = tpu.vector_load %arg13[%get3A_622, %get3A_623] {strides = array<i32>} : memref<4x128xf32, #tpu.memory_space<vmem>>, vector<1x16xf32>,
        %get3A_625 = vector.shape_cast %get3A_624 : vector<1x16xf32> to vector<16xf32>
        %get3A_626 = arith.constant 3 : i32
        %get3A_627 = arith.index_cast %get3A_626 : i32 to index
        %get3A_628 = arith.constant 16 : index
        %get3A_629 = tpu.vector_load %arg13[%get3A_627, %get3A_628] {strides = array<i32>} : memref<4x128xf32, #tpu.memory_space<vmem>>, vector<1x16xf32>,
        %get3A_630 = vector.shape_cast %get3A_629 : vector<1x16xf32> to vector<16xf32>
        %get3A_631 = arith.constant 3 : i32
        %get3A_632 = arith.index_cast %get3A_631 : i32 to index
        %get3A_633 = arith.constant 32 : index
        %get3A_634 = tpu.vector_load %arg13[%get3A_632, %get3A_633] {strides = array<i32>} : memref<4x128xf32, #tpu.memory_space<vmem>>, vector<1x16xf32>,
        %get3A_635 = vector.shape_cast %get3A_634 : vector<1x16xf32> to vector<16xf32>
        %get3A_636 = arith.constant 3 : i32
        %get3A_637 = arith.index_cast %get3A_636 : i32 to index
        %get3A_638 = arith.constant 48 : index
        %get3A_639 = tpu.vector_load %arg13[%get3A_637, %get3A_638] {strides = array<i32>} : memref<4x128xf32, #tpu.memory_space<vmem>>, vector<1x16xf32>,
        %get3A_640 = vector.shape_cast %get3A_639 : vector<1x16xf32> to vector<16xf32>
        %get3A_641 = arith.constant 3 : i32
        %get3A_642 = arith.index_cast %get3A_641 : i32 to index
        %get3A_643 = arith.constant 64 : index
        %get3A_644 = tpu.vector_load %arg13[%get3A_642, %get3A_643] {strides = array<i32>} : memref<4x128xf32, #tpu.memory_space<vmem>>, vector<1x16xf32>,
        %get3A_645 = vector.shape_cast %get3A_644 : vector<1x16xf32> to vector<16xf32>
        %get3A_646 = arith.constant 3 : i32
        %get3A_647 = arith.index_cast %get3A_646 : i32 to index
        %get3A_648 = arith.constant 80 : index
        %get3A_649 = tpu.vector_load %arg13[%get3A_647, %get3A_648] {strides = array<i32>} : memref<4x128xf32, #tpu.memory_space<vmem>>, vector<1x16xf32>,
        %get3A_650 = vector.shape_cast %get3A_649 : vector<1x16xf32> to vector<16xf32>
        %get3A_651 = arith.constant 3 : i32
        %get3A_652 = arith.index_cast %get3A_651 : i32 to index
        %get3A_653 = arith.constant 96 : index
        %get3A_654 = tpu.vector_load %arg13[%get3A_652, %get3A_653] {strides = array<i32>} : memref<4x128xf32, #tpu.memory_space<vmem>>, vector<1x16xf32>,
        %get3A_655 = vector.shape_cast %get3A_654 : vector<1x16xf32> to vector<16xf32>
        %get3A_656 = arith.constant 3 : i32
        %get3A_657 = arith.index_cast %get3A_656 : i32 to index
        %get3A_658 = arith.constant 112 : index
        %get3A_659 = tpu.vector_load %arg13[%get3A_657, %get3A_658] {strides = array<i32>} : memref<4x128xf32, #tpu.memory_space<vmem>>, vector<1x16xf32>,
        %get3A_660 = vector.shape_cast %get3A_659 : vector<1x16xf32> to vector<16xf32>
        %scan3A_661 = arith.constant 0 : i32
        %scan3A_662 = arith.constant 32 : i32
        %scan3A_663 = arith.addi %scan3A_661, %scan3A_662 : i32
        %scan3A_664 = arith.constant 1 : i32
        %scan3A_665:8 = scf.for %scan3A_742 = %scan3A_661 to %scan3A_663 step %scan3A_664 iter_args(%scan3A_743 = %get3A_625, %scan3A_744 = %get3A_630, %scan3A_745 = %get3A_635, %scan3A_746 = %get3A_640, %scan3A_747 = %get3A_645, %scan3A_748 = %get3A_650, %scan3A_749 = %get3A_655, %scan3A_750 = %get3A_660) -> (vector<16xf32>, vector<16xf32>, vector<16xf32>, vector<16xf32>, vector<16xf32>, vector<16xf32>, vector<16xf32>, vector<16xf32>)  : i32 {
          %add3A_751 = arith.constant 96 : i32
          %add3A_752 = arith.addi %add3A_751, %scan3A_742 : i32
          %get3A_753 = arith.index_cast %add3A_752 : i32 to index
          %get3A_754 = arith.constant 0 : index
          %get3A_755 = tpu.vector_load %arg9[%get3A_753, %get3A_754] {strides = array<i32>} : memref<128x128xf32, #tpu.memory_space<vmem>>, vector<1x16xf32>,
          %get3A_756 = vector.shape_cast %get3A_755 : vector<1x16xf32> to vector<16xf32>
          %add3A_757 = arith.addf %scan3A_743, %get3A_756 : vector<16xf32>
          %add3A_758 = arith.constant 96 : i32
          %add3A_759 = arith.addi %add3A_758, %scan3A_742 : i32
          %get3A_760 = arith.index_cast %add3A_759 : i32 to index
          %get3A_761 = arith.constant 16 : index
          %get3A_762 = tpu.vector_load %arg9[%get3A_760, %get3A_761] {strides = array<i32>} : memref<128x128xf32, #tpu.memory_space<vmem>>, vector<1x16xf32>,
          %get3A_763 = vector.shape_cast %get3A_762 : vector<1x16xf32> to vector<16xf32>
          %add3A_764 = arith.addf %scan3A_744, %get3A_763 : vector<16xf32>
          %add3A_765 = arith.constant 96 : i32
          %add3A_766 = arith.addi %add3A_765, %scan3A_742 : i32
          %get3A_767 = arith.index_cast %add3A_766 : i32 to index
          %get3A_768 = arith.constant 32 : index
          %get3A_769 = tpu.vector_load %arg9[%get3A_767, %get3A_768] {strides = array<i32>} : memref<128x128xf32, #tpu.memory_space<vmem>>, vector<1x16xf32>,
          %get3A_770 = vector.shape_cast %get3A_769 : vector<1x16xf32> to vector<16xf32>
          %add3A_771 = arith.addf %scan3A_745, %get3A_770 : vector<16xf32>
          %add3A_772 = arith.constant 96 : i32
          %add3A_773 = arith.addi %add3A_772, %scan3A_742 : i32
          %get3A_774 = arith.index_cast %add3A_773 : i32 to index
          %get3A_775 = arith.constant 48 : index
          %get3A_776 = tpu.vector_load %arg9[%get3A_774, %get3A_775] {strides = array<i32>} : memref<128x128xf32, #tpu.memory_space<vmem>>, vector<1x16xf32>,
          %get3A_777 = vector.shape_cast %get3A_776 : vector<1x16xf32> to vector<16xf32>
          %add3A_778 = arith.addf %scan3A_746, %get3A_777 : vector<16xf32>
          %add3A_779 = arith.constant 96 : i32
          %add3A_780 = arith.addi %add3A_779, %scan3A_742 : i32
          %get3A_781 = arith.index_cast %add3A_780 : i32 to index
          %get3A_782 = arith.constant 64 : index
          %get3A_783 = tpu.vector_load %arg9[%get3A_781, %get3A_782] {strides = array<i32>} : memref<128x128xf32, #tpu.memory_space<vmem>>, vector<1x16xf32>,
          %get3A_784 = vector.shape_cast %get3A_783 : vector<1x16xf32> to vector<16xf32>
          %add3A_785 = arith.addf %scan3A_747, %get3A_784 : vector<16xf32>
          %add3A_786 = arith.constant 96 : i32
          %add3A_787 = arith.addi %add3A_786, %scan3A_742 : i32
          %get3A_788 = arith.index_cast %add3A_787 : i32 to index
          %get3A_789 = arith.constant 80 : index
          %get3A_790 = tpu.vector_load %arg9[%get3A_788, %get3A_789] {strides = array<i32>} : memref<128x128xf32, #tpu.memory_space<vmem>>, vector<1x16xf32>,
          %get3A_791 = vector.shape_cast %get3A_790 : vector<1x16xf32> to vector<16xf32>
          %add3A_792 = arith.addf %scan3A_748, %get3A_791 : vector<16xf32>
          %add3A_793 = arith.constant 96 : i32
          %add3A_794 = arith.addi %add3A_793, %scan3A_742 : i32
          %get3A_795 = arith.index_cast %add3A_794 : i32 to index
          %get3A_796 = arith.constant 96 : index
          %get3A_797 = tpu.vector_load %arg9[%get3A_795, %get3A_796] {strides = array<i32>} : memref<128x128xf32, #tpu.memory_space<vmem>>, vector<1x16xf32>,
          %get3A_798 = vector.shape_cast %get3A_797 : vector<1x16xf32> to vector<16xf32>
          %add3A_799 = arith.addf %scan3A_749, %get3A_798 : vector<16xf32>
          %add3A_800 = arith.constant 96 : i32
          %add3A_801 = arith.addi %add3A_800, %scan3A_742 : i32
          %get3A_802 = arith.index_cast %add3A_801 : i32 to index
          %get3A_803 = arith.constant 112 : index
          %get3A_804 = tpu.vector_load %arg9[%get3A_802, %get3A_803] {strides = array<i32>} : memref<128x128xf32, #tpu.memory_space<vmem>>, vector<1x16xf32>,
          %get3A_805 = vector.shape_cast %get3A_804 : vector<1x16xf32> to vector<16xf32>
          %add3A_806 = arith.addf %scan3A_750, %get3A_805 : vector<16xf32>
          scf.yield %add3A_757, %add3A_764, %add3A_771, %add3A_778, %add3A_785, %add3A_792, %add3A_799, %add3A_806 : vector<16xf32>, vector<16xf32>, vector<16xf32>, vector<16xf32>, vector<16xf32>, vector<16xf32>, vector<16xf32>, vector<16xf32>
        }
        %scan3A_666 = arith.constant 32 : i32
        %mul3A_667 = arith.constant 0.0303030312 : f32
        %mul3A_668 = vector.broadcast %mul3A_667 : f32 to vector<16xf32>
        %mul3A_669 = arith.mulf %scan3A_665#0, %mul3A_668 : vector<16xf32>
        %swap3A_670 = arith.constant 3 : i32
        %swap3A_671 = arith.index_cast %swap3A_670 : i32 to index
        %swap3A_672 = arith.constant 0 : index
        %swap3A_673 = tpu.vector_load %arg17[%swap3A_671, %swap3A_672] {strides = array<i32>} : memref<4x128xf32, #tpu.memory_space<vmem>>, vector<1x16xf32>,
        %swap3A_674 = vector.shape_cast %swap3A_673 : vector<1x16xf32> to vector<16xf32>
        %swap3A_675 = vector.shape_cast %mul3A_669 : vector<16xf32> to vector<1x16xf32>
        tpu.vector_store %arg17[%swap3A_671, %swap3A_672], %swap3A_675 {strides = array<i32>} : memref<4x128xf32, #tpu.memory_space<vmem>>, vector<1x16xf32>,
        %mul3A_676 = arith.constant 0.0303030312 : f32
        %mul3A_677 = vector.broadcast %mul3A_676 : f32 to vector<16xf32>
        %mul3A_678 = arith.mulf %scan3A_665#1, %mul3A_677 : vector<16xf32>
        %swap3A_679 = arith.constant 3 : i32
        %swap3A_680 = arith.index_cast %swap3A_679 : i32 to index
        %swap3A_681 = arith.constant 16 : index
        %swap3A_682 = tpu.vector_load %arg17[%swap3A_680, %swap3A_681] {strides = array<i32>} : memref<4x128xf32, #tpu.memory_space<vmem>>, vector<1x16xf32>,
        %swap3A_683 = vector.shape_cast %swap3A_682 : vector<1x16xf32> to vector<16xf32>
        %swap3A_684 = vector.shape_cast %mul3A_678 : vector<16xf32> to vector<1x16xf32>
        tpu.vector_store %arg17[%swap3A_680, %swap3A_681], %swap3A_684 {strides = array<i32>} : memref<4x128xf32, #tpu.memory_space<vmem>>, vector<1x16xf32>,
        %mul3A_685 = arith.constant 0.0303030312 : f32
        %mul3A_686 = vector.broadcast %mul3A_685 : f32 to vector<16xf32>
        %mul3A_687 = arith.mulf %scan3A_665#2, %mul3A_686 : vector<16xf32>
        %swap3A_688 = arith.constant 3 : i32
        %swap3A_689 = arith.index_cast %swap3A_688 : i32 to index
        %swap3A_690 = arith.constant 32 : index
        %swap3A_691 = tpu.vector_load %arg17[%swap3A_689, %swap3A_690] {strides = array<i32>} : memref<4x128xf32, #tpu.memory_space<vmem>>, vector<1x16xf32>,
        %swap3A_692 = vector.shape_cast %swap3A_691 : vector<1x16xf32> to vector<16xf32>
        %swap3A_693 = vector.shape_cast %mul3A_687 : vector<16xf32> to vector<1x16xf32>
        tpu.vector_store %arg17[%swap3A_689, %swap3A_690], %swap3A_693 {strides = array<i32>} : memref<4x128xf32, #tpu.memory_space<vmem>>, vector<1x16xf32>,
        %mul3A_694 = arith.constant 0.0303030312 : f32
        %mul3A_695 = vector.broadcast %mul3A_694 : f32 to vector<16xf32>
        %mul3A_696 = arith.mulf %scan3A_665#3, %mul3A_695 : vector<16xf32>
        %swap3A_697 = arith.constant 3 : i32
        %swap3A_698 = arith.index_cast %swap3A_697 : i32 to index
        %swap3A_699 = arith.constant 48 : index
        %swap3A_700 = tpu.vector_load %arg17[%swap3A_698, %swap3A_699] {strides = array<i32>} : memref<4x128xf32, #tpu.memory_space<vmem>>, vector<1x16xf32>,
        %swap3A_701 = vector.shape_cast %swap3A_700 : vector<1x16xf32> to vector<16xf32>
        %swap3A_702 = vector.shape_cast %mul3A_696 : vector<16xf32> to vector<1x16xf32>
        tpu.vector_store %arg17[%swap3A_698, %swap3A_699], %swap3A_702 {strides = array<i32>} : memref<4x128xf32, #tpu.memory_space<vmem>>, vector<1x16xf32>,
        %mul3A_703 = arith.constant 0.0303030312 : f32
        %mul3A_704 = vector.broadcast %mul3A_703 : f32 to vector<16xf32>
        %mul3A_705 = arith.mulf %scan3A_665#4, %mul3A_704 : vector<16xf32>
        %swap3A_706 = arith.constant 3 : i32
        %swap3A_707 = arith.index_cast %swap3A_706 : i32 to index
        %swap3A_708 = arith.constant 64 : index
        %swap3A_709 = tpu.vector_load %arg17[%swap3A_707, %swap3A_708] {strides = array<i32>} : memref<4x128xf32, #tpu.memory_space<vmem>>, vector<1x16xf32>,
        %swap3A_710 = vector.shape_cast %swap3A_709 : vector<1x16xf32> to vector<16xf32>
        %swap3A_711 = vector.shape_cast %mul3A_705 : vector<16xf32> to vector<1x16xf32>
        tpu.vector_store %arg17[%swap3A_707, %swap3A_708], %swap3A_711 {strides = array<i32>} : memref<4x128xf32, #tpu.memory_space<vmem>>, vector<1x16xf32>,
        %mul3A_712 = arith.constant 0.0303030312 : f32
        %mul3A_713 = vector.broadcast %mul3A_712 : f32 to vector<16xf32>
        %mul3A_714 = arith.mulf %scan3A_665#5, %mul3A_713 : vector<16xf32>
        %swap3A_715 = arith.constant 3 : i32
        %swap3A_716 = arith.index_cast %swap3A_715 : i32 to index
        %swap3A_717 = arith.constant 80 : index
        %swap3A_718 = tpu.vector_load %arg17[%swap3A_716, %swap3A_717] {strides = array<i32>} : memref<4x128xf32, #tpu.memory_space<vmem>>, vector<1x16xf32>,
        %swap3A_719 = vector.shape_cast %swap3A_718 : vector<1x16xf32> to vector<16xf32>
        %swap3A_720 = vector.shape_cast %mul3A_714 : vector<16xf32> to vector<1x16xf32>
        tpu.vector_store %arg17[%swap3A_716, %swap3A_717], %swap3A_720 {strides = array<i32>} : memref<4x128xf32, #tpu.memory_space<vmem>>, vector<1x16xf32>,
        %mul3A_721 = arith.constant 0.0303030312 : f32
        %mul3A_722 = vector.broadcast %mul3A_721 : f32 to vector<16xf32>
        %mul3A_723 = arith.mulf %scan3A_665#6, %mul3A_722 : vector<16xf32>
        %swap3A_724 = arith.constant 3 : i32
        %swap3A_725 = arith.index_cast %swap3A_724 : i32 to index
        %swap3A_726 = arith.constant 96 : index
        %swap3A_727 = tpu.vector_load %arg17[%swap3A_725, %swap3A_726] {strides = array<i32>} : memref<4x128xf32, #tpu.memory_space<vmem>>, vector<1x16xf32>,
        %swap3A_728 = vector.shape_cast %swap3A_727 : vector<1x16xf32> to vector<16xf32>
        %swap3A_729 = vector.shape_cast %mul3A_723 : vector<16xf32> to vector<1x16xf32>
        tpu.vector_store %arg17[%swap3A_725, %swap3A_726], %swap3A_729 {strides = array<i32>} : memref<4x128xf32, #tpu.memory_space<vmem>>, vector<1x16xf32>,
        %mul3A_730 = arith.constant 0.0303030312 : f32
        %mul3A_731 = vector.broadcast %mul3A_730 : f32 to vector<16xf32>
        %mul3A_732 = arith.mulf %scan3A_665#7, %mul3A_731 : vector<16xf32>
        %swap3A_733 = arith.constant 3 : i32
        %swap3A_734 = arith.index_cast %swap3A_733 : i32 to index
        %swap3A_735 = arith.constant 112 : index
        %swap3A_736 = tpu.vector_load %arg17[%swap3A_734, %swap3A_735] {strides = array<i32>} : memref<4x128xf32, #tpu.memory_space<vmem>>, vector<1x16xf32>,
        %swap3A_737 = vector.shape_cast %swap3A_736 : vector<1x16xf32> to vector<16xf32>
        %swap3A_738 = vector.shape_cast %mul3A_732 : vector<16xf32> to vector<1x16xf32>
        tpu.vector_store %arg17[%swap3A_734, %swap3A_735], %swap3A_738 {strides = array<i32>} : memref<4x128xf32, #tpu.memory_space<vmem>>, vector<1x16xf32>,
        %dma_start3A = arith.constant 0 : i32
        %dma_start3A_739 = tpu.memref_slice %arg4[%mul3A_259, %dma_start3A] : memref<10000x128xf32, #tpu.memory_space<hbm>> -> memref<4x128xf32, #tpu.memory_space<hbm>>
        %dma_start3A_740 = arith.constant 0 : i32
        %dma_start3A_741 = tpu.memref_slice %arg4[%mul3A_259, %dma_start3A_740] : memref<10000x128xf32, #tpu.memory_space<hbm>> -> memref<4x128xf32, #tpu.memory_space<hbm>>
        tpu.enqueue_dma source(%arg17 : memref<4x128xf32, #tpu.memory_space<vmem>>) target(%dma_start3A_741 : memref<4x128xf32, #tpu.memory_space<hbm>>) target_semaphore(%arg29 : memref<!tpu.dma_semaphore, #tpu.memory_space<semaphore_mem>>)
      } else {
      }
    }
    %scan3A_41 = arith.constant 20 : i32
    %ge3A = arith.constant 76 : i32
    %ge3A_42 = arith.constant 0 : i32
    %ge3A_43 = arith.cmpi sge, %ge3A, %ge3A_42 : i32
    %lt3A_44 = arith.constant 76 : i32
    %lt3A_45 = arith.constant 79 : i32
    %lt3A_46 = arith.cmpi slt, %lt3A_44, %lt3A_45 : i32
    %add3A_47 = arith.constant 76 : i32
    %add3A_48 = arith.addi %mul3A_2, %add3A_47 : i32
    %lt3A_49 = arith.constant 2500 : i32
    %lt3A_50 = arith.cmpi slt, %add3A_48, %lt3A_49 : i32
    %and3A_51 = arith.andi %lt3A_46, %lt3A_50 : i1
    %and3A_52 = arith.andi %ge3A_43, %and3A_51 : i1
    %convert_element_type3A_53 = arith.extui %and3A_52 : i1 to i32
    %cond3A_54 = arith.constant 76 : i32
    %cond3A_55 = arith.constant 0 : i32
    %cond3A_56 = arith.cmpi ne, %convert_element_type3A_53, %cond3A_55 : i32
    scf.if %cond3A_56 {
      %add3A_105 = arith.addi %mul3A_2, %cond3A_54 : i32
      %mul3A_106 = arith.constant 4 : i32
      %mul3A_107 = arith.muli %add3A_105, %mul3A_106 : i32
      %dma_wait3A = arith.constant 0 : i32
      %dma_wait3A_108 = tpu.memref_slice %arg4[%mul3A_107, %dma_wait3A] : memref<10000x128xf32, #tpu.memory_space<hbm>> -> memref<4x128xf32, #tpu.memory_space<hbm>>
      %dma_wait3A_109 = arith.constant 0 : i32
      %dma_wait3A_110 = tpu.memref_slice %arg4[%mul3A_107, %dma_wait3A_109] : memref<10000x128xf32, #tpu.memory_space<hbm>> -> memref<4x128xf32, #tpu.memory_space<hbm>>
      tpu.wait_dma2 semaphore(%arg26 : memref<!tpu.dma_semaphore, #tpu.memory_space<semaphore_mem>>) src(%arg14 : memref<4x128xf32, #tpu.memory_space<vmem>>) dst(%dma_wait3A_110 : memref<4x128xf32, #tpu.memory_space<hbm>>)
    } else {
    }
    %ge3A_57 = arith.constant 77 : i32
    %ge3A_58 = arith.constant 0 : i32
    %ge3A_59 = arith.cmpi sge, %ge3A_57, %ge3A_58 : i32
    %lt3A_60 = arith.constant 77 : i32
    %lt3A_61 = arith.constant 79 : i32
    %lt3A_62 = arith.cmpi slt, %lt3A_60, %lt3A_61 : i32
    %add3A_63 = arith.constant 77 : i32
    %add3A_64 = arith.addi %mul3A_2, %add3A_63 : i32
    %lt3A_65 = arith.constant 2500 : i32
    %lt3A_66 = arith.cmpi slt, %add3A_64, %lt3A_65 : i32
    %and3A_67 = arith.andi %lt3A_62, %lt3A_66 : i1
    %and3A_68 = arith.andi %ge3A_59, %and3A_67 : i1
    %convert_element_type3A_69 = arith.extui %and3A_68 : i1 to i32
    %cond3A_70 = arith.constant 77 : i32
    %cond3A_71 = arith.constant 0 : i32
    %cond3A_72 = arith.cmpi ne, %convert_element_type3A_69, %cond3A_71 : i32
    scf.if %cond3A_72 {
      %add3A_105 = arith.addi %mul3A_2, %cond3A_70 : i32
      %mul3A_106 = arith.constant 4 : i32
      %mul3A_107 = arith.muli %add3A_105, %mul3A_106 : i32
      %dma_wait3A = arith.constant 0 : i32
      %dma_wait3A_108 = tpu.memref_slice %arg4[%mul3A_107, %dma_wait3A] : memref<10000x128xf32, #tpu.memory_space<hbm>> -> memref<4x128xf32, #tpu.memory_space<hbm>>
      %dma_wait3A_109 = arith.constant 0 : i32
      %dma_wait3A_110 = tpu.memref_slice %arg4[%mul3A_107, %dma_wait3A_109] : memref<10000x128xf32, #tpu.memory_space<hbm>> -> memref<4x128xf32, #tpu.memory_space<hbm>>
      tpu.wait_dma2 semaphore(%arg27 : memref<!tpu.dma_semaphore, #tpu.memory_space<semaphore_mem>>) src(%arg15 : memref<4x128xf32, #tpu.memory_space<vmem>>) dst(%dma_wait3A_110 : memref<4x128xf32, #tpu.memory_space<hbm>>)
    } else {
    }
    %ge3A_73 = arith.constant 78 : i32
    %ge3A_74 = arith.constant 0 : i32
    %ge3A_75 = arith.cmpi sge, %ge3A_73, %ge3A_74 : i32
    %lt3A_76 = arith.constant 78 : i32
    %lt3A_77 = arith.constant 79 : i32
    %lt3A_78 = arith.cmpi slt, %lt3A_76, %lt3A_77 : i32
    %add3A_79 = arith.constant 78 : i32
    %add3A_80 = arith.addi %mul3A_2, %add3A_79 : i32
    %lt3A_81 = arith.constant 2500 : i32
    %lt3A_82 = arith.cmpi slt, %add3A_80, %lt3A_81 : i32
    %and3A_83 = arith.andi %lt3A_78, %lt3A_82 : i1
    %and3A_84 = arith.andi %ge3A_75, %and3A_83 : i1
    %convert_element_type3A_85 = arith.extui %and3A_84 : i1 to i32
    %cond3A_86 = arith.constant 78 : i32
    %cond3A_87 = arith.constant 0 : i32
    %cond3A_88 = arith.cmpi ne, %convert_element_type3A_85, %cond3A_87 : i32
    scf.if %cond3A_88 {
      %add3A_105 = arith.addi %mul3A_2, %cond3A_86 : i32
      %mul3A_106 = arith.constant 4 : i32
      %mul3A_107 = arith.muli %add3A_105, %mul3A_106 : i32
      %dma_wait3A = arith.constant 0 : i32
      %dma_wait3A_108 = tpu.memref_slice %arg4[%mul3A_107, %dma_wait3A] : memref<10000x128xf32, #tpu.memory_space<hbm>> -> memref<4x128xf32, #tpu.memory_space<hbm>>
      %dma_wait3A_109 = arith.constant 0 : i32
      %dma_wait3A_110 = tpu.memref_slice %arg4[%mul3A_107, %dma_wait3A_109] : memref<10000x128xf32, #tpu.memory_space<hbm>> -> memref<4x128xf32, #tpu.memory_space<hbm>>
      tpu.wait_dma2 semaphore(%arg28 : memref<!tpu.dma_semaphore, #tpu.memory_space<semaphore_mem>>) src(%arg16 : memref<4x128xf32, #tpu.memory_space<vmem>>) dst(%dma_wait3A_110 : memref<4x128xf32, #tpu.memory_space<hbm>>)
    } else {
    }
    %ge3A_89 = arith.constant 79 : i32
    %ge3A_90 = arith.constant 0 : i32
    %ge3A_91 = arith.cmpi sge, %ge3A_89, %ge3A_90 : i32
    %lt3A_92 = arith.constant 79 : i32
    %lt3A_93 = arith.constant 79 : i32
    %lt3A_94 = arith.cmpi slt, %lt3A_92, %lt3A_93 : i32
    %add3A_95 = arith.constant 79 : i32
    %add3A_96 = arith.addi %mul3A_2, %add3A_95 : i32
    %lt3A_97 = arith.constant 2500 : i32
    %lt3A_98 = arith.cmpi slt, %add3A_96, %lt3A_97 : i32
    %and3A_99 = arith.andi %lt3A_94, %lt3A_98 : i1
    %and3A_100 = arith.andi %ge3A_91, %and3A_99 : i1
    %convert_element_type3A_101 = arith.extui %and3A_100 : i1 to i32
    %cond3A_102 = arith.constant 79 : i32
    %cond3A_103 = arith.constant 0 : i32
    %cond3A_104 = arith.cmpi ne, %convert_element_type3A_101, %cond3A_103 : i32
    scf.if %cond3A_104 {
      %add3A_105 = arith.addi %mul3A_2, %cond3A_102 : i32
      %mul3A_106 = arith.constant 4 : i32
      %mul3A_107 = arith.muli %add3A_105, %mul3A_106 : i32
      %dma_wait3A = arith.constant 0 : i32
      %dma_wait3A_108 = tpu.memref_slice %arg4[%mul3A_107, %dma_wait3A] : memref<10000x128xf32, #tpu.memory_space<hbm>> -> memref<4x128xf32, #tpu.memory_space<hbm>>
      %dma_wait3A_109 = arith.constant 0 : i32
      %dma_wait3A_110 = tpu.memref_slice %arg4[%mul3A_107, %dma_wait3A_109] : memref<10000x128xf32, #tpu.memory_space<hbm>> -> memref<4x128xf32, #tpu.memory_space<hbm>>
      tpu.wait_dma2 semaphore(%arg29 : memref<!tpu.dma_semaphore, #tpu.memory_space<semaphore_mem>>) src(%arg17 : memref<4x128xf32, #tpu.memory_space<vmem>>) dst(%dma_wait3A_110 : memref<4x128xf32, #tpu.memory_space<hbm>>)
    } else {
    }
    return
  }
}

</mosaic_0001>

<sc_bundles>
// kernel: kernel.3.cloned.1.call-start
scs
__scs_entry_jumppad:
0x0: {  	(pc) =	sbr.rel $0x88, $3  }
0x1: {  	(tag) =	ssettag $0x0;
	lr =	simm.s32 $0x1  }
0x2: {  	[smem:$0x3F9F] =	sst lr;
	_ =	strace $0xD0000000  }
0x3: {  	_ = 	snop  }
0x4: {  	_ = 	snop  }
0x5: {  	_ = 	snop  }
0x6: {  	_ = 	snop  }
0x7: {  	_ = 	snop  }
__scs_overlays_trampoline_lowered:
0x8: {  	[smem:$0x3FAE] =	sst s0  }
0x9: {  	[smem:$0x3FAF] =	sst s1  }
0xa: {  	[smem:$0x3FB0] =	sst s2  }
0xb: {  	[smem:$0x3FB1] =	sst s3  }
0xc: {  	[smem:$0x3FB2] =	sst s4  }
0xd: {  	[smem:$0x3FB3] =	sst s5  }
0xe: {  	[smem:$0x3FB4] =	sst s6  }
0xf: {  	[smem:$0x3FB5] =	sst s7  }
0x10: {  	[smem:$0x3FB6] =	sst s8  }
0x11: {  	[smem:$0x3FB7] =	sst s9;
	s0 =	simm.s32 @!p0 $0x0  }
0x12: {  	s1 =	sld [smem:$0x3F9D];
	s0 =	simm.s32 @p0 $0x1  }
0x13: {  	[smem:$0x3FB8] =	sst s0;
	s0 =	simm.s32 @!p1 $0x0  }
0x14: {  	s2 =	sld [smem:$0x3F9C];
	s0 =	simm.s32 @p1 $0x1  }
0x15: {  	[smem:$0x3FB9] =	sst s0;
	s0 =	simm.s32 @!p2 $0x0  }
0x16: {  	s3 =	sld [smem:$0x3FDB];
	s0 =	simm.s32 @p2 $0x1  }
0x17: {  	s4 =	simm.s32 $0x1BF5;
	[smem:$0x3FBB] =	sst s0  }
0x18: {  	s0 =	sld [smem:$0x3F9E];
	_ =	swait.ge [sflag:s4], $0x0  }
0x19: {  	s7 =	sld [smem:$0x3F9F]  }
0x1a: {  	s8 =	sadd.s32 $0xFFFFE003, lr  }
0x1b: {  	s9 =	sadd.s32 $0xFFFFFEF7, lr;
	s5 =	simm.s32 $0xFFFFFFFF;
	p2 =	slt.u32 s8, $0xFFFFF086  }
0x1c: {  	p1 =	slt.u32 s9, $0xF7A;
	s5 =	simm.s32 @!p2 $0x0  }
0x1d: {  	s5 =	simm.s32 @p1 $0x1;
	p0 =	seq.s32 s7, s2  }
0x1e: {  	s7 =	smul.u32 @!p0 $0xF7A, s2;
	p2 =	seq.s32 @!p0 s5, $0x0  }
0x1f: {  	s9 =	smul.u32 $0xF7A, s1;
	s8 =	simm.s32 @!p0 $0x1BF5;
	p2 =	por !p2, p0  }
0x20: {  	[sflag:s8] =	ssyncset.s32 @!p0 $0xFFFFF086;
	s6 =	sadd.s32 @!p0 s3, s7;
	s7 =	simm.s32 @!p0 $0x108  }
0x21: {  	s3 =	sadd.s32 s3, s9;
	s6 =	sadd.s32 @!p0 $0x88, s6;
	s7 =	simm.s32 @p2 $0x1082  }
0x22: {  	[simem:s7], [sflag:s8] =	dma.local @!p0 [hbm:s6], $0xF7A  }
0x23: {  	s9 =	sor.u32 $0xD0000000, s2;
	s6 =	simm.s32 $0x108;
	_ =	swait.ge @!p0 [sflag:s8], $0x0  }
0x24: {  	s3 =	sadd.s32 $0x88, s3;
	s6 =	simm.s32 @!p1 $0x1082;
	[sflag:s4] =	ssyncset.s32 $0xFFFFF086  }
0x25: {  	[simem:s6], [sflag:s4] =	dma.local [hbm:s3], $0xF7A  }
0x26: {  	[smem:$0x3F9F] =	sst s1;
	(tag) =	ssettag s2;
	_ =	strace s9  }
0x27: {  	s1 =	sld [smem:$0x3FAF]  }
0x28: {  	s2 =	sld [smem:$0x3FB0]  }
0x29: {  	s4 =	sld [smem:$0x3FB2]  }
0x2a: {  	p0 =	seq.s32 s5, $0x0;
	s5 =	sld [smem:$0x3FB3]  }
0x2b: {  	s6 =	sld [smem:$0x3FB4]  }
0x2c: {  	s7 =	sld [smem:$0x3FB5]  }
0x2d: {  	s3 =	simm.s32 $0x108;
	s8 =	sld [smem:$0x3FB6]  }
0x2e: {  	s3 =	simm.s32 @!p0 $0x1082;
	s9 =	sld [smem:$0x3FB7]  }
0x2f: {  	lr =	sadd.s32 s0, s3;
	s0 =	sld [smem:$0x3FAE]  }
0x30: {  	s3 =	sld [smem:$0x3FB1]  }
0x31: {  	[smem:$0x3FBA] =	sst s10  }
0x32: {  	s10 =	sld [smem:$0x3FB8];
	_ =	sdelay $0x3  }
0x33: {  	p0 =	seq.s32 s10, $0x1;
	s10 =	sld [smem:$0x3FBA];
	_ =	sdelay $0x3  }
0x34: {  	[smem:$0x3FBA] =	sst s10  }
0x35: {  	s10 =	sld [smem:$0x3FB9];
	_ =	sdelay $0x3  }
0x36: {  	p1 =	seq.s32 s10, $0x1;
	s10 =	sld [smem:$0x3FBA];
	_ =	sdelay $0x3  }
0x37: {  	[smem:$0x3FBA] =	sst s10  }
0x38: {  	s10 =	sld [smem:$0x3FBB]  }
0x39: {  	_ = 	snop;
	(pc) =	sbr.ind lr, $3  }
0x3a: {  	_ = 	snop  }
0x3b: {  	_ = 	snop  }
0x3c: {  	p2 =	seq.s32 s10, $0x1;
	s10 =	sld [smem:$0x3FBA]  }
0x3d: {  	_ =	shalt  }
0x3e: {  	_ =	shalt  }
0x3f: {  	_ =	shalt  }
0x40: {  	_ =	shalt  }
0x41: {  	_ =	shalt  }
0x42: {  	_ =	shalt  }
0x43: {  	_ =	shalt  }
0x44: {  	_ =	shalt  }
0x45: {  	_ =	shalt  }
0x46: {  	_ =	shalt  }
0x47: {  	_ =	shalt  }
0x48: {  	_ =	shalt  }
0x49: {  	_ =	shalt  }
0x4a: {  	_ =	shalt  }
0x4b: {  	_ =	shalt  }
0x4c: {  	_ =	shalt  }
0x4d: {  	_ =	shalt  }
0x4e: {  	_ =	shalt  }
0x4f: {  	_ =	shalt  }
0x50: {  	_ =	shalt  }
0x51: {  	_ =	shalt  }
0x52: {  	_ =	shalt  }
0x53: {  	_ =	shalt  }
0x54: {  	_ =	shalt  }
0x55: {  	_ =	shalt  }
0x56: {  	_ =	shalt  }
0x57: {  	_ =	shalt  }
0x58: {  	_ =	shalt  }
0x59: {  	_ =	shalt  }
0x5a: {  	_ =	shalt  }
0x5b: {  	_ =	shalt  }
0x5c: {  	_ =	shalt  }
0x5d: {  	_ =	shalt  }
0x5e: {  	_ =	shalt  }
0x5f: {  	_ =	shalt  }
0x60: {  	_ =	shalt  }
0x61: {  	_ =	shalt  }
0x62: {  	_ =	shalt  }
0x63: {  	_ =	shalt  }
0x64: {  	_ =	shalt  }
0x65: {  	_ =	shalt  }
0x66: {  	_ =	shalt  }
0x67: {  	_ =	shalt  }
0x68: {  	_ =	shalt  }
0x69: {  	_ =	shalt  }
0x6a: {  	_ =	shalt  }
0x6b: {  	_ =	shalt  }
0x6c: {  	_ =	shalt  }
0x6d: {  	_ =	shalt  }
0x6e: {  	_ =	shalt  }
0x6f: {  	_ =	shalt  }
0x70: {  	_ =	shalt  }
0x71: {  	_ =	shalt  }
0x72: {  	_ =	shalt  }
0x73: {  	_ =	shalt  }
0x74: {  	_ =	shalt  }
0x75: {  	_ =	shalt  }
0x76: {  	_ =	shalt  }
0x77: {  	_ =	shalt  }
0x78: {  	_ =	shalt  }
0x79: {  	_ =	shalt  }
0x7a: {  	_ =	shalt  }
0x7b: {  	_ =	shalt  }
0x7c: {  	_ =	shalt  }
0x7d: {  	_ =	shalt  }
0x7e: {  	_ =	shalt  }
0x7f: {  	_ =	shalt  }
0x80: {  	_ =	shalt  }
0x81: {  	_ =	shalt  }
0x82: {  	_ =	shalt  }
0x83: {  	_ =	shalt  }
0x84: {  	_ =	shalt  }
0x85: {  	_ =	shalt  }
0x86: {  	_ =	shalt  }
0x87: {  	_ =	shalt  }
.Lfunc_end0:
.L_simem_size_0:
called_computation_lowered:
.L_overlay_start_0:
0x88: {  	s2 =	sld [smem:$0x3FD9]  }
0x89: {  	s3 =	sld [smem:$0x3FFE];
	_ =	sdelay $0x1  }
0x8a: {  	s1 =	srdreg.scid  }
0x8b: {  	s0 =	sand.u32 $0x1, s1  }
0x8c: {  	s17 =	sshll.u32 s0, $0xA;
	s2 =	sadd.s32 s3, s2  }
0x8d: {  	s2 =	sadd.s32 s2, s17  }
0x8e: {  	[smem:$0x3FC6] =	sst s2  }
0x8f: {  	_ = 	snop  }
0x90: {  	s2 =	sld [smem:$0x3FC9]  }
0x91: {  	s18 =	sld [smem:$0x3FD0];
	(tm) =	ssettm $0x1  }
0x92: {  	s4 =	sld [smem:$0x3FFB];
	_ =	sdelay $0x3  }
0x93: {  	_ =	strace s4  }
0x94: {  	s4 =	sld [smem:$0x3FFC];
	_ =	sdelay $0x3  }
0x95: {  	_ =	strace s4  }
0x96: {  	s4 =	sld [smem:$0x3FFD];
	_ =	sdelay $0x3  }
0x97: {  	_ =	strace s4  }
0x98: {  	_ =	strace $0x8FFFFFFF  }
0x99: {  	s19 =	sld [smem:$0x3FDB];
	_ =	sdelay $0x1  }
0x9a: {  	s5 =	simm.s32 $_scs_section_size  }
0x9b: {  	s6 =	simm.s32 $_size__tile_overlayer_lowered;
	s7 =	simm.s32 $_tile_overlayer_lowered  }
0x9c: {  	s22 =	simm.s32 $0x1BFF;
	s21 =	sshll.u32 s7, $0x1;
	s4 =	sadd.s32 s5, s19  }
0x9d: {  	s8 =	simm.s32 $0x0;
	s20 =	sshll.u32 s6, $0x1;
	s6 =	sadd.s32 s21, s4  }
0x9e: {  	[timem:s8], [sflag:s22] =	dma.local [hbm:s6], s20  }
0x9f: {  	_ =	swait.ge [sflag:s22], s20  }
0xa0: {  	s5 =	ssub.s32 $0x0, s20;
	[sflag:s22] =	ssyncset.done $0x0  }
0xa1: {  	[sflag:s22] =	ssyncadd.s32 s5;
	_ =	sdelay $0x1  }
0xa2: {  	s23 =	simm.s32 $0x1B8B  }
0xa3: {  	_ =	swait.ge [sflag:s23], $0x1  }
0xa4: {  	[sflag:s23] =	ssyncset.done $0x0  }
0xa5: {  	s25 =	simm.s32 $0x1B8E;
	s24 =	sld [smem:$0x3FFE];
	[sflag:s23] =	ssyncadd.s32 $0xFFFFFFFF  }
0xa6: {  	s26 =	simm.s32 $execute0_lowered;
	[smem:$0x3FD2] =	sst s25  }
0xa7: {  	s6 =	sshll.u32 s26, $0x1;
	_ =	strace $0x80000046;
	[dreg:$0x1] =	wrdreg $0xFFFFFFFF  }
0xa8: {  	s28 =	simm.s32 $_size_execute0_lowered;
	s4 =	sadd.s32 s4, s6;
	[dreg:$0x0] =	wrdreg $0x0  }
0xa9: {  	s6 =	sshll.u32 s28, $0x1;
	[dreg:$0x2] =	wrdreg s4  }
0xaa: {  	[dreg:$0x3] =	wrdreg s6  }
0xab: {  	[dreg:$0x4] =	wrdreg $0xC0  }
0xac: {  	_ =	task [dreg:s8], $0x5FFFF  }
0xad: {  	[dreg:$0x1] =	wrdreg $0xFFFFFFFF  }
0xae: {  	[dreg:$0x0] =	wrdreg $0x60  }
0xaf: {  	[dreg:$0x2] =	wrdreg s2  }
0xb0: {  	[dreg:$0x3] =	wrdreg s24  }
0xb1: {  	[dreg:$0x4] =	wrdreg s18  }
0xb2: {  	[dreg:$0x5] =	wrdreg $0x9  }
0xb3: {  	_ =	task.clear_ibuf [dreg:s8], $0x6FFFF;
	_ =	strace $0x90000046  }
0xb4: {  	s29 =	simm.s32 $0x9;
	_ =	strace $0x80000048  }
0xb5: {  	_ =	swait.ge [sflag:s29], $0x1  }
0xb6: {  	[sflag:s29] =	ssyncadd.s32 $0xFFFFFFFF  }
0xb7: {  	_ =	strace $0x90000048  }
0xb8: {  	_ =	sfence  }
0xb9: {  	s30 =	sld [smem:$0x0];
	_ =	sdelay $0x2  }
0xba: {  	s31 =	sshll.u32 s1, $0xD;
	s1 =	sshrl.u32 s1, $0x2  }
0xbb: {  	s3 =	sand.u32 $0x4000, s31;
	s1 =	sadd.s32 s1, s30  }
0xbc: {  	s0 =	sor.u32 s3, s0;
	s1 =	sshll.u32 s1, $0x11  }
0xbd: {  	s0 =	sor.u32 s1, s0  }
0xbe: {  	s0 =	sadd.s32 $0x8F2B, s0  }
0xbf: {  	[sflag:s0] =	ssyncadd.remote.s32 $0x1  }
0xc0: {  	_ =	sfence.sel $0xFFFF  }
0xc1: {  	[dreg:$0x0] =	wrdreg $0xFFFFFFFF;
	(pc) =	sbr.abs _section_cstart, $3  }
0xc2: {  	[dreg:$0x1] =	wrdreg $0xFFFFFFFF  }
0xc3: {  	_ =	task.clear_ibuf [dreg:s8], $0x2FFFF;
	_ =	strace $0x9FFFFFFF  }
0xc4: {  	(tm) =	ssettm $0x7FFFFFFF  }
0xc5: {  	_ =	shalt  }
tec
execute0_lowered:
.L_overlay_start_1:
0x0: {  	(tag) =	ssettag $0x1  }
0x1: {  	s1 =	rddreg [dreg:$0x0]  }
0x2: {  	s0 =	srdreg.scid;
	s4 =	stileid.u32  }
0x3: {  	s2 =	rddreg [dreg:$0x1];
	s5 =	simm.s32 $0x0;
	s13 =	simm.s32 $0xD  }
0x4: {  	s14 =	simm.s32 $0x80;
	s28 =	simm.s32 $0x13180;
	s29 =	simm.s32 $0x3  }
0x5: {  	s30 =	simm.s32 $0x7;
	s31 =	simm.s32 $0x13380;
	s15 =	simm.s32 $0x13580  }
0x6: {  	s3 =	sand.u32 $0x1, s0;
	s21 =	sshll.u32 s4, $0x1;
	s4 =	rddreg [dreg:$0x2]  }
0x7: {  	s16 =	simm.s32 $0x0;
	[smem:$0x7FF] =	sst s5;
	s0 =	sor.u32 s3, s21  }
0x8: {  	s7 =	ssub.s32 $0x2, s3;
	_ =	strace $0x80000047;
	s6 =	smul.u32 $0x4F0, s0  }
0x9: {  	s10 =	sshll.u32 s3, $0x9;
	s8 =	smul.u32 $0x9E00, s0;
	s22 =	sshrl.u32 s7, $0x1  }
0xa: {  	p0 =	seq.s32 s0, $0x1F;
	s7 =	ssub.s32 s7, s22;
	s22 =	simm.s32 $0x1  }
0xb: {  	s2 =	sadd.s32 s6, s2;
	s9 =	sand.u32 $0x1FFC00, s8;
	s6 =	smul.u32 $0x4F, s0  }
0xc: {  	s24 =	sshrl.u32 s8, $0x3;
	s12 =	smax.u32 s7, $0x1;
	s0 =	simm.s32 $0x8  }
0xd: {  	s2 =	sadd.s32 $0x400, s2;
	s23 =	sor.u32 s10, s9;
	s26 =	sadd.s32 s1, s24  }
.Ltmp0:
0xe: {  	s24 =	simm.s32 $0x12F80;
	[dreg:$0x4] =	wrdreg s2;
	(pc) =	sbr.rel .LBB2_1-.Ltmp0, $4  }
0xf: {  	s9 =	sshrl.u32 s23, $0x3;
	s2 =	sadd.s32 $0x400, s23;
	s11 =	ssub.s32 $0x9C4, s6  }
0x10: {  	s23 =	simm.s32 $0x5;
	s25 =	sadd.s32 s1, s9;
	s2 =	sshrl.u32 s2, $0x3  }
0x11: {  	s9 =	sadd.s32 $0x40, s26;
	s26 =	simm.s32 $0x6;
	[dreg:$0x5] =	wrdreg s25  }
0x12: {  	s10 =	sadd.s32 s1, s2;
	s25 =	simm.s32 $0x2;
	s2 =	simm.s32 $0x4  }
.LBB2_43:
0x13: {  	s7 =	simm.s32 @!p0 $0x9  }
0x14: {  	_ =	swait.ge @!p0 [sflag:s7], $0x200  }
0x15: {  	[sflag:s7] =	ssyncset.done @!p0 $0x0  }
0x16: {  	s16 =	sadd.s32 $0x1, s16;
	[sflag:s7] =	ssyncadd.s32 @!p0 $0xFFFFFE00;
	s7 =	simm.s32 @!p0 $0xA  }
0x17: {  	p1 =	sne.s32 s16, s12;
	_ =	swait.ge @!p0 [sflag:s7], $0x200  }
.Ltmp1:
0x18: {  	[sflag:s7] =	ssyncset.done @!p0 $0x0;
	(pc) =	sbr.rel @!p1 .LBB2_44-.Ltmp1, $4  }
0x19: {  	[sflag:s7] =	ssyncadd.s32 @!p0 $0xFFFFFE00;
	s7 =	simm.s32 @!p0 $0xB  }
0x1a: {  	_ =	swait.ge @!p0 [sflag:s7], $0x200  }
0x1b: {  	[sflag:s7] =	ssyncset.done @!p0 $0x0  }
0x1c: {  	[sflag:s7] =	ssyncadd.s32 @!p0 $0xFFFFFE00  }
.LBB2_1:
0x1d: {  	s7 =	rddreg [dreg:$0x4]  }
0x1e: {  	[tilespmem:s5], [sflag:$0xD] =	stream.linear.gather [hbm4b:s7+s5], $0x2780, $0x38;
	[tilespmem:$0x13780] =	vst v63  }
0x1f: {  	_ =	swait.ge [sflag:s13], $0x2780  }
0x20: {  	[sflag:s13] =	ssyncset.done $0x0  }
0x21: {  	s20 =	simm.s32 $0x2780;
	[sflag:s13] =	ssyncadd.s32 $0xFFFFD880  }
0x22: {  	[tilespmem:s20], [sflag:$0x1] =	stream.indirect.gather [hbm4b:s1+s14], $0x80, s5, s14, $0xb8;
	[tilespmem:$0x13780] =	vst v63  }
0x23: {  	s8 =	simm.s32 $0x12780;
	s21 =	rddreg [dreg:$0x5]  }
0x24: {  	[tilespmem:s8], [sflag:$0x5] =	stream.linear.gather [hbm4b:s21+s5], $0x200, $0x38;
	[tilespmem:$0x13780] =	vst v63  }
0x25: {  	s17 =	simm.s32 $0x6780  }
0x26: {  	[tilespmem:s17], [sflag:$0x2] =	stream.indirect.gather [hbm4b:s1+s14], $0x80, s14, s14, $0xb8;
	[tilespmem:$0x13780] =	vst v63  }
0x27: {  	s18 =	simm.s32 $0x12980  }
0x28: {  	[tilespmem:s18], [sflag:$0x6] =	stream.linear.gather [hbm4b:s9+s5], $0x200, $0x38;
	[tilespmem:$0x13780] =	vst v63  }
.Ltmp2:
0x29: {  	_ = 	snop;
	(pc) =	sbr.rel .LBB2_2-.Ltmp2, $4  }
0x2a: {  	s19 =	simm.s32 $0x100;
	s20 =	simm.s32 $0xA780  }
0x2b: {  	[tilespmem:s20], [sflag:$0x3] =	stream.indirect.gather [hbm4b:s1+s14], $0x80, s19, s14, $0xb8;
	[tilespmem:$0x13780] =	vst v63  }
0x2c: {  	s21 =	simm.s32 $0x12B80;
	s17 =	simm.s32 $0x0  }
0x2d: {  	[tilespmem:s21], [sflag:$0x7] =	stream.linear.gather [hbm4b:s10+s5], $0x200, $0x38;
	[tilespmem:$0x13780] =	vst v63  }
.LBB2_42:
0x2e: {  	s17 =	sadd.s32 $0x1, s17  }
0x2f: {  	p1 =	sne.s32 s17, $0x14  }
.Ltmp3:
0x30: {  	_ = 	snop;
	(pc) =	sbr.rel @!p1 .LBB2_43-.Ltmp3, $1  }
0x31: {  	_ =	sdelay $0x3  }
.LBB2_2:
0x32: {  	s7 =	sshllo.u32 s17, $0x2  }
0x33: {  	s18 =	sadd.s32 s6, s7  }
0x34: {  	p1 =	slt.u32 s7, $0x4F;
	p2 =	slt.u32 s18, $0x9C4  }
0x35: {  	p1 =	por !p1, !p2  }
0x36: {  	p1 =	por !p1, !p1  }
0x37: {  	s7 =	sshll.u32 @p1 s7, $0x7  }
0x38: {  	s19 =	simm.s32 @p1 $0x80;
	s20 =	simm.s32 @p1 $0xE780;
	s7 =	sand.u32 @p1 $0x3FFFFF80, s7  }
0x39: {  	[tilespmem:s20], [sflag:$0x4] =	stream.indirect.gather @p1 [hbm4b:s1+s19], $0x80, s7, s19, $0xb8;
	[tilespmem:$0x13780] =	vst v63  }
0x3a: {  	s21 =	simm.s32 @p1 $0x12D80;
	s7 =	sshll.u32 @p1 s18, $0x6  }
0x3b: {  	s19 =	sshll.u32 s17, $0x2;
	s20 =	simm.s32 @p1 $0x0;
	s7 =	sadd.s32 @p1 s1, s7  }
0x3c: {  	[tilespmem:s21], [sflag:$0x8] =	stream.linear.gather @p1 [hbm4b:s7+s20], $0x200, $0x38;
	[tilespmem:$0x13780] =	vst v63  }
0x3d: {  	s7 =	sadd.s32 $0xFFFFFFFC, s19  }
0x3e: {  	p2 =	sgt.u32 s7, $0x4E  }
0x3f: {  	s20 =	sadd.s32 s6, s19;
	p3 =	sge.s32 @!p2 s7, s11  }
0x40: {  	p2 =	por p3, p2;
	p3 =	sgt.u32 s20, $0x9C3  }
.Ltmp4:
0x41: {  	_ = 	snop;
	(pc) =	sbr.rel @p3 .LBB2_12-.Ltmp4, $4  }
0x42: {  	s7 =	simm.s32 @!p2 $0x9  }
0x43: {  	_ =	swait.ge @!p2 [sflag:s7], $0x200  }
0x44: {  	[sflag:s7] =	ssyncset.done @!p2 $0x0  }
0x45: {  	[sflag:s7] =	ssyncadd.s32 @!p2 $0xFFFFFE00  }
0x46: {  	_ =	swait.ge [sflag:s22], $0x4000  }
0x47: {  	[sflag:s22] =	ssyncset.done $0x0  }
0x48: {  	[sflag:s22] =	ssyncadd.s32 $0xFFFFC000  }
0x49: {  	_ =	swait.ge [sflag:s23], $0x200  }
0x4a: {  	[sflag:s23] =	ssyncset.done $0x0  }
0x4b: {  	[sflag:s23] =	ssyncadd.s32 $0xFFFFFE00  }
0x4c: {  	v8 =	vld [tilespmem:$0x12780]  }
0x4d: {  	v9 =	vld [tilespmem:$0x12790]  }
0x4e: {  	v5 =	vld [tilespmem:$0x127A0]  }
0x4f: {  	v4 =	vld [tilespmem:$0x127B0]  }
0x50: {  	v3 =	vld [tilespmem:$0x127C0]  }
0x51: {  	v2 =	vld [tilespmem:$0x127D0]  }
0x52: {  	v1 =	vld [tilespmem:$0x127E0]  }
0x53: {  	s8 =	simm.s32 $0x0;
	v0 =	vld [tilespmem:$0x127F0]  }
0x54: {  	v6 =	vld [tilespmem:s8+$0x27F0]  }
0x55: {  	v10 =	vld [tilespmem:s8+$0x2780]  }
0x56: {  	v13 =	vld [tilespmem:s8+$0x2790]  }
0x57: {  	v12 =	vld [tilespmem:s8+$0x27A0]  }
0x58: {  	v11 =	vld [tilespmem:s8+$0x27B0]  }
0x59: {  	v7 =	vld [tilespmem:s8+$0x27C0]  }
0x5a: {  	v0 =	vadd.f32 v6, v0;
	v6 =	vld [tilespmem:s8+$0x27D0]  }
0x5b: {  	s21 =	simm.s32 $0x80;
	s7 =	simm.s32 $0x400;
	v8 =	vadd.f32 v10, v8;
	v9 =	vadd.f32 v13, v9;
	v10 =	vld [tilespmem:s8+$0x27E0]  }
.LBB2_4:
0x5c: {  	p2 =	sne.s32 s7, $0x3E00;
	v13 =	vld [tilespmem:s21+$0x27F0];
	v5 =	vadd.f32 v12, v5  }
0x5d: {  	v14 =	vld [tilespmem:s21+$0x2780];
	v4 =	vadd.f32 v11, v4  }
0x5e: {  	v15 =	vld [tilespmem:s21+$0x2790];
	v3 =	vadd.f32 v7, v3  }
.Ltmp5:
0x5f: {  	v12 =	vld [tilespmem:s21+$0x27A0];
	v2 =	vadd.f32 v6, v2;
	(pc) =	sbr.rel @p2 .LBB2_4-.Ltmp5, $4  }
0x60: {  	v11 =	vld [tilespmem:s21+$0x27B0];
	v1 =	vadd.f32 v10, v1  }
0x61: {  	v7 =	vld [tilespmem:s21+$0x27C0];
	v0 =	vadd.f32 v13, v0  }
0x62: {  	v8 =	vadd.f32 v14, v8;
	v6 =	vld [tilespmem:s21+$0x27D0]  }
0x63: {  	v9 =	vadd.f32 v15, v9;
	v10 =	vld [tilespmem:s21+$0x27E0];
	s21 =	sshra.s32 s7, $0x2;
	s7 =	sadd.s32 $0x200, s7  }
0x64: {  	v13 =	vld [tilespmem:s21+$0x2780]  }
0x65: {  	v14 =	vld [tilespmem:s21+$0x2790]  }
0x66: {  	v15 =	vld [tilespmem:s21+$0x27A0]  }
0x67: {  	v16 =	vld [tilespmem:s21+$0x27B0]  }
0x68: {  	v17 =	vld [tilespmem:s21+$0x27C0]  }
0x69: {  	v5 =	vadd.f32 v12, v5;
	v12 =	vld [tilespmem:s21+$0x27D0]  }
0x6a: {  	v4 =	vadd.f32 v11, v4;
	v11 =	vld [tilespmem:s21+$0x27E0];
	v8 =	vadd.f32 v13, v8  }
0x6b: {  	v3 =	vadd.f32 v7, v3;
	v9 =	vadd.f32 v14, v9  }
0x6c: {  	v7 =	vld [tilespmem:s21+$0x27F0];
	v2 =	vadd.f32 v6, v2;
	v5 =	vadd.f32 v15, v5;
	v8 =	vmul.f32 $3.030303120e-02, v8  }
0x6d: {  	v1 =	vadd.f32 v10, v1;
	v4 =	vadd.f32 v16, v4;
	v6 =	vmul.f32 $3.030303120e-02, v9  }
0x6e: {  	v10 =	vld [tilespmem:$0x12810];
	v3 =	vadd.f32 v17, v3;
	v5 =	vmul.f32 $3.030303120e-02, v5;
	[tilespmem:$0x12F80] =	vst v8  }
0x6f: {  	v1 =	vadd.f32 v11, v1;
	v9 =	vadd.f32 v12, v2;
	v4 =	vmul.f32 $3.030303120e-02, v4;
	v2 =	vld [tilespmem:$0x12820];
	[tilespmem:$0x12F90] =	vst v6  }
0x70: {  	v3 =	vmul.f32 $3.030303120e-02, v3;
	v8 =	vld [tilespmem:$0x12800];
	[tilespmem:$0x12FA0] =	vst v5  }
0x71: {  	v0 =	vadd.f32 v7, v0;
	v1 =	vmul.f32 $3.030303120e-02, v1;
	[tilespmem:$0x12FB0] =	vst v4;
	v4 =	vld [tilespmem:$0x12830]  }
0x72: {  	v6 =	vmul.f32 $3.030303120e-02, v9;
	[tilespmem:$0x12FC0] =	vst v3;
	v5 =	vld [tilespmem:$0x12840]  }
0x73: {  	v0 =	vmul.f32 $3.030303120e-02, v0;
	v3 =	vld [tilespmem:$0x12850];
	[tilespmem:$0x12FE0] =	vst v1  }
0x74: {  	v1 =	vld [tilespmem:$0x12860];
	[tilespmem:$0x12FD0] =	vst v6  }
0x75: {  	s8 =	simm.s32 $0x0;
	[tilespmem:$0x12FF0] =	vst v0;
	v0 =	vld [tilespmem:$0x12870]  }
0x76: {  	v6 =	vld [tilespmem:s8+$0x37F0]  }
0x77: {  	v9 =	vld [tilespmem:s8+$0x3780]  }
0x78: {  	v13 =	vld [tilespmem:s8+$0x3790]  }
0x79: {  	v12 =	vld [tilespmem:s8+$0x37A0]  }
0x7a: {  	v11 =	vld [tilespmem:s8+$0x37B0]  }
0x7b: {  	v7 =	vld [tilespmem:s8+$0x37C0]  }
0x7c: {  	v0 =	vadd.f32 v6, v0;
	v6 =	vld [tilespmem:s8+$0x37D0]  }
0x7d: {  	s7 =	simm.s32 $0x400;
	s21 =	simm.s32 $0x80;
	v8 =	vadd.f32 v9, v8;
	v9 =	vadd.f32 v13, v10;
	v10 =	vld [tilespmem:s8+$0x37E0]  }
.LBB2_6:
0x7e: {  	p2 =	sne.s32 s7, $0x3E00;
	v13 =	vld [tilespmem:s21+$0x37F0];
	v2 =	vadd.f32 v12, v2  }
0x7f: {  	v14 =	vld [tilespmem:s21+$0x3780];
	v4 =	vadd.f32 v11, v4  }
0x80: {  	v15 =	vld [tilespmem:s21+$0x3790];
	v5 =	vadd.f32 v7, v5  }
.Ltmp6:
0x81: {  	v12 =	vld [tilespmem:s21+$0x37A0];
	v3 =	vadd.f32 v6, v3;
	(pc) =	sbr.rel @p2 .LBB2_6-.Ltmp6, $4  }
0x82: {  	v11 =	vld [tilespmem:s21+$0x37B0];
	v1 =	vadd.f32 v10, v1  }
0x83: {  	v7 =	vld [tilespmem:s21+$0x37C0];
	v0 =	vadd.f32 v13, v0  }
0x84: {  	v8 =	vadd.f32 v14, v8;
	v6 =	vld [tilespmem:s21+$0x37D0]  }
0x85: {  	v9 =	vadd.f32 v15, v9;
	v10 =	vld [tilespmem:s21+$0x37E0];
	s21 =	sshra.s32 s7, $0x2;
	s7 =	sadd.s32 $0x200, s7  }
0x86: {  	v13 =	vld [tilespmem:s21+$0x3780]  }
0x87: {  	v14 =	vld [tilespmem:s21+$0x3790]  }
0x88: {  	v15 =	vld [tilespmem:s21+$0x37A0]  }
0x89: {  	v16 =	vld [tilespmem:s21+$0x37B0]  }
0x8a: {  	v17 =	vld [tilespmem:s21+$0x37C0]  }
0x8b: {  	v2 =	vadd.f32 v12, v2;
	v12 =	vld [tilespmem:s21+$0x37D0];
	v8 =	vadd.f32 v13, v8  }
0x8c: {  	v4 =	vadd.f32 v11, v4;
	v11 =	vld [tilespmem:s21+$0x37E0];
	v9 =	vadd.f32 v14, v9  }
0x8d: {  	v5 =	vadd.f32 v7, v5;
	v7 =	vld [tilespmem:s21+$0x37F0];
	v2 =	vadd.f32 v15, v2;
	v8 =	vmul.f32 $3.030303120e-02, v8  }
0x8e: {  	v3 =	vadd.f32 v6, v3;
	v4 =	vadd.f32 v16, v4;
	v6 =	vmul.f32 $3.030303120e-02, v9  }
0x8f: {  	v1 =	vadd.f32 v10, v1;
	v5 =	vadd.f32 v17, v5;
	v2 =	vmul.f32 $3.030303120e-02, v2;
	v9 =	vld [tilespmem:$0x12890];
	[tilespmem:$0x13000] =	vst v8  }
0x90: {  	v3 =	vadd.f32 v12, v3;
	v4 =	vmul.f32 $3.030303120e-02, v4;
	v8 =	vld [tilespmem:$0x12880];
	[tilespmem:$0x13010] =	vst v6  }
0x91: {  	v1 =	vadd.f32 v11, v1;
	v5 =	vmul.f32 $3.030303120e-02, v5;
	[tilespmem:$0x13020] =	vst v2;
	v2 =	vld [tilespmem:$0x128A0]  }
0x92: {  	v0 =	vadd.f32 v7, v0;
	v3 =	vmul.f32 $3.030303120e-02, v3;
	[tilespmem:$0x13030] =	vst v4;
	v4 =	vld [tilespmem:$0x128B0]  }
0x93: {  	v1 =	vmul.f32 $3.030303120e-02, v1;
	[tilespmem:$0x13040] =	vst v5;
	v5 =	vld [tilespmem:$0x128C0]  }
0x94: {  	[tilespmem:$0x13050] =	vst v3;
	v0 =	vmul.f32 $3.030303120e-02, v0;
	v3 =	vld [tilespmem:$0x128D0]  }
0x95: {  	[tilespmem:$0x13060] =	vst v1;
	v1 =	vld [tilespmem:$0x128E0]  }
0x96: {  	s8 =	simm.s32 $0x0;
	[tilespmem:$0x13070] =	vst v0;
	v0 =	vld [tilespmem:$0x128F0]  }
0x97: {  	v6 =	vld [tilespmem:s8+$0x47F0]  }
0x98: {  	v10 =	vld [tilespmem:s8+$0x4780]  }
0x99: {  	v13 =	vld [tilespmem:s8+$0x4790]  }
0x9a: {  	v12 =	vld [tilespmem:s8+$0x47A0]  }
0x9b: {  	v11 =	vld [tilespmem:s8+$0x47B0]  }
0x9c: {  	v7 =	vld [tilespmem:s8+$0x47C0]  }
0x9d: {  	v0 =	vadd.f32 v6, v0;
	v6 =	vld [tilespmem:s8+$0x47D0]  }
0x9e: {  	s7 =	simm.s32 $0x400;
	s21 =	simm.s32 $0x80;
	v8 =	vadd.f32 v10, v8;
	v9 =	vadd.f32 v13, v9;
	v10 =	vld [tilespmem:s8+$0x47E0]  }
.LBB2_8:
0x9f: {  	p2 =	sne.s32 s7, $0x3E00;
	v13 =	vld [tilespmem:s21+$0x47F0];
	v2 =	vadd.f32 v12, v2  }
0xa0: {  	v14 =	vld [tilespmem:s21+$0x4780];
	v4 =	vadd.f32 v11, v4  }
0xa1: {  	v15 =	vld [tilespmem:s21+$0x4790];
	v5 =	vadd.f32 v7, v5  }
.Ltmp7:
0xa2: {  	v12 =	vld [tilespmem:s21+$0x47A0];
	v3 =	vadd.f32 v6, v3;
	(pc) =	sbr.rel @p2 .LBB2_8-.Ltmp7, $4  }
0xa3: {  	v11 =	vld [tilespmem:s21+$0x47B0];
	v1 =	vadd.f32 v10, v1  }
0xa4: {  	v7 =	vld [tilespmem:s21+$0x47C0];
	v0 =	vadd.f32 v13, v0  }
0xa5: {  	v8 =	vadd.f32 v14, v8;
	v6 =	vld [tilespmem:s21+$0x47D0]  }
0xa6: {  	v9 =	vadd.f32 v15, v9;
	v10 =	vld [tilespmem:s21+$0x47E0];
	s21 =	sshra.s32 s7, $0x2;
	s7 =	sadd.s32 $0x200, s7  }
0xa7: {  	v13 =	vld [tilespmem:s21+$0x4780]  }
0xa8: {  	v14 =	vld [tilespmem:s21+$0x4790]  }
0xa9: {  	v15 =	vld [tilespmem:s21+$0x47A0]  }
0xaa: {  	v16 =	vld [tilespmem:s21+$0x47B0]  }
0xab: {  	v17 =	vld [tilespmem:s21+$0x47C0]  }
0xac: {  	v2 =	vadd.f32 v12, v2;
	v12 =	vld [tilespmem:s21+$0x47D0];
	v8 =	vadd.f32 v13, v8  }
0xad: {  	v4 =	vadd.f32 v11, v4;
	v11 =	vld [tilespmem:s21+$0x47E0];
	v9 =	vadd.f32 v14, v9  }
0xae: {  	v5 =	vadd.f32 v7, v5;
	v7 =	vld [tilespmem:s21+$0x47F0];
	v2 =	vadd.f32 v15, v2;
	v8 =	vmul.f32 $3.030303120e-02, v8  }
0xaf: {  	v3 =	vadd.f32 v6, v3;
	v4 =	vadd.f32 v16, v4;
	v6 =	vmul.f32 $3.030303120e-02, v9  }
0xb0: {  	v1 =	vadd.f32 v10, v1;
	v5 =	vadd.f32 v17, v5;
	v2 =	vmul.f32 $3.030303120e-02, v2;
	v9 =	vld [tilespmem:$0x12910];
	[tilespmem:$0x13080] =	vst v8  }
0xb1: {  	v3 =	vadd.f32 v12, v3;
	v4 =	vmul.f32 $3.030303120e-02, v4;
	v8 =	vld [tilespmem:$0x12900];
	[tilespmem:$0x13090] =	vst v6  }
0xb2: {  	v1 =	vadd.f32 v11, v1;
	v5 =	vmul.f32 $3.030303120e-02, v5;
	[tilespmem:$0x130A0] =	vst v2;
	v2 =	vld [tilespmem:$0x12920]  }
0xb3: {  	v0 =	vadd.f32 v7, v0;
	v3 =	vmul.f32 $3.030303120e-02, v3;
	[tilespmem:$0x130B0] =	vst v4;
	v4 =	vld [tilespmem:$0x12930]  }
0xb4: {  	v1 =	vmul.f32 $3.030303120e-02, v1;
	[tilespmem:$0x130C0] =	vst v5;
	v5 =	vld [tilespmem:$0x12940]  }
0xb5: {  	[tilespmem:$0x130D0] =	vst v3;
	v6 =	vmul.f32 $3.030303120e-02, v0;
	v3 =	vld [tilespmem:$0x12950]  }
0xb6: {  	v0 =	vld [tilespmem:$0x12960];
	[tilespmem:$0x130E0] =	vst v1  }
0xb7: {  	s8 =	simm.s32 $0x0;
	v1 =	vld [tilespmem:$0x12970];
	[tilespmem:$0x130F0] =	vst v6  }
0xb8: {  	v6 =	vld [tilespmem:s8+$0x57F0]  }
0xb9: {  	v10 =	vld [tilespmem:s8+$0x5780]  }
0xba: {  	v13 =	vld [tilespmem:s8+$0x5790]  }
0xbb: {  	v12 =	vld [tilespmem:s8+$0x57A0]  }
0xbc: {  	v11 =	vld [tilespmem:s8+$0x57B0]  }
0xbd: {  	v7 =	vld [tilespmem:s8+$0x57C0]  }
0xbe: {  	v1 =	vadd.f32 v6, v1;
	v6 =	vld [tilespmem:s8+$0x57D0]  }
0xbf: {  	s7 =	simm.s32 $0x400;
	s21 =	simm.s32 $0x80;
	v8 =	vadd.f32 v10, v8;
	v9 =	vadd.f32 v13, v9;
	v10 =	vld [tilespmem:s8+$0x57E0]  }
.LBB2_10:
0xc0: {  	p2 =	sne.s32 s7, $0x3E00;
	v13 =	vld [tilespmem:s21+$0x57F0];
	v2 =	vadd.f32 v12, v2  }
0xc1: {  	v14 =	vld [tilespmem:s21+$0x5780];
	v4 =	vadd.f32 v11, v4  }
0xc2: {  	v15 =	vld [tilespmem:s21+$0x5790];
	v5 =	vadd.f32 v7, v5  }
.Ltmp8:
0xc3: {  	v12 =	vld [tilespmem:s21+$0x57A0];
	v3 =	vadd.f32 v6, v3;
	(pc) =	sbr.rel @p2 .LBB2_10-.Ltmp8, $4  }
0xc4: {  	v11 =	vld [tilespmem:s21+$0x57B0];
	v0 =	vadd.f32 v10, v0  }
0xc5: {  	v7 =	vld [tilespmem:s21+$0x57C0];
	v1 =	vadd.f32 v13, v1  }
0xc6: {  	v8 =	vadd.f32 v14, v8;
	v6 =	vld [tilespmem:s21+$0x57D0]  }
0xc7: {  	v9 =	vadd.f32 v15, v9;
	v10 =	vld [tilespmem:s21+$0x57E0];
	s21 =	sshra.s32 s7, $0x2;
	s7 =	sadd.s32 $0x200, s7  }
0xc8: {  	v13 =	vld [tilespmem:s21+$0x5780]  }
0xc9: {  	v14 =	vld [tilespmem:s21+$0x5790]  }
0xca: {  	v15 =	vld [tilespmem:s21+$0x57A0]  }
0xcb: {  	v16 =	vld [tilespmem:s21+$0x57B0]  }
0xcc: {  	v17 =	vld [tilespmem:s21+$0x57C0]  }
0xcd: {  	v2 =	vadd.f32 v12, v2;
	v59 =	vld [tilespmem:s21+$0x57D0];
	v8 =	vadd.f32 v13, v8  }
0xce: {  	v61 =	vld [tilespmem:s21+$0x57F0];
	v4 =	vadd.f32 v11, v4;
	v9 =	vadd.f32 v14, v9  }
0xcf: {  	v60 =	vld [tilespmem:s21+$0x57E0];
	v5 =	vadd.f32 v7, v5;
	v2 =	vadd.f32 v15, v2;
	v8 =	vmul.f32 $3.030303120e-02, v8  }
0xd0: {  	v3 =	vadd.f32 v6, v3;
	v4 =	vadd.f32 v16, v4;
	v62 =	vmul.f32 $3.030303120e-02, v9  }
0xd1: {  	v5 =	vadd.f32 v17, v5;
	v2 =	vmul.f32 $3.030303120e-02, v2;
	[tilespmem:$0x13100] =	vst v8  }
0xd2: {  	v0 =	vadd.f32 v10, v0;
	v3 =	vadd.f32 v59, v3;
	v4 =	vmul.f32 $3.030303120e-02, v4;
	[tilespmem:$0x13110] =	vst v62  }
0xd3: {  	v1 =	vadd.f32 v61, v1;
	v63 =	vmul.f32 $3.030303120e-02, v5;
	[tilespmem:$0x13120] =	vst v2  }
0xd4: {  	v0 =	vadd.f32 v60, v0;
	v3 =	vmul.f32 $3.030303120e-02, v3;
	[tilespmem:$0x13130] =	vst v4  }
0xd5: {  	s7 =	sand.u32 $0xFFE, s20;
	v1 =	vmul.f32 $3.030303120e-02, v1;
	[tilespmem:$0x13140] =	vst v63  }
0xd6: {  	s7 =	sor.u32 s3, s7;
	v0 =	vmul.f32 $3.030303120e-02, v0;
	[tilespmem:$0x13150] =	vst v3  }
0xd7: {  	s7 =	sshll.u32 s7, $0x6;
	[tilespmem:$0x13170] =	vst v1  }
0xd8: {  	s7 =	sadd.s32 s4, s7;
	[tilespmem:$0x13160] =	vst v0  }
0xd9: {  	[hbm4b:s7+s5] =	stream.linear.scatter [tilespmem:s24], [sflag:$0x9], $0x200, $0x38;
	[tilespmem:$0x13780] =	vst v63  }
.LBB2_12:
0xda: {  	s7 =	sadd.s32 $0x4, s19  }
0xdb: {  	p2 =	seq.s32 s17, $0x13;
	s8 =	sadd.s32 s6, s7  }
0xdc: {  	p3 =	sgt.u32 @!p2 s8, $0x9C3  }
0xdd: {  	p3 =	por p3, p2  }
0xde: {  	s7 =	sshll.u32 @!p3 s7, $0x7  }
0xdf: {  	s20 =	simm.s32 @!p3 $0x80;
	s21 =	simm.s32 @!p3 $0x2780;
	s7 =	sand.u32 @!p3 $0x3FFFFF80, s7  }
0xe0: {  	[tilespmem:s21], [sflag:$0x1] =	stream.indirect.gather @!p3 [hbm4b:s1+s20], $0x80, s7, s20, $0xb8;
	[tilespmem:$0x13780] =	vst v63  }
0xe1: {  	s7 =	sand.u32 @!p3 $0xFFE, s8  }
0xe2: {  	s7 =	sor.u32 @!p3 s3, s7  }
0xe3: {  	s7 =	sshll.u32 @!p3 s7, $0x6  }
0xe4: {  	s8 =	simm.s32 @!p3 $0x0;
	s20 =	simm.s32 @!p3 $0x12780;
	s7 =	sadd.s32 @!p3 s1, s7  }
0xe5: {  	[tilespmem:s20], [sflag:$0x5] =	stream.linear.gather @!p3 [hbm4b:s7+s8], $0x200, $0x38;
	[tilespmem:$0x13780] =	vst v63  }
0xe6: {  	s7 =	sadd.s32 $0xFFFFFFFD, s19  }
0xe7: {  	s21 =	sor.u32 $0x1, s19;
	p3 =	sgt.u32 s7, $0x4E  }
0xe8: {  	s20 =	sadd.s32 s6, s21;
	p4 =	sge.s32 @!p3 s7, s11  }
0xe9: {  	p3 =	por p4, p3;
	p4 =	sgt.u32 s20, $0x9C3  }
.Ltmp9:
0xea: {  	_ = 	snop;
	(pc) =	sbr.rel @p4 .LBB2_22-.Ltmp9, $4  }
0xeb: {  	s8 =	simm.s32 @!p3 $0xA  }
0xec: {  	_ =	swait.ge @!p3 [sflag:s8], $0x200  }
0xed: {  	[sflag:s8] =	ssyncset.done @!p3 $0x0  }
0xee: {  	[sflag:s8] =	ssyncadd.s32 @!p3 $0xFFFFFE00  }
0xef: {  	_ =	swait.ge [sflag:s25], $0x4000  }
0xf0: {  	[sflag:s25] =	ssyncset.done $0x0  }
0xf1: {  	[sflag:s25] =	ssyncadd.s32 $0xFFFFC000  }
0xf2: {  	_ =	swait.ge [sflag:s26], $0x200  }
0xf3: {  	[sflag:s26] =	ssyncset.done $0x0  }
0xf4: {  	[sflag:s26] =	ssyncadd.s32 $0xFFFFFE00  }
0xf5: {  	v8 =	vld [tilespmem:$0x12980]  }
0xf6: {  	v9 =	vld [tilespmem:$0x12990]  }
0xf7: {  	v5 =	vld [tilespmem:$0x129A0]  }
0xf8: {  	v4 =	vld [tilespmem:$0x129B0]  }
0xf9: {  	v3 =	vld [tilespmem:$0x129C0]  }
0xfa: {  	v2 =	vld [tilespmem:$0x129D0]  }
0xfb: {  	v1 =	vld [tilespmem:$0x129E0]  }
0xfc: {  	s8 =	simm.s32 $0x0;
	v0 =	vld [tilespmem:$0x129F0]  }
0xfd: {  	v6 =	vld [tilespmem:s8+$0x67F0]  }
0xfe: {  	v10 =	vld [tilespmem:s8+$0x6780]  }
0xff: {  	v13 =	vld [tilespmem:s8+$0x6790]  }
0x100: {  	v12 =	vld [tilespmem:s8+$0x67A0]  }
0x101: {  	v11 =	vld [tilespmem:s8+$0x67B0]  }
0x102: {  	v7 =	vld [tilespmem:s8+$0x67C0]  }
0x103: {  	v0 =	vadd.f32 v6, v0;
	v6 =	vld [tilespmem:s8+$0x67D0]  }
0x104: {  	s21 =	simm.s32 $0x80;
	s7 =	simm.s32 $0x400;
	v8 =	vadd.f32 v10, v8;
	v9 =	vadd.f32 v13, v9;
	v10 =	vld [tilespmem:s8+$0x67E0]  }
.LBB2_14:
0x105: {  	p3 =	sne.s32 s7, $0x3E00;
	v13 =	vld [tilespmem:s21+$0x67F0];
	v5 =	vadd.f32 v12, v5  }
0x106: {  	v14 =	vld [tilespmem:s21+$0x6780];
	v4 =	vadd.f32 v11, v4  }
0x107: {  	v15 =	vld [tilespmem:s21+$0x6790];
	v3 =	vadd.f32 v7, v3  }
.Ltmp10:
0x108: {  	v12 =	vld [tilespmem:s21+$0x67A0];
	v2 =	vadd.f32 v6, v2;
	(pc) =	sbr.rel @p3 .LBB2_14-.Ltmp10, $4  }
0x109: {  	v11 =	vld [tilespmem:s21+$0x67B0];
	v1 =	vadd.f32 v10, v1  }
0x10a: {  	v7 =	vld [tilespmem:s21+$0x67C0];
	v0 =	vadd.f32 v13, v0  }
0x10b: {  	v8 =	vadd.f32 v14, v8;
	v6 =	vld [tilespmem:s21+$0x67D0]  }
0x10c: {  	v9 =	vadd.f32 v15, v9;
	v10 =	vld [tilespmem:s21+$0x67E0];
	s21 =	sshra.s32 s7, $0x2;
	s7 =	sadd.s32 $0x200, s7  }
0x10d: {  	v13 =	vld [tilespmem:s21+$0x6780]  }
0x10e: {  	v14 =	vld [tilespmem:s21+$0x6790]  }
0x10f: {  	v15 =	vld [tilespmem:s21+$0x67A0]  }
0x110: {  	v16 =	vld [tilespmem:s21+$0x67B0]  }
0x111: {  	v17 =	vld [tilespmem:s21+$0x67C0]  }
0x112: {  	v5 =	vadd.f32 v12, v5;
	v12 =	vld [tilespmem:s21+$0x67D0]  }
0x113: {  	v4 =	vadd.f32 v11, v4;
	v11 =	vld [tilespmem:s21+$0x67E0];
	v8 =	vadd.f32 v13, v8  }
0x114: {  	v3 =	vadd.f32 v7, v3;
	v9 =	vadd.f32 v14, v9  }
0x115: {  	v7 =	vld [tilespmem:s21+$0x67F0];
	v2 =	vadd.f32 v6, v2;
	v5 =	vadd.f32 v15, v5;
	v8 =	vmul.f32 $3.030303120e-02, v8  }
0x116: {  	v1 =	vadd.f32 v10, v1;
	v4 =	vadd.f32 v16, v4;
	v6 =	vmul.f32 $3.030303120e-02, v9  }
0x117: {  	v10 =	vld [tilespmem:$0x12A10];
	v3 =	vadd.f32 v17, v3;
	v5 =	vmul.f32 $3.030303120e-02, v5;
	[tilespmem:$0x13180] =	vst v8  }
0x118: {  	v1 =	vadd.f32 v11, v1;
	v9 =	vadd.f32 v12, v2;
	v4 =	vmul.f32 $3.030303120e-02, v4;
	v2 =	vld [tilespmem:$0x12A20];
	[tilespmem:$0x13190] =	vst v6  }
0x119: {  	v3 =	vmul.f32 $3.030303120e-02, v3;
	v8 =	vld [tilespmem:$0x12A00];
	[tilespmem:$0x131A0] =	vst v5  }
0x11a: {  	v0 =	vadd.f32 v7, v0;
	v1 =	vmul.f32 $3.030303120e-02, v1;
	[tilespmem:$0x131B0] =	vst v4;
	v4 =	vld [tilespmem:$0x12A30]  }
0x11b: {  	v6 =	vmul.f32 $3.030303120e-02, v9;
	[tilespmem:$0x131C0] =	vst v3;
	v5 =	vld [tilespmem:$0x12A40]  }
0x11c: {  	v0 =	vmul.f32 $3.030303120e-02, v0;
	v3 =	vld [tilespmem:$0x12A50];
	[tilespmem:$0x131E0] =	vst v1  }
0x11d: {  	v1 =	vld [tilespmem:$0x12A60];
	[tilespmem:$0x131D0] =	vst v6  }
0x11e: {  	s8 =	simm.s32 $0x0;
	[tilespmem:$0x131F0] =	vst v0;
	v0 =	vld [tilespmem:$0x12A70]  }
0x11f: {  	v6 =	vld [tilespmem:s8+$0x77F0]  }
0x120: {  	v9 =	vld [tilespmem:s8+$0x7780]  }
0x121: {  	v13 =	vld [tilespmem:s8+$0x7790]  }
0x122: {  	v12 =	vld [tilespmem:s8+$0x77A0]  }
0x123: {  	v11 =	vld [tilespmem:s8+$0x77B0]  }
0x124: {  	v7 =	vld [tilespmem:s8+$0x77C0]  }
0x125: {  	v0 =	vadd.f32 v6, v0;
	v6 =	vld [tilespmem:s8+$0x77D0]  }
0x126: {  	s7 =	simm.s32 $0x400;
	s21 =	simm.s32 $0x80;
	v8 =	vadd.f32 v9, v8;
	v9 =	vadd.f32 v13, v10;
	v10 =	vld [tilespmem:s8+$0x77E0]  }
.LBB2_16:
0x127: {  	p3 =	sne.s32 s7, $0x3E00;
	v13 =	vld [tilespmem:s21+$0x77F0];
	v2 =	vadd.f32 v12, v2  }
0x128: {  	v14 =	vld [tilespmem:s21+$0x7780];
	v4 =	vadd.f32 v11, v4  }
0x129: {  	v15 =	vld [tilespmem:s21+$0x7790];
	v5 =	vadd.f32 v7, v5  }
.Ltmp11:
0x12a: {  	v12 =	vld [tilespmem:s21+$0x77A0];
	v3 =	vadd.f32 v6, v3;
	(pc) =	sbr.rel @p3 .LBB2_16-.Ltmp11, $4  }
0x12b: {  	v11 =	vld [tilespmem:s21+$0x77B0];
	v1 =	vadd.f32 v10, v1  }
0x12c: {  	v7 =	vld [tilespmem:s21+$0x77C0];
	v0 =	vadd.f32 v13, v0  }
0x12d: {  	v8 =	vadd.f32 v14, v8;
	v6 =	vld [tilespmem:s21+$0x77D0]  }
0x12e: {  	v9 =	vadd.f32 v15, v9;
	v10 =	vld [tilespmem:s21+$0x77E0];
	s21 =	sshra.s32 s7, $0x2;
	s7 =	sadd.s32 $0x200, s7  }
0x12f: {  	v13 =	vld [tilespmem:s21+$0x7780]  }
0x130: {  	v14 =	vld [tilespmem:s21+$0x7790]  }
0x131: {  	v15 =	vld [tilespmem:s21+$0x77A0]  }
0x132: {  	v16 =	vld [tilespmem:s21+$0x77B0]  }
0x133: {  	v17 =	vld [tilespmem:s21+$0x77C0]  }
0x134: {  	v2 =	vadd.f32 v12, v2;
	v12 =	vld [tilespmem:s21+$0x77D0];
	v8 =	vadd.f32 v13, v8  }
0x135: {  	v4 =	vadd.f32 v11, v4;
	v11 =	vld [tilespmem:s21+$0x77E0];
	v9 =	vadd.f32 v14, v9  }
0x136: {  	v5 =	vadd.f32 v7, v5;
	v7 =	vld [tilespmem:s21+$0x77F0];
	v2 =	vadd.f32 v15, v2;
	v8 =	vmul.f32 $3.030303120e-02, v8  }
0x137: {  	v3 =	vadd.f32 v6, v3;
	v4 =	vadd.f32 v16, v4;
	v6 =	vmul.f32 $3.030303120e-02, v9  }
0x138: {  	v1 =	vadd.f32 v10, v1;
	v5 =	vadd.f32 v17, v5;
	v2 =	vmul.f32 $3.030303120e-02, v2;
	v9 =	vld [tilespmem:$0x12A90];
	[tilespmem:$0x13200] =	vst v8  }
0x139: {  	v3 =	vadd.f32 v12, v3;
	v4 =	vmul.f32 $3.030303120e-02, v4;
	v8 =	vld [tilespmem:$0x12A80];
	[tilespmem:$0x13210] =	vst v6  }
0x13a: {  	v1 =	vadd.f32 v11, v1;
	v5 =	vmul.f32 $3.030303120e-02, v5;
	[tilespmem:$0x13220] =	vst v2;
	v2 =	vld [tilespmem:$0x12AA0]  }
0x13b: {  	v0 =	vadd.f32 v7, v0;
	v3 =	vmul.f32 $3.030303120e-02, v3;
	[tilespmem:$0x13230] =	vst v4;
	v4 =	vld [tilespmem:$0x12AB0]  }
0x13c: {  	v1 =	vmul.f32 $3.030303120e-02, v1;
	[tilespmem:$0x13240] =	vst v5;
	v5 =	vld [tilespmem:$0x12AC0]  }
0x13d: {  	[tilespmem:$0x13250] =	vst v3;
	v0 =	vmul.f32 $3.030303120e-02, v0;
	v3 =	vld [tilespmem:$0x12AD0]  }
0x13e: {  	[tilespmem:$0x13260] =	vst v1;
	v1 =	vld [tilespmem:$0x12AE0]  }
0x13f: {  	s8 =	simm.s32 $0x0;
	[tilespmem:$0x13270] =	vst v0;
	v0 =	vld [tilespmem:$0x12AF0]  }
0x140: {  	v6 =	vld [tilespmem:s8+$0x87F0]  }
0x141: {  	v10 =	vld [tilespmem:s8+$0x8780]  }
0x142: {  	v13 =	vld [tilespmem:s8+$0x8790]  }
0x143: {  	v12 =	vld [tilespmem:s8+$0x87A0]  }
0x144: {  	v11 =	vld [tilespmem:s8+$0x87B0]  }
0x145: {  	v7 =	vld [tilespmem:s8+$0x87C0]  }
0x146: {  	v0 =	vadd.f32 v6, v0;
	v6 =	vld [tilespmem:s8+$0x87D0]  }
0x147: {  	s7 =	simm.s32 $0x400;
	s21 =	simm.s32 $0x80;
	v8 =	vadd.f32 v10, v8;
	v9 =	vadd.f32 v13, v9;
	v10 =	vld [tilespmem:s8+$0x87E0]  }
.LBB2_18:
0x148: {  	p3 =	sne.s32 s7, $0x3E00;
	v13 =	vld [tilespmem:s21+$0x87F0];
	v2 =	vadd.f32 v12, v2  }
0x149: {  	v14 =	vld [tilespmem:s21+$0x8780];
	v4 =	vadd.f32 v11, v4  }
0x14a: {  	v15 =	vld [tilespmem:s21+$0x8790];
	v5 =	vadd.f32 v7, v5  }
.Ltmp12:
0x14b: {  	v12 =	vld [tilespmem:s21+$0x87A0];
	v3 =	vadd.f32 v6, v3;
	(pc) =	sbr.rel @p3 .LBB2_18-.Ltmp12, $4  }
0x14c: {  	v11 =	vld [tilespmem:s21+$0x87B0];
	v1 =	vadd.f32 v10, v1  }
0x14d: {  	v7 =	vld [tilespmem:s21+$0x87C0];
	v0 =	vadd.f32 v13, v0  }
0x14e: {  	v8 =	vadd.f32 v14, v8;
	v6 =	vld [tilespmem:s21+$0x87D0]  }
0x14f: {  	v9 =	vadd.f32 v15, v9;
	v10 =	vld [tilespmem:s21+$0x87E0];
	s21 =	sshra.s32 s7, $0x2;
	s7 =	sadd.s32 $0x200, s7  }
0x150: {  	v13 =	vld [tilespmem:s21+$0x8780]  }
0x151: {  	v14 =	vld [tilespmem:s21+$0x8790]  }
0x152: {  	v15 =	vld [tilespmem:s21+$0x87A0]  }
0x153: {  	v16 =	vld [tilespmem:s21+$0x87B0]  }
0x154: {  	v17 =	vld [tilespmem:s21+$0x87C0]  }
0x155: {  	v2 =	vadd.f32 v12, v2;
	v12 =	vld [tilespmem:s21+$0x87D0];
	v8 =	vadd.f32 v13, v8  }
0x156: {  	v4 =	vadd.f32 v11, v4;
	v11 =	vld [tilespmem:s21+$0x87E0];
	v9 =	vadd.f32 v14, v9  }
0x157: {  	v5 =	vadd.f32 v7, v5;
	v7 =	vld [tilespmem:s21+$0x87F0];
	v2 =	vadd.f32 v15, v2;
	v8 =	vmul.f32 $3.030303120e-02, v8  }
0x158: {  	v3 =	vadd.f32 v6, v3;
	v4 =	vadd.f32 v16, v4;
	v6 =	vmul.f32 $3.030303120e-02, v9  }
0x159: {  	v1 =	vadd.f32 v10, v1;
	v5 =	vadd.f32 v17, v5;
	v2 =	vmul.f32 $3.030303120e-02, v2;
	v9 =	vld [tilespmem:$0x12B10];
	[tilespmem:$0x13280] =	vst v8  }
0x15a: {  	v3 =	vadd.f32 v12, v3;
	v4 =	vmul.f32 $3.030303120e-02, v4;
	v8 =	vld [tilespmem:$0x12B00];
	[tilespmem:$0x13290] =	vst v6  }
0x15b: {  	v1 =	vadd.f32 v11, v1;
	v5 =	vmul.f32 $3.030303120e-02, v5;
	[tilespmem:$0x132A0] =	vst v2;
	v2 =	vld [tilespmem:$0x12B20]  }
0x15c: {  	v0 =	vadd.f32 v7, v0;
	v3 =	vmul.f32 $3.030303120e-02, v3;
	[tilespmem:$0x132B0] =	vst v4;
	v4 =	vld [tilespmem:$0x12B30]  }
0x15d: {  	v1 =	vmul.f32 $3.030303120e-02, v1;
	[tilespmem:$0x132C0] =	vst v5;
	v5 =	vld [tilespmem:$0x12B40]  }
0x15e: {  	[tilespmem:$0x132D0] =	vst v3;
	v6 =	vmul.f32 $3.030303120e-02, v0;
	v3 =	vld [tilespmem:$0x12B50]  }
0x15f: {  	v0 =	vld [tilespmem:$0x12B60];
	[tilespmem:$0x132E0] =	vst v1  }
0x160: {  	s8 =	simm.s32 $0x0;
	v1 =	vld [tilespmem:$0x12B70];
	[tilespmem:$0x132F0] =	vst v6  }
0x161: {  	v6 =	vld [tilespmem:s8+$0x97F0]  }
0x162: {  	v10 =	vld [tilespmem:s8+$0x9780]  }
0x163: {  	v13 =	vld [tilespmem:s8+$0x9790]  }
0x164: {  	v12 =	vld [tilespmem:s8+$0x97A0]  }
0x165: {  	v11 =	vld [tilespmem:s8+$0x97B0]  }
0x166: {  	v7 =	vld [tilespmem:s8+$0x97C0]  }
0x167: {  	v1 =	vadd.f32 v6, v1;
	v6 =	vld [tilespmem:s8+$0x97D0]  }
0x168: {  	s7 =	simm.s32 $0x400;
	s21 =	simm.s32 $0x80;
	v8 =	vadd.f32 v10, v8;
	v9 =	vadd.f32 v13, v9;
	v10 =	vld [tilespmem:s8+$0x97E0]  }
.LBB2_20:
0x169: {  	p3 =	sne.s32 s7, $0x3E00;
	v13 =	vld [tilespmem:s21+$0x97F0];
	v2 =	vadd.f32 v12, v2  }
0x16a: {  	v14 =	vld [tilespmem:s21+$0x9780];
	v4 =	vadd.f32 v11, v4  }
0x16b: {  	v15 =	vld [tilespmem:s21+$0x9790];
	v5 =	vadd.f32 v7, v5  }
.Ltmp13:
0x16c: {  	v12 =	vld [tilespmem:s21+$0x97A0];
	v3 =	vadd.f32 v6, v3;
	(pc) =	sbr.rel @p3 .LBB2_20-.Ltmp13, $4  }
0x16d: {  	v11 =	vld [tilespmem:s21+$0x97B0];
	v0 =	vadd.f32 v10, v0  }
0x16e: {  	v7 =	vld [tilespmem:s21+$0x97C0];
	v1 =	vadd.f32 v13, v1  }
0x16f: {  	v8 =	vadd.f32 v14, v8;
	v6 =	vld [tilespmem:s21+$0x97D0]  }
0x170: {  	v9 =	vadd.f32 v15, v9;
	v10 =	vld [tilespmem:s21+$0x97E0];
	s21 =	sshra.s32 s7, $0x2;
	s7 =	sadd.s32 $0x200, s7  }
0x171: {  	v13 =	vld [tilespmem:s21+$0x9780]  }
0x172: {  	v14 =	vld [tilespmem:s21+$0x9790]  }
0x173: {  	v15 =	vld [tilespmem:s21+$0x97A0]  }
0x174: {  	v16 =	vld [tilespmem:s21+$0x97B0]  }
0x175: {  	v17 =	vld [tilespmem:s21+$0x97C0]  }
0x176: {  	v2 =	vadd.f32 v12, v2;
	v59 =	vld [tilespmem:s21+$0x97D0];
	v8 =	vadd.f32 v13, v8  }
0x177: {  	v61 =	vld [tilespmem:s21+$0x97F0];
	v4 =	vadd.f32 v11, v4;
	v9 =	vadd.f32 v14, v9  }
0x178: {  	v60 =	vld [tilespmem:s21+$0x97E0];
	v5 =	vadd.f32 v7, v5;
	v2 =	vadd.f32 v15, v2;
	v8 =	vmul.f32 $3.030303120e-02, v8  }
0x179: {  	v3 =	vadd.f32 v6, v3;
	v4 =	vadd.f32 v16, v4;
	v62 =	vmul.f32 $3.030303120e-02, v9  }
0x17a: {  	v5 =	vadd.f32 v17, v5;
	v2 =	vmul.f32 $3.030303120e-02, v2;
	[tilespmem:$0x13300] =	vst v8  }
0x17b: {  	v0 =	vadd.f32 v10, v0;
	v3 =	vadd.f32 v59, v3;
	v4 =	vmul.f32 $3.030303120e-02, v4;
	[tilespmem:$0x13310] =	vst v62  }
0x17c: {  	v1 =	vadd.f32 v61, v1;
	v63 =	vmul.f32 $3.030303120e-02, v5;
	[tilespmem:$0x13320] =	vst v2  }
0x17d: {  	v0 =	vadd.f32 v60, v0;
	v3 =	vmul.f32 $3.030303120e-02, v3;
	[tilespmem:$0x13330] =	vst v4  }
0x17e: {  	v1 =	vmul.f32 $3.030303120e-02, v1;
	[tilespmem:$0x13340] =	vst v63  }
0x17f: {  	v0 =	vmul.f32 $3.030303120e-02, v0;
	[tilespmem:$0x13350] =	vst v3  }
0x180: {  	s7 =	sshll.u32 s20, $0x6;
	[tilespmem:$0x13370] =	vst v1  }
0x181: {  	s7 =	sadd.s32 s4, s7;
	[tilespmem:$0x13360] =	vst v0  }
0x182: {  	[hbm4b:s7+s5] =	stream.linear.scatter [tilespmem:s28], [sflag:$0xA], $0x200, $0x38;
	[tilespmem:$0x13780] =	vst v63  }
.LBB2_22:
0x183: {  	s7 =	sadd.s32 $0x5, s19  }
0x184: {  	s8 =	sadd.s32 s6, s7  }
0x185: {  	p3 =	sgt.u32 @!p2 s8, $0x9C3  }
0x186: {  	p3 =	por p3, p2  }
0x187: {  	s7 =	sshll.u32 @!p3 s7, $0x7  }
0x188: {  	s20 =	simm.s32 @!p3 $0x80;
	s21 =	simm.s32 @!p3 $0x6780;
	s7 =	sand.u32 @!p3 $0x3FFFFF80, s7  }
0x189: {  	[tilespmem:s21], [sflag:$0x2] =	stream.indirect.gather @!p3 [hbm4b:s1+s20], $0x80, s7, s20, $0xb8;
	[tilespmem:$0x13780] =	vst v63  }
0x18a: {  	s7 =	sshll.u32 @!p3 s8, $0x6  }
0x18b: {  	s8 =	simm.s32 @!p3 $0x0;
	s20 =	simm.s32 @!p3 $0x12980;
	s7 =	sadd.s32 @!p3 s1, s7  }
0x18c: {  	[tilespmem:s20], [sflag:$0x6] =	stream.linear.gather @!p3 [hbm4b:s7+s8], $0x200, $0x38;
	[tilespmem:$0x13780] =	vst v63  }
0x18d: {  	s7 =	sadd.s32 $0xFFFFFFFE, s19  }
0x18e: {  	s21 =	sor.u32 $0x2, s19;
	p3 =	sgt.u32 s7, $0x4E  }
0x18f: {  	s20 =	sadd.s32 s6, s21;
	p4 =	sge.s32 @!p3 s7, s11  }
0x190: {  	p3 =	por p4, p3;
	p4 =	sgt.u32 s20, $0x9C3  }
.Ltmp14:
0x191: {  	_ = 	snop;
	(pc) =	sbr.rel @p4 .LBB2_32-.Ltmp14, $4  }
0x192: {  	s8 =	simm.s32 @!p3 $0xB  }
0x193: {  	_ =	swait.ge @!p3 [sflag:s8], $0x200  }
0x194: {  	[sflag:s8] =	ssyncset.done @!p3 $0x0  }
0x195: {  	[sflag:s8] =	ssyncadd.s32 @!p3 $0xFFFFFE00  }
0x196: {  	_ =	swait.ge [sflag:s29], $0x4000  }
0x197: {  	[sflag:s29] =	ssyncset.done $0x0  }
0x198: {  	[sflag:s29] =	ssyncadd.s32 $0xFFFFC000  }
0x199: {  	_ =	swait.ge [sflag:s30], $0x200  }
0x19a: {  	[sflag:s30] =	ssyncset.done $0x0  }
0x19b: {  	[sflag:s30] =	ssyncadd.s32 $0xFFFFFE00  }
0x19c: {  	v8 =	vld [tilespmem:$0x12B80]  }
0x19d: {  	v9 =	vld [tilespmem:$0x12B90]  }
0x19e: {  	v5 =	vld [tilespmem:$0x12BA0]  }
0x19f: {  	v4 =	vld [tilespmem:$0x12BB0]  }
0x1a0: {  	v3 =	vld [tilespmem:$0x12BC0]  }
0x1a1: {  	v2 =	vld [tilespmem:$0x12BD0]  }
0x1a2: {  	v1 =	vld [tilespmem:$0x12BE0]  }
0x1a3: {  	s8 =	simm.s32 $0x0;
	v0 =	vld [tilespmem:$0x12BF0]  }
0x1a4: {  	v6 =	vld [tilespmem:s8+$0xA7F0]  }
0x1a5: {  	v10 =	vld [tilespmem:s8+$0xA780]  }
0x1a6: {  	v13 =	vld [tilespmem:s8+$0xA790]  }
0x1a7: {  	v12 =	vld [tilespmem:s8+$0xA7A0]  }
0x1a8: {  	v11 =	vld [tilespmem:s8+$0xA7B0]  }
0x1a9: {  	v7 =	vld [tilespmem:s8+$0xA7C0]  }
0x1aa: {  	v0 =	vadd.f32 v6, v0;
	v6 =	vld [tilespmem:s8+$0xA7D0]  }
0x1ab: {  	s21 =	simm.s32 $0x80;
	s7 =	simm.s32 $0x400;
	v8 =	vadd.f32 v10, v8;
	v9 =	vadd.f32 v13, v9;
	v10 =	vld [tilespmem:s8+$0xA7E0]  }
.LBB2_24:
0x1ac: {  	p3 =	sne.s32 s7, $0x3E00;
	v13 =	vld [tilespmem:s21+$0xA7F0];
	v5 =	vadd.f32 v12, v5  }
0x1ad: {  	v14 =	vld [tilespmem:s21+$0xA780];
	v4 =	vadd.f32 v11, v4  }
0x1ae: {  	v15 =	vld [tilespmem:s21+$0xA790];
	v3 =	vadd.f32 v7, v3  }
.Ltmp15:
0x1af: {  	v12 =	vld [tilespmem:s21+$0xA7A0];
	v2 =	vadd.f32 v6, v2;
	(pc) =	sbr.rel @p3 .LBB2_24-.Ltmp15, $4  }
0x1b0: {  	v11 =	vld [tilespmem:s21+$0xA7B0];
	v1 =	vadd.f32 v10, v1  }
0x1b1: {  	v7 =	vld [tilespmem:s21+$0xA7C0];
	v0 =	vadd.f32 v13, v0  }
0x1b2: {  	v8 =	vadd.f32 v14, v8;
	v6 =	vld [tilespmem:s21+$0xA7D0]  }
0x1b3: {  	v9 =	vadd.f32 v15, v9;
	v10 =	vld [tilespmem:s21+$0xA7E0];
	s21 =	sshra.s32 s7, $0x2;
	s7 =	sadd.s32 $0x200, s7  }
0x1b4: {  	v13 =	vld [tilespmem:s21+$0xA780]  }
0x1b5: {  	v14 =	vld [tilespmem:s21+$0xA790]  }
0x1b6: {  	v15 =	vld [tilespmem:s21+$0xA7A0]  }
0x1b7: {  	v16 =	vld [tilespmem:s21+$0xA7B0]  }
0x1b8: {  	v17 =	vld [tilespmem:s21+$0xA7C0]  }
0x1b9: {  	v5 =	vadd.f32 v12, v5;
	v12 =	vld [tilespmem:s21+$0xA7D0]  }
0x1ba: {  	v4 =	vadd.f32 v11, v4;
	v11 =	vld [tilespmem:s21+$0xA7E0];
	v8 =	vadd.f32 v13, v8  }
0x1bb: {  	v3 =	vadd.f32 v7, v3;
	v9 =	vadd.f32 v14, v9  }
0x1bc: {  	v7 =	vld [tilespmem:s21+$0xA7F0];
	v2 =	vadd.f32 v6, v2;
	v5 =	vadd.f32 v15, v5;
	v8 =	vmul.f32 $3.030303120e-02, v8  }
0x1bd: {  	v1 =	vadd.f32 v10, v1;
	v4 =	vadd.f32 v16, v4;
	v6 =	vmul.f32 $3.030303120e-02, v9  }
0x1be: {  	v10 =	vld [tilespmem:$0x12C10];
	v3 =	vadd.f32 v17, v3;
	v5 =	vmul.f32 $3.030303120e-02, v5;
	[tilespmem:$0x13380] =	vst v8  }
0x1bf: {  	v1 =	vadd.f32 v11, v1;
	v9 =	vadd.f32 v12, v2;
	v4 =	vmul.f32 $3.030303120e-02, v4;
	v2 =	vld [tilespmem:$0x12C20];
	[tilespmem:$0x13390] =	vst v6  }
0x1c0: {  	v3 =	vmul.f32 $3.030303120e-02, v3;
	v8 =	vld [tilespmem:$0x12C00];
	[tilespmem:$0x133A0] =	vst v5  }
0x1c1: {  	v0 =	vadd.f32 v7, v0;
	v1 =	vmul.f32 $3.030303120e-02, v1;
	[tilespmem:$0x133B0] =	vst v4;
	v4 =	vld [tilespmem:$0x12C30]  }
0x1c2: {  	v6 =	vmul.f32 $3.030303120e-02, v9;
	[tilespmem:$0x133C0] =	vst v3;
	v5 =	vld [tilespmem:$0x12C40]  }
0x1c3: {  	v0 =	vmul.f32 $3.030303120e-02, v0;
	v3 =	vld [tilespmem:$0x12C50];
	[tilespmem:$0x133E0] =	vst v1  }
0x1c4: {  	v1 =	vld [tilespmem:$0x12C60];
	[tilespmem:$0x133D0] =	vst v6  }
0x1c5: {  	s8 =	simm.s32 $0x0;
	[tilespmem:$0x133F0] =	vst v0;
	v0 =	vld [tilespmem:$0x12C70]  }
0x1c6: {  	v6 =	vld [tilespmem:s8+$0xB7F0]  }
0x1c7: {  	v9 =	vld [tilespmem:s8+$0xB780]  }
0x1c8: {  	v13 =	vld [tilespmem:s8+$0xB790]  }
0x1c9: {  	v12 =	vld [tilespmem:s8+$0xB7A0]  }
0x1ca: {  	v11 =	vld [tilespmem:s8+$0xB7B0]  }
0x1cb: {  	v7 =	vld [tilespmem:s8+$0xB7C0]  }
0x1cc: {  	v0 =	vadd.f32 v6, v0;
	v6 =	vld [tilespmem:s8+$0xB7D0]  }
0x1cd: {  	s7 =	simm.s32 $0x400;
	s21 =	simm.s32 $0x80;
	v8 =	vadd.f32 v9, v8;
	v9 =	vadd.f32 v13, v10;
	v10 =	vld [tilespmem:s8+$0xB7E0]  }
.LBB2_26:
0x1ce: {  	p3 =	sne.s32 s7, $0x3E00;
	v13 =	vld [tilespmem:s21+$0xB7F0];
	v2 =	vadd.f32 v12, v2  }
0x1cf: {  	v14 =	vld [tilespmem:s21+$0xB780];
	v4 =	vadd.f32 v11, v4  }
0x1d0: {  	v15 =	vld [tilespmem:s21+$0xB790];
	v5 =	vadd.f32 v7, v5  }
.Ltmp16:
0x1d1: {  	v12 =	vld [tilespmem:s21+$0xB7A0];
	v3 =	vadd.f32 v6, v3;
	(pc) =	sbr.rel @p3 .LBB2_26-.Ltmp16, $4  }
0x1d2: {  	v11 =	vld [tilespmem:s21+$0xB7B0];
	v1 =	vadd.f32 v10, v1  }
0x1d3: {  	v7 =	vld [tilespmem:s21+$0xB7C0];
	v0 =	vadd.f32 v13, v0  }
0x1d4: {  	v8 =	vadd.f32 v14, v8;
	v6 =	vld [tilespmem:s21+$0xB7D0]  }
0x1d5: {  	v9 =	vadd.f32 v15, v9;
	v10 =	vld [tilespmem:s21+$0xB7E0];
	s21 =	sshra.s32 s7, $0x2;
	s7 =	sadd.s32 $0x200, s7  }
0x1d6: {  	v13 =	vld [tilespmem:s21+$0xB780]  }
0x1d7: {  	v14 =	vld [tilespmem:s21+$0xB790]  }
0x1d8: {  	v15 =	vld [tilespmem:s21+$0xB7A0]  }
0x1d9: {  	v16 =	vld [tilespmem:s21+$0xB7B0]  }
0x1da: {  	v17 =	vld [tilespmem:s21+$0xB7C0]  }
0x1db: {  	v2 =	vadd.f32 v12, v2;
	v12 =	vld [tilespmem:s21+$0xB7D0];
	v8 =	vadd.f32 v13, v8  }
0x1dc: {  	v4 =	vadd.f32 v11, v4;
	v11 =	vld [tilespmem:s21+$0xB7E0];
	v9 =	vadd.f32 v14, v9  }
0x1dd: {  	v5 =	vadd.f32 v7, v5;
	v7 =	vld [tilespmem:s21+$0xB7F0];
	v2 =	vadd.f32 v15, v2;
	v8 =	vmul.f32 $3.030303120e-02, v8  }
0x1de: {  	v3 =	vadd.f32 v6, v3;
	v4 =	vadd.f32 v16, v4;
	v6 =	vmul.f32 $3.030303120e-02, v9  }
0x1df: {  	v1 =	vadd.f32 v10, v1;
	v5 =	vadd.f32 v17, v5;
	v2 =	vmul.f32 $3.030303120e-02, v2;
	v9 =	vld [tilespmem:$0x12C90];
	[tilespmem:$0x13400] =	vst v8  }
0x1e0: {  	v3 =	vadd.f32 v12, v3;
	v4 =	vmul.f32 $3.030303120e-02, v4;
	v8 =	vld [tilespmem:$0x12C80];
	[tilespmem:$0x13410] =	vst v6  }
0x1e1: {  	v1 =	vadd.f32 v11, v1;
	v5 =	vmul.f32 $3.030303120e-02, v5;
	[tilespmem:$0x13420] =	vst v2;
	v2 =	vld [tilespmem:$0x12CA0]  }
0x1e2: {  	v0 =	vadd.f32 v7, v0;
	v3 =	vmul.f32 $3.030303120e-02, v3;
	[tilespmem:$0x13430] =	vst v4;
	v4 =	vld [tilespmem:$0x12CB0]  }
0x1e3: {  	v1 =	vmul.f32 $3.030303120e-02, v1;
	[tilespmem:$0x13440] =	vst v5;
	v5 =	vld [tilespmem:$0x12CC0]  }
0x1e4: {  	[tilespmem:$0x13450] =	vst v3;
	v0 =	vmul.f32 $3.030303120e-02, v0;
	v3 =	vld [tilespmem:$0x12CD0]  }
0x1e5: {  	[tilespmem:$0x13460] =	vst v1;
	v1 =	vld [tilespmem:$0x12CE0]  }
0x1e6: {  	s8 =	simm.s32 $0x0;
	[tilespmem:$0x13470] =	vst v0;
	v0 =	vld [tilespmem:$0x12CF0]  }
0x1e7: {  	v6 =	vld [tilespmem:s8+$0xC7F0]  }
0x1e8: {  	v10 =	vld [tilespmem:s8+$0xC780]  }
0x1e9: {  	v13 =	vld [tilespmem:s8+$0xC790]  }
0x1ea: {  	v12 =	vld [tilespmem:s8+$0xC7A0]  }
0x1eb: {  	v11 =	vld [tilespmem:s8+$0xC7B0]  }
0x1ec: {  	v7 =	vld [tilespmem:s8+$0xC7C0]  }
0x1ed: {  	v0 =	vadd.f32 v6, v0;
	v6 =	vld [tilespmem:s8+$0xC7D0]  }
0x1ee: {  	s7 =	simm.s32 $0x400;
	s21 =	simm.s32 $0x80;
	v8 =	vadd.f32 v10, v8;
	v9 =	vadd.f32 v13, v9;
	v10 =	vld [tilespmem:s8+$0xC7E0]  }
.LBB2_28:
0x1ef: {  	p3 =	sne.s32 s7, $0x3E00;
	v13 =	vld [tilespmem:s21+$0xC7F0];
	v2 =	vadd.f32 v12, v2  }
0x1f0: {  	v14 =	vld [tilespmem:s21+$0xC780];
	v4 =	vadd.f32 v11, v4  }
0x1f1: {  	v15 =	vld [tilespmem:s21+$0xC790];
	v5 =	vadd.f32 v7, v5  }
.Ltmp17:
0x1f2: {  	v12 =	vld [tilespmem:s21+$0xC7A0];
	v3 =	vadd.f32 v6, v3;
	(pc) =	sbr.rel @p3 .LBB2_28-.Ltmp17, $4  }
0x1f3: {  	v11 =	vld [tilespmem:s21+$0xC7B0];
	v1 =	vadd.f32 v10, v1  }
0x1f4: {  	v7 =	vld [tilespmem:s21+$0xC7C0];
	v0 =	vadd.f32 v13, v0  }
0x1f5: {  	v8 =	vadd.f32 v14, v8;
	v6 =	vld [tilespmem:s21+$0xC7D0]  }
0x1f6: {  	v9 =	vadd.f32 v15, v9;
	v10 =	vld [tilespmem:s21+$0xC7E0];
	s21 =	sshra.s32 s7, $0x2;
	s7 =	sadd.s32 $0x200, s7  }
0x1f7: {  	v13 =	vld [tilespmem:s21+$0xC780]  }
0x1f8: {  	v14 =	vld [tilespmem:s21+$0xC790]  }
0x1f9: {  	v15 =	vld [tilespmem:s21+$0xC7A0]  }
0x1fa: {  	v16 =	vld [tilespmem:s21+$0xC7B0]  }
0x1fb: {  	v17 =	vld [tilespmem:s21+$0xC7C0]  }
0x1fc: {  	v2 =	vadd.f32 v12, v2;
	v12 =	vld [tilespmem:s21+$0xC7D0];
	v8 =	vadd.f32 v13, v8  }
0x1fd: {  	v4 =	vadd.f32 v11, v4;
	v11 =	vld [tilespmem:s21+$0xC7E0];
	v9 =	vadd.f32 v14, v9  }
0x1fe: {  	v5 =	vadd.f32 v7, v5;
	v7 =	vld [tilespmem:s21+$0xC7F0];
	v2 =	vadd.f32 v15, v2;
	v8 =	vmul.f32 $3.030303120e-02, v8  }
0x1ff: {  	v3 =	vadd.f32 v6, v3;
	v4 =	vadd.f32 v16, v4;
	v6 =	vmul.f32 $3.030303120e-02, v9  }
0x200: {  	v1 =	vadd.f32 v10, v1;
	v5 =	vadd.f32 v17, v5;
	v2 =	vmul.f32 $3.030303120e-02, v2;
	v9 =	vld [tilespmem:$0x12D10];
	[tilespmem:$0x13480] =	vst v8  }
0x201: {  	v3 =	vadd.f32 v12, v3;
	v4 =	vmul.f32 $3.030303120e-02, v4;
	v8 =	vld [tilespmem:$0x12D00];
	[tilespmem:$0x13490] =	vst v6  }
0x202: {  	v1 =	vadd.f32 v11, v1;
	v5 =	vmul.f32 $3.030303120e-02, v5;
	[tilespmem:$0x134A0] =	vst v2;
	v2 =	vld [tilespmem:$0x12D20]  }
0x203: {  	v0 =	vadd.f32 v7, v0;
	v3 =	vmul.f32 $3.030303120e-02, v3;
	[tilespmem:$0x134B0] =	vst v4;
	v4 =	vld [tilespmem:$0x12D30]  }
0x204: {  	v1 =	vmul.f32 $3.030303120e-02, v1;
	[tilespmem:$0x134C0] =	vst v5;
	v5 =	vld [tilespmem:$0x12D40]  }
0x205: {  	[tilespmem:$0x134D0] =	vst v3;
	v6 =	vmul.f32 $3.030303120e-02, v0;
	v3 =	vld [tilespmem:$0x12D50]  }
0x206: {  	v0 =	vld [tilespmem:$0x12D60];
	[tilespmem:$0x134E0] =	vst v1  }
0x207: {  	s8 =	simm.s32 $0x0;
	v1 =	vld [tilespmem:$0x12D70];
	[tilespmem:$0x134F0] =	vst v6  }
0x208: {  	v6 =	vld [tilespmem:s8+$0xD7F0]  }
0x209: {  	v10 =	vld [tilespmem:s8+$0xD780]  }
0x20a: {  	v13 =	vld [tilespmem:s8+$0xD790]  }
0x20b: {  	v12 =	vld [tilespmem:s8+$0xD7A0]  }
0x20c: {  	v11 =	vld [tilespmem:s8+$0xD7B0]  }
0x20d: {  	v7 =	vld [tilespmem:s8+$0xD7C0]  }
0x20e: {  	v1 =	vadd.f32 v6, v1;
	v6 =	vld [tilespmem:s8+$0xD7D0]  }
0x20f: {  	s7 =	simm.s32 $0x400;
	s21 =	simm.s32 $0x80;
	v8 =	vadd.f32 v10, v8;
	v9 =	vadd.f32 v13, v9;
	v10 =	vld [tilespmem:s8+$0xD7E0]  }
.LBB2_30:
0x210: {  	p3 =	sne.s32 s7, $0x3E00;
	v13 =	vld [tilespmem:s21+$0xD7F0];
	v2 =	vadd.f32 v12, v2  }
0x211: {  	v14 =	vld [tilespmem:s21+$0xD780];
	v4 =	vadd.f32 v11, v4  }
0x212: {  	v15 =	vld [tilespmem:s21+$0xD790];
	v5 =	vadd.f32 v7, v5  }
.Ltmp18:
0x213: {  	v12 =	vld [tilespmem:s21+$0xD7A0];
	v3 =	vadd.f32 v6, v3;
	(pc) =	sbr.rel @p3 .LBB2_30-.Ltmp18, $4  }
0x214: {  	v11 =	vld [tilespmem:s21+$0xD7B0];
	v0 =	vadd.f32 v10, v0  }
0x215: {  	v7 =	vld [tilespmem:s21+$0xD7C0];
	v1 =	vadd.f32 v13, v1  }
0x216: {  	v8 =	vadd.f32 v14, v8;
	v6 =	vld [tilespmem:s21+$0xD7D0]  }
0x217: {  	v9 =	vadd.f32 v15, v9;
	v10 =	vld [tilespmem:s21+$0xD7E0];
	s21 =	sshra.s32 s7, $0x2;
	s7 =	sadd.s32 $0x200, s7  }
0x218: {  	v13 =	vld [tilespmem:s21+$0xD780]  }
0x219: {  	v14 =	vld [tilespmem:s21+$0xD790]  }
0x21a: {  	v15 =	vld [tilespmem:s21+$0xD7A0]  }
0x21b: {  	v16 =	vld [tilespmem:s21+$0xD7B0]  }
0x21c: {  	v17 =	vld [tilespmem:s21+$0xD7C0]  }
0x21d: {  	v2 =	vadd.f32 v12, v2;
	v59 =	vld [tilespmem:s21+$0xD7D0];
	v8 =	vadd.f32 v13, v8  }
0x21e: {  	v61 =	vld [tilespmem:s21+$0xD7F0];
	v4 =	vadd.f32 v11, v4;
	v9 =	vadd.f32 v14, v9  }
0x21f: {  	v60 =	vld [tilespmem:s21+$0xD7E0];
	v5 =	vadd.f32 v7, v5;
	v2 =	vadd.f32 v15, v2;
	v8 =	vmul.f32 $3.030303120e-02, v8  }
0x220: {  	v3 =	vadd.f32 v6, v3;
	v4 =	vadd.f32 v16, v4;
	v62 =	vmul.f32 $3.030303120e-02, v9  }
0x221: {  	v5 =	vadd.f32 v17, v5;
	v2 =	vmul.f32 $3.030303120e-02, v2;
	[tilespmem:$0x13500] =	vst v8  }
0x222: {  	v0 =	vadd.f32 v10, v0;
	v3 =	vadd.f32 v59, v3;
	v4 =	vmul.f32 $3.030303120e-02, v4;
	[tilespmem:$0x13510] =	vst v62  }
0x223: {  	v1 =	vadd.f32 v61, v1;
	v63 =	vmul.f32 $3.030303120e-02, v5;
	[tilespmem:$0x13520] =	vst v2  }
0x224: {  	v0 =	vadd.f32 v60, v0;
	v3 =	vmul.f32 $3.030303120e-02, v3;
	[tilespmem:$0x13530] =	vst v4  }
0x225: {  	s7 =	sand.u32 $0xFFE, s20;
	v1 =	vmul.f32 $3.030303120e-02, v1;
	[tilespmem:$0x13540] =	vst v63  }
0x226: {  	s7 =	sor.u32 s3, s7;
	v0 =	vmul.f32 $3.030303120e-02, v0;
	[tilespmem:$0x13550] =	vst v3  }
0x227: {  	s7 =	sshll.u32 s7, $0x6;
	[tilespmem:$0x13570] =	vst v1  }
0x228: {  	s7 =	sadd.s32 s4, s7;
	[tilespmem:$0x13560] =	vst v0  }
0x229: {  	[hbm4b:s7+s5] =	stream.linear.scatter [tilespmem:s31], [sflag:$0xB], $0x200, $0x38;
	[tilespmem:$0x13780] =	vst v63  }
.LBB2_32:
0x22a: {  	s7 =	sadd.s32 $0x6, s19  }
0x22b: {  	s8 =	sadd.s32 s6, s7  }
0x22c: {  	p3 =	sgt.u32 @!p2 s8, $0x9C3  }
0x22d: {  	p2 =	por p3, p2  }
0x22e: {  	s7 =	sshll.u32 @!p2 s7, $0x7  }
0x22f: {  	s20 =	simm.s32 @!p2 $0x80;
	s21 =	simm.s32 @!p2 $0xA780;
	s7 =	sand.u32 @!p2 $0x3FFFFF80, s7  }
0x230: {  	[tilespmem:s21], [sflag:$0x3] =	stream.indirect.gather @!p2 [hbm4b:s1+s20], $0x80, s7, s20, $0xb8;
	[tilespmem:$0x13780] =	vst v63  }
0x231: {  	s7 =	sand.u32 @!p2 $0xFFE, s8  }
0x232: {  	s7 =	sor.u32 @!p2 s3, s7  }
0x233: {  	s8 =	simm.s32 @!p2 $0x0;
	s7 =	sshll.u32 @!p2 s7, $0x6  }
0x234: {  	s20 =	simm.s32 @!p2 $0x12B80;
	s21 =	sadd.s32 $0xFFFFFFFF, s19;
	s7 =	sadd.s32 @!p2 s1, s7  }
0x235: {  	[tilespmem:s20], [sflag:$0x7] =	stream.linear.gather @!p2 [hbm4b:s7+s8], $0x200, $0x38;
	[tilespmem:$0x13780] =	vst v63  }
0x236: {  	p2 =	sgt.u32 s21, $0x4E  }
0x237: {  	p3 =	sgt.u32 @!p2 s19, s11  }
.Ltmp19:
0x238: {  	p2 =	por p3, p2;
	(pc) =	sbr.rel @!p1 .LBB2_42-.Ltmp19, $4  }
0x239: {  	s7 =	simm.s32 @!p2 $0xC  }
0x23a: {  	_ =	swait.ge @!p2 [sflag:s7], $0x200  }
0x23b: {  	[sflag:s7] =	ssyncset.done @!p2 $0x0  }
0x23c: {  	[sflag:s7] =	ssyncadd.s32 @!p2 $0xFFFFFE00  }
0x23d: {  	_ =	swait.ge [sflag:s2], $0x4000  }
0x23e: {  	[sflag:s2] =	ssyncset.done $0x0  }
0x23f: {  	[sflag:s2] =	ssyncadd.s32 $0xFFFFC000  }
0x240: {  	_ =	swait.ge [sflag:s0], $0x200  }
0x241: {  	[sflag:s0] =	ssyncset.done $0x0  }
0x242: {  	[sflag:s0] =	ssyncadd.s32 $0xFFFFFE00  }
0x243: {  	v8 =	vld [tilespmem:$0x12D80]  }
0x244: {  	v9 =	vld [tilespmem:$0x12D90]  }
0x245: {  	v5 =	vld [tilespmem:$0x12DA0]  }
0x246: {  	v4 =	vld [tilespmem:$0x12DB0]  }
0x247: {  	v3 =	vld [tilespmem:$0x12DC0]  }
0x248: {  	v2 =	vld [tilespmem:$0x12DD0]  }
0x249: {  	v1 =	vld [tilespmem:$0x12DE0]  }
0x24a: {  	s8 =	simm.s32 $0x0;
	v0 =	vld [tilespmem:$0x12DF0]  }
0x24b: {  	v6 =	vld [tilespmem:s8+$0xE7F0]  }
0x24c: {  	v10 =	vld [tilespmem:s8+$0xE780]  }
0x24d: {  	v13 =	vld [tilespmem:s8+$0xE790]  }
0x24e: {  	v12 =	vld [tilespmem:s8+$0xE7A0]  }
0x24f: {  	v11 =	vld [tilespmem:s8+$0xE7B0]  }
0x250: {  	v7 =	vld [tilespmem:s8+$0xE7C0]  }
0x251: {  	v0 =	vadd.f32 v6, v0;
	v6 =	vld [tilespmem:s8+$0xE7D0]  }
0x252: {  	s19 =	simm.s32 $0x80;
	s7 =	simm.s32 $0x400;
	v8 =	vadd.f32 v10, v8;
	v9 =	vadd.f32 v13, v9;
	v10 =	vld [tilespmem:s8+$0xE7E0]  }
.LBB2_34:
0x253: {  	p1 =	sne.s32 s7, $0x3E00;
	v13 =	vld [tilespmem:s19+$0xE7F0];
	v5 =	vadd.f32 v12, v5  }
0x254: {  	v14 =	vld [tilespmem:s19+$0xE780];
	v4 =	vadd.f32 v11, v4  }
0x255: {  	v15 =	vld [tilespmem:s19+$0xE790];
	v3 =	vadd.f32 v7, v3  }
.Ltmp20:
0x256: {  	v12 =	vld [tilespmem:s19+$0xE7A0];
	v2 =	vadd.f32 v6, v2;
	(pc) =	sbr.rel @p1 .LBB2_34-.Ltmp20, $4  }
0x257: {  	v11 =	vld [tilespmem:s19+$0xE7B0];
	v1 =	vadd.f32 v10, v1  }
0x258: {  	v7 =	vld [tilespmem:s19+$0xE7C0];
	v0 =	vadd.f32 v13, v0  }
0x259: {  	v8 =	vadd.f32 v14, v8;
	v6 =	vld [tilespmem:s19+$0xE7D0]  }
0x25a: {  	v9 =	vadd.f32 v15, v9;
	v10 =	vld [tilespmem:s19+$0xE7E0];
	s19 =	sshra.s32 s7, $0x2;
	s7 =	sadd.s32 $0x200, s7  }
0x25b: {  	v13 =	vld [tilespmem:s19+$0xE780]  }
0x25c: {  	v14 =	vld [tilespmem:s19+$0xE790]  }
0x25d: {  	v15 =	vld [tilespmem:s19+$0xE7A0]  }
0x25e: {  	v16 =	vld [tilespmem:s19+$0xE7B0]  }
0x25f: {  	v17 =	vld [tilespmem:s19+$0xE7C0]  }
0x260: {  	v5 =	vadd.f32 v12, v5;
	v12 =	vld [tilespmem:s19+$0xE7D0]  }
0x261: {  	v4 =	vadd.f32 v11, v4;
	v11 =	vld [tilespmem:s19+$0xE7E0];
	v8 =	vadd.f32 v13, v8  }
0x262: {  	v3 =	vadd.f32 v7, v3;
	v9 =	vadd.f32 v14, v9  }
0x263: {  	v7 =	vld [tilespmem:s19+$0xE7F0];
	v2 =	vadd.f32 v6, v2;
	v5 =	vadd.f32 v15, v5;
	v8 =	vmul.f32 $3.030303120e-02, v8  }
0x264: {  	v1 =	vadd.f32 v10, v1;
	v4 =	vadd.f32 v16, v4;
	v6 =	vmul.f32 $3.030303120e-02, v9  }
0x265: {  	v10 =	vld [tilespmem:$0x12E10];
	v3 =	vadd.f32 v17, v3;
	v5 =	vmul.f32 $3.030303120e-02, v5;
	[tilespmem:$0x13580] =	vst v8  }
0x266: {  	v1 =	vadd.f32 v11, v1;
	v9 =	vadd.f32 v12, v2;
	v4 =	vmul.f32 $3.030303120e-02, v4;
	v2 =	vld [tilespmem:$0x12E20];
	[tilespmem:$0x13590] =	vst v6  }
0x267: {  	v3 =	vmul.f32 $3.030303120e-02, v3;
	v8 =	vld [tilespmem:$0x12E00];
	[tilespmem:$0x135A0] =	vst v5  }
0x268: {  	v0 =	vadd.f32 v7, v0;
	v1 =	vmul.f32 $3.030303120e-02, v1;
	[tilespmem:$0x135B0] =	vst v4;
	v4 =	vld [tilespmem:$0x12E30]  }
0x269: {  	v6 =	vmul.f32 $3.030303120e-02, v9;
	[tilespmem:$0x135C0] =	vst v3;
	v5 =	vld [tilespmem:$0x12E40]  }
0x26a: {  	v0 =	vmul.f32 $3.030303120e-02, v0;
	v3 =	vld [tilespmem:$0x12E50];
	[tilespmem:$0x135E0] =	vst v1  }
0x26b: {  	v1 =	vld [tilespmem:$0x12E60];
	[tilespmem:$0x135D0] =	vst v6  }
0x26c: {  	s8 =	simm.s32 $0x0;
	[tilespmem:$0x135F0] =	vst v0;
	v0 =	vld [tilespmem:$0x12E70]  }
0x26d: {  	v6 =	vld [tilespmem:s8+$0xF7F0]  }
0x26e: {  	v9 =	vld [tilespmem:s8+$0xF780]  }
0x26f: {  	v13 =	vld [tilespmem:s8+$0xF790]  }
0x270: {  	v12 =	vld [tilespmem:s8+$0xF7A0]  }
0x271: {  	v11 =	vld [tilespmem:s8+$0xF7B0]  }
0x272: {  	v7 =	vld [tilespmem:s8+$0xF7C0]  }
0x273: {  	v0 =	vadd.f32 v6, v0;
	v6 =	vld [tilespmem:s8+$0xF7D0]  }
0x274: {  	s7 =	simm.s32 $0x400;
	s19 =	simm.s32 $0x80;
	v8 =	vadd.f32 v9, v8;
	v9 =	vadd.f32 v13, v10;
	v10 =	vld [tilespmem:s8+$0xF7E0]  }
.LBB2_36:
0x275: {  	p1 =	sne.s32 s7, $0x3E00;
	v13 =	vld [tilespmem:s19+$0xF7F0];
	v2 =	vadd.f32 v12, v2  }
0x276: {  	v14 =	vld [tilespmem:s19+$0xF780];
	v4 =	vadd.f32 v11, v4  }
0x277: {  	v15 =	vld [tilespmem:s19+$0xF790];
	v5 =	vadd.f32 v7, v5  }
.Ltmp21:
0x278: {  	v12 =	vld [tilespmem:s19+$0xF7A0];
	v3 =	vadd.f32 v6, v3;
	(pc) =	sbr.rel @p1 .LBB2_36-.Ltmp21, $4  }
0x279: {  	v11 =	vld [tilespmem:s19+$0xF7B0];
	v1 =	vadd.f32 v10, v1  }
0x27a: {  	v7 =	vld [tilespmem:s19+$0xF7C0];
	v0 =	vadd.f32 v13, v0  }
0x27b: {  	v8 =	vadd.f32 v14, v8;
	v6 =	vld [tilespmem:s19+$0xF7D0]  }
0x27c: {  	v9 =	vadd.f32 v15, v9;
	v10 =	vld [tilespmem:s19+$0xF7E0];
	s19 =	sshra.s32 s7, $0x2;
	s7 =	sadd.s32 $0x200, s7  }
0x27d: {  	v13 =	vld [tilespmem:s19+$0xF780]  }
0x27e: {  	v14 =	vld [tilespmem:s19+$0xF790]  }
0x27f: {  	v15 =	vld [tilespmem:s19+$0xF7A0]  }
0x280: {  	v16 =	vld [tilespmem:s19+$0xF7B0]  }
0x281: {  	v17 =	vld [tilespmem:s19+$0xF7C0]  }
0x282: {  	v2 =	vadd.f32 v12, v2;
	v12 =	vld [tilespmem:s19+$0xF7D0];
	v8 =	vadd.f32 v13, v8  }
0x283: {  	v4 =	vadd.f32 v11, v4;
	v11 =	vld [tilespmem:s19+$0xF7E0];
	v9 =	vadd.f32 v14, v9  }
0x284: {  	v5 =	vadd.f32 v7, v5;
	v7 =	vld [tilespmem:s19+$0xF7F0];
	v2 =	vadd.f32 v15, v2;
	v8 =	vmul.f32 $3.030303120e-02, v8  }
0x285: {  	v3 =	vadd.f32 v6, v3;
	v4 =	vadd.f32 v16, v4;
	v6 =	vmul.f32 $3.030303120e-02, v9  }
0x286: {  	v1 =	vadd.f32 v10, v1;
	v5 =	vadd.f32 v17, v5;
	v2 =	vmul.f32 $3.030303120e-02, v2;
	v9 =	vld [tilespmem:$0x12E90];
	[tilespmem:$0x13600] =	vst v8  }
0x287: {  	v3 =	vadd.f32 v12, v3;
	v4 =	vmul.f32 $3.030303120e-02, v4;
	v8 =	vld [tilespmem:$0x12E80];
	[tilespmem:$0x13610] =	vst v6  }
0x288: {  	v1 =	vadd.f32 v11, v1;
	v5 =	vmul.f32 $3.030303120e-02, v5;
	[tilespmem:$0x13620] =	vst v2;
	v2 =	vld [tilespmem:$0x12EA0]  }
0x289: {  	v0 =	vadd.f32 v7, v0;
	v3 =	vmul.f32 $3.030303120e-02, v3;
	[tilespmem:$0x13630] =	vst v4;
	v4 =	vld [tilespmem:$0x12EB0]  }
0x28a: {  	v1 =	vmul.f32 $3.030303120e-02, v1;
	[tilespmem:$0x13640] =	vst v5;
	v5 =	vld [tilespmem:$0x12EC0]  }
0x28b: {  	[tilespmem:$0x13650] =	vst v3;
	v0 =	vmul.f32 $3.030303120e-02, v0;
	v3 =	vld [tilespmem:$0x12ED0]  }
0x28c: {  	[tilespmem:$0x13660] =	vst v1;
	v1 =	vld [tilespmem:$0x12EE0]  }
0x28d: {  	s8 =	simm.s32 $0x0;
	[tilespmem:$0x13670] =	vst v0;
	v0 =	vld [tilespmem:$0x12EF0]  }
0x28e: {  	v6 =	vld [tilespmem:s8+$0x107F0]  }
0x28f: {  	v10 =	vld [tilespmem:s8+$0x10780]  }
0x290: {  	v13 =	vld [tilespmem:s8+$0x10790]  }
0x291: {  	v12 =	vld [tilespmem:s8+$0x107A0]  }
0x292: {  	v11 =	vld [tilespmem:s8+$0x107B0]  }
0x293: {  	v7 =	vld [tilespmem:s8+$0x107C0]  }
0x294: {  	v0 =	vadd.f32 v6, v0;
	v6 =	vld [tilespmem:s8+$0x107D0]  }
0x295: {  	s7 =	simm.s32 $0x400;
	s19 =	simm.s32 $0x80;
	v8 =	vadd.f32 v10, v8;
	v9 =	vadd.f32 v13, v9;
	v10 =	vld [tilespmem:s8+$0x107E0]  }
.LBB2_38:
0x296: {  	p1 =	sne.s32 s7, $0x3E00;
	v13 =	vld [tilespmem:s19+$0x107F0];
	v2 =	vadd.f32 v12, v2  }
0x297: {  	v14 =	vld [tilespmem:s19+$0x10780];
	v4 =	vadd.f32 v11, v4  }
0x298: {  	v15 =	vld [tilespmem:s19+$0x10790];
	v5 =	vadd.f32 v7, v5  }
.Ltmp22:
0x299: {  	v12 =	vld [tilespmem:s19+$0x107A0];
	v3 =	vadd.f32 v6, v3;
	(pc) =	sbr.rel @p1 .LBB2_38-.Ltmp22, $4  }
0x29a: {  	v11 =	vld [tilespmem:s19+$0x107B0];
	v1 =	vadd.f32 v10, v1  }
0x29b: {  	v7 =	vld [tilespmem:s19+$0x107C0];
	v0 =	vadd.f32 v13, v0  }
0x29c: {  	v8 =	vadd.f32 v14, v8;
	v6 =	vld [tilespmem:s19+$0x107D0]  }
0x29d: {  	v9 =	vadd.f32 v15, v9;
	v10 =	vld [tilespmem:s19+$0x107E0];
	s19 =	sshra.s32 s7, $0x2;
	s7 =	sadd.s32 $0x200, s7  }
0x29e: {  	v13 =	vld [tilespmem:s19+$0x10780]  }
0x29f: {  	v14 =	vld [tilespmem:s19+$0x10790]  }
0x2a0: {  	v15 =	vld [tilespmem:s19+$0x107A0]  }
0x2a1: {  	v16 =	vld [tilespmem:s19+$0x107B0]  }
0x2a2: {  	v17 =	vld [tilespmem:s19+$0x107C0]  }
0x2a3: {  	v2 =	vadd.f32 v12, v2;
	v12 =	vld [tilespmem:s19+$0x107D0];
	v8 =	vadd.f32 v13, v8  }
0x2a4: {  	v4 =	vadd.f32 v11, v4;
	v11 =	vld [tilespmem:s19+$0x107E0];
	v9 =	vadd.f32 v14, v9  }
0x2a5: {  	v5 =	vadd.f32 v7, v5;
	v7 =	vld [tilespmem:s19+$0x107F0];
	v2 =	vadd.f32 v15, v2;
	v8 =	vmul.f32 $3.030303120e-02, v8  }
0x2a6: {  	v3 =	vadd.f32 v6, v3;
	v4 =	vadd.f32 v16, v4;
	v6 =	vmul.f32 $3.030303120e-02, v9  }
0x2a7: {  	v1 =	vadd.f32 v10, v1;
	v5 =	vadd.f32 v17, v5;
	v2 =	vmul.f32 $3.030303120e-02, v2;
	v9 =	vld [tilespmem:$0x12F10];
	[tilespmem:$0x13680] =	vst v8  }
0x2a8: {  	v3 =	vadd.f32 v12, v3;
	v4 =	vmul.f32 $3.030303120e-02, v4;
	v8 =	vld [tilespmem:$0x12F00];
	[tilespmem:$0x13690] =	vst v6  }
0x2a9: {  	v1 =	vadd.f32 v11, v1;
	v5 =	vmul.f32 $3.030303120e-02, v5;
	[tilespmem:$0x136A0] =	vst v2;
	v2 =	vld [tilespmem:$0x12F20]  }
0x2aa: {  	v0 =	vadd.f32 v7, v0;
	v3 =	vmul.f32 $3.030303120e-02, v3;
	[tilespmem:$0x136B0] =	vst v4;
	v4 =	vld [tilespmem:$0x12F30]  }
0x2ab: {  	v1 =	vmul.f32 $3.030303120e-02, v1;
	[tilespmem:$0x136C0] =	vst v5;
	v5 =	vld [tilespmem:$0x12F40]  }
0x2ac: {  	[tilespmem:$0x136D0] =	vst v3;
	v6 =	vmul.f32 $3.030303120e-02, v0;
	v3 =	vld [tilespmem:$0x12F50]  }
0x2ad: {  	v0 =	vld [tilespmem:$0x12F60];
	[tilespmem:$0x136E0] =	vst v1  }
0x2ae: {  	s8 =	simm.s32 $0x0;
	v1 =	vld [tilespmem:$0x12F70];
	[tilespmem:$0x136F0] =	vst v6  }
0x2af: {  	v6 =	vld [tilespmem:s8+$0x117F0]  }
0x2b0: {  	v10 =	vld [tilespmem:s8+$0x11780]  }
0x2b1: {  	v13 =	vld [tilespmem:s8+$0x11790]  }
0x2b2: {  	v12 =	vld [tilespmem:s8+$0x117A0]  }
0x2b3: {  	v11 =	vld [tilespmem:s8+$0x117B0]  }
0x2b4: {  	v7 =	vld [tilespmem:s8+$0x117C0]  }
0x2b5: {  	v1 =	vadd.f32 v6, v1;
	v6 =	vld [tilespmem:s8+$0x117D0]  }
0x2b6: {  	s7 =	simm.s32 $0x400;
	s19 =	simm.s32 $0x80;
	v8 =	vadd.f32 v10, v8;
	v9 =	vadd.f32 v13, v9;
	v10 =	vld [tilespmem:s8+$0x117E0]  }
.LBB2_40:
0x2b7: {  	p1 =	sne.s32 s7, $0x3E00;
	v13 =	vld [tilespmem:s19+$0x117F0];
	v2 =	vadd.f32 v12, v2  }
0x2b8: {  	v14 =	vld [tilespmem:s19+$0x11780];
	v4 =	vadd.f32 v11, v4  }
0x2b9: {  	v15 =	vld [tilespmem:s19+$0x11790];
	v5 =	vadd.f32 v7, v5  }
.Ltmp23:
0x2ba: {  	v12 =	vld [tilespmem:s19+$0x117A0];
	v3 =	vadd.f32 v6, v3;
	(pc) =	sbr.rel @p1 .LBB2_40-.Ltmp23, $4  }
0x2bb: {  	v11 =	vld [tilespmem:s19+$0x117B0];
	v0 =	vadd.f32 v10, v0  }
0x2bc: {  	v7 =	vld [tilespmem:s19+$0x117C0];
	v1 =	vadd.f32 v13, v1  }
0x2bd: {  	v8 =	vadd.f32 v14, v8;
	v6 =	vld [tilespmem:s19+$0x117D0]  }
0x2be: {  	v9 =	vadd.f32 v15, v9;
	v10 =	vld [tilespmem:s19+$0x117E0];
	s19 =	sshra.s32 s7, $0x2;
	s7 =	sadd.s32 $0x200, s7  }
0x2bf: {  	v13 =	vld [tilespmem:s19+$0x11780]  }
0x2c0: {  	v14 =	vld [tilespmem:s19+$0x11790]  }
0x2c1: {  	v15 =	vld [tilespmem:s19+$0x117A0]  }
0x2c2: {  	v16 =	vld [tilespmem:s19+$0x117B0]  }
0x2c3: {  	v17 =	vld [tilespmem:s19+$0x117C0]  }
0x2c4: {  	v2 =	vadd.f32 v12, v2;
	v59 =	vld [tilespmem:s19+$0x117D0];
	v8 =	vadd.f32 v13, v8  }
0x2c5: {  	v61 =	vld [tilespmem:s19+$0x117F0];
	v4 =	vadd.f32 v11, v4;
	v9 =	vadd.f32 v14, v9  }
0x2c6: {  	v60 =	vld [tilespmem:s19+$0x117E0];
	v5 =	vadd.f32 v7, v5;
	v2 =	vadd.f32 v15, v2;
	v8 =	vmul.f32 $3.030303120e-02, v8  }
0x2c7: {  	v3 =	vadd.f32 v6, v3;
	v4 =	vadd.f32 v16, v4;
	v62 =	vmul.f32 $3.030303120e-02, v9  }
0x2c8: {  	v5 =	vadd.f32 v17, v5;
	v2 =	vmul.f32 $3.030303120e-02, v2;
	[tilespmem:$0x13700] =	vst v8  }
0x2c9: {  	v0 =	vadd.f32 v10, v0;
	v3 =	vadd.f32 v59, v3;
	v4 =	vmul.f32 $3.030303120e-02, v4;
	[tilespmem:$0x13710] =	vst v62  }
0x2ca: {  	v1 =	vadd.f32 v61, v1;
	v63 =	vmul.f32 $3.030303120e-02, v5;
	[tilespmem:$0x13720] =	vst v2  }
0x2cb: {  	v0 =	vadd.f32 v60, v0;
	v3 =	vmul.f32 $3.030303120e-02, v3;
	[tilespmem:$0x13730] =	vst v4  }
.Ltmp24:
0x2cc: {  	v1 =	vmul.f32 $3.030303120e-02, v1;
	[tilespmem:$0x13740] =	vst v63;
	(pc) =	sbr.rel .LBB2_42-.Ltmp24, $4  }
0x2cd: {  	v0 =	vmul.f32 $3.030303120e-02, v0;
	[tilespmem:$0x13750] =	vst v3  }
0x2ce: {  	s7 =	sshll.u32 s18, $0x6;
	[tilespmem:$0x13770] =	vst v1  }
0x2cf: {  	s7 =	sadd.s32 s4, s7;
	[tilespmem:$0x13760] =	vst v0  }
0x2d0: {  	[hbm4b:s7+s5] =	stream.linear.scatter [tilespmem:s15], [sflag:$0xC], $0x200, $0x38;
	[tilespmem:$0x13780] =	vst v63  }
.LBB2_44:
0x2d1: {  	_ =	sfence.sel $0x180000  }
0x2d2: {  	[bflag:$0x0] =	sbarrier.arrive $0xFFFF  }
0x2d3: {  	_ =	strace $0x90000047  }
0x2d4: {  	s0 =	stileid.u32;
	[bflag:$0x2] =	sbarrier.arrive $0xFFFF  }
0x2d5: {  	p0 =	sne.s32 s0, $0x0;
	s0 =	rddreg [dreg:$0x3]  }
0x2d6: {  	s0 =	sadd.s32 @!p0 $0x100000, s0  }
0x2d7: {  	[sflag:s0] =	ssyncadd.tile.s32 @!p0 $0x1;
	_ =	shalt  }
.Lfunc_end2:
_tile_overlayer_lowered:
.L_overlay_start_2:
0x2d8: {  	(tag) =	ssettag $0x2  }
0x2d9: {  	s0 =	rddreg [dreg:$0x0];
	s2 =	stileid.u32  }
0x2da: {  	s1 =	rddreg [dreg:$0x1];
	p0 =	sne.s32 s2, $0x0  }
0x2db: {  	s3 =	rddreg [dreg:$0x2];
	[bflag:$0x3] =	sbarrier.arrive $0xFFFF;
	s2 =	simm.s32 @!p0 $0x1C0D  }
0x2dc: {  	[timem:s3], [sflag:s2] =	dma.local @!p0 [hbm:s0], s1  }
0x2dd: {  	s0 =	simm.s32 @!p0 $0xD  }
0x2de: {  	_ =	swait.ge @!p0 [sflag:s0], s1  }
0x2df: {  	s1 =	ssub.s32 @!p0 $0x0, s1;
	[sflag:s0] =	ssyncset.done @!p0 $0x0  }
0x2e0: {  	[sflag:s0] =	ssyncadd.s32 @!p0 s1  }
0x2e1: {  	[bflag:$0x3] =	sbarrier.arrive $0xFFFF  }
0x2e2: {  	_ =	shalt  }

</sc_bundles>
